<compile_context>
chip_gen: v7x
topology: tpu7x:2x2x1
jax: 0.10.2.dev20260603
libtpu: 0.0.44.dev20260713+nightly
codegen_flags: <defaults>
</compile_context>

<pallas_src>
import functools

import jax
import jax.numpy as jnp
from jax import lax
from jax.experimental import pallas as pl
from jax.experimental.pallas import tpu as pltpu
from jax.experimental.pallas import tpu_sc as plsc

N = 10000
E = 160000
L = 128
STEPS = 4

NC = 2
NS = 16
NW = NC * NS

CH = 128
NCHUNK = E // CH
NITER = -(-NCHUNK // NW)


@functools.lru_cache(maxsize=None)
def _sc_mesh():
    return plsc.VectorSubcoreMesh(
        core_axis_name="c", subcore_axis_name="s",
        num_cores=NC, num_subcores=NS)



def _gather2_body(h_hbm, src_hbm, dst_hbm, hs_out, hd_out,
                  sidx, didx, srows, drows, sem1, sem2):
    cid = lax.axis_index("c")
    sid = lax.axis_index("s")
    wid = sid * NC + cid

    def body(k, carry):
        chunk = wid + k * NW

        @pl.when(chunk < NCHUNK)
        def _():
            off = chunk * CH
            pltpu.sync_copy(src_hbm.at[pl.ds(off, CH)], sidx)
            pltpu.sync_copy(dst_hbm.at[pl.ds(off, CH)], didx)
            c1 = pltpu.async_copy(h_hbm.at[sidx], srows, sem1)
            c2 = pltpu.async_copy(h_hbm.at[didx], drows, sem2)
            c1.wait()
            c2.wait()
            pltpu.sync_copy(srows, hs_out.at[pl.ds(off, CH)])
            pltpu.sync_copy(drows, hd_out.at[pl.ds(off, CH)])

        return carry

    lax.fori_loop(0, NITER, body, 0)


def _gather2(h_node, src, dst):
    f = pl.kernel(
        _gather2_body,
        out_type=(jax.ShapeDtypeStruct((E, L), jnp.float32),
                  jax.ShapeDtypeStruct((E, L), jnp.float32)),
        mesh=_sc_mesh(),
        scratch_types=[
            pltpu.VMEM((CH,), jnp.int32),
            pltpu.VMEM((CH,), jnp.int32),
            pltpu.VMEM((CH, L), jnp.float32),
            pltpu.VMEM((CH, L), jnp.float32),
            pltpu.SemaphoreType.DMA,
            pltpu.SemaphoreType.DMA,
        ],
    )
    return f(h_node, src, dst)



_ROWS_PER_TILE = 624
_TAIL_ROWS = N - NS * _ROWS_PER_TILE


def _scatter_body(m_hbm, dst_hbm, zeros_hbm, out_hbm, accum, idxb, rows):
    cid = lax.axis_index("c")
    sid = lax.axis_index("s")
    wid = sid * NC + cid

    r0 = sid * _ROWS_PER_TILE
    pltpu.sync_copy(zeros_hbm.at[pl.ds(r0, _ROWS_PER_TILE)],
                    accum.at[pl.ds(r0, _ROWS_PER_TILE)])

    @pl.when(sid == 0)
    def _():
        pltpu.sync_copy(zeros_hbm.at[pl.ds(NS * _ROWS_PER_TILE, _TAIL_ROWS)],
                        accum.at[pl.ds(NS * _ROWS_PER_TILE, _TAIL_ROWS)])

    plsc.subcore_barrier()

    def body(k, carry):
        chunk = wid + k * NW

        @pl.when(chunk < NCHUNK)
        def _():
            off = chunk * CH
            pltpu.sync_copy(dst_hbm.at[pl.ds(off, CH)], idxb)
            pltpu.sync_copy(m_hbm.at[pl.ds(off, CH)], rows)
            pltpu.sync_copy(rows, accum.at[idxb], add=True)

        return carry

    lax.fori_loop(0, NITER, body, 0)
    plsc.subcore_barrier()
    pltpu.sync_copy(accum.at[pl.ds(r0, _ROWS_PER_TILE)],
                    out_hbm.at[cid, pl.ds(r0, _ROWS_PER_TILE)])

    @pl.when(sid == 0)
    def _():
        pltpu.sync_copy(accum.at[pl.ds(NS * _ROWS_PER_TILE, _TAIL_ROWS)],
                        out_hbm.at[cid, pl.ds(NS * _ROWS_PER_TILE, _TAIL_ROWS)])


def _scatter_add(m, dst, zeros_nl):
    f = pl.kernel(
        _scatter_body,
        out_type=jax.ShapeDtypeStruct((NC, N, L), jnp.float32),
        mesh=_sc_mesh(),
        scratch_types=[
            pltpu.VMEM_SHARED((N, L), jnp.float32),
            pltpu.VMEM((CH,), jnp.int32),
            pltpu.VMEM((CH, L), jnp.float32),
        ],
    )
    return f(m, dst, zeros_nl)



def _ln(h, g, beta):
    mu = jnp.mean(h, axis=-1, keepdims=True)
    var = jnp.mean((h - mu) * (h - mu), axis=-1, keepdims=True)
    return (h - mu) * lax.rsqrt(var + 1e-5) * g + beta


def _dot(a, b):
    return jnp.dot(a, b, preferred_element_type=jnp.float32)


def _node_encoder_body(x_ref, w1, b1, w2, b2, g, beta, out_ref):
    h = jnp.maximum(_dot(x_ref[...], w1[...]) + b1[...], 0.0)
    h = jnp.maximum(_dot(h, w2[...]) + b2[...], 0.0)
    out_ref[...] = _ln(h, g[...], beta[...])


def _edge_encoder_body(ea_ref, w1, b1, w2, b2, g, beta, out_ref):
    h = jnp.maximum(ea_ref[...] * w1[...] + b1[...], 0.0)
    h = jnp.maximum(_dot(h, w2[...]) + b2[...], 0.0)
    out_ref[...] = _ln(h, g[...], beta[...])


def _edge_step_body(hd_ref, hs_ref, he_ref, wa, wb, wc, b1, w2, b2, g, beta,
                    m_ref, heo_ref):
    hd = hd_ref[...]
    hs = hs_ref[...]
    he = he_ref[...]
    c = _dot(he, wc[...]) + b1[...]
    pa = _dot(hd, wa[...])
    pb = _dot(hs, wb[...])
    qa = _dot(hs, wa[...])
    qb = _dot(hd, wb[...])

    hm = jnp.maximum(pa + pb + c, 0.0)
    hm = jnp.maximum(_dot(hm, w2[...]) + b2[...], 0.0)
    m_ref[...] = _ln(hm, g[...], beta[...])

    hx = jnp.maximum(qa + qb + c, 0.0)
    hx = jnp.maximum(_dot(hx, w2[...]) + b2[...], 0.0)
    heo_ref[...] = _ln(hx, g[...], beta[...]) + he


def _node_step_body(p_ref, h_ref, wa, wb, b1, w2, b2, g, beta, out_ref):
    h = h_ref[...]
    aggr = p_ref[0] + p_ref[1]
    u = jnp.maximum(_dot(aggr, wa[...]) + _dot(h, wb[...]) + b1[...], 0.0)
    u = jnp.maximum(_dot(u, w2[...]) + b2[...], 0.0)
    out_ref[...] = _ln(u, g[...], beta[...]) + h


def _decoder_body(h_ref, w1, b1, w2, b2, out_ref):
    u = jnp.maximum(_dot(h_ref[...], w1[...]) + b1[...], 0.0)
    out_ref[...] = _dot(u, w2[...]) + b2[...]


def _row(v):
    return v.reshape(1, -1)


BE = 2000
BN = 2000


def _wspec(shape):
    return pl.BlockSpec(shape, lambda i: tuple(0 for _ in shape))


def kernel(mean_stress, pos, nodes_types, edge_attr, edge_index, params):
    x = jnp.hstack([mean_stress, pos, nodes_types])
    x = jnp.pad(x, ((0, 0), (0, 1)))
    src = edge_index[0]
    dst = edge_index[1]

    ne, ee, pe, pn, dec = (params["ne"], params["ee"], params["pe"],
                           params["pn"], params["dec"])

    w1n = jnp.pad(ne["W1"], ((0, 1), (0, 0)))

    h_node = pl.pallas_call(
        _node_encoder_body,
        out_shape=jax.ShapeDtypeStruct((N, L), jnp.float32),
        grid=(1,),
        in_specs=[_wspec((N, 8)), _wspec((8, L)), _wspec((1, L)),
                  _wspec((L, L)), _wspec((1, L)), _wspec((1, L)),
                  _wspec((1, L))],
        out_specs=_wspec((N, L)),
    )(x, w1n, _row(ne["b1"]), ne["W2"], _row(ne["b2"]), _row(ne["g"]),
      _row(ne["beta"]))

    h_edge = pl.pallas_call(
        _edge_encoder_body,
        out_shape=jax.ShapeDtypeStruct((E, L), jnp.float32),
        grid=(E // BE,),
        in_specs=[pl.BlockSpec((BE, 1), lambda i: (i, 0)),
                  _wspec((1, L)), _wspec((1, L)), _wspec((L, L)),
                  _wspec((1, L)), _wspec((1, L)), _wspec((1, L))],
        out_specs=pl.BlockSpec((BE, L), lambda i: (i, 0)),
    )(edge_attr.reshape(E, 1), ee["W1"], _row(ee["b1"]), ee["W2"],
      _row(ee["b2"]), _row(ee["g"]), _row(ee["beta"]))

    wa = pe["W1"][:L]
    wb = pe["W1"][L:2 * L]
    wc = pe["W1"][2 * L:]
    wna = pn["W1"][:L]
    wnb = pn["W1"][L:]

    zeros_nl = jnp.zeros((N, L), jnp.float32)

    edge_step = pl.pallas_call(
        _edge_step_body,
        out_shape=(jax.ShapeDtypeStruct((E, L), jnp.float32),
                   jax.ShapeDtypeStruct((E, L), jnp.float32)),
        grid=(E // BE,),
        in_specs=[pl.BlockSpec((BE, L), lambda i: (i, 0)),
                  pl.BlockSpec((BE, L), lambda i: (i, 0)),
                  pl.BlockSpec((BE, L), lambda i: (i, 0)),
                  _wspec((L, L)), _wspec((L, L)), _wspec((L, L)),
                  _wspec((1, L)), _wspec((L, L)), _wspec((1, L)),
                  _wspec((1, L)), _wspec((1, L))],
        out_specs=(pl.BlockSpec((BE, L), lambda i: (i, 0)),
                   pl.BlockSpec((BE, L), lambda i: (i, 0))),
    )

    node_step = pl.pallas_call(
        _node_step_body,
        out_shape=jax.ShapeDtypeStruct((N, L), jnp.float32),
        grid=(N // BN,),
        in_specs=[pl.BlockSpec((NC, BN, L), lambda i: (0, i, 0)),
                  pl.BlockSpec((BN, L), lambda i: (i, 0)),
                  _wspec((L, L)), _wspec((L, L)), _wspec((1, L)),
                  _wspec((L, L)), _wspec((1, L)), _wspec((1, L)),
                  _wspec((1, L))],
        out_specs=pl.BlockSpec((BN, L), lambda i: (i, 0)),
    )

    for _ in range(STEPS):
        hs, hd = _gather2(h_node, src, dst)
        m, h_edge = edge_step(hd, hs, h_edge, wa, wb, wc, _row(pe["b1"]),
                              pe["W2"], _row(pe["b2"]), _row(pe["g"]),
                              _row(pe["beta"]))
        partials = _scatter_add(m, dst, zeros_nl)
        h_node = node_step(partials, h_node, wna, wnb, _row(pn["b1"]),
                           pn["W2"], _row(pn["b2"]), _row(pn["g"]),
                           _row(pn["beta"]))

    w2d = jnp.pad(dec["W2"], ((0, 0), (0, 5)))
    b2d = jnp.pad(dec["b2"], (0, 5))
    decoded = pl.pallas_call(
        _decoder_body,
        out_shape=jax.ShapeDtypeStruct((N, 8), jnp.float32),
        grid=(1,),
        in_specs=[_wspec((N, L)), _wspec((L, L)), _wspec((1, L)),
                  _wspec((L, 8)), _wspec((1, 8))],
        out_specs=_wspec((N, 8)),
    )(h_node, dec["W1"], _row(dec["b1"]), w2d, _row(b2d))

    return decoded[:, :3]

# --- scband reference (transcript-rebuilt; emitter-appended) ---
"""Pipeline reference for scband-encode-process-decode-40106404610147 (READ-ONLY COPY).

The authoritative reference and input builder live on the scoring server;
editing this copy changes nothing except your own understanding.
"""

import jax, jax.numpy as jnp
import numpy as np

N = 10000
E = 160000
LATENT = 128
STEPS = 4
OUT_DIM = 3


def _mlp_params(key, d_in, d_hidden):
    k1, k2 = jax.random.split(key)
    return {
        "W1": jax.random.normal(k1, (d_in, d_hidden), jnp.float32) * (1.0 / np.sqrt(d_in)),
        "b1": jnp.zeros((d_hidden,), jnp.float32),
        "W2": jax.random.normal(k2, (d_hidden, d_hidden), jnp.float32) * (1.0 / np.sqrt(d_hidden)),
        "b2": jnp.zeros((d_hidden,), jnp.float32),
        "g": jnp.ones((d_hidden,), jnp.float32),
        "beta": jnp.zeros((d_hidden,), jnp.float32),
    }


def _mlp(x, p):
    # Linear -> ReLU -> Linear -> ReLU -> LayerNorm
    h = jax.nn.relu(x @ p["W1"] + p["b1"])
    h = jax.nn.relu(h @ p["W2"] + p["b2"])
    mu = jnp.mean(h, axis=-1, keepdims=True)
    var = jnp.var(h, axis=-1, keepdims=True)
    return (h - mu) / jnp.sqrt(var + 1e-5) * p["g"] + p["beta"]


def setup_inputs(seed: int = 0) -> dict:
    key = jax.random.key(seed)
    ks = jax.random.split(key, 12)
    mean_stress = jax.random.normal(ks[0], (N, 1), jnp.float32)
    pos = jax.random.normal(ks[1], (N, 2), jnp.float32)
    nodes_types = jax.random.uniform(ks[2], (N, 4), jnp.float32)
    edge_attr = jax.random.normal(ks[3], (E,), jnp.float32)
    edge_index = jax.random.randint(ks[4], (2, E), 0, N)
    kd1, kd2 = jax.random.split(ks[9])
    params = {
        "ne": _mlp_params(ks[5], 7, LATENT),              # node_encoder
        "ee": _mlp_params(ks[6], 1, LATENT),              # edge_encoder
        "pe": _mlp_params(ks[7], 3 * LATENT, LATENT),      # processor.edge_net
        "pn": _mlp_params(ks[8], 2 * LATENT, LATENT),      # processor.node_net
        "dec": {
            "W1": jax.random.normal(kd1, (LATENT, LATENT), jnp.float32) * (1.0 / np.sqrt(LATENT)),
            "b1": jnp.zeros((LATENT,), jnp.float32),
            "W2": jax.random.normal(kd2, (LATENT, OUT_DIM), jnp.float32) * (1.0 / np.sqrt(LATENT)),
            "b2": jnp.zeros((OUT_DIM,), jnp.float32),
        },
    }
    return {
        "mean_stress": mean_stress,
        "pos": pos,
        "nodes_types": nodes_types,
        "edge_attr": edge_attr,
        "edge_index": edge_index,
        "params": params,
    }


def reference(mean_stress, pos, nodes_types, edge_attr, edge_index, params):
    # normalization stats (buffers, default identity scaling)
    ms = (mean_stress - 0.0) / 1.0
    p_ = (pos - 0.0) / 1.0
    x = jnp.hstack([ms, p_, nodes_types])
    edge_weight = ((edge_attr - 0.0) / 1.0)[:, None]

    h_node = _mlp(x, params["ne"])
    h_edge = _mlp(edge_weight, params["ee"])

    src = edge_index[0]
    dst = edge_index[1]

    for _ in range(STEPS):
        # message: cat([x_i (dst), x_j (src), edge_attr]) -> edge_net, aggr='add' at dst
        m = _mlp(jnp.concatenate([h_node[dst], h_node[src], h_edge], axis=-1), params["pe"])
        aggr = jax.ops.segment_sum(m, dst, num_segments=N)
        # update: cat([aggr_out, x]) -> node_net
        new_node = _mlp(jnp.concatenate([aggr, h_node], axis=-1), params["pn"])
        # edge update in Processor.forward uses (x[row]=src, x[col]=dst) order
        new_edge = _mlp(jnp.concatenate([h_node[src], h_node[dst], h_edge], axis=-1), params["pe"])
        h_node = new_node + h_node
        h_edge = new_edge + h_edge

    d = params["dec"]
    decoded = jax.nn.relu(h_node @ d["W1"] + d["b1"]) @ d["W2"] + d["b2"]
    # scale_output: * std_local_stress + mean_local_stress (identity stats)
    decoded = decoded * 1.0 + 0.0
    return decoded

if __name__ == "__main__":
    import jax
    _d = setup_inputs()
    print(jax.jit(kernel)(*tuple(_d.values())))

</pallas_src>

<mosaic_0001>
#map = affine_map<(d0, d1) -> (0, 0)>
#map1 = affine_map<(d0, d1) -> (0)>
#map2 = affine_map<(d0, d1) -> (0, 0, 0)>
module attributes {stable_mosaic.version = 14 : i64} {
  func.func @_scatter_body(%arg0: i32, %arg1: i32, %arg2: memref<160000x128xf32, #tpu.memory_space<hbm>>, %arg3: memref<160000xi32, #tpu.memory_space<hbm>>, %arg4: memref<10000x128xf32, #tpu.memory_space<hbm>>, %arg5: memref<2x10000x128xf32, #tpu.memory_space<hbm>>, %arg6: memref<10000x128xf32, #tpu.memory_space<vmem_shared>>, %arg7: memref<128xi32, #tpu.memory_space<vmem>>, %arg8: memref<128x128xf32, #tpu.memory_space<vmem>>) attributes {dimension_semantics = [#tpu.dimension_semantics<core_parallel>, #tpu.dimension_semantics<subcore_parallel>], iteration_bounds = array<i64: 2, 16>, scalar_prefetch = 0 : i64, scratch_operands = 3 : i64, tpu.core_type = #tpu.core_type<sc_vector_subcore>, window_params = [{transform_indices = #map}, {transform_indices = #map1}, {transform_indices = #map}, {transform_indices = #map2}]} {
    %mul3A = arith.constant 2 : i32
    %mul3A_0 = arith.muli %arg1, %mul3A : i32
    %add3A = arith.addi %mul3A_0, %arg0 : i32
    %mul3A_1 = arith.constant 624 : i32
    %mul3A_2 = arith.muli %arg1, %mul3A_1 : i32
    "tpu.region"() ({
      %run_scoped3A = tpu.sem_alloc : memref<!tpu.dma_semaphore, #tpu.memory_space<semaphore_mem>>
      %dma_start3A = arith.constant 0 : i32
      %dma_start3A_16 = tpu.memref_slice %arg6[%mul3A_2, %dma_start3A] : memref<10000x128xf32, #tpu.memory_space<vmem_shared>> -> memref<624x128xf32, #tpu.memory_space<vmem_shared>>
      %dma_start3A_17 = arith.constant 0 : i32
      %dma_start3A_18 = tpu.memref_slice %arg4[%mul3A_2, %dma_start3A_17] : memref<10000x128xf32, #tpu.memory_space<hbm>> -> memref<624x128xf32, #tpu.memory_space<hbm>>
      tpu.enqueue_dma source(%dma_start3A_18 : memref<624x128xf32, #tpu.memory_space<hbm>>) target(%dma_start3A_16 : memref<624x128xf32, #tpu.memory_space<vmem_shared>>) target_semaphore(%run_scoped3A : memref<!tpu.dma_semaphore, #tpu.memory_space<semaphore_mem>>)
      %dma_wait3A = arith.constant 0 : i32
      %dma_wait3A_19 = tpu.memref_slice %arg6[%mul3A_2, %dma_wait3A] : memref<10000x128xf32, #tpu.memory_space<vmem_shared>> -> memref<624x128xf32, #tpu.memory_space<vmem_shared>>
      %dma_wait3A_20 = arith.constant 0 : i32
      %dma_wait3A_21 = tpu.memref_slice %arg4[%mul3A_2, %dma_wait3A_20] : memref<10000x128xf32, #tpu.memory_space<hbm>> -> memref<624x128xf32, #tpu.memory_space<hbm>>
      tpu.wait_dma2 semaphore(%run_scoped3A : memref<!tpu.dma_semaphore, #tpu.memory_space<semaphore_mem>>) src(%dma_wait3A_21 : memref<624x128xf32, #tpu.memory_space<hbm>>) dst(%dma_wait3A_19 : memref<624x128xf32, #tpu.memory_space<vmem_shared>>)
      tpu.yield
    }) : () -> ()
    %eq3A = arith.constant 0 : i32
    %eq3A_3 = arith.cmpi eq, %arg1, %eq3A : i32
    %convert_element_type3A = arith.extui %eq3A_3 : i1 to i32
    %cond3A = arith.constant 0 : i32
    %cond3A_4 = arith.cmpi ne, %convert_element_type3A, %cond3A : i32
    scf.if %cond3A_4 {
      "tpu.region"() ({
        %run_scoped3A = tpu.sem_alloc : memref<!tpu.dma_semaphore, #tpu.memory_space<semaphore_mem>>
        %dma_start3A = arith.constant 9984 : i32
        %dma_start3A_16 = arith.constant 0 : i32
        %dma_start3A_17 = tpu.memref_slice %arg6[%dma_start3A, %dma_start3A_16] : memref<10000x128xf32, #tpu.memory_space<vmem_shared>> -> memref<16x128xf32, #tpu.memory_space<vmem_shared>>
        %dma_start3A_18 = arith.constant 9984 : i32
        %dma_start3A_19 = arith.constant 0 : i32
        %dma_start3A_20 = tpu.memref_slice %arg4[%dma_start3A_18, %dma_start3A_19] : memref<10000x128xf32, #tpu.memory_space<hbm>> -> memref<16x128xf32, #tpu.memory_space<hbm>>
        tpu.enqueue_dma source(%dma_start3A_20 : memref<16x128xf32, #tpu.memory_space<hbm>>) target(%dma_start3A_17 : memref<16x128xf32, #tpu.memory_space<vmem_shared>>) target_semaphore(%run_scoped3A : memref<!tpu.dma_semaphore, #tpu.memory_space<semaphore_mem>>)
        %dma_wait3A = arith.constant 9984 : i32
        %dma_wait3A_21 = arith.constant 0 : i32
        %dma_wait3A_22 = tpu.memref_slice %arg6[%dma_wait3A, %dma_wait3A_21] : memref<10000x128xf32, #tpu.memory_space<vmem_shared>> -> memref<16x128xf32, #tpu.memory_space<vmem_shared>>
        %dma_wait3A_23 = arith.constant 9984 : i32
        %dma_wait3A_24 = arith.constant 0 : i32
        %dma_wait3A_25 = tpu.memref_slice %arg4[%dma_wait3A_23, %dma_wait3A_24] : memref<10000x128xf32, #tpu.memory_space<hbm>> -> memref<16x128xf32, #tpu.memory_space<hbm>>
        tpu.wait_dma2 semaphore(%run_scoped3A : memref<!tpu.dma_semaphore, #tpu.memory_space<semaphore_mem>>) src(%dma_wait3A_25 : memref<16x128xf32, #tpu.memory_space<hbm>>) dst(%dma_wait3A_22 : memref<16x128xf32, #tpu.memory_space<vmem_shared>>)
        tpu.yield
      }) : () -> ()
    } else {
    }
    %barrier3A = arith.constant 0 : index
    tpu.barrier barrier_id(%barrier3A)
    %scan3A = arith.constant 0 : i32
    %scan3A_5 = arith.constant 0 : i32
    %scan3A_6 = arith.constant 40 : i32
    %scan3A_7 = arith.addi %scan3A_5, %scan3A_6 : i32
    %scan3A_8 = arith.constant 1 : i32
    scf.for %scan3A_16 = %scan3A_5 to %scan3A_7 step %scan3A_8  : i32 {
      %mul3A_17 = arith.constant 32 : i32
      %mul3A_18 = arith.muli %scan3A_16, %mul3A_17 : i32
      %add3A_19 = arith.addi %add3A, %mul3A_18 : i32
      %lt3A = arith.constant 1250 : i32
      %lt3A_20 = arith.cmpi slt, %add3A_19, %lt3A : i32
      %convert_element_type3A_21 = arith.extui %lt3A_20 : i1 to i32
      %cond3A_22 = arith.constant 0 : i32
      %cond3A_23 = arith.cmpi ne, %convert_element_type3A_21, %cond3A_22 : i32
      scf.if %cond3A_23 {
        %mul3A_24 = arith.constant 128 : i32
        %mul3A_25 = arith.muli %add3A_19, %mul3A_24 : i32
        "tpu.region"() ({
          %run_scoped3A = tpu.sem_alloc : memref<!tpu.dma_semaphore, #tpu.memory_space<semaphore_mem>>
          %dma_start3A = tpu.memref_slice %arg3[%mul3A_25] : memref<160000xi32, #tpu.memory_space<hbm>> -> memref<128xi32, #tpu.memory_space<hbm>>
          %dma_start3A_26 = tpu.memref_slice %arg3[%mul3A_25] : memref<160000xi32, #tpu.memory_space<hbm>> -> memref<128xi32, #tpu.memory_space<hbm>>
          tpu.enqueue_dma source(%dma_start3A_26 : memref<128xi32, #tpu.memory_space<hbm>>) target(%arg7 : memref<128xi32, #tpu.memory_space<vmem>>) target_semaphore(%run_scoped3A : memref<!tpu.dma_semaphore, #tpu.memory_space<semaphore_mem>>)
          %dma_wait3A = tpu.memref_slice %arg3[%mul3A_25] : memref<160000xi32, #tpu.memory_space<hbm>> -> memref<128xi32, #tpu.memory_space<hbm>>
          %dma_wait3A_27 = tpu.memref_slice %arg3[%mul3A_25] : memref<160000xi32, #tpu.memory_space<hbm>> -> memref<128xi32, #tpu.memory_space<hbm>>
          tpu.wait_dma2 semaphore(%run_scoped3A : memref<!tpu.dma_semaphore, #tpu.memory_space<semaphore_mem>>) src(%dma_wait3A_27 : memref<128xi32, #tpu.memory_space<hbm>>) dst(%arg7 : memref<128xi32, #tpu.memory_space<vmem>>)
          tpu.yield
        }) : () -> ()
        "tpu.region"() ({
          %run_scoped3A = tpu.sem_alloc : memref<!tpu.dma_semaphore, #tpu.memory_space<semaphore_mem>>
          %dma_start3A = arith.constant 0 : i32
          %dma_start3A_26 = tpu.memref_slice %arg2[%mul3A_25, %dma_start3A] : memref<160000x128xf32, #tpu.memory_space<hbm>> -> memref<128x128xf32, #tpu.memory_space<hbm>>
          %dma_start3A_27 = arith.constant 0 : i32
          %dma_start3A_28 = tpu.memref_slice %arg2[%mul3A_25, %dma_start3A_27] : memref<160000x128xf32, #tpu.memory_space<hbm>> -> memref<128x128xf32, #tpu.memory_space<hbm>>
          tpu.enqueue_dma source(%dma_start3A_28 : memref<128x128xf32, #tpu.memory_space<hbm>>) target(%arg8 : memref<128x128xf32, #tpu.memory_space<vmem>>) target_semaphore(%run_scoped3A : memref<!tpu.dma_semaphore, #tpu.memory_space<semaphore_mem>>)
          %dma_wait3A = arith.constant 0 : i32
          %dma_wait3A_29 = tpu.memref_slice %arg2[%mul3A_25, %dma_wait3A] : memref<160000x128xf32, #tpu.memory_space<hbm>> -> memref<128x128xf32, #tpu.memory_space<hbm>>
          %dma_wait3A_30 = arith.constant 0 : i32
          %dma_wait3A_31 = tpu.memref_slice %arg2[%mul3A_25, %dma_wait3A_30] : memref<160000x128xf32, #tpu.memory_space<hbm>> -> memref<128x128xf32, #tpu.memory_space<hbm>>
          tpu.wait_dma2 semaphore(%run_scoped3A : memref<!tpu.dma_semaphore, #tpu.memory_space<semaphore_mem>>) src(%dma_wait3A_31 : memref<128x128xf32, #tpu.memory_space<hbm>>) dst(%arg8 : memref<128x128xf32, #tpu.memory_space<vmem>>)
          tpu.yield
        }) : () -> ()
        "tpu.region"() ({
          %run_scoped3A = tpu.sem_alloc : memref<!tpu.dma_semaphore, #tpu.memory_space<semaphore_mem>>
          %dma_start3A = arith.constant 0 : i32
          %dma_start3A_26 = arith.constant 0 : i32
          %dma_start3A_27 = tpu.memref_slice %arg6[%dma_start3A, %dma_start3A_26] : memref<10000x128xf32, #tpu.memory_space<vmem_shared>> -> memref<10000x128xf32, #tpu.memory_space<vmem_shared>>
          tpu.enqueue_indirect_dma source(%arg8 : memref<128x128xf32, #tpu.memory_space<vmem>>) target(%dma_start3A_27 : memref<10000x128xf32, #tpu.memory_space<vmem_shared>>) offsets(%arg7 : memref<128xi32, #tpu.memory_space<vmem>>) semaphore(%run_scoped3A : memref<!tpu.dma_semaphore, #tpu.memory_space<semaphore_mem>>) {add = true}
          %dma_wait3A = arith.constant 0 : i32
          %dma_wait3A_28 = arith.constant 0 : i32
          %dma_wait3A_29 = tpu.memref_slice %arg6[%dma_wait3A, %dma_wait3A_28] : memref<10000x128xf32, #tpu.memory_space<vmem_shared>> -> memref<10000x128xf32, #tpu.memory_space<vmem_shared>>
          tpu.wait_indirect_dma semaphore(%run_scoped3A : memref<!tpu.dma_semaphore, #tpu.memory_space<semaphore_mem>>) src(%arg8 : memref<128x128xf32, #tpu.memory_space<vmem>>) dst(%dma_wait3A_29 : memref<10000x128xf32, #tpu.memory_space<vmem_shared>>)
          tpu.yield
        }) : () -> ()
      } else {
      }
    }
    %scan3A_9 = arith.constant 40 : i32
    %barrier3A_10 = arith.constant 0 : index
    tpu.barrier barrier_id(%barrier3A_10)
    "tpu.region"() ({
      %run_scoped3A = tpu.sem_alloc : memref<!tpu.dma_semaphore, #tpu.memory_space<semaphore_mem>>
      %dma_start3A = arith.constant 0 : i32
      %dma_start3A_16 = tpu.memref_slice %arg5[%arg0, %mul3A_2, %dma_start3A] : memref<2x10000x128xf32, #tpu.memory_space<hbm>> -> memref<1x624x128xf32, #tpu.memory_space<hbm>>
      %dma_start3A_17 = tpu.memref_squeeze %dma_start3A_16 : memref<1x624x128xf32, #tpu.memory_space<hbm>> -> memref<624x128xf32, #tpu.memory_space<hbm>>
      %dma_start3A_18 = arith.constant 0 : i32
      %dma_start3A_19 = tpu.memref_slice %arg6[%mul3A_2, %dma_start3A_18] : memref<10000x128xf32, #tpu.memory_space<vmem_shared>> -> memref<624x128xf32, #tpu.memory_space<vmem_shared>>
      tpu.enqueue_dma source(%dma_start3A_19 : memref<624x128xf32, #tpu.memory_space<vmem_shared>>) target(%dma_start3A_17 : memref<624x128xf32, #tpu.memory_space<hbm>>) target_semaphore(%run_scoped3A : memref<!tpu.dma_semaphore, #tpu.memory_space<semaphore_mem>>)
      %dma_wait3A = arith.constant 0 : i32
      %dma_wait3A_20 = tpu.memref_slice %arg5[%arg0, %mul3A_2, %dma_wait3A] : memref<2x10000x128xf32, #tpu.memory_space<hbm>> -> memref<1x624x128xf32, #tpu.memory_space<hbm>>
      %dma_wait3A_21 = tpu.memref_squeeze %dma_wait3A_20 : memref<1x624x128xf32, #tpu.memory_space<hbm>> -> memref<624x128xf32, #tpu.memory_space<hbm>>
      %dma_wait3A_22 = arith.constant 0 : i32
      %dma_wait3A_23 = tpu.memref_slice %arg6[%mul3A_2, %dma_wait3A_22] : memref<10000x128xf32, #tpu.memory_space<vmem_shared>> -> memref<624x128xf32, #tpu.memory_space<vmem_shared>>
      tpu.wait_dma2 semaphore(%run_scoped3A : memref<!tpu.dma_semaphore, #tpu.memory_space<semaphore_mem>>) src(%dma_wait3A_23 : memref<624x128xf32, #tpu.memory_space<vmem_shared>>) dst(%dma_wait3A_21 : memref<624x128xf32, #tpu.memory_space<hbm>>)
      tpu.yield
    }) : () -> ()
    %eq3A_11 = arith.constant 0 : i32
    %eq3A_12 = arith.cmpi eq, %arg1, %eq3A_11 : i32
    %convert_element_type3A_13 = arith.extui %eq3A_12 : i1 to i32
    %cond3A_14 = arith.constant 0 : i32
    %cond3A_15 = arith.cmpi ne, %convert_element_type3A_13, %cond3A_14 : i32
    scf.if %cond3A_15 {
      "tpu.region"() ({
        %run_scoped3A = tpu.sem_alloc : memref<!tpu.dma_semaphore, #tpu.memory_space<semaphore_mem>>
        %dma_start3A = arith.constant 9984 : i32
        %dma_start3A_16 = arith.constant 0 : i32
        %dma_start3A_17 = tpu.memref_slice %arg5[%arg0, %dma_start3A, %dma_start3A_16] : memref<2x10000x128xf32, #tpu.memory_space<hbm>> -> memref<1x16x128xf32, #tpu.memory_space<hbm>>
        %dma_start3A_18 = tpu.memref_squeeze %dma_start3A_17 : memref<1x16x128xf32, #tpu.memory_space<hbm>> -> memref<16x128xf32, #tpu.memory_space<hbm>>
        %dma_start3A_19 = arith.constant 9984 : i32
        %dma_start3A_20 = arith.constant 0 : i32
        %dma_start3A_21 = tpu.memref_slice %arg6[%dma_start3A_19, %dma_start3A_20] : memref<10000x128xf32, #tpu.memory_space<vmem_shared>> -> memref<16x128xf32, #tpu.memory_space<vmem_shared>>
        tpu.enqueue_dma source(%dma_start3A_21 : memref<16x128xf32, #tpu.memory_space<vmem_shared>>) target(%dma_start3A_18 : memref<16x128xf32, #tpu.memory_space<hbm>>) target_semaphore(%run_scoped3A : memref<!tpu.dma_semaphore, #tpu.memory_space<semaphore_mem>>)
        %dma_wait3A = arith.constant 9984 : i32
        %dma_wait3A_22 = arith.constant 0 : i32
        %dma_wait3A_23 = tpu.memref_slice %arg5[%arg0, %dma_wait3A, %dma_wait3A_22] : memref<2x10000x128xf32, #tpu.memory_space<hbm>> -> memref<1x16x128xf32, #tpu.memory_space<hbm>>
        %dma_wait3A_24 = tpu.memref_squeeze %dma_wait3A_23 : memref<1x16x128xf32, #tpu.memory_space<hbm>> -> memref<16x128xf32, #tpu.memory_space<hbm>>
        %dma_wait3A_25 = arith.constant 9984 : i32
        %dma_wait3A_26 = arith.constant 0 : i32
        %dma_wait3A_27 = tpu.memref_slice %arg6[%dma_wait3A_25, %dma_wait3A_26] : memref<10000x128xf32, #tpu.memory_space<vmem_shared>> -> memref<16x128xf32, #tpu.memory_space<vmem_shared>>
        tpu.wait_dma2 semaphore(%run_scoped3A : memref<!tpu.dma_semaphore, #tpu.memory_space<semaphore_mem>>) src(%dma_wait3A_27 : memref<16x128xf32, #tpu.memory_space<vmem_shared>>) dst(%dma_wait3A_24 : memref<16x128xf32, #tpu.memory_space<hbm>>)
        tpu.yield
      }) : () -> ()
    } else {
    }
    return
  }
}

#map = affine_map<(d0, d1) -> (0, 0)>
#map1 = affine_map<(d0, d1) -> (0)>
module attributes {stable_mosaic.version = 14 : i64} {
  func.func @_gather2_body(%arg0: i32, %arg1: i32, %arg2: memref<10000x128xf32, #tpu.memory_space<hbm>>, %arg3: memref<160000xi32, #tpu.memory_space<hbm>>, %arg4: memref<160000xi32, #tpu.memory_space<hbm>>, %arg5: memref<160000x128xf32, #tpu.memory_space<hbm>>, %arg6: memref<160000x128xf32, #tpu.memory_space<hbm>>, %arg7: memref<128xi32, #tpu.memory_space<vmem>>, %arg8: memref<128xi32, #tpu.memory_space<vmem>>, %arg9: memref<128x128xf32, #tpu.memory_space<vmem>>, %arg10: memref<128x128xf32, #tpu.memory_space<vmem>>, %arg11: memref<!tpu.dma_semaphore, #tpu.memory_space<semaphore_mem>>, %arg12: memref<!tpu.dma_semaphore, #tpu.memory_space<semaphore_mem>>) attributes {dimension_semantics = [#tpu.dimension_semantics<core_parallel>, #tpu.dimension_semantics<subcore_parallel>], iteration_bounds = array<i64: 2, 16>, scalar_prefetch = 0 : i64, scratch_operands = 6 : i64, tpu.core_type = #tpu.core_type<sc_vector_subcore>, window_params = [{transform_indices = #map}, {transform_indices = #map1}, {transform_indices = #map1}, {transform_indices = #map}, {transform_indices = #map}]} {
    %mul3A = arith.constant 2 : i32
    %mul3A_0 = arith.muli %arg1, %mul3A : i32
    %add3A = arith.addi %mul3A_0, %arg0 : i32
    %scan3A = arith.constant 0 : i32
    %scan3A_1 = arith.constant 0 : i32
    %scan3A_2 = arith.constant 40 : i32
    %scan3A_3 = arith.addi %scan3A_1, %scan3A_2 : i32
    %scan3A_4 = arith.constant 1 : i32
    scf.for %scan3A_6 = %scan3A_1 to %scan3A_3 step %scan3A_4  : i32 {
      %mul3A_7 = arith.constant 32 : i32
      %mul3A_8 = arith.muli %scan3A_6, %mul3A_7 : i32
      %add3A_9 = arith.addi %add3A, %mul3A_8 : i32
      %lt3A = arith.constant 1250 : i32
      %lt3A_10 = arith.cmpi slt, %add3A_9, %lt3A : i32
      %convert_element_type3A = arith.extui %lt3A_10 : i1 to i32
      %cond3A = arith.constant 0 : i32
      %cond3A_11 = arith.cmpi ne, %convert_element_type3A, %cond3A : i32
      scf.if %cond3A_11 {
        %mul3A_12 = arith.constant 128 : i32
        %mul3A_13 = arith.muli %add3A_9, %mul3A_12 : i32
        "tpu.region"() ({
          %run_scoped3A = tpu.sem_alloc : memref<!tpu.dma_semaphore, #tpu.memory_space<semaphore_mem>>
          %dma_start3A_24 = tpu.memref_slice %arg3[%mul3A_13] : memref<160000xi32, #tpu.memory_space<hbm>> -> memref<128xi32, #tpu.memory_space<hbm>>
          %dma_start3A_25 = tpu.memref_slice %arg3[%mul3A_13] : memref<160000xi32, #tpu.memory_space<hbm>> -> memref<128xi32, #tpu.memory_space<hbm>>
          tpu.enqueue_dma source(%dma_start3A_25 : memref<128xi32, #tpu.memory_space<hbm>>) target(%arg7 : memref<128xi32, #tpu.memory_space<vmem>>) target_semaphore(%run_scoped3A : memref<!tpu.dma_semaphore, #tpu.memory_space<semaphore_mem>>)
          %dma_wait3A_26 = tpu.memref_slice %arg3[%mul3A_13] : memref<160000xi32, #tpu.memory_space<hbm>> -> memref<128xi32, #tpu.memory_space<hbm>>
          %dma_wait3A_27 = tpu.memref_slice %arg3[%mul3A_13] : memref<160000xi32, #tpu.memory_space<hbm>> -> memref<128xi32, #tpu.memory_space<hbm>>
          tpu.wait_dma2 semaphore(%run_scoped3A : memref<!tpu.dma_semaphore, #tpu.memory_space<semaphore_mem>>) src(%dma_wait3A_27 : memref<128xi32, #tpu.memory_space<hbm>>) dst(%arg7 : memref<128xi32, #tpu.memory_space<vmem>>)
          tpu.yield
        }) : () -> ()
        "tpu.region"() ({
          %run_scoped3A = tpu.sem_alloc : memref<!tpu.dma_semaphore, #tpu.memory_space<semaphore_mem>>
          %dma_start3A_24 = tpu.memref_slice %arg4[%mul3A_13] : memref<160000xi32, #tpu.memory_space<hbm>> -> memref<128xi32, #tpu.memory_space<hbm>>
          %dma_start3A_25 = tpu.memref_slice %arg4[%mul3A_13] : memref<160000xi32, #tpu.memory_space<hbm>> -> memref<128xi32, #tpu.memory_space<hbm>>
          tpu.enqueue_dma source(%dma_start3A_25 : memref<128xi32, #tpu.memory_space<hbm>>) target(%arg8 : memref<128xi32, #tpu.memory_space<vmem>>) target_semaphore(%run_scoped3A : memref<!tpu.dma_semaphore, #tpu.memory_space<semaphore_mem>>)
          %dma_wait3A_26 = tpu.memref_slice %arg4[%mul3A_13] : memref<160000xi32, #tpu.memory_space<hbm>> -> memref<128xi32, #tpu.memory_space<hbm>>
          %dma_wait3A_27 = tpu.memref_slice %arg4[%mul3A_13] : memref<160000xi32, #tpu.memory_space<hbm>> -> memref<128xi32, #tpu.memory_space<hbm>>
          tpu.wait_dma2 semaphore(%run_scoped3A : memref<!tpu.dma_semaphore, #tpu.memory_space<semaphore_mem>>) src(%dma_wait3A_27 : memref<128xi32, #tpu.memory_space<hbm>>) dst(%arg8 : memref<128xi32, #tpu.memory_space<vmem>>)
          tpu.yield
        }) : () -> ()
        %dma_start3A = arith.constant 0 : i32
        %dma_start3A_14 = arith.constant 0 : i32
        %dma_start3A_15 = tpu.memref_slice %arg2[%dma_start3A, %dma_start3A_14] : memref<10000x128xf32, #tpu.memory_space<hbm>> -> memref<10000x128xf32, #tpu.memory_space<hbm>>
        tpu.enqueue_indirect_dma source(%dma_start3A_15 : memref<10000x128xf32, #tpu.memory_space<hbm>>) target(%arg9 : memref<128x128xf32, #tpu.memory_space<vmem>>) offsets(%arg7 : memref<128xi32, #tpu.memory_space<vmem>>) semaphore(%arg11 : memref<!tpu.dma_semaphore, #tpu.memory_space<semaphore_mem>>)
        %dma_start3A_16 = arith.constant 0 : i32
        %dma_start3A_17 = arith.constant 0 : i32
        %dma_start3A_18 = tpu.memref_slice %arg2[%dma_start3A_16, %dma_start3A_17] : memref<10000x128xf32, #tpu.memory_space<hbm>> -> memref<10000x128xf32, #tpu.memory_space<hbm>>
        tpu.enqueue_indirect_dma source(%dma_start3A_18 : memref<10000x128xf32, #tpu.memory_space<hbm>>) target(%arg10 : memref<128x128xf32, #tpu.memory_space<vmem>>) offsets(%arg8 : memref<128xi32, #tpu.memory_space<vmem>>) semaphore(%arg12 : memref<!tpu.dma_semaphore, #tpu.memory_space<semaphore_mem>>)
        %dma_wait3A = arith.constant 0 : i32
        %dma_wait3A_19 = arith.constant 0 : i32
        %dma_wait3A_20 = tpu.memref_slice %arg2[%dma_wait3A, %dma_wait3A_19] : memref<10000x128xf32, #tpu.memory_space<hbm>> -> memref<10000x128xf32, #tpu.memory_space<hbm>>
        tpu.wait_indirect_dma semaphore(%arg11 : memref<!tpu.dma_semaphore, #tpu.memory_space<semaphore_mem>>) src(%dma_wait3A_20 : memref<10000x128xf32, #tpu.memory_space<hbm>>) dst(%arg9 : memref<128x128xf32, #tpu.memory_space<vmem>>)
        %dma_wait3A_21 = arith.constant 0 : i32
        %dma_wait3A_22 = arith.constant 0 : i32
        %dma_wait3A_23 = tpu.memref_slice %arg2[%dma_wait3A_21, %dma_wait3A_22] : memref<10000x128xf32, #tpu.memory_space<hbm>> -> memref<10000x128xf32, #tpu.memory_space<hbm>>
        tpu.wait_indirect_dma semaphore(%arg12 : memref<!tpu.dma_semaphore, #tpu.memory_space<semaphore_mem>>) src(%dma_wait3A_23 : memref<10000x128xf32, #tpu.memory_space<hbm>>) dst(%arg10 : memref<128x128xf32, #tpu.memory_space<vmem>>)
        "tpu.region"() ({
          %run_scoped3A = tpu.sem_alloc : memref<!tpu.dma_semaphore, #tpu.memory_space<semaphore_mem>>
          %dma_start3A_24 = arith.constant 0 : i32
          %dma_start3A_25 = tpu.memref_slice %arg5[%mul3A_13, %dma_start3A_24] : memref<160000x128xf32, #tpu.memory_space<hbm>> -> memref<128x128xf32, #tpu.memory_space<hbm>>
          %dma_start3A_26 = arith.constant 0 : i32
          %dma_start3A_27 = tpu.memref_slice %arg5[%mul3A_13, %dma_start3A_26] : memref<160000x128xf32, #tpu.memory_space<hbm>> -> memref<128x128xf32, #tpu.memory_space<hbm>>
          tpu.enqueue_dma source(%arg9 : memref<128x128xf32, #tpu.memory_space<vmem>>) target(%dma_start3A_27 : memref<128x128xf32, #tpu.memory_space<hbm>>) target_semaphore(%run_scoped3A : memref<!tpu.dma_semaphore, #tpu.memory_space<semaphore_mem>>)
          %dma_wait3A_28 = arith.constant 0 : i32
          %dma_wait3A_29 = tpu.memref_slice %arg5[%mul3A_13, %dma_wait3A_28] : memref<160000x128xf32, #tpu.memory_space<hbm>> -> memref<128x128xf32, #tpu.memory_space<hbm>>
          %dma_wait3A_30 = arith.constant 0 : i32
          %dma_wait3A_31 = tpu.memref_slice %arg5[%mul3A_13, %dma_wait3A_30] : memref<160000x128xf32, #tpu.memory_space<hbm>> -> memref<128x128xf32, #tpu.memory_space<hbm>>
          tpu.wait_dma2 semaphore(%run_scoped3A : memref<!tpu.dma_semaphore, #tpu.memory_space<semaphore_mem>>) src(%arg9 : memref<128x128xf32, #tpu.memory_space<vmem>>) dst(%dma_wait3A_31 : memref<128x128xf32, #tpu.memory_space<hbm>>)
          tpu.yield
        }) : () -> ()
        "tpu.region"() ({
          %run_scoped3A = tpu.sem_alloc : memref<!tpu.dma_semaphore, #tpu.memory_space<semaphore_mem>>
          %dma_start3A_24 = arith.constant 0 : i32
          %dma_start3A_25 = tpu.memref_slice %arg6[%mul3A_13, %dma_start3A_24] : memref<160000x128xf32, #tpu.memory_space<hbm>> -> memref<128x128xf32, #tpu.memory_space<hbm>>
          %dma_start3A_26 = arith.constant 0 : i32
          %dma_start3A_27 = tpu.memref_slice %arg6[%mul3A_13, %dma_start3A_26] : memref<160000x128xf32, #tpu.memory_space<hbm>> -> memref<128x128xf32, #tpu.memory_space<hbm>>
          tpu.enqueue_dma source(%arg10 : memref<128x128xf32, #tpu.memory_space<vmem>>) target(%dma_start3A_27 : memref<128x128xf32, #tpu.memory_space<hbm>>) target_semaphore(%run_scoped3A : memref<!tpu.dma_semaphore, #tpu.memory_space<semaphore_mem>>)
          %dma_wait3A_28 = arith.constant 0 : i32
          %dma_wait3A_29 = tpu.memref_slice %arg6[%mul3A_13, %dma_wait3A_28] : memref<160000x128xf32, #tpu.memory_space<hbm>> -> memref<128x128xf32, #tpu.memory_space<hbm>>
          %dma_wait3A_30 = arith.constant 0 : i32
          %dma_wait3A_31 = tpu.memref_slice %arg6[%mul3A_13, %dma_wait3A_30] : memref<160000x128xf32, #tpu.memory_space<hbm>> -> memref<128x128xf32, #tpu.memory_space<hbm>>
          tpu.wait_dma2 semaphore(%run_scoped3A : memref<!tpu.dma_semaphore, #tpu.memory_space<semaphore_mem>>) src(%arg10 : memref<128x128xf32, #tpu.memory_space<vmem>>) dst(%dma_wait3A_31 : memref<128x128xf32, #tpu.memory_space<hbm>>)
          tpu.yield
        }) : () -> ()
      } else {
      }
    }
    %scan3A_5 = arith.constant 40 : i32
    return
  }
}

#map = affine_map<(d0, d1) -> (0, 0)>
#map1 = affine_map<(d0, d1) -> (0)>
#map2 = affine_map<(d0, d1) -> (0, 0, 0)>
module attributes {stable_mosaic.version = 14 : i64} {
  func.func @_scatter_body(%arg0: i32, %arg1: i32, %arg2: memref<160000x128xf32, #tpu.memory_space<hbm>>, %arg3: memref<160000xi32, #tpu.memory_space<hbm>>, %arg4: memref<10000x128xf32, #tpu.memory_space<hbm>>, %arg5: memref<2x10000x128xf32, #tpu.memory_space<hbm>>, %arg6: memref<10000x128xf32, #tpu.memory_space<vmem_shared>>, %arg7: memref<128xi32, #tpu.memory_space<vmem>>, %arg8: memref<128x128xf32, #tpu.memory_space<vmem>>) attributes {dimension_semantics = [#tpu.dimension_semantics<core_parallel>, #tpu.dimension_semantics<subcore_parallel>], iteration_bounds = array<i64: 2, 16>, scalar_prefetch = 0 : i64, scratch_operands = 3 : i64, tpu.core_type = #tpu.core_type<sc_vector_subcore>, window_params = [{transform_indices = #map}, {transform_indices = #map1}, {transform_indices = #map}, {transform_indices = #map2}]} {
    %mul3A = arith.constant 2 : i32
    %mul3A_0 = arith.muli %arg1, %mul3A : i32
    %add3A = arith.addi %mul3A_0, %arg0 : i32
    %mul3A_1 = arith.constant 624 : i32
    %mul3A_2 = arith.muli %arg1, %mul3A_1 : i32
    "tpu.region"() ({
      %run_scoped3A = tpu.sem_alloc : memref<!tpu.dma_semaphore, #tpu.memory_space<semaphore_mem>>
      %dma_start3A = arith.constant 0 : i32
      %dma_start3A_16 = tpu.memref_slice %arg6[%mul3A_2, %dma_start3A] : memref<10000x128xf32, #tpu.memory_space<vmem_shared>> -> memref<624x128xf32, #tpu.memory_space<vmem_shared>>
      %dma_start3A_17 = arith.constant 0 : i32
      %dma_start3A_18 = tpu.memref_slice %arg4[%mul3A_2, %dma_start3A_17] : memref<10000x128xf32, #tpu.memory_space<hbm>> -> memref<624x128xf32, #tpu.memory_space<hbm>>
      tpu.enqueue_dma source(%dma_start3A_18 : memref<624x128xf32, #tpu.memory_space<hbm>>) target(%dma_start3A_16 : memref<624x128xf32, #tpu.memory_space<vmem_shared>>) target_semaphore(%run_scoped3A : memref<!tpu.dma_semaphore, #tpu.memory_space<semaphore_mem>>)
      %dma_wait3A = arith.constant 0 : i32
      %dma_wait3A_19 = tpu.memref_slice %arg6[%mul3A_2, %dma_wait3A] : memref<10000x128xf32, #tpu.memory_space<vmem_shared>> -> memref<624x128xf32, #tpu.memory_space<vmem_shared>>
      %dma_wait3A_20 = arith.constant 0 : i32
      %dma_wait3A_21 = tpu.memref_slice %arg4[%mul3A_2, %dma_wait3A_20] : memref<10000x128xf32, #tpu.memory_space<hbm>> -> memref<624x128xf32, #tpu.memory_space<hbm>>
      tpu.wait_dma2 semaphore(%run_scoped3A : memref<!tpu.dma_semaphore, #tpu.memory_space<semaphore_mem>>) src(%dma_wait3A_21 : memref<624x128xf32, #tpu.memory_space<hbm>>) dst(%dma_wait3A_19 : memref<624x128xf32, #tpu.memory_space<vmem_shared>>)
      tpu.yield
    }) : () -> ()
    %eq3A = arith.constant 0 : i32
    %eq3A_3 = arith.cmpi eq, %arg1, %eq3A : i32
    %convert_element_type3A = arith.extui %eq3A_3 : i1 to i32
    %cond3A = arith.constant 0 : i32
    %cond3A_4 = arith.cmpi ne, %convert_element_type3A, %cond3A : i32
    scf.if %cond3A_4 {
      "tpu.region"() ({
        %run_scoped3A = tpu.sem_alloc : memref<!tpu.dma_semaphore, #tpu.memory_space<semaphore_mem>>
        %dma_start3A = arith.constant 9984 : i32
        %dma_start3A_16 = arith.constant 0 : i32
        %dma_start3A_17 = tpu.memref_slice %arg6[%dma_start3A, %dma_start3A_16] : memref<10000x128xf32, #tpu.memory_space<vmem_shared>> -> memref<16x128xf32, #tpu.memory_space<vmem_shared>>
        %dma_start3A_18 = arith.constant 9984 : i32
        %dma_start3A_19 = arith.constant 0 : i32
        %dma_start3A_20 = tpu.memref_slice %arg4[%dma_start3A_18, %dma_start3A_19] : memref<10000x128xf32, #tpu.memory_space<hbm>> -> memref<16x128xf32, #tpu.memory_space<hbm>>
        tpu.enqueue_dma source(%dma_start3A_20 : memref<16x128xf32, #tpu.memory_space<hbm>>) target(%dma_start3A_17 : memref<16x128xf32, #tpu.memory_space<vmem_shared>>) target_semaphore(%run_scoped3A : memref<!tpu.dma_semaphore, #tpu.memory_space<semaphore_mem>>)
        %dma_wait3A = arith.constant 9984 : i32
        %dma_wait3A_21 = arith.constant 0 : i32
        %dma_wait3A_22 = tpu.memref_slice %arg6[%dma_wait3A, %dma_wait3A_21] : memref<10000x128xf32, #tpu.memory_space<vmem_shared>> -> memref<16x128xf32, #tpu.memory_space<vmem_shared>>
        %dma_wait3A_23 = arith.constant 9984 : i32
        %dma_wait3A_24 = arith.constant 0 : i32
        %dma_wait3A_25 = tpu.memref_slice %arg4[%dma_wait3A_23, %dma_wait3A_24] : memref<10000x128xf32, #tpu.memory_space<hbm>> -> memref<16x128xf32, #tpu.memory_space<hbm>>
        tpu.wait_dma2 semaphore(%run_scoped3A : memref<!tpu.dma_semaphore, #tpu.memory_space<semaphore_mem>>) src(%dma_wait3A_25 : memref<16x128xf32, #tpu.memory_space<hbm>>) dst(%dma_wait3A_22 : memref<16x128xf32, #tpu.memory_space<vmem_shared>>)
        tpu.yield
      }) : () -> ()
    } else {
    }
    %barrier3A = arith.constant 0 : index
    tpu.barrier barrier_id(%barrier3A)
    %scan3A = arith.constant 0 : i32
    %scan3A_5 = arith.constant 0 : i32
    %scan3A_6 = arith.constant 40 : i32
    %scan3A_7 = arith.addi %scan3A_5, %scan3A_6 : i32
    %scan3A_8 = arith.constant 1 : i32
    scf.for %scan3A_16 = %scan3A_5 to %scan3A_7 step %scan3A_8  : i32 {
      %mul3A_17 = arith.constant 32 : i32
      %mul3A_18 = arith.muli %scan3A_16, %mul3A_17 : i32
      %add3A_19 = arith.addi %add3A, %mul3A_18 : i32
      %lt3A = arith.constant 1250 : i32
      %lt3A_20 = arith.cmpi slt, %add3A_19, %lt3A : i32
      %convert_element_type3A_21 = arith.extui %lt3A_20 : i1 to i32
      %cond3A_22 = arith.constant 0 : i32
      %cond3A_23 = arith.cmpi ne, %convert_element_type3A_21, %cond3A_22 : i32
      scf.if %cond3A_23 {
        %mul3A_24 = arith.constant 128 : i32
        %mul3A_25 = arith.muli %add3A_19, %mul3A_24 : i32
        "tpu.region"() ({
          %run_scoped3A = tpu.sem_alloc : memref<!tpu.dma_semaphore, #tpu.memory_space<semaphore_mem>>
          %dma_start3A = tpu.memref_slice %arg3[%mul3A_25] : memref<160000xi32, #tpu.memory_space<hbm>> -> memref<128xi32, #tpu.memory_space<hbm>>
          %dma_start3A_26 = tpu.memref_slice %arg3[%mul3A_25] : memref<160000xi32, #tpu.memory_space<hbm>> -> memref<128xi32, #tpu.memory_space<hbm>>
          tpu.enqueue_dma source(%dma_start3A_26 : memref<128xi32, #tpu.memory_space<hbm>>) target(%arg7 : memref<128xi32, #tpu.memory_space<vmem>>) target_semaphore(%run_scoped3A : memref<!tpu.dma_semaphore, #tpu.memory_space<semaphore_mem>>)
          %dma_wait3A = tpu.memref_slice %arg3[%mul3A_25] : memref<160000xi32, #tpu.memory_space<hbm>> -> memref<128xi32, #tpu.memory_space<hbm>>
          %dma_wait3A_27 = tpu.memref_slice %arg3[%mul3A_25] : memref<160000xi32, #tpu.memory_space<hbm>> -> memref<128xi32, #tpu.memory_space<hbm>>
          tpu.wait_dma2 semaphore(%run_scoped3A : memref<!tpu.dma_semaphore, #tpu.memory_space<semaphore_mem>>) src(%dma_wait3A_27 : memref<128xi32, #tpu.memory_space<hbm>>) dst(%arg7 : memref<128xi32, #tpu.memory_space<vmem>>)
          tpu.yield
        }) : () -> ()
        "tpu.region"() ({
          %run_scoped3A = tpu.sem_alloc : memref<!tpu.dma_semaphore, #tpu.memory_space<semaphore_mem>>
          %dma_start3A = arith.constant 0 : i32
          %dma_start3A_26 = tpu.memref_slice %arg2[%mul3A_25, %dma_start3A] : memref<160000x128xf32, #tpu.memory_space<hbm>> -> memref<128x128xf32, #tpu.memory_space<hbm>>
          %dma_start3A_27 = arith.constant 0 : i32
          %dma_start3A_28 = tpu.memref_slice %arg2[%mul3A_25, %dma_start3A_27] : memref<160000x128xf32, #tpu.memory_space<hbm>> -> memref<128x128xf32, #tpu.memory_space<hbm>>
          tpu.enqueue_dma source(%dma_start3A_28 : memref<128x128xf32, #tpu.memory_space<hbm>>) target(%arg8 : memref<128x128xf32, #tpu.memory_space<vmem>>) target_semaphore(%run_scoped3A : memref<!tpu.dma_semaphore, #tpu.memory_space<semaphore_mem>>)
          %dma_wait3A = arith.constant 0 : i32
          %dma_wait3A_29 = tpu.memref_slice %arg2[%mul3A_25, %dma_wait3A] : memref<160000x128xf32, #tpu.memory_space<hbm>> -> memref<128x128xf32, #tpu.memory_space<hbm>>
          %dma_wait3A_30 = arith.constant 0 : i32
          %dma_wait3A_31 = tpu.memref_slice %arg2[%mul3A_25, %dma_wait3A_30] : memref<160000x128xf32, #tpu.memory_space<hbm>> -> memref<128x128xf32, #tpu.memory_space<hbm>>
          tpu.wait_dma2 semaphore(%run_scoped3A : memref<!tpu.dma_semaphore, #tpu.memory_space<semaphore_mem>>) src(%dma_wait3A_31 : memref<128x128xf32, #tpu.memory_space<hbm>>) dst(%arg8 : memref<128x128xf32, #tpu.memory_space<vmem>>)
          tpu.yield
        }) : () -> ()
        "tpu.region"() ({
          %run_scoped3A = tpu.sem_alloc : memref<!tpu.dma_semaphore, #tpu.memory_space<semaphore_mem>>
          %dma_start3A = arith.constant 0 : i32
          %dma_start3A_26 = arith.constant 0 : i32
          %dma_start3A_27 = tpu.memref_slice %arg6[%dma_start3A, %dma_start3A_26] : memref<10000x128xf32, #tpu.memory_space<vmem_shared>> -> memref<10000x128xf32, #tpu.memory_space<vmem_shared>>
          tpu.enqueue_indirect_dma source(%arg8 : memref<128x128xf32, #tpu.memory_space<vmem>>) target(%dma_start3A_27 : memref<10000x128xf32, #tpu.memory_space<vmem_shared>>) offsets(%arg7 : memref<128xi32, #tpu.memory_space<vmem>>) semaphore(%run_scoped3A : memref<!tpu.dma_semaphore, #tpu.memory_space<semaphore_mem>>) {add = true}
          %dma_wait3A = arith.constant 0 : i32
          %dma_wait3A_28 = arith.constant 0 : i32
          %dma_wait3A_29 = tpu.memref_slice %arg6[%dma_wait3A, %dma_wait3A_28] : memref<10000x128xf32, #tpu.memory_space<vmem_shared>> -> memref<10000x128xf32, #tpu.memory_space<vmem_shared>>
          tpu.wait_indirect_dma semaphore(%run_scoped3A : memref<!tpu.dma_semaphore, #tpu.memory_space<semaphore_mem>>) src(%arg8 : memref<128x128xf32, #tpu.memory_space<vmem>>) dst(%dma_wait3A_29 : memref<10000x128xf32, #tpu.memory_space<vmem_shared>>)
          tpu.yield
        }) : () -> ()
      } else {
      }
    }
    %scan3A_9 = arith.constant 40 : i32
    %barrier3A_10 = arith.constant 0 : index
    tpu.barrier barrier_id(%barrier3A_10)
    "tpu.region"() ({
      %run_scoped3A = tpu.sem_alloc : memref<!tpu.dma_semaphore, #tpu.memory_space<semaphore_mem>>
      %dma_start3A = arith.constant 0 : i32
      %dma_start3A_16 = tpu.memref_slice %arg5[%arg0, %mul3A_2, %dma_start3A] : memref<2x10000x128xf32, #tpu.memory_space<hbm>> -> memref<1x624x128xf32, #tpu.memory_space<hbm>>
      %dma_start3A_17 = tpu.memref_squeeze %dma_start3A_16 : memref<1x624x128xf32, #tpu.memory_space<hbm>> -> memref<624x128xf32, #tpu.memory_space<hbm>>
      %dma_start3A_18 = arith.constant 0 : i32
      %dma_start3A_19 = tpu.memref_slice %arg6[%mul3A_2, %dma_start3A_18] : memref<10000x128xf32, #tpu.memory_space<vmem_shared>> -> memref<624x128xf32, #tpu.memory_space<vmem_shared>>
      tpu.enqueue_dma source(%dma_start3A_19 : memref<624x128xf32, #tpu.memory_space<vmem_shared>>) target(%dma_start3A_17 : memref<624x128xf32, #tpu.memory_space<hbm>>) target_semaphore(%run_scoped3A : memref<!tpu.dma_semaphore, #tpu.memory_space<semaphore_mem>>)
      %dma_wait3A = arith.constant 0 : i32
      %dma_wait3A_20 = tpu.memref_slice %arg5[%arg0, %mul3A_2, %dma_wait3A] : memref<2x10000x128xf32, #tpu.memory_space<hbm>> -> memref<1x624x128xf32, #tpu.memory_space<hbm>>
      %dma_wait3A_21 = tpu.memref_squeeze %dma_wait3A_20 : memref<1x624x128xf32, #tpu.memory_space<hbm>> -> memref<624x128xf32, #tpu.memory_space<hbm>>
      %dma_wait3A_22 = arith.constant 0 : i32
      %dma_wait3A_23 = tpu.memref_slice %arg6[%mul3A_2, %dma_wait3A_22] : memref<10000x128xf32, #tpu.memory_space<vmem_shared>> -> memref<624x128xf32, #tpu.memory_space<vmem_shared>>
      tpu.wait_dma2 semaphore(%run_scoped3A : memref<!tpu.dma_semaphore, #tpu.memory_space<semaphore_mem>>) src(%dma_wait3A_23 : memref<624x128xf32, #tpu.memory_space<vmem_shared>>) dst(%dma_wait3A_21 : memref<624x128xf32, #tpu.memory_space<hbm>>)
      tpu.yield
    }) : () -> ()
    %eq3A_11 = arith.constant 0 : i32
    %eq3A_12 = arith.cmpi eq, %arg1, %eq3A_11 : i32
    %convert_element_type3A_13 = arith.extui %eq3A_12 : i1 to i32
    %cond3A_14 = arith.constant 0 : i32
    %cond3A_15 = arith.cmpi ne, %convert_element_type3A_13, %cond3A_14 : i32
    scf.if %cond3A_15 {
      "tpu.region"() ({
        %run_scoped3A = tpu.sem_alloc : memref<!tpu.dma_semaphore, #tpu.memory_space<semaphore_mem>>
        %dma_start3A = arith.constant 9984 : i32
        %dma_start3A_16 = arith.constant 0 : i32
        %dma_start3A_17 = tpu.memref_slice %arg5[%arg0, %dma_start3A, %dma_start3A_16] : memref<2x10000x128xf32, #tpu.memory_space<hbm>> -> memref<1x16x128xf32, #tpu.memory_space<hbm>>
        %dma_start3A_18 = tpu.memref_squeeze %dma_start3A_17 : memref<1x16x128xf32, #tpu.memory_space<hbm>> -> memref<16x128xf32, #tpu.memory_space<hbm>>
        %dma_start3A_19 = arith.constant 9984 : i32
        %dma_start3A_20 = arith.constant 0 : i32
        %dma_start3A_21 = tpu.memref_slice %arg6[%dma_start3A_19, %dma_start3A_20] : memref<10000x128xf32, #tpu.memory_space<vmem_shared>> -> memref<16x128xf32, #tpu.memory_space<vmem_shared>>
        tpu.enqueue_dma source(%dma_start3A_21 : memref<16x128xf32, #tpu.memory_space<vmem_shared>>) target(%dma_start3A_18 : memref<16x128xf32, #tpu.memory_space<hbm>>) target_semaphore(%run_scoped3A : memref<!tpu.dma_semaphore, #tpu.memory_space<semaphore_mem>>)
        %dma_wait3A = arith.constant 9984 : i32
        %dma_wait3A_22 = arith.constant 0 : i32
        %dma_wait3A_23 = tpu.memref_slice %arg5[%arg0, %dma_wait3A, %dma_wait3A_22] : memref<2x10000x128xf32, #tpu.memory_space<hbm>> -> memref<1x16x128xf32, #tpu.memory_space<hbm>>
        %dma_wait3A_24 = tpu.memref_squeeze %dma_wait3A_23 : memref<1x16x128xf32, #tpu.memory_space<hbm>> -> memref<16x128xf32, #tpu.memory_space<hbm>>
        %dma_wait3A_25 = arith.constant 9984 : i32
        %dma_wait3A_26 = arith.constant 0 : i32
        %dma_wait3A_27 = tpu.memref_slice %arg6[%dma_wait3A_25, %dma_wait3A_26] : memref<10000x128xf32, #tpu.memory_space<vmem_shared>> -> memref<16x128xf32, #tpu.memory_space<vmem_shared>>
        tpu.wait_dma2 semaphore(%run_scoped3A : memref<!tpu.dma_semaphore, #tpu.memory_space<semaphore_mem>>) src(%dma_wait3A_27 : memref<16x128xf32, #tpu.memory_space<vmem_shared>>) dst(%dma_wait3A_24 : memref<16x128xf32, #tpu.memory_space<hbm>>)
        tpu.yield
      }) : () -> ()
    } else {
    }
    return
  }
}

#map = affine_map<(d0, d1) -> (0, 0)>
#map1 = affine_map<(d0, d1) -> (0)>
module attributes {stable_mosaic.version = 14 : i64} {
  func.func @_gather2_body(%arg0: i32, %arg1: i32, %arg2: memref<10000x128xf32, #tpu.memory_space<hbm>>, %arg3: memref<160000xi32, #tpu.memory_space<hbm>>, %arg4: memref<160000xi32, #tpu.memory_space<hbm>>, %arg5: memref<160000x128xf32, #tpu.memory_space<hbm>>, %arg6: memref<160000x128xf32, #tpu.memory_space<hbm>>, %arg7: memref<128xi32, #tpu.memory_space<vmem>>, %arg8: memref<128xi32, #tpu.memory_space<vmem>>, %arg9: memref<128x128xf32, #tpu.memory_space<vmem>>, %arg10: memref<128x128xf32, #tpu.memory_space<vmem>>, %arg11: memref<!tpu.dma_semaphore, #tpu.memory_space<semaphore_mem>>, %arg12: memref<!tpu.dma_semaphore, #tpu.memory_space<semaphore_mem>>) attributes {dimension_semantics = [#tpu.dimension_semantics<core_parallel>, #tpu.dimension_semantics<subcore_parallel>], iteration_bounds = array<i64: 2, 16>, scalar_prefetch = 0 : i64, scratch_operands = 6 : i64, tpu.core_type = #tpu.core_type<sc_vector_subcore>, window_params = [{transform_indices = #map}, {transform_indices = #map1}, {transform_indices = #map1}, {transform_indices = #map}, {transform_indices = #map}]} {
    %mul3A = arith.constant 2 : i32
    %mul3A_0 = arith.muli %arg1, %mul3A : i32
    %add3A = arith.addi %mul3A_0, %arg0 : i32
    %scan3A = arith.constant 0 : i32
    %scan3A_1 = arith.constant 0 : i32
    %scan3A_2 = arith.constant 40 : i32
    %scan3A_3 = arith.addi %scan3A_1, %scan3A_2 : i32
    %scan3A_4 = arith.constant 1 : i32
    scf.for %scan3A_6 = %scan3A_1 to %scan3A_3 step %scan3A_4  : i32 {
      %mul3A_7 = arith.constant 32 : i32
      %mul3A_8 = arith.muli %scan3A_6, %mul3A_7 : i32
      %add3A_9 = arith.addi %add3A, %mul3A_8 : i32
      %lt3A = arith.constant 1250 : i32
      %lt3A_10 = arith.cmpi slt, %add3A_9, %lt3A : i32
      %convert_element_type3A = arith.extui %lt3A_10 : i1 to i32
      %cond3A = arith.constant 0 : i32
      %cond3A_11 = arith.cmpi ne, %convert_element_type3A, %cond3A : i32
      scf.if %cond3A_11 {
        %mul3A_12 = arith.constant 128 : i32
        %mul3A_13 = arith.muli %add3A_9, %mul3A_12 : i32
        "tpu.region"() ({
          %run_scoped3A = tpu.sem_alloc : memref<!tpu.dma_semaphore, #tpu.memory_space<semaphore_mem>>
          %dma_start3A_24 = tpu.memref_slice %arg3[%mul3A_13] : memref<160000xi32, #tpu.memory_space<hbm>> -> memref<128xi32, #tpu.memory_space<hbm>>
          %dma_start3A_25 = tpu.memref_slice %arg3[%mul3A_13] : memref<160000xi32, #tpu.memory_space<hbm>> -> memref<128xi32, #tpu.memory_space<hbm>>
          tpu.enqueue_dma source(%dma_start3A_25 : memref<128xi32, #tpu.memory_space<hbm>>) target(%arg7 : memref<128xi32, #tpu.memory_space<vmem>>) target_semaphore(%run_scoped3A : memref<!tpu.dma_semaphore, #tpu.memory_space<semaphore_mem>>)
          %dma_wait3A_26 = tpu.memref_slice %arg3[%mul3A_13] : memref<160000xi32, #tpu.memory_space<hbm>> -> memref<128xi32, #tpu.memory_space<hbm>>
          %dma_wait3A_27 = tpu.memref_slice %arg3[%mul3A_13] : memref<160000xi32, #tpu.memory_space<hbm>> -> memref<128xi32, #tpu.memory_space<hbm>>
          tpu.wait_dma2 semaphore(%run_scoped3A : memref<!tpu.dma_semaphore, #tpu.memory_space<semaphore_mem>>) src(%dma_wait3A_27 : memref<128xi32, #tpu.memory_space<hbm>>) dst(%arg7 : memref<128xi32, #tpu.memory_space<vmem>>)
          tpu.yield
        }) : () -> ()
        "tpu.region"() ({
          %run_scoped3A = tpu.sem_alloc : memref<!tpu.dma_semaphore, #tpu.memory_space<semaphore_mem>>
          %dma_start3A_24 = tpu.memref_slice %arg4[%mul3A_13] : memref<160000xi32, #tpu.memory_space<hbm>> -> memref<128xi32, #tpu.memory_space<hbm>>
          %dma_start3A_25 = tpu.memref_slice %arg4[%mul3A_13] : memref<160000xi32, #tpu.memory_space<hbm>> -> memref<128xi32, #tpu.memory_space<hbm>>
          tpu.enqueue_dma source(%dma_start3A_25 : memref<128xi32, #tpu.memory_space<hbm>>) target(%arg8 : memref<128xi32, #tpu.memory_space<vmem>>) target_semaphore(%run_scoped3A : memref<!tpu.dma_semaphore, #tpu.memory_space<semaphore_mem>>)
          %dma_wait3A_26 = tpu.memref_slice %arg4[%mul3A_13] : memref<160000xi32, #tpu.memory_space<hbm>> -> memref<128xi32, #tpu.memory_space<hbm>>
          %dma_wait3A_27 = tpu.memref_slice %arg4[%mul3A_13] : memref<160000xi32, #tpu.memory_space<hbm>> -> memref<128xi32, #tpu.memory_space<hbm>>
          tpu.wait_dma2 semaphore(%run_scoped3A : memref<!tpu.dma_semaphore, #tpu.memory_space<semaphore_mem>>) src(%dma_wait3A_27 : memref<128xi32, #tpu.memory_space<hbm>>) dst(%arg8 : memref<128xi32, #tpu.memory_space<vmem>>)
          tpu.yield
        }) : () -> ()
        %dma_start3A = arith.constant 0 : i32
        %dma_start3A_14 = arith.constant 0 : i32
        %dma_start3A_15 = tpu.memref_slice %arg2[%dma_start3A, %dma_start3A_14] : memref<10000x128xf32, #tpu.memory_space<hbm>> -> memref<10000x128xf32, #tpu.memory_space<hbm>>
        tpu.enqueue_indirect_dma source(%dma_start3A_15 : memref<10000x128xf32, #tpu.memory_space<hbm>>) target(%arg9 : memref<128x128xf32, #tpu.memory_space<vmem>>) offsets(%arg7 : memref<128xi32, #tpu.memory_space<vmem>>) semaphore(%arg11 : memref<!tpu.dma_semaphore, #tpu.memory_space<semaphore_mem>>)
        %dma_start3A_16 = arith.constant 0 : i32
        %dma_start3A_17 = arith.constant 0 : i32
        %dma_start3A_18 = tpu.memref_slice %arg2[%dma_start3A_16, %dma_start3A_17] : memref<10000x128xf32, #tpu.memory_space<hbm>> -> memref<10000x128xf32, #tpu.memory_space<hbm>>
        tpu.enqueue_indirect_dma source(%dma_start3A_18 : memref<10000x128xf32, #tpu.memory_space<hbm>>) target(%arg10 : memref<128x128xf32, #tpu.memory_space<vmem>>) offsets(%arg8 : memref<128xi32, #tpu.memory_space<vmem>>) semaphore(%arg12 : memref<!tpu.dma_semaphore, #tpu.memory_space<semaphore_mem>>)
        %dma_wait3A = arith.constant 0 : i32
        %dma_wait3A_19 = arith.constant 0 : i32
        %dma_wait3A_20 = tpu.memref_slice %arg2[%dma_wait3A, %dma_wait3A_19] : memref<10000x128xf32, #tpu.memory_space<hbm>> -> memref<10000x128xf32, #tpu.memory_space<hbm>>
        tpu.wait_indirect_dma semaphore(%arg11 : memref<!tpu.dma_semaphore, #tpu.memory_space<semaphore_mem>>) src(%dma_wait3A_20 : memref<10000x128xf32, #tpu.memory_space<hbm>>) dst(%arg9 : memref<128x128xf32, #tpu.memory_space<vmem>>)
        %dma_wait3A_21 = arith.constant 0 : i32
        %dma_wait3A_22 = arith.constant 0 : i32
        %dma_wait3A_23 = tpu.memref_slice %arg2[%dma_wait3A_21, %dma_wait3A_22] : memref<10000x128xf32, #tpu.memory_space<hbm>> -> memref<10000x128xf32, #tpu.memory_space<hbm>>
        tpu.wait_indirect_dma semaphore(%arg12 : memref<!tpu.dma_semaphore, #tpu.memory_space<semaphore_mem>>) src(%dma_wait3A_23 : memref<10000x128xf32, #tpu.memory_space<hbm>>) dst(%arg10 : memref<128x128xf32, #tpu.memory_space<vmem>>)
        "tpu.region"() ({
          %run_scoped3A = tpu.sem_alloc : memref<!tpu.dma_semaphore, #tpu.memory_space<semaphore_mem>>
          %dma_start3A_24 = arith.constant 0 : i32
          %dma_start3A_25 = tpu.memref_slice %arg5[%mul3A_13, %dma_start3A_24] : memref<160000x128xf32, #tpu.memory_space<hbm>> -> memref<128x128xf32, #tpu.memory_space<hbm>>
          %dma_start3A_26 = arith.constant 0 : i32
          %dma_start3A_27 = tpu.memref_slice %arg5[%mul3A_13, %dma_start3A_26] : memref<160000x128xf32, #tpu.memory_space<hbm>> -> memref<128x128xf32, #tpu.memory_space<hbm>>
          tpu.enqueue_dma source(%arg9 : memref<128x128xf32, #tpu.memory_space<vmem>>) target(%dma_start3A_27 : memref<128x128xf32, #tpu.memory_space<hbm>>) target_semaphore(%run_scoped3A : memref<!tpu.dma_semaphore, #tpu.memory_space<semaphore_mem>>)
          %dma_wait3A_28 = arith.constant 0 : i32
          %dma_wait3A_29 = tpu.memref_slice %arg5[%mul3A_13, %dma_wait3A_28] : memref<160000x128xf32, #tpu.memory_space<hbm>> -> memref<128x128xf32, #tpu.memory_space<hbm>>
          %dma_wait3A_30 = arith.constant 0 : i32
          %dma_wait3A_31 = tpu.memref_slice %arg5[%mul3A_13, %dma_wait3A_30] : memref<160000x128xf32, #tpu.memory_space<hbm>> -> memref<128x128xf32, #tpu.memory_space<hbm>>
          tpu.wait_dma2 semaphore(%run_scoped3A : memref<!tpu.dma_semaphore, #tpu.memory_space<semaphore_mem>>) src(%arg9 : memref<128x128xf32, #tpu.memory_space<vmem>>) dst(%dma_wait3A_31 : memref<128x128xf32, #tpu.memory_space<hbm>>)
          tpu.yield
        }) : () -> ()
        "tpu.region"() ({
          %run_scoped3A = tpu.sem_alloc : memref<!tpu.dma_semaphore, #tpu.memory_space<semaphore_mem>>
          %dma_start3A_24 = arith.constant 0 : i32
          %dma_start3A_25 = tpu.memref_slice %arg6[%mul3A_13, %dma_start3A_24] : memref<160000x128xf32, #tpu.memory_space<hbm>> -> memref<128x128xf32, #tpu.memory_space<hbm>>
          %dma_start3A_26 = arith.constant 0 : i32
          %dma_start3A_27 = tpu.memref_slice %arg6[%mul3A_13, %dma_start3A_26] : memref<160000x128xf32, #tpu.memory_space<hbm>> -> memref<128x128xf32, #tpu.memory_space<hbm>>
          tpu.enqueue_dma source(%arg10 : memref<128x128xf32, #tpu.memory_space<vmem>>) target(%dma_start3A_27 : memref<128x128xf32, #tpu.memory_space<hbm>>) target_semaphore(%run_scoped3A : memref<!tpu.dma_semaphore, #tpu.memory_space<semaphore_mem>>)
          %dma_wait3A_28 = arith.constant 0 : i32
          %dma_wait3A_29 = tpu.memref_slice %arg6[%mul3A_13, %dma_wait3A_28] : memref<160000x128xf32, #tpu.memory_space<hbm>> -> memref<128x128xf32, #tpu.memory_space<hbm>>
          %dma_wait3A_30 = arith.constant 0 : i32
          %dma_wait3A_31 = tpu.memref_slice %arg6[%mul3A_13, %dma_wait3A_30] : memref<160000x128xf32, #tpu.memory_space<hbm>> -> memref<128x128xf32, #tpu.memory_space<hbm>>
          tpu.wait_dma2 semaphore(%run_scoped3A : memref<!tpu.dma_semaphore, #tpu.memory_space<semaphore_mem>>) src(%arg10 : memref<128x128xf32, #tpu.memory_space<vmem>>) dst(%dma_wait3A_31 : memref<128x128xf32, #tpu.memory_space<hbm>>)
          tpu.yield
        }) : () -> ()
      } else {
      }
    }
    %scan3A_5 = arith.constant 40 : i32
    return
  }
}

#map = affine_map<(d0, d1) -> (0, 0)>
#map1 = affine_map<(d0, d1) -> (0)>
#map2 = affine_map<(d0, d1) -> (0, 0, 0)>
module attributes {stable_mosaic.version = 14 : i64} {
  func.func @_scatter_body(%arg0: i32, %arg1: i32, %arg2: memref<160000x128xf32, #tpu.memory_space<hbm>>, %arg3: memref<160000xi32, #tpu.memory_space<hbm>>, %arg4: memref<10000x128xf32, #tpu.memory_space<hbm>>, %arg5: memref<2x10000x128xf32, #tpu.memory_space<hbm>>, %arg6: memref<10000x128xf32, #tpu.memory_space<vmem_shared>>, %arg7: memref<128xi32, #tpu.memory_space<vmem>>, %arg8: memref<128x128xf32, #tpu.memory_space<vmem>>) attributes {dimension_semantics = [#tpu.dimension_semantics<core_parallel>, #tpu.dimension_semantics<subcore_parallel>], iteration_bounds = array<i64: 2, 16>, scalar_prefetch = 0 : i64, scratch_operands = 3 : i64, tpu.core_type = #tpu.core_type<sc_vector_subcore>, window_params = [{transform_indices = #map}, {transform_indices = #map1}, {transform_indices = #map}, {transform_indices = #map2}]} {
    %mul3A = arith.constant 2 : i32
    %mul3A_0 = arith.muli %arg1, %mul3A : i32
    %add3A = arith.addi %mul3A_0, %arg0 : i32
    %mul3A_1 = arith.constant 624 : i32
    %mul3A_2 = arith.muli %arg1, %mul3A_1 : i32
    "tpu.region"() ({
      %run_scoped3A = tpu.sem_alloc : memref<!tpu.dma_semaphore, #tpu.memory_space<semaphore_mem>>
      %dma_start3A = arith.constant 0 : i32
      %dma_start3A_16 = tpu.memref_slice %arg6[%mul3A_2, %dma_start3A] : memref<10000x128xf32, #tpu.memory_space<vmem_shared>> -> memref<624x128xf32, #tpu.memory_space<vmem_shared>>
      %dma_start3A_17 = arith.constant 0 : i32
      %dma_start3A_18 = tpu.memref_slice %arg4[%mul3A_2, %dma_start3A_17] : memref<10000x128xf32, #tpu.memory_space<hbm>> -> memref<624x128xf32, #tpu.memory_space<hbm>>
      tpu.enqueue_dma source(%dma_start3A_18 : memref<624x128xf32, #tpu.memory_space<hbm>>) target(%dma_start3A_16 : memref<624x128xf32, #tpu.memory_space<vmem_shared>>) target_semaphore(%run_scoped3A : memref<!tpu.dma_semaphore, #tpu.memory_space<semaphore_mem>>)
      %dma_wait3A = arith.constant 0 : i32
      %dma_wait3A_19 = tpu.memref_slice %arg6[%mul3A_2, %dma_wait3A] : memref<10000x128xf32, #tpu.memory_space<vmem_shared>> -> memref<624x128xf32, #tpu.memory_space<vmem_shared>>
      %dma_wait3A_20 = arith.constant 0 : i32
      %dma_wait3A_21 = tpu.memref_slice %arg4[%mul3A_2, %dma_wait3A_20] : memref<10000x128xf32, #tpu.memory_space<hbm>> -> memref<624x128xf32, #tpu.memory_space<hbm>>
      tpu.wait_dma2 semaphore(%run_scoped3A : memref<!tpu.dma_semaphore, #tpu.memory_space<semaphore_mem>>) src(%dma_wait3A_21 : memref<624x128xf32, #tpu.memory_space<hbm>>) dst(%dma_wait3A_19 : memref<624x128xf32, #tpu.memory_space<vmem_shared>>)
      tpu.yield
    }) : () -> ()
    %eq3A = arith.constant 0 : i32
    %eq3A_3 = arith.cmpi eq, %arg1, %eq3A : i32
    %convert_element_type3A = arith.extui %eq3A_3 : i1 to i32
    %cond3A = arith.constant 0 : i32
    %cond3A_4 = arith.cmpi ne, %convert_element_type3A, %cond3A : i32
    scf.if %cond3A_4 {
      "tpu.region"() ({
        %run_scoped3A = tpu.sem_alloc : memref<!tpu.dma_semaphore, #tpu.memory_space<semaphore_mem>>
        %dma_start3A = arith.constant 9984 : i32
        %dma_start3A_16 = arith.constant 0 : i32
        %dma_start3A_17 = tpu.memref_slice %arg6[%dma_start3A, %dma_start3A_16] : memref<10000x128xf32, #tpu.memory_space<vmem_shared>> -> memref<16x128xf32, #tpu.memory_space<vmem_shared>>
        %dma_start3A_18 = arith.constant 9984 : i32
        %dma_start3A_19 = arith.constant 0 : i32
        %dma_start3A_20 = tpu.memref_slice %arg4[%dma_start3A_18, %dma_start3A_19] : memref<10000x128xf32, #tpu.memory_space<hbm>> -> memref<16x128xf32, #tpu.memory_space<hbm>>
        tpu.enqueue_dma source(%dma_start3A_20 : memref<16x128xf32, #tpu.memory_space<hbm>>) target(%dma_start3A_17 : memref<16x128xf32, #tpu.memory_space<vmem_shared>>) target_semaphore(%run_scoped3A : memref<!tpu.dma_semaphore, #tpu.memory_space<semaphore_mem>>)
        %dma_wait3A = arith.constant 9984 : i32
        %dma_wait3A_21 = arith.constant 0 : i32
        %dma_wait3A_22 = tpu.memref_slice %arg6[%dma_wait3A, %dma_wait3A_21] : memref<10000x128xf32, #tpu.memory_space<vmem_shared>> -> memref<16x128xf32, #tpu.memory_space<vmem_shared>>
        %dma_wait3A_23 = arith.constant 9984 : i32
        %dma_wait3A_24 = arith.constant 0 : i32
        %dma_wait3A_25 = tpu.memref_slice %arg4[%dma_wait3A_23, %dma_wait3A_24] : memref<10000x128xf32, #tpu.memory_space<hbm>> -> memref<16x128xf32, #tpu.memory_space<hbm>>
        tpu.wait_dma2 semaphore(%run_scoped3A : memref<!tpu.dma_semaphore, #tpu.memory_space<semaphore_mem>>) src(%dma_wait3A_25 : memref<16x128xf32, #tpu.memory_space<hbm>>) dst(%dma_wait3A_22 : memref<16x128xf32, #tpu.memory_space<vmem_shared>>)
        tpu.yield
      }) : () -> ()
    } else {
    }
    %barrier3A = arith.constant 0 : index
    tpu.barrier barrier_id(%barrier3A)
    %scan3A = arith.constant 0 : i32
    %scan3A_5 = arith.constant 0 : i32
    %scan3A_6 = arith.constant 40 : i32
    %scan3A_7 = arith.addi %scan3A_5, %scan3A_6 : i32
    %scan3A_8 = arith.constant 1 : i32
    scf.for %scan3A_16 = %scan3A_5 to %scan3A_7 step %scan3A_8  : i32 {
      %mul3A_17 = arith.constant 32 : i32
      %mul3A_18 = arith.muli %scan3A_16, %mul3A_17 : i32
      %add3A_19 = arith.addi %add3A, %mul3A_18 : i32
      %lt3A = arith.constant 1250 : i32
      %lt3A_20 = arith.cmpi slt, %add3A_19, %lt3A : i32
      %convert_element_type3A_21 = arith.extui %lt3A_20 : i1 to i32
      %cond3A_22 = arith.constant 0 : i32
      %cond3A_23 = arith.cmpi ne, %convert_element_type3A_21, %cond3A_22 : i32
      scf.if %cond3A_23 {
        %mul3A_24 = arith.constant 128 : i32
        %mul3A_25 = arith.muli %add3A_19, %mul3A_24 : i32
        "tpu.region"() ({
          %run_scoped3A = tpu.sem_alloc : memref<!tpu.dma_semaphore, #tpu.memory_space<semaphore_mem>>
          %dma_start3A = tpu.memref_slice %arg3[%mul3A_25] : memref<160000xi32, #tpu.memory_space<hbm>> -> memref<128xi32, #tpu.memory_space<hbm>>
          %dma_start3A_26 = tpu.memref_slice %arg3[%mul3A_25] : memref<160000xi32, #tpu.memory_space<hbm>> -> memref<128xi32, #tpu.memory_space<hbm>>
          tpu.enqueue_dma source(%dma_start3A_26 : memref<128xi32, #tpu.memory_space<hbm>>) target(%arg7 : memref<128xi32, #tpu.memory_space<vmem>>) target_semaphore(%run_scoped3A : memref<!tpu.dma_semaphore, #tpu.memory_space<semaphore_mem>>)
          %dma_wait3A = tpu.memref_slice %arg3[%mul3A_25] : memref<160000xi32, #tpu.memory_space<hbm>> -> memref<128xi32, #tpu.memory_space<hbm>>
          %dma_wait3A_27 = tpu.memref_slice %arg3[%mul3A_25] : memref<160000xi32, #tpu.memory_space<hbm>> -> memref<128xi32, #tpu.memory_space<hbm>>
          tpu.wait_dma2 semaphore(%run_scoped3A : memref<!tpu.dma_semaphore, #tpu.memory_space<semaphore_mem>>) src(%dma_wait3A_27 : memref<128xi32, #tpu.memory_space<hbm>>) dst(%arg7 : memref<128xi32, #tpu.memory_space<vmem>>)
          tpu.yield
        }) : () -> ()
        "tpu.region"() ({
          %run_scoped3A = tpu.sem_alloc : memref<!tpu.dma_semaphore, #tpu.memory_space<semaphore_mem>>
          %dma_start3A = arith.constant 0 : i32
          %dma_start3A_26 = tpu.memref_slice %arg2[%mul3A_25, %dma_start3A] : memref<160000x128xf32, #tpu.memory_space<hbm>> -> memref<128x128xf32, #tpu.memory_space<hbm>>
          %dma_start3A_27 = arith.constant 0 : i32
          %dma_start3A_28 = tpu.memref_slice %arg2[%mul3A_25, %dma_start3A_27] : memref<160000x128xf32, #tpu.memory_space<hbm>> -> memref<128x128xf32, #tpu.memory_space<hbm>>
          tpu.enqueue_dma source(%dma_start3A_28 : memref<128x128xf32, #tpu.memory_space<hbm>>) target(%arg8 : memref<128x128xf32, #tpu.memory_space<vmem>>) target_semaphore(%run_scoped3A : memref<!tpu.dma_semaphore, #tpu.memory_space<semaphore_mem>>)
          %dma_wait3A = arith.constant 0 : i32
          %dma_wait3A_29 = tpu.memref_slice %arg2[%mul3A_25, %dma_wait3A] : memref<160000x128xf32, #tpu.memory_space<hbm>> -> memref<128x128xf32, #tpu.memory_space<hbm>>
          %dma_wait3A_30 = arith.constant 0 : i32
          %dma_wait3A_31 = tpu.memref_slice %arg2[%mul3A_25, %dma_wait3A_30] : memref<160000x128xf32, #tpu.memory_space<hbm>> -> memref<128x128xf32, #tpu.memory_space<hbm>>
          tpu.wait_dma2 semaphore(%run_scoped3A : memref<!tpu.dma_semaphore, #tpu.memory_space<semaphore_mem>>) src(%dma_wait3A_31 : memref<128x128xf32, #tpu.memory_space<hbm>>) dst(%arg8 : memref<128x128xf32, #tpu.memory_space<vmem>>)
          tpu.yield
        }) : () -> ()
        "tpu.region"() ({
          %run_scoped3A = tpu.sem_alloc : memref<!tpu.dma_semaphore, #tpu.memory_space<semaphore_mem>>
          %dma_start3A = arith.constant 0 : i32
          %dma_start3A_26 = arith.constant 0 : i32
          %dma_start3A_27 = tpu.memref_slice %arg6[%dma_start3A, %dma_start3A_26] : memref<10000x128xf32, #tpu.memory_space<vmem_shared>> -> memref<10000x128xf32, #tpu.memory_space<vmem_shared>>
          tpu.enqueue_indirect_dma source(%arg8 : memref<128x128xf32, #tpu.memory_space<vmem>>) target(%dma_start3A_27 : memref<10000x128xf32, #tpu.memory_space<vmem_shared>>) offsets(%arg7 : memref<128xi32, #tpu.memory_space<vmem>>) semaphore(%run_scoped3A : memref<!tpu.dma_semaphore, #tpu.memory_space<semaphore_mem>>) {add = true}
          %dma_wait3A = arith.constant 0 : i32
          %dma_wait3A_28 = arith.constant 0 : i32
          %dma_wait3A_29 = tpu.memref_slice %arg6[%dma_wait3A, %dma_wait3A_28] : memref<10000x128xf32, #tpu.memory_space<vmem_shared>> -> memref<10000x128xf32, #tpu.memory_space<vmem_shared>>
          tpu.wait_indirect_dma semaphore(%run_scoped3A : memref<!tpu.dma_semaphore, #tpu.memory_space<semaphore_mem>>) src(%arg8 : memref<128x128xf32, #tpu.memory_space<vmem>>) dst(%dma_wait3A_29 : memref<10000x128xf32, #tpu.memory_space<vmem_shared>>)
          tpu.yield
        }) : () -> ()
      } else {
      }
    }
    %scan3A_9 = arith.constant 40 : i32
    %barrier3A_10 = arith.constant 0 : index
    tpu.barrier barrier_id(%barrier3A_10)
    "tpu.region"() ({
      %run_scoped3A = tpu.sem_alloc : memref<!tpu.dma_semaphore, #tpu.memory_space<semaphore_mem>>
      %dma_start3A = arith.constant 0 : i32
      %dma_start3A_16 = tpu.memref_slice %arg5[%arg0, %mul3A_2, %dma_start3A] : memref<2x10000x128xf32, #tpu.memory_space<hbm>> -> memref<1x624x128xf32, #tpu.memory_space<hbm>>
      %dma_start3A_17 = tpu.memref_squeeze %dma_start3A_16 : memref<1x624x128xf32, #tpu.memory_space<hbm>> -> memref<624x128xf32, #tpu.memory_space<hbm>>
      %dma_start3A_18 = arith.constant 0 : i32
      %dma_start3A_19 = tpu.memref_slice %arg6[%mul3A_2, %dma_start3A_18] : memref<10000x128xf32, #tpu.memory_space<vmem_shared>> -> memref<624x128xf32, #tpu.memory_space<vmem_shared>>
      tpu.enqueue_dma source(%dma_start3A_19 : memref<624x128xf32, #tpu.memory_space<vmem_shared>>) target(%dma_start3A_17 : memref<624x128xf32, #tpu.memory_space<hbm>>) target_semaphore(%run_scoped3A : memref<!tpu.dma_semaphore, #tpu.memory_space<semaphore_mem>>)
      %dma_wait3A = arith.constant 0 : i32
      %dma_wait3A_20 = tpu.memref_slice %arg5[%arg0, %mul3A_2, %dma_wait3A] : memref<2x10000x128xf32, #tpu.memory_space<hbm>> -> memref<1x624x128xf32, #tpu.memory_space<hbm>>
      %dma_wait3A_21 = tpu.memref_squeeze %dma_wait3A_20 : memref<1x624x128xf32, #tpu.memory_space<hbm>> -> memref<624x128xf32, #tpu.memory_space<hbm>>
      %dma_wait3A_22 = arith.constant 0 : i32
      %dma_wait3A_23 = tpu.memref_slice %arg6[%mul3A_2, %dma_wait3A_22] : memref<10000x128xf32, #tpu.memory_space<vmem_shared>> -> memref<624x128xf32, #tpu.memory_space<vmem_shared>>
      tpu.wait_dma2 semaphore(%run_scoped3A : memref<!tpu.dma_semaphore, #tpu.memory_space<semaphore_mem>>) src(%dma_wait3A_23 : memref<624x128xf32, #tpu.memory_space<vmem_shared>>) dst(%dma_wait3A_21 : memref<624x128xf32, #tpu.memory_space<hbm>>)
      tpu.yield
    }) : () -> ()
    %eq3A_11 = arith.constant 0 : i32
    %eq3A_12 = arith.cmpi eq, %arg1, %eq3A_11 : i32
    %convert_element_type3A_13 = arith.extui %eq3A_12 : i1 to i32
    %cond3A_14 = arith.constant 0 : i32
    %cond3A_15 = arith.cmpi ne, %convert_element_type3A_13, %cond3A_14 : i32
    scf.if %cond3A_15 {
      "tpu.region"() ({
        %run_scoped3A = tpu.sem_alloc : memref<!tpu.dma_semaphore, #tpu.memory_space<semaphore_mem>>
        %dma_start3A = arith.constant 9984 : i32
        %dma_start3A_16 = arith.constant 0 : i32
        %dma_start3A_17 = tpu.memref_slice %arg5[%arg0, %dma_start3A, %dma_start3A_16] : memref<2x10000x128xf32, #tpu.memory_space<hbm>> -> memref<1x16x128xf32, #tpu.memory_space<hbm>>
        %dma_start3A_18 = tpu.memref_squeeze %dma_start3A_17 : memref<1x16x128xf32, #tpu.memory_space<hbm>> -> memref<16x128xf32, #tpu.memory_space<hbm>>
        %dma_start3A_19 = arith.constant 9984 : i32
        %dma_start3A_20 = arith.constant 0 : i32
        %dma_start3A_21 = tpu.memref_slice %arg6[%dma_start3A_19, %dma_start3A_20] : memref<10000x128xf32, #tpu.memory_space<vmem_shared>> -> memref<16x128xf32, #tpu.memory_space<vmem_shared>>
        tpu.enqueue_dma source(%dma_start3A_21 : memref<16x128xf32, #tpu.memory_space<vmem_shared>>) target(%dma_start3A_18 : memref<16x128xf32, #tpu.memory_space<hbm>>) target_semaphore(%run_scoped3A : memref<!tpu.dma_semaphore, #tpu.memory_space<semaphore_mem>>)
        %dma_wait3A = arith.constant 9984 : i32
        %dma_wait3A_22 = arith.constant 0 : i32
        %dma_wait3A_23 = tpu.memref_slice %arg5[%arg0, %dma_wait3A, %dma_wait3A_22] : memref<2x10000x128xf32, #tpu.memory_space<hbm>> -> memref<1x16x128xf32, #tpu.memory_space<hbm>>
        %dma_wait3A_24 = tpu.memref_squeeze %dma_wait3A_23 : memref<1x16x128xf32, #tpu.memory_space<hbm>> -> memref<16x128xf32, #tpu.memory_space<hbm>>
        %dma_wait3A_25 = arith.constant 9984 : i32
        %dma_wait3A_26 = arith.constant 0 : i32
        %dma_wait3A_27 = tpu.memref_slice %arg6[%dma_wait3A_25, %dma_wait3A_26] : memref<10000x128xf32, #tpu.memory_space<vmem_shared>> -> memref<16x128xf32, #tpu.memory_space<vmem_shared>>
        tpu.wait_dma2 semaphore(%run_scoped3A : memref<!tpu.dma_semaphore, #tpu.memory_space<semaphore_mem>>) src(%dma_wait3A_27 : memref<16x128xf32, #tpu.memory_space<vmem_shared>>) dst(%dma_wait3A_24 : memref<16x128xf32, #tpu.memory_space<hbm>>)
        tpu.yield
      }) : () -> ()
    } else {
    }
    return
  }
}

#map = affine_map<(d0, d1) -> (0, 0)>
#map1 = affine_map<(d0, d1) -> (0)>
module attributes {stable_mosaic.version = 14 : i64} {
  func.func @_gather2_body(%arg0: i32, %arg1: i32, %arg2: memref<10000x128xf32, #tpu.memory_space<hbm>>, %arg3: memref<160000xi32, #tpu.memory_space<hbm>>, %arg4: memref<160000xi32, #tpu.memory_space<hbm>>, %arg5: memref<160000x128xf32, #tpu.memory_space<hbm>>, %arg6: memref<160000x128xf32, #tpu.memory_space<hbm>>, %arg7: memref<128xi32, #tpu.memory_space<vmem>>, %arg8: memref<128xi32, #tpu.memory_space<vmem>>, %arg9: memref<128x128xf32, #tpu.memory_space<vmem>>, %arg10: memref<128x128xf32, #tpu.memory_space<vmem>>, %arg11: memref<!tpu.dma_semaphore, #tpu.memory_space<semaphore_mem>>, %arg12: memref<!tpu.dma_semaphore, #tpu.memory_space<semaphore_mem>>) attributes {dimension_semantics = [#tpu.dimension_semantics<core_parallel>, #tpu.dimension_semantics<subcore_parallel>], iteration_bounds = array<i64: 2, 16>, scalar_prefetch = 0 : i64, scratch_operands = 6 : i64, tpu.core_type = #tpu.core_type<sc_vector_subcore>, window_params = [{transform_indices = #map}, {transform_indices = #map1}, {transform_indices = #map1}, {transform_indices = #map}, {transform_indices = #map}]} {
    %mul3A = arith.constant 2 : i32
    %mul3A_0 = arith.muli %arg1, %mul3A : i32
    %add3A = arith.addi %mul3A_0, %arg0 : i32
    %scan3A = arith.constant 0 : i32
    %scan3A_1 = arith.constant 0 : i32
    %scan3A_2 = arith.constant 40 : i32
    %scan3A_3 = arith.addi %scan3A_1, %scan3A_2 : i32
    %scan3A_4 = arith.constant 1 : i32
    scf.for %scan3A_6 = %scan3A_1 to %scan3A_3 step %scan3A_4  : i32 {
      %mul3A_7 = arith.constant 32 : i32
      %mul3A_8 = arith.muli %scan3A_6, %mul3A_7 : i32
      %add3A_9 = arith.addi %add3A, %mul3A_8 : i32
      %lt3A = arith.constant 1250 : i32
      %lt3A_10 = arith.cmpi slt, %add3A_9, %lt3A : i32
      %convert_element_type3A = arith.extui %lt3A_10 : i1 to i32
      %cond3A = arith.constant 0 : i32
      %cond3A_11 = arith.cmpi ne, %convert_element_type3A, %cond3A : i32
      scf.if %cond3A_11 {
        %mul3A_12 = arith.constant 128 : i32
        %mul3A_13 = arith.muli %add3A_9, %mul3A_12 : i32
        "tpu.region"() ({
          %run_scoped3A = tpu.sem_alloc : memref<!tpu.dma_semaphore, #tpu.memory_space<semaphore_mem>>
          %dma_start3A_24 = tpu.memref_slice %arg3[%mul3A_13] : memref<160000xi32, #tpu.memory_space<hbm>> -> memref<128xi32, #tpu.memory_space<hbm>>
          %dma_start3A_25 = tpu.memref_slice %arg3[%mul3A_13] : memref<160000xi32, #tpu.memory_space<hbm>> -> memref<128xi32, #tpu.memory_space<hbm>>
          tpu.enqueue_dma source(%dma_start3A_25 : memref<128xi32, #tpu.memory_space<hbm>>) target(%arg7 : memref<128xi32, #tpu.memory_space<vmem>>) target_semaphore(%run_scoped3A : memref<!tpu.dma_semaphore, #tpu.memory_space<semaphore_mem>>)
          %dma_wait3A_26 = tpu.memref_slice %arg3[%mul3A_13] : memref<160000xi32, #tpu.memory_space<hbm>> -> memref<128xi32, #tpu.memory_space<hbm>>
          %dma_wait3A_27 = tpu.memref_slice %arg3[%mul3A_13] : memref<160000xi32, #tpu.memory_space<hbm>> -> memref<128xi32, #tpu.memory_space<hbm>>
          tpu.wait_dma2 semaphore(%run_scoped3A : memref<!tpu.dma_semaphore, #tpu.memory_space<semaphore_mem>>) src(%dma_wait3A_27 : memref<128xi32, #tpu.memory_space<hbm>>) dst(%arg7 : memref<128xi32, #tpu.memory_space<vmem>>)
          tpu.yield
        }) : () -> ()
        "tpu.region"() ({
          %run_scoped3A = tpu.sem_alloc : memref<!tpu.dma_semaphore, #tpu.memory_space<semaphore_mem>>
          %dma_start3A_24 = tpu.memref_slice %arg4[%mul3A_13] : memref<160000xi32, #tpu.memory_space<hbm>> -> memref<128xi32, #tpu.memory_space<hbm>>
          %dma_start3A_25 = tpu.memref_slice %arg4[%mul3A_13] : memref<160000xi32, #tpu.memory_space<hbm>> -> memref<128xi32, #tpu.memory_space<hbm>>
          tpu.enqueue_dma source(%dma_start3A_25 : memref<128xi32, #tpu.memory_space<hbm>>) target(%arg8 : memref<128xi32, #tpu.memory_space<vmem>>) target_semaphore(%run_scoped3A : memref<!tpu.dma_semaphore, #tpu.memory_space<semaphore_mem>>)
          %dma_wait3A_26 = tpu.memref_slice %arg4[%mul3A_13] : memref<160000xi32, #tpu.memory_space<hbm>> -> memref<128xi32, #tpu.memory_space<hbm>>
          %dma_wait3A_27 = tpu.memref_slice %arg4[%mul3A_13] : memref<160000xi32, #tpu.memory_space<hbm>> -> memref<128xi32, #tpu.memory_space<hbm>>
          tpu.wait_dma2 semaphore(%run_scoped3A : memref<!tpu.dma_semaphore, #tpu.memory_space<semaphore_mem>>) src(%dma_wait3A_27 : memref<128xi32, #tpu.memory_space<hbm>>) dst(%arg8 : memref<128xi32, #tpu.memory_space<vmem>>)
          tpu.yield
        }) : () -> ()
        %dma_start3A = arith.constant 0 : i32
        %dma_start3A_14 = arith.constant 0 : i32
        %dma_start3A_15 = tpu.memref_slice %arg2[%dma_start3A, %dma_start3A_14] : memref<10000x128xf32, #tpu.memory_space<hbm>> -> memref<10000x128xf32, #tpu.memory_space<hbm>>
        tpu.enqueue_indirect_dma source(%dma_start3A_15 : memref<10000x128xf32, #tpu.memory_space<hbm>>) target(%arg9 : memref<128x128xf32, #tpu.memory_space<vmem>>) offsets(%arg7 : memref<128xi32, #tpu.memory_space<vmem>>) semaphore(%arg11 : memref<!tpu.dma_semaphore, #tpu.memory_space<semaphore_mem>>)
        %dma_start3A_16 = arith.constant 0 : i32
        %dma_start3A_17 = arith.constant 0 : i32
        %dma_start3A_18 = tpu.memref_slice %arg2[%dma_start3A_16, %dma_start3A_17] : memref<10000x128xf32, #tpu.memory_space<hbm>> -> memref<10000x128xf32, #tpu.memory_space<hbm>>
        tpu.enqueue_indirect_dma source(%dma_start3A_18 : memref<10000x128xf32, #tpu.memory_space<hbm>>) target(%arg10 : memref<128x128xf32, #tpu.memory_space<vmem>>) offsets(%arg8 : memref<128xi32, #tpu.memory_space<vmem>>) semaphore(%arg12 : memref<!tpu.dma_semaphore, #tpu.memory_space<semaphore_mem>>)
        %dma_wait3A = arith.constant 0 : i32
        %dma_wait3A_19 = arith.constant 0 : i32
        %dma_wait3A_20 = tpu.memref_slice %arg2[%dma_wait3A, %dma_wait3A_19] : memref<10000x128xf32, #tpu.memory_space<hbm>> -> memref<10000x128xf32, #tpu.memory_space<hbm>>
        tpu.wait_indirect_dma semaphore(%arg11 : memref<!tpu.dma_semaphore, #tpu.memory_space<semaphore_mem>>) src(%dma_wait3A_20 : memref<10000x128xf32, #tpu.memory_space<hbm>>) dst(%arg9 : memref<128x128xf32, #tpu.memory_space<vmem>>)
        %dma_wait3A_21 = arith.constant 0 : i32
        %dma_wait3A_22 = arith.constant 0 : i32
        %dma_wait3A_23 = tpu.memref_slice %arg2[%dma_wait3A_21, %dma_wait3A_22] : memref<10000x128xf32, #tpu.memory_space<hbm>> -> memref<10000x128xf32, #tpu.memory_space<hbm>>
        tpu.wait_indirect_dma semaphore(%arg12 : memref<!tpu.dma_semaphore, #tpu.memory_space<semaphore_mem>>) src(%dma_wait3A_23 : memref<10000x128xf32, #tpu.memory_space<hbm>>) dst(%arg10 : memref<128x128xf32, #tpu.memory_space<vmem>>)
        "tpu.region"() ({
          %run_scoped3A = tpu.sem_alloc : memref<!tpu.dma_semaphore, #tpu.memory_space<semaphore_mem>>
          %dma_start3A_24 = arith.constant 0 : i32
          %dma_start3A_25 = tpu.memref_slice %arg5[%mul3A_13, %dma_start3A_24] : memref<160000x128xf32, #tpu.memory_space<hbm>> -> memref<128x128xf32, #tpu.memory_space<hbm>>
          %dma_start3A_26 = arith.constant 0 : i32
          %dma_start3A_27 = tpu.memref_slice %arg5[%mul3A_13, %dma_start3A_26] : memref<160000x128xf32, #tpu.memory_space<hbm>> -> memref<128x128xf32, #tpu.memory_space<hbm>>
          tpu.enqueue_dma source(%arg9 : memref<128x128xf32, #tpu.memory_space<vmem>>) target(%dma_start3A_27 : memref<128x128xf32, #tpu.memory_space<hbm>>) target_semaphore(%run_scoped3A : memref<!tpu.dma_semaphore, #tpu.memory_space<semaphore_mem>>)
          %dma_wait3A_28 = arith.constant 0 : i32
          %dma_wait3A_29 = tpu.memref_slice %arg5[%mul3A_13, %dma_wait3A_28] : memref<160000x128xf32, #tpu.memory_space<hbm>> -> memref<128x128xf32, #tpu.memory_space<hbm>>
          %dma_wait3A_30 = arith.constant 0 : i32
          %dma_wait3A_31 = tpu.memref_slice %arg5[%mul3A_13, %dma_wait3A_30] : memref<160000x128xf32, #tpu.memory_space<hbm>> -> memref<128x128xf32, #tpu.memory_space<hbm>>
          tpu.wait_dma2 semaphore(%run_scoped3A : memref<!tpu.dma_semaphore, #tpu.memory_space<semaphore_mem>>) src(%arg9 : memref<128x128xf32, #tpu.memory_space<vmem>>) dst(%dma_wait3A_31 : memref<128x128xf32, #tpu.memory_space<hbm>>)
          tpu.yield
        }) : () -> ()
        "tpu.region"() ({
          %run_scoped3A = tpu.sem_alloc : memref<!tpu.dma_semaphore, #tpu.memory_space<semaphore_mem>>
          %dma_start3A_24 = arith.constant 0 : i32
          %dma_start3A_25 = tpu.memref_slice %arg6[%mul3A_13, %dma_start3A_24] : memref<160000x128xf32, #tpu.memory_space<hbm>> -> memref<128x128xf32, #tpu.memory_space<hbm>>
          %dma_start3A_26 = arith.constant 0 : i32
          %dma_start3A_27 = tpu.memref_slice %arg6[%mul3A_13, %dma_start3A_26] : memref<160000x128xf32, #tpu.memory_space<hbm>> -> memref<128x128xf32, #tpu.memory_space<hbm>>
          tpu.enqueue_dma source(%arg10 : memref<128x128xf32, #tpu.memory_space<vmem>>) target(%dma_start3A_27 : memref<128x128xf32, #tpu.memory_space<hbm>>) target_semaphore(%run_scoped3A : memref<!tpu.dma_semaphore, #tpu.memory_space<semaphore_mem>>)
          %dma_wait3A_28 = arith.constant 0 : i32
          %dma_wait3A_29 = tpu.memref_slice %arg6[%mul3A_13, %dma_wait3A_28] : memref<160000x128xf32, #tpu.memory_space<hbm>> -> memref<128x128xf32, #tpu.memory_space<hbm>>
          %dma_wait3A_30 = arith.constant 0 : i32
          %dma_wait3A_31 = tpu.memref_slice %arg6[%mul3A_13, %dma_wait3A_30] : memref<160000x128xf32, #tpu.memory_space<hbm>> -> memref<128x128xf32, #tpu.memory_space<hbm>>
          tpu.wait_dma2 semaphore(%run_scoped3A : memref<!tpu.dma_semaphore, #tpu.memory_space<semaphore_mem>>) src(%arg10 : memref<128x128xf32, #tpu.memory_space<vmem>>) dst(%dma_wait3A_31 : memref<128x128xf32, #tpu.memory_space<hbm>>)
          tpu.yield
        }) : () -> ()
      } else {
      }
    }
    %scan3A_5 = arith.constant 40 : i32
    return
  }
}

#map = affine_map<(d0, d1) -> (0, 0)>
#map1 = affine_map<(d0, d1) -> (0)>
module attributes {stable_mosaic.version = 14 : i64} {
  func.func @_gather2_body(%arg0: i32, %arg1: i32, %arg2: memref<10000x128xf32, #tpu.memory_space<hbm>>, %arg3: memref<160000xi32, #tpu.memory_space<hbm>>, %arg4: memref<160000xi32, #tpu.memory_space<hbm>>, %arg5: memref<160000x128xf32, #tpu.memory_space<hbm>>, %arg6: memref<160000x128xf32, #tpu.memory_space<hbm>>, %arg7: memref<128xi32, #tpu.memory_space<vmem>>, %arg8: memref<128xi32, #tpu.memory_space<vmem>>, %arg9: memref<128x128xf32, #tpu.memory_space<vmem>>, %arg10: memref<128x128xf32, #tpu.memory_space<vmem>>, %arg11: memref<!tpu.dma_semaphore, #tpu.memory_space<semaphore_mem>>, %arg12: memref<!tpu.dma_semaphore, #tpu.memory_space<semaphore_mem>>) attributes {dimension_semantics = [#tpu.dimension_semantics<core_parallel>, #tpu.dimension_semantics<subcore_parallel>], iteration_bounds = array<i64: 2, 16>, scalar_prefetch = 0 : i64, scratch_operands = 6 : i64, tpu.core_type = #tpu.core_type<sc_vector_subcore>, window_params = [{transform_indices = #map}, {transform_indices = #map1}, {transform_indices = #map1}, {transform_indices = #map}, {transform_indices = #map}]} {
    %mul3A = arith.constant 2 : i32
    %mul3A_0 = arith.muli %arg1, %mul3A : i32
    %add3A = arith.addi %mul3A_0, %arg0 : i32
    %scan3A = arith.constant 0 : i32
    %scan3A_1 = arith.constant 0 : i32
    %scan3A_2 = arith.constant 40 : i32
    %scan3A_3 = arith.addi %scan3A_1, %scan3A_2 : i32
    %scan3A_4 = arith.constant 1 : i32
    scf.for %scan3A_6 = %scan3A_1 to %scan3A_3 step %scan3A_4  : i32 {
      %mul3A_7 = arith.constant 32 : i32
      %mul3A_8 = arith.muli %scan3A_6, %mul3A_7 : i32
      %add3A_9 = arith.addi %add3A, %mul3A_8 : i32
      %lt3A = arith.constant 1250 : i32
      %lt3A_10 = arith.cmpi slt, %add3A_9, %lt3A : i32
      %convert_element_type3A = arith.extui %lt3A_10 : i1 to i32
      %cond3A = arith.constant 0 : i32
      %cond3A_11 = arith.cmpi ne, %convert_element_type3A, %cond3A : i32
      scf.if %cond3A_11 {
        %mul3A_12 = arith.constant 128 : i32
        %mul3A_13 = arith.muli %add3A_9, %mul3A_12 : i32
        "tpu.region"() ({
          %run_scoped3A = tpu.sem_alloc : memref<!tpu.dma_semaphore, #tpu.memory_space<semaphore_mem>>
          %dma_start3A_24 = tpu.memref_slice %arg3[%mul3A_13] : memref<160000xi32, #tpu.memory_space<hbm>> -> memref<128xi32, #tpu.memory_space<hbm>>
          %dma_start3A_25 = tpu.memref_slice %arg3[%mul3A_13] : memref<160000xi32, #tpu.memory_space<hbm>> -> memref<128xi32, #tpu.memory_space<hbm>>
          tpu.enqueue_dma source(%dma_start3A_25 : memref<128xi32, #tpu.memory_space<hbm>>) target(%arg7 : memref<128xi32, #tpu.memory_space<vmem>>) target_semaphore(%run_scoped3A : memref<!tpu.dma_semaphore, #tpu.memory_space<semaphore_mem>>)
          %dma_wait3A_26 = tpu.memref_slice %arg3[%mul3A_13] : memref<160000xi32, #tpu.memory_space<hbm>> -> memref<128xi32, #tpu.memory_space<hbm>>
          %dma_wait3A_27 = tpu.memref_slice %arg3[%mul3A_13] : memref<160000xi32, #tpu.memory_space<hbm>> -> memref<128xi32, #tpu.memory_space<hbm>>
          tpu.wait_dma2 semaphore(%run_scoped3A : memref<!tpu.dma_semaphore, #tpu.memory_space<semaphore_mem>>) src(%dma_wait3A_27 : memref<128xi32, #tpu.memory_space<hbm>>) dst(%arg7 : memref<128xi32, #tpu.memory_space<vmem>>)
          tpu.yield
        }) : () -> ()
        "tpu.region"() ({
          %run_scoped3A = tpu.sem_alloc : memref<!tpu.dma_semaphore, #tpu.memory_space<semaphore_mem>>
          %dma_start3A_24 = tpu.memref_slice %arg4[%mul3A_13] : memref<160000xi32, #tpu.memory_space<hbm>> -> memref<128xi32, #tpu.memory_space<hbm>>
          %dma_start3A_25 = tpu.memref_slice %arg4[%mul3A_13] : memref<160000xi32, #tpu.memory_space<hbm>> -> memref<128xi32, #tpu.memory_space<hbm>>
          tpu.enqueue_dma source(%dma_start3A_25 : memref<128xi32, #tpu.memory_space<hbm>>) target(%arg8 : memref<128xi32, #tpu.memory_space<vmem>>) target_semaphore(%run_scoped3A : memref<!tpu.dma_semaphore, #tpu.memory_space<semaphore_mem>>)
          %dma_wait3A_26 = tpu.memref_slice %arg4[%mul3A_13] : memref<160000xi32, #tpu.memory_space<hbm>> -> memref<128xi32, #tpu.memory_space<hbm>>
          %dma_wait3A_27 = tpu.memref_slice %arg4[%mul3A_13] : memref<160000xi32, #tpu.memory_space<hbm>> -> memref<128xi32, #tpu.memory_space<hbm>>
          tpu.wait_dma2 semaphore(%run_scoped3A : memref<!tpu.dma_semaphore, #tpu.memory_space<semaphore_mem>>) src(%dma_wait3A_27 : memref<128xi32, #tpu.memory_space<hbm>>) dst(%arg8 : memref<128xi32, #tpu.memory_space<vmem>>)
          tpu.yield
        }) : () -> ()
        %dma_start3A = arith.constant 0 : i32
        %dma_start3A_14 = arith.constant 0 : i32
        %dma_start3A_15 = tpu.memref_slice %arg2[%dma_start3A, %dma_start3A_14] : memref<10000x128xf32, #tpu.memory_space<hbm>> -> memref<10000x128xf32, #tpu.memory_space<hbm>>
        tpu.enqueue_indirect_dma source(%dma_start3A_15 : memref<10000x128xf32, #tpu.memory_space<hbm>>) target(%arg9 : memref<128x128xf32, #tpu.memory_space<vmem>>) offsets(%arg7 : memref<128xi32, #tpu.memory_space<vmem>>) semaphore(%arg11 : memref<!tpu.dma_semaphore, #tpu.memory_space<semaphore_mem>>)
        %dma_start3A_16 = arith.constant 0 : i32
        %dma_start3A_17 = arith.constant 0 : i32
        %dma_start3A_18 = tpu.memref_slice %arg2[%dma_start3A_16, %dma_start3A_17] : memref<10000x128xf32, #tpu.memory_space<hbm>> -> memref<10000x128xf32, #tpu.memory_space<hbm>>
        tpu.enqueue_indirect_dma source(%dma_start3A_18 : memref<10000x128xf32, #tpu.memory_space<hbm>>) target(%arg10 : memref<128x128xf32, #tpu.memory_space<vmem>>) offsets(%arg8 : memref<128xi32, #tpu.memory_space<vmem>>) semaphore(%arg12 : memref<!tpu.dma_semaphore, #tpu.memory_space<semaphore_mem>>)
        %dma_wait3A = arith.constant 0 : i32
        %dma_wait3A_19 = arith.constant 0 : i32
        %dma_wait3A_20 = tpu.memref_slice %arg2[%dma_wait3A, %dma_wait3A_19] : memref<10000x128xf32, #tpu.memory_space<hbm>> -> memref<10000x128xf32, #tpu.memory_space<hbm>>
        tpu.wait_indirect_dma semaphore(%arg11 : memref<!tpu.dma_semaphore, #tpu.memory_space<semaphore_mem>>) src(%dma_wait3A_20 : memref<10000x128xf32, #tpu.memory_space<hbm>>) dst(%arg9 : memref<128x128xf32, #tpu.memory_space<vmem>>)
        %dma_wait3A_21 = arith.constant 0 : i32
        %dma_wait3A_22 = arith.constant 0 : i32
        %dma_wait3A_23 = tpu.memref_slice %arg2[%dma_wait3A_21, %dma_wait3A_22] : memref<10000x128xf32, #tpu.memory_space<hbm>> -> memref<10000x128xf32, #tpu.memory_space<hbm>>
        tpu.wait_indirect_dma semaphore(%arg12 : memref<!tpu.dma_semaphore, #tpu.memory_space<semaphore_mem>>) src(%dma_wait3A_23 : memref<10000x128xf32, #tpu.memory_space<hbm>>) dst(%arg10 : memref<128x128xf32, #tpu.memory_space<vmem>>)
        "tpu.region"() ({
          %run_scoped3A = tpu.sem_alloc : memref<!tpu.dma_semaphore, #tpu.memory_space<semaphore_mem>>
          %dma_start3A_24 = arith.constant 0 : i32
          %dma_start3A_25 = tpu.memref_slice %arg5[%mul3A_13, %dma_start3A_24] : memref<160000x128xf32, #tpu.memory_space<hbm>> -> memref<128x128xf32, #tpu.memory_space<hbm>>
          %dma_start3A_26 = arith.constant 0 : i32
          %dma_start3A_27 = tpu.memref_slice %arg5[%mul3A_13, %dma_start3A_26] : memref<160000x128xf32, #tpu.memory_space<hbm>> -> memref<128x128xf32, #tpu.memory_space<hbm>>
          tpu.enqueue_dma source(%arg9 : memref<128x128xf32, #tpu.memory_space<vmem>>) target(%dma_start3A_27 : memref<128x128xf32, #tpu.memory_space<hbm>>) target_semaphore(%run_scoped3A : memref<!tpu.dma_semaphore, #tpu.memory_space<semaphore_mem>>)
          %dma_wait3A_28 = arith.constant 0 : i32
          %dma_wait3A_29 = tpu.memref_slice %arg5[%mul3A_13, %dma_wait3A_28] : memref<160000x128xf32, #tpu.memory_space<hbm>> -> memref<128x128xf32, #tpu.memory_space<hbm>>
          %dma_wait3A_30 = arith.constant 0 : i32
          %dma_wait3A_31 = tpu.memref_slice %arg5[%mul3A_13, %dma_wait3A_30] : memref<160000x128xf32, #tpu.memory_space<hbm>> -> memref<128x128xf32, #tpu.memory_space<hbm>>
          tpu.wait_dma2 semaphore(%run_scoped3A : memref<!tpu.dma_semaphore, #tpu.memory_space<semaphore_mem>>) src(%arg9 : memref<128x128xf32, #tpu.memory_space<vmem>>) dst(%dma_wait3A_31 : memref<128x128xf32, #tpu.memory_space<hbm>>)
          tpu.yield
        }) : () -> ()
        "tpu.region"() ({
          %run_scoped3A = tpu.sem_alloc : memref<!tpu.dma_semaphore, #tpu.memory_space<semaphore_mem>>
          %dma_start3A_24 = arith.constant 0 : i32
          %dma_start3A_25 = tpu.memref_slice %arg6[%mul3A_13, %dma_start3A_24] : memref<160000x128xf32, #tpu.memory_space<hbm>> -> memref<128x128xf32, #tpu.memory_space<hbm>>
          %dma_start3A_26 = arith.constant 0 : i32
          %dma_start3A_27 = tpu.memref_slice %arg6[%mul3A_13, %dma_start3A_26] : memref<160000x128xf32, #tpu.memory_space<hbm>> -> memref<128x128xf32, #tpu.memory_space<hbm>>
          tpu.enqueue_dma source(%arg10 : memref<128x128xf32, #tpu.memory_space<vmem>>) target(%dma_start3A_27 : memref<128x128xf32, #tpu.memory_space<hbm>>) target_semaphore(%run_scoped3A : memref<!tpu.dma_semaphore, #tpu.memory_space<semaphore_mem>>)
          %dma_wait3A_28 = arith.constant 0 : i32
          %dma_wait3A_29 = tpu.memref_slice %arg6[%mul3A_13, %dma_wait3A_28] : memref<160000x128xf32, #tpu.memory_space<hbm>> -> memref<128x128xf32, #tpu.memory_space<hbm>>
          %dma_wait3A_30 = arith.constant 0 : i32
          %dma_wait3A_31 = tpu.memref_slice %arg6[%mul3A_13, %dma_wait3A_30] : memref<160000x128xf32, #tpu.memory_space<hbm>> -> memref<128x128xf32, #tpu.memory_space<hbm>>
          tpu.wait_dma2 semaphore(%run_scoped3A : memref<!tpu.dma_semaphore, #tpu.memory_space<semaphore_mem>>) src(%arg10 : memref<128x128xf32, #tpu.memory_space<vmem>>) dst(%dma_wait3A_31 : memref<128x128xf32, #tpu.memory_space<hbm>>)
          tpu.yield
        }) : () -> ()
      } else {
      }
    }
    %scan3A_5 = arith.constant 40 : i32
    return
  }
}

#map = affine_map<(d0, d1) -> (0, 0)>
#map1 = affine_map<(d0, d1) -> (0)>
#map2 = affine_map<(d0, d1) -> (0, 0, 0)>
module attributes {stable_mosaic.version = 14 : i64} {
  func.func @_scatter_body(%arg0: i32, %arg1: i32, %arg2: memref<160000x128xf32, #tpu.memory_space<hbm>>, %arg3: memref<160000xi32, #tpu.memory_space<hbm>>, %arg4: memref<10000x128xf32, #tpu.memory_space<hbm>>, %arg5: memref<2x10000x128xf32, #tpu.memory_space<hbm>>, %arg6: memref<10000x128xf32, #tpu.memory_space<vmem_shared>>, %arg7: memref<128xi32, #tpu.memory_space<vmem>>, %arg8: memref<128x128xf32, #tpu.memory_space<vmem>>) attributes {dimension_semantics = [#tpu.dimension_semantics<core_parallel>, #tpu.dimension_semantics<subcore_parallel>], iteration_bounds = array<i64: 2, 16>, scalar_prefetch = 0 : i64, scratch_operands = 3 : i64, tpu.core_type = #tpu.core_type<sc_vector_subcore>, window_params = [{transform_indices = #map}, {transform_indices = #map1}, {transform_indices = #map}, {transform_indices = #map2}]} {
    %mul3A = arith.constant 2 : i32
    %mul3A_0 = arith.muli %arg1, %mul3A : i32
    %add3A = arith.addi %mul3A_0, %arg0 : i32
    %mul3A_1 = arith.constant 624 : i32
    %mul3A_2 = arith.muli %arg1, %mul3A_1 : i32
    "tpu.region"() ({
      %run_scoped3A = tpu.sem_alloc : memref<!tpu.dma_semaphore, #tpu.memory_space<semaphore_mem>>
      %dma_start3A = arith.constant 0 : i32
      %dma_start3A_16 = tpu.memref_slice %arg6[%mul3A_2, %dma_start3A] : memref<10000x128xf32, #tpu.memory_space<vmem_shared>> -> memref<624x128xf32, #tpu.memory_space<vmem_shared>>
      %dma_start3A_17 = arith.constant 0 : i32
      %dma_start3A_18 = tpu.memref_slice %arg4[%mul3A_2, %dma_start3A_17] : memref<10000x128xf32, #tpu.memory_space<hbm>> -> memref<624x128xf32, #tpu.memory_space<hbm>>
      tpu.enqueue_dma source(%dma_start3A_18 : memref<624x128xf32, #tpu.memory_space<hbm>>) target(%dma_start3A_16 : memref<624x128xf32, #tpu.memory_space<vmem_shared>>) target_semaphore(%run_scoped3A : memref<!tpu.dma_semaphore, #tpu.memory_space<semaphore_mem>>)
      %dma_wait3A = arith.constant 0 : i32
      %dma_wait3A_19 = tpu.memref_slice %arg6[%mul3A_2, %dma_wait3A] : memref<10000x128xf32, #tpu.memory_space<vmem_shared>> -> memref<624x128xf32, #tpu.memory_space<vmem_shared>>
      %dma_wait3A_20 = arith.constant 0 : i32
      %dma_wait3A_21 = tpu.memref_slice %arg4[%mul3A_2, %dma_wait3A_20] : memref<10000x128xf32, #tpu.memory_space<hbm>> -> memref<624x128xf32, #tpu.memory_space<hbm>>
      tpu.wait_dma2 semaphore(%run_scoped3A : memref<!tpu.dma_semaphore, #tpu.memory_space<semaphore_mem>>) src(%dma_wait3A_21 : memref<624x128xf32, #tpu.memory_space<hbm>>) dst(%dma_wait3A_19 : memref<624x128xf32, #tpu.memory_space<vmem_shared>>)
      tpu.yield
    }) : () -> ()
    %eq3A = arith.constant 0 : i32
    %eq3A_3 = arith.cmpi eq, %arg1, %eq3A : i32
    %convert_element_type3A = arith.extui %eq3A_3 : i1 to i32
    %cond3A = arith.constant 0 : i32
    %cond3A_4 = arith.cmpi ne, %convert_element_type3A, %cond3A : i32
    scf.if %cond3A_4 {
      "tpu.region"() ({
        %run_scoped3A = tpu.sem_alloc : memref<!tpu.dma_semaphore, #tpu.memory_space<semaphore_mem>>
        %dma_start3A = arith.constant 9984 : i32
        %dma_start3A_16 = arith.constant 0 : i32
        %dma_start3A_17 = tpu.memref_slice %arg6[%dma_start3A, %dma_start3A_16] : memref<10000x128xf32, #tpu.memory_space<vmem_shared>> -> memref<16x128xf32, #tpu.memory_space<vmem_shared>>
        %dma_start3A_18 = arith.constant 9984 : i32
        %dma_start3A_19 = arith.constant 0 : i32
        %dma_start3A_20 = tpu.memref_slice %arg4[%dma_start3A_18, %dma_start3A_19] : memref<10000x128xf32, #tpu.memory_space<hbm>> -> memref<16x128xf32, #tpu.memory_space<hbm>>
        tpu.enqueue_dma source(%dma_start3A_20 : memref<16x128xf32, #tpu.memory_space<hbm>>) target(%dma_start3A_17 : memref<16x128xf32, #tpu.memory_space<vmem_shared>>) target_semaphore(%run_scoped3A : memref<!tpu.dma_semaphore, #tpu.memory_space<semaphore_mem>>)
        %dma_wait3A = arith.constant 9984 : i32
        %dma_wait3A_21 = arith.constant 0 : i32
        %dma_wait3A_22 = tpu.memref_slice %arg6[%dma_wait3A, %dma_wait3A_21] : memref<10000x128xf32, #tpu.memory_space<vmem_shared>> -> memref<16x128xf32, #tpu.memory_space<vmem_shared>>
        %dma_wait3A_23 = arith.constant 9984 : i32
        %dma_wait3A_24 = arith.constant 0 : i32
        %dma_wait3A_25 = tpu.memref_slice %arg4[%dma_wait3A_23, %dma_wait3A_24] : memref<10000x128xf32, #tpu.memory_space<hbm>> -> memref<16x128xf32, #tpu.memory_space<hbm>>
        tpu.wait_dma2 semaphore(%run_scoped3A : memref<!tpu.dma_semaphore, #tpu.memory_space<semaphore_mem>>) src(%dma_wait3A_25 : memref<16x128xf32, #tpu.memory_space<hbm>>) dst(%dma_wait3A_22 : memref<16x128xf32, #tpu.memory_space<vmem_shared>>)
        tpu.yield
      }) : () -> ()
    } else {
    }
    %barrier3A = arith.constant 0 : index
    tpu.barrier barrier_id(%barrier3A)
    %scan3A = arith.constant 0 : i32
    %scan3A_5 = arith.constant 0 : i32
    %scan3A_6 = arith.constant 40 : i32
    %scan3A_7 = arith.addi %scan3A_5, %scan3A_6 : i32
    %scan3A_8 = arith.constant 1 : i32
    scf.for %scan3A_16 = %scan3A_5 to %scan3A_7 step %scan3A_8  : i32 {
      %mul3A_17 = arith.constant 32 : i32
      %mul3A_18 = arith.muli %scan3A_16, %mul3A_17 : i32
      %add3A_19 = arith.addi %add3A, %mul3A_18 : i32
      %lt3A = arith.constant 1250 : i32
      %lt3A_20 = arith.cmpi slt, %add3A_19, %lt3A : i32
      %convert_element_type3A_21 = arith.extui %lt3A_20 : i1 to i32
      %cond3A_22 = arith.constant 0 : i32
      %cond3A_23 = arith.cmpi ne, %convert_element_type3A_21, %cond3A_22 : i32
      scf.if %cond3A_23 {
        %mul3A_24 = arith.constant 128 : i32
        %mul3A_25 = arith.muli %add3A_19, %mul3A_24 : i32
        "tpu.region"() ({
          %run_scoped3A = tpu.sem_alloc : memref<!tpu.dma_semaphore, #tpu.memory_space<semaphore_mem>>
          %dma_start3A = tpu.memref_slice %arg3[%mul3A_25] : memref<160000xi32, #tpu.memory_space<hbm>> -> memref<128xi32, #tpu.memory_space<hbm>>
          %dma_start3A_26 = tpu.memref_slice %arg3[%mul3A_25] : memref<160000xi32, #tpu.memory_space<hbm>> -> memref<128xi32, #tpu.memory_space<hbm>>
          tpu.enqueue_dma source(%dma_start3A_26 : memref<128xi32, #tpu.memory_space<hbm>>) target(%arg7 : memref<128xi32, #tpu.memory_space<vmem>>) target_semaphore(%run_scoped3A : memref<!tpu.dma_semaphore, #tpu.memory_space<semaphore_mem>>)
          %dma_wait3A = tpu.memref_slice %arg3[%mul3A_25] : memref<160000xi32, #tpu.memory_space<hbm>> -> memref<128xi32, #tpu.memory_space<hbm>>
          %dma_wait3A_27 = tpu.memref_slice %arg3[%mul3A_25] : memref<160000xi32, #tpu.memory_space<hbm>> -> memref<128xi32, #tpu.memory_space<hbm>>
          tpu.wait_dma2 semaphore(%run_scoped3A : memref<!tpu.dma_semaphore, #tpu.memory_space<semaphore_mem>>) src(%dma_wait3A_27 : memref<128xi32, #tpu.memory_space<hbm>>) dst(%arg7 : memref<128xi32, #tpu.memory_space<vmem>>)
          tpu.yield
        }) : () -> ()
        "tpu.region"() ({
          %run_scoped3A = tpu.sem_alloc : memref<!tpu.dma_semaphore, #tpu.memory_space<semaphore_mem>>
          %dma_start3A = arith.constant 0 : i32
          %dma_start3A_26 = tpu.memref_slice %arg2[%mul3A_25, %dma_start3A] : memref<160000x128xf32, #tpu.memory_space<hbm>> -> memref<128x128xf32, #tpu.memory_space<hbm>>
          %dma_start3A_27 = arith.constant 0 : i32
          %dma_start3A_28 = tpu.memref_slice %arg2[%mul3A_25, %dma_start3A_27] : memref<160000x128xf32, #tpu.memory_space<hbm>> -> memref<128x128xf32, #tpu.memory_space<hbm>>
          tpu.enqueue_dma source(%dma_start3A_28 : memref<128x128xf32, #tpu.memory_space<hbm>>) target(%arg8 : memref<128x128xf32, #tpu.memory_space<vmem>>) target_semaphore(%run_scoped3A : memref<!tpu.dma_semaphore, #tpu.memory_space<semaphore_mem>>)
          %dma_wait3A = arith.constant 0 : i32
          %dma_wait3A_29 = tpu.memref_slice %arg2[%mul3A_25, %dma_wait3A] : memref<160000x128xf32, #tpu.memory_space<hbm>> -> memref<128x128xf32, #tpu.memory_space<hbm>>
          %dma_wait3A_30 = arith.constant 0 : i32
          %dma_wait3A_31 = tpu.memref_slice %arg2[%mul3A_25, %dma_wait3A_30] : memref<160000x128xf32, #tpu.memory_space<hbm>> -> memref<128x128xf32, #tpu.memory_space<hbm>>
          tpu.wait_dma2 semaphore(%run_scoped3A : memref<!tpu.dma_semaphore, #tpu.memory_space<semaphore_mem>>) src(%dma_wait3A_31 : memref<128x128xf32, #tpu.memory_space<hbm>>) dst(%arg8 : memref<128x128xf32, #tpu.memory_space<vmem>>)
          tpu.yield
        }) : () -> ()
        "tpu.region"() ({
          %run_scoped3A = tpu.sem_alloc : memref<!tpu.dma_semaphore, #tpu.memory_space<semaphore_mem>>
          %dma_start3A = arith.constant 0 : i32
          %dma_start3A_26 = arith.constant 0 : i32
          %dma_start3A_27 = tpu.memref_slice %arg6[%dma_start3A, %dma_start3A_26] : memref<10000x128xf32, #tpu.memory_space<vmem_shared>> -> memref<10000x128xf32, #tpu.memory_space<vmem_shared>>
          tpu.enqueue_indirect_dma source(%arg8 : memref<128x128xf32, #tpu.memory_space<vmem>>) target(%dma_start3A_27 : memref<10000x128xf32, #tpu.memory_space<vmem_shared>>) offsets(%arg7 : memref<128xi32, #tpu.memory_space<vmem>>) semaphore(%run_scoped3A : memref<!tpu.dma_semaphore, #tpu.memory_space<semaphore_mem>>) {add = true}
          %dma_wait3A = arith.constant 0 : i32
          %dma_wait3A_28 = arith.constant 0 : i32
          %dma_wait3A_29 = tpu.memref_slice %arg6[%dma_wait3A, %dma_wait3A_28] : memref<10000x128xf32, #tpu.memory_space<vmem_shared>> -> memref<10000x128xf32, #tpu.memory_space<vmem_shared>>
          tpu.wait_indirect_dma semaphore(%run_scoped3A : memref<!tpu.dma_semaphore, #tpu.memory_space<semaphore_mem>>) src(%arg8 : memref<128x128xf32, #tpu.memory_space<vmem>>) dst(%dma_wait3A_29 : memref<10000x128xf32, #tpu.memory_space<vmem_shared>>)
          tpu.yield
        }) : () -> ()
      } else {
      }
    }
    %scan3A_9 = arith.constant 40 : i32
    %barrier3A_10 = arith.constant 0 : index
    tpu.barrier barrier_id(%barrier3A_10)
    "tpu.region"() ({
      %run_scoped3A = tpu.sem_alloc : memref<!tpu.dma_semaphore, #tpu.memory_space<semaphore_mem>>
      %dma_start3A = arith.constant 0 : i32
      %dma_start3A_16 = tpu.memref_slice %arg5[%arg0, %mul3A_2, %dma_start3A] : memref<2x10000x128xf32, #tpu.memory_space<hbm>> -> memref<1x624x128xf32, #tpu.memory_space<hbm>>
      %dma_start3A_17 = tpu.memref_squeeze %dma_start3A_16 : memref<1x624x128xf32, #tpu.memory_space<hbm>> -> memref<624x128xf32, #tpu.memory_space<hbm>>
      %dma_start3A_18 = arith.constant 0 : i32
      %dma_start3A_19 = tpu.memref_slice %arg6[%mul3A_2, %dma_start3A_18] : memref<10000x128xf32, #tpu.memory_space<vmem_shared>> -> memref<624x128xf32, #tpu.memory_space<vmem_shared>>
      tpu.enqueue_dma source(%dma_start3A_19 : memref<624x128xf32, #tpu.memory_space<vmem_shared>>) target(%dma_start3A_17 : memref<624x128xf32, #tpu.memory_space<hbm>>) target_semaphore(%run_scoped3A : memref<!tpu.dma_semaphore, #tpu.memory_space<semaphore_mem>>)
      %dma_wait3A = arith.constant 0 : i32
      %dma_wait3A_20 = tpu.memref_slice %arg5[%arg0, %mul3A_2, %dma_wait3A] : memref<2x10000x128xf32, #tpu.memory_space<hbm>> -> memref<1x624x128xf32, #tpu.memory_space<hbm>>
      %dma_wait3A_21 = tpu.memref_squeeze %dma_wait3A_20 : memref<1x624x128xf32, #tpu.memory_space<hbm>> -> memref<624x128xf32, #tpu.memory_space<hbm>>
      %dma_wait3A_22 = arith.constant 0 : i32
      %dma_wait3A_23 = tpu.memref_slice %arg6[%mul3A_2, %dma_wait3A_22] : memref<10000x128xf32, #tpu.memory_space<vmem_shared>> -> memref<624x128xf32, #tpu.memory_space<vmem_shared>>
      tpu.wait_dma2 semaphore(%run_scoped3A : memref<!tpu.dma_semaphore, #tpu.memory_space<semaphore_mem>>) src(%dma_wait3A_23 : memref<624x128xf32, #tpu.memory_space<vmem_shared>>) dst(%dma_wait3A_21 : memref<624x128xf32, #tpu.memory_space<hbm>>)
      tpu.yield
    }) : () -> ()
    %eq3A_11 = arith.constant 0 : i32
    %eq3A_12 = arith.cmpi eq, %arg1, %eq3A_11 : i32
    %convert_element_type3A_13 = arith.extui %eq3A_12 : i1 to i32
    %cond3A_14 = arith.constant 0 : i32
    %cond3A_15 = arith.cmpi ne, %convert_element_type3A_13, %cond3A_14 : i32
    scf.if %cond3A_15 {
      "tpu.region"() ({
        %run_scoped3A = tpu.sem_alloc : memref<!tpu.dma_semaphore, #tpu.memory_space<semaphore_mem>>
        %dma_start3A = arith.constant 9984 : i32
        %dma_start3A_16 = arith.constant 0 : i32
        %dma_start3A_17 = tpu.memref_slice %arg5[%arg0, %dma_start3A, %dma_start3A_16] : memref<2x10000x128xf32, #tpu.memory_space<hbm>> -> memref<1x16x128xf32, #tpu.memory_space<hbm>>
        %dma_start3A_18 = tpu.memref_squeeze %dma_start3A_17 : memref<1x16x128xf32, #tpu.memory_space<hbm>> -> memref<16x128xf32, #tpu.memory_space<hbm>>
        %dma_start3A_19 = arith.constant 9984 : i32
        %dma_start3A_20 = arith.constant 0 : i32
        %dma_start3A_21 = tpu.memref_slice %arg6[%dma_start3A_19, %dma_start3A_20] : memref<10000x128xf32, #tpu.memory_space<vmem_shared>> -> memref<16x128xf32, #tpu.memory_space<vmem_shared>>
        tpu.enqueue_dma source(%dma_start3A_21 : memref<16x128xf32, #tpu.memory_space<vmem_shared>>) target(%dma_start3A_18 : memref<16x128xf32, #tpu.memory_space<hbm>>) target_semaphore(%run_scoped3A : memref<!tpu.dma_semaphore, #tpu.memory_space<semaphore_mem>>)
        %dma_wait3A = arith.constant 9984 : i32
        %dma_wait3A_22 = arith.constant 0 : i32
        %dma_wait3A_23 = tpu.memref_slice %arg5[%arg0, %dma_wait3A, %dma_wait3A_22] : memref<2x10000x128xf32, #tpu.memory_space<hbm>> -> memref<1x16x128xf32, #tpu.memory_space<hbm>>
        %dma_wait3A_24 = tpu.memref_squeeze %dma_wait3A_23 : memref<1x16x128xf32, #tpu.memory_space<hbm>> -> memref<16x128xf32, #tpu.memory_space<hbm>>
        %dma_wait3A_25 = arith.constant 9984 : i32
        %dma_wait3A_26 = arith.constant 0 : i32
        %dma_wait3A_27 = tpu.memref_slice %arg6[%dma_wait3A_25, %dma_wait3A_26] : memref<10000x128xf32, #tpu.memory_space<vmem_shared>> -> memref<16x128xf32, #tpu.memory_space<vmem_shared>>
        tpu.wait_dma2 semaphore(%run_scoped3A : memref<!tpu.dma_semaphore, #tpu.memory_space<semaphore_mem>>) src(%dma_wait3A_27 : memref<16x128xf32, #tpu.memory_space<vmem_shared>>) dst(%dma_wait3A_24 : memref<16x128xf32, #tpu.memory_space<hbm>>)
        tpu.yield
      }) : () -> ()
    } else {
    }
    return
  }
}

module attributes {stable_mosaic.version = 14 : i64} {
  func.func @_node_encoder_body(%arg0: i32, %arg1: memref<10000x8xf32, #tpu.memory_space<vmem>>, %arg2: memref<8x128xf32, #tpu.memory_space<vmem>>, %arg3: memref<1x128xf32, #tpu.memory_space<vmem>>, %arg4: memref<128x128xf32, #tpu.memory_space<vmem>>, %arg5: memref<1x128xf32, #tpu.memory_space<vmem>>, %arg6: memref<1x128xf32, #tpu.memory_space<vmem>>, %arg7: memref<1x128xf32, #tpu.memory_space<vmem>>, %arg8: memref<10000x128xf32, #tpu.memory_space<vmem>>) attributes {dimension_semantics = [#tpu.dimension_semantics<arbitrary>], iteration_bounds = array<i64: 1>, scalar_prefetch = 0 : i64, scratch_operands = 0 : i64, tpu.core_type = #tpu.core_type<tc>, window_params = [{pipeline_mode = #tpu.pipeline_mode<synchronous>, transform_indices = @transform_0, window_bounds = array<i64: 10000, 8>}, {pipeline_mode = #tpu.pipeline_mode<synchronous>, transform_indices = @transform_1, window_bounds = array<i64: 8, 128>}, {pipeline_mode = #tpu.pipeline_mode<synchronous>, transform_indices = @transform_2, window_bounds = array<i64: 1, 128>}, {pipeline_mode = #tpu.pipeline_mode<synchronous>, transform_indices = @transform_3, window_bounds = array<i64: 128, 128>}, {pipeline_mode = #tpu.pipeline_mode<synchronous>, transform_indices = @transform_4, window_bounds = array<i64: 1, 128>}, {pipeline_mode = #tpu.pipeline_mode<synchronous>, transform_indices = @transform_5, window_bounds = array<i64: 1, 128>}, {pipeline_mode = #tpu.pipeline_mode<synchronous>, transform_indices = @transform_6, window_bounds = array<i64: 1, 128>}, {pipeline_mode = #tpu.pipeline_mode<synchronous>, transform_indices = @transform_7, window_bounds = array<i64: 10000, 128>}]} {
    %get3A = arith.constant 0 : index
    %get3A_0 = arith.constant 0 : index
    %get3A_1 = vector.load %arg1[%get3A, %get3A_0] : memref<10000x8xf32, #tpu.memory_space<vmem>>, vector<10000x8xf32>
    %get3A_2 = arith.constant 0 : index
    %get3A_3 = arith.constant 0 : index
    %get3A_4 = vector.load %arg2[%get3A_2, %get3A_3] : memref<8x128xf32, #tpu.memory_space<vmem>>, vector<8x128xf32>
    %dot_general3A = arith.constant dense<0.000000e+00> : vector<10000x128xf32>
    %dot_general3A_5 = tpu.matmul %get3A_1, %get3A_4, %dot_general3A {dimension_numbers = #tpu.dot_dimension_numbers<[1], [0], [0], [1], [0, 0, 1, 1], [], []>, transpose_lhs_hint = false} : vector<10000x8xf32>, vector<8x128xf32>, vector<10000x128xf32> -> vector<10000x128xf32>
    %get3A_6 = arith.constant 0 : index
    %get3A_7 = arith.constant 0 : index
    %get3A_8 = vector.load %arg3[%get3A_6, %get3A_7] : memref<1x128xf32, #tpu.memory_space<vmem>>, vector<1x128xf32>
    %add3A = vector.broadcast %get3A_8 : vector<1x128xf32> to vector<10000x128xf32>
    %add3A_9 = arith.addf %dot_general3A_5, %add3A : vector<10000x128xf32>
    %max3A = arith.constant 0.000000e+00 : f32
    %max3A_10 = vector.broadcast %max3A : f32 to vector<10000x128xf32>
    %max3A_11 = arith.maximumf %add3A_9, %max3A_10 : vector<10000x128xf32>
    %get3A_12 = arith.constant 0 : index
    %get3A_13 = arith.constant 0 : index
    %get3A_14 = vector.load %arg4[%get3A_12, %get3A_13] : memref<128x128xf32, #tpu.memory_space<vmem>>, vector<128x128xf32>
    %dot_general3A_15 = arith.constant dense<0.000000e+00> : vector<10000x128xf32>
    %dot_general3A_16 = tpu.matmul %max3A_11, %get3A_14, %dot_general3A_15 {dimension_numbers = #tpu.dot_dimension_numbers<[1], [0], [0], [1], [0, 0, 1, 1], [], []>, transpose_lhs_hint = false} : vector<10000x128xf32>, vector<128x128xf32>, vector<10000x128xf32> -> vector<10000x128xf32>
    %get3A_17 = arith.constant 0 : index
    %get3A_18 = arith.constant 0 : index
    %get3A_19 = vector.load %arg5[%get3A_17, %get3A_18] : memref<1x128xf32, #tpu.memory_space<vmem>>, vector<1x128xf32>
    %add3A_20 = vector.broadcast %get3A_19 : vector<1x128xf32> to vector<10000x128xf32>
    %add3A_21 = arith.addf %dot_general3A_16, %add3A_20 : vector<10000x128xf32>
    %max3A_22 = arith.constant 0.000000e+00 : f32
    %max3A_23 = vector.broadcast %max3A_22 : f32 to vector<10000x128xf32>
    %max3A_24 = arith.maximumf %add3A_21, %max3A_23 : vector<10000x128xf32>
    %get3A_25 = arith.constant 0 : index
    %get3A_26 = arith.constant 0 : index
    %get3A_27 = vector.load %arg6[%get3A_25, %get3A_26] : memref<1x128xf32, #tpu.memory_space<vmem>>, vector<1x128xf32>
    %get3A_28 = arith.constant 0 : index
    %get3A_29 = arith.constant 0 : index
    %get3A_30 = vector.load %arg7[%get3A_28, %get3A_29] : memref<1x128xf32, #tpu.memory_space<vmem>>, vector<1x128xf32>
    %reduce_sum3A = arith.constant dense<0.000000e+00> : vector<10000xf32>
    %reduce_sum3A_31 = vector.multi_reduction <add>, %max3A_24, %reduce_sum3A [1] : vector<10000x128xf32> to vector<10000xf32>
    %broadcast_in_dim3A = vector.shape_cast %reduce_sum3A_31 : vector<10000xf32> to vector<10000x1xf32>
    %div3A = arith.constant 1.280000e+02 : f32
    %div3A_32 = vector.broadcast %div3A : f32 to vector<10000x1xf32>
    %div3A_33 = arith.divf %broadcast_in_dim3A, %div3A_32 : vector<10000x1xf32>
    %sub3A = vector.broadcast %div3A_33 : vector<10000x1xf32> to vector<10000x128xf32>
    %sub3A_34 = arith.subf %max3A_24, %sub3A : vector<10000x128xf32>
    %sub3A_35 = vector.broadcast %div3A_33 : vector<10000x1xf32> to vector<10000x128xf32>
    %sub3A_36 = arith.subf %max3A_24, %sub3A_35 : vector<10000x128xf32>
    %mul3A = arith.mulf %sub3A_34, %sub3A_36 : vector<10000x128xf32>
    %reduce_sum3A_37 = arith.constant dense<0.000000e+00> : vector<10000xf32>
    %reduce_sum3A_38 = vector.multi_reduction <add>, %mul3A, %reduce_sum3A_37 [1] : vector<10000x128xf32> to vector<10000xf32>
    %broadcast_in_dim3A_39 = vector.shape_cast %reduce_sum3A_38 : vector<10000xf32> to vector<10000x1xf32>
    %div3A_40 = arith.constant 1.280000e+02 : f32
    %div3A_41 = vector.broadcast %div3A_40 : f32 to vector<10000x1xf32>
    %div3A_42 = arith.divf %broadcast_in_dim3A_39, %div3A_41 : vector<10000x1xf32>
    %sub3A_43 = vector.broadcast %div3A_33 : vector<10000x1xf32> to vector<10000x128xf32>
    %sub3A_44 = arith.subf %max3A_24, %sub3A_43 : vector<10000x128xf32>
    %add3A_45 = arith.constant 9.99999974E-6 : f32
    %add3A_46 = vector.broadcast %add3A_45 : f32 to vector<10000x1xf32>
    %add3A_47 = arith.addf %div3A_42, %add3A_46 : vector<10000x1xf32>
    %rsqrt3A = math.rsqrt %add3A_47 : vector<10000x1xf32>
    %mul3A_48 = vector.broadcast %rsqrt3A : vector<10000x1xf32> to vector<10000x128xf32>
    %mul3A_49 = arith.mulf %sub3A_44, %mul3A_48 : vector<10000x128xf32>
    %mul3A_50 = vector.broadcast %get3A_27 : vector<1x128xf32> to vector<10000x128xf32>
    %mul3A_51 = arith.mulf %mul3A_49, %mul3A_50 : vector<10000x128xf32>
    %add3A_52 = vector.broadcast %get3A_30 : vector<1x128xf32> to vector<10000x128xf32>
    %add3A_53 = arith.addf %mul3A_51, %add3A_52 : vector<10000x128xf32>
    %swap3A = arith.constant 0 : index
    %swap3A_54 = arith.constant 0 : index
    %swap3A_55 = vector.load %arg8[%swap3A, %swap3A_54] : memref<10000x128xf32, #tpu.memory_space<vmem>>, vector<10000x128xf32>
    tpu.vector_store %arg8[%swap3A, %swap3A_54], %add3A_53 {strides = array<i32>} : memref<10000x128xf32, #tpu.memory_space<vmem>>, vector<10000x128xf32>,
    return
  }
  func.func @transform_0(%arg0: i32) -> (i32, i32) {
    %c0_i32 = arith.constant 0 : i32
    %c0_i32_0 = arith.constant 0 : i32
    %c0_i32_1 = arith.constant 0 : i32
    return %c0_i32, %c0_i32_0 : i32, i32
  }
  func.func @transform_1(%arg0: i32) -> (i32, i32) {
    %c0_i32 = arith.constant 0 : i32
    %c0_i32_0 = arith.constant 0 : i32
    %c0_i32_1 = arith.constant 0 : i32
    return %c0_i32, %c0_i32_0 : i32, i32
  }
  func.func @transform_2(%arg0: i32) -> (i32, i32) {
    %c0_i32 = arith.constant 0 : i32
    %c0_i32_0 = arith.constant 0 : i32
    %c0_i32_1 = arith.constant 0 : i32
    return %c0_i32, %c0_i32_0 : i32, i32
  }
  func.func @transform_3(%arg0: i32) -> (i32, i32) {
    %c0_i32 = arith.constant 0 : i32
    %c0_i32_0 = arith.constant 0 : i32
    %c0_i32_1 = arith.constant 0 : i32
    return %c0_i32, %c0_i32_0 : i32, i32
  }
  func.func @transform_4(%arg0: i32) -> (i32, i32) {
    %c0_i32 = arith.constant 0 : i32
    %c0_i32_0 = arith.constant 0 : i32
    %c0_i32_1 = arith.constant 0 : i32
    return %c0_i32, %c0_i32_0 : i32, i32
  }
  func.func @transform_5(%arg0: i32) -> (i32, i32) {
    %c0_i32 = arith.constant 0 : i32
    %c0_i32_0 = arith.constant 0 : i32
    %c0_i32_1 = arith.constant 0 : i32
    return %c0_i32, %c0_i32_0 : i32, i32
  }
  func.func @transform_6(%arg0: i32) -> (i32, i32) {
    %c0_i32 = arith.constant 0 : i32
    %c0_i32_0 = arith.constant 0 : i32
    %c0_i32_1 = arith.constant 0 : i32
    return %c0_i32, %c0_i32_0 : i32, i32
  }
  func.func @transform_7(%arg0: i32) -> (i32, i32) {
    %c0_i32 = arith.constant 0 : i32
    %c0_i32_0 = arith.constant 0 : i32
    %c0_i32_1 = arith.constant 0 : i32
    return %c0_i32, %c0_i32_0 : i32, i32
  }
}

module attributes {stable_mosaic.version = 14 : i64} {
  func.func @_edge_encoder_body(%arg0: i32, %arg1: memref<2000x1xf32, #tpu.memory_space<vmem>>, %arg2: memref<1x128xf32, #tpu.memory_space<vmem>>, %arg3: memref<1x128xf32, #tpu.memory_space<vmem>>, %arg4: memref<128x128xf32, #tpu.memory_space<vmem>>, %arg5: memref<1x128xf32, #tpu.memory_space<vmem>>, %arg6: memref<1x128xf32, #tpu.memory_space<vmem>>, %arg7: memref<1x128xf32, #tpu.memory_space<vmem>>, %arg8: memref<2000x128xf32, #tpu.memory_space<vmem>>) attributes {dimension_semantics = [#tpu.dimension_semantics<arbitrary>], iteration_bounds = array<i64: 80>, scalar_prefetch = 0 : i64, scratch_operands = 0 : i64, tpu.core_type = #tpu.core_type<tc>, window_params = [{transform_indices = @transform_0, window_bounds = array<i64: 2000, 1>}, {pipeline_mode = #tpu.pipeline_mode<synchronous>, transform_indices = @transform_1, window_bounds = array<i64: 1, 128>}, {pipeline_mode = #tpu.pipeline_mode<synchronous>, transform_indices = @transform_2, window_bounds = array<i64: 1, 128>}, {pipeline_mode = #tpu.pipeline_mode<synchronous>, transform_indices = @transform_3, window_bounds = array<i64: 128, 128>}, {pipeline_mode = #tpu.pipeline_mode<synchronous>, transform_indices = @transform_4, window_bounds = array<i64: 1, 128>}, {pipeline_mode = #tpu.pipeline_mode<synchronous>, transform_indices = @transform_5, window_bounds = array<i64: 1, 128>}, {pipeline_mode = #tpu.pipeline_mode<synchronous>, transform_indices = @transform_6, window_bounds = array<i64: 1, 128>}, {transform_indices = @transform_7, window_bounds = array<i64: 2000, 128>}]} {
    %get3A = arith.constant 0 : index
    %get3A_0 = arith.constant 0 : index
    %get3A_1 = vector.load %arg1[%get3A, %get3A_0] : memref<2000x1xf32, #tpu.memory_space<vmem>>, vector<2000x1xf32>
    %get3A_2 = arith.constant 0 : index
    %get3A_3 = arith.constant 0 : index
    %get3A_4 = vector.load %arg2[%get3A_2, %get3A_3] : memref<1x128xf32, #tpu.memory_space<vmem>>, vector<1x128xf32>
    %mul3A = vector.broadcast %get3A_1 : vector<2000x1xf32> to vector<2000x128xf32>
    %mul3A_5 = vector.broadcast %get3A_4 : vector<1x128xf32> to vector<2000x128xf32>
    %mul3A_6 = arith.mulf %mul3A, %mul3A_5 : vector<2000x128xf32>
    %get3A_7 = arith.constant 0 : index
    %get3A_8 = arith.constant 0 : index
    %get3A_9 = vector.load %arg3[%get3A_7, %get3A_8] : memref<1x128xf32, #tpu.memory_space<vmem>>, vector<1x128xf32>
    %add3A = vector.broadcast %get3A_9 : vector<1x128xf32> to vector<2000x128xf32>
    %add3A_10 = arith.addf %mul3A_6, %add3A : vector<2000x128xf32>
    %max3A = arith.constant 0.000000e+00 : f32
    %max3A_11 = vector.broadcast %max3A : f32 to vector<2000x128xf32>
    %max3A_12 = arith.maximumf %add3A_10, %max3A_11 : vector<2000x128xf32>
    %get3A_13 = arith.constant 0 : index
    %get3A_14 = arith.constant 0 : index
    %get3A_15 = vector.load %arg4[%get3A_13, %get3A_14] : memref<128x128xf32, #tpu.memory_space<vmem>>, vector<128x128xf32>
    %dot_general3A = arith.constant dense<0.000000e+00> : vector<2000x128xf32>
    %dot_general3A_16 = tpu.matmul %max3A_12, %get3A_15, %dot_general3A {dimension_numbers = #tpu.dot_dimension_numbers<[1], [0], [0], [1], [0, 0, 1, 1], [], []>, transpose_lhs_hint = false} : vector<2000x128xf32>, vector<128x128xf32>, vector<2000x128xf32> -> vector<2000x128xf32>
    %get3A_17 = arith.constant 0 : index
    %get3A_18 = arith.constant 0 : index
    %get3A_19 = vector.load %arg5[%get3A_17, %get3A_18] : memref<1x128xf32, #tpu.memory_space<vmem>>, vector<1x128xf32>
    %add3A_20 = vector.broadcast %get3A_19 : vector<1x128xf32> to vector<2000x128xf32>
    %add3A_21 = arith.addf %dot_general3A_16, %add3A_20 : vector<2000x128xf32>
    %max3A_22 = arith.constant 0.000000e+00 : f32
    %max3A_23 = vector.broadcast %max3A_22 : f32 to vector<2000x128xf32>
    %max3A_24 = arith.maximumf %add3A_21, %max3A_23 : vector<2000x128xf32>
    %get3A_25 = arith.constant 0 : index
    %get3A_26 = arith.constant 0 : index
    %get3A_27 = vector.load %arg6[%get3A_25, %get3A_26] : memref<1x128xf32, #tpu.memory_space<vmem>>, vector<1x128xf32>
    %get3A_28 = arith.constant 0 : index
    %get3A_29 = arith.constant 0 : index
    %get3A_30 = vector.load %arg7[%get3A_28, %get3A_29] : memref<1x128xf32, #tpu.memory_space<vmem>>, vector<1x128xf32>
    %reduce_sum3A = arith.constant dense<0.000000e+00> : vector<2000xf32>
    %reduce_sum3A_31 = vector.multi_reduction <add>, %max3A_24, %reduce_sum3A [1] : vector<2000x128xf32> to vector<2000xf32>
    %broadcast_in_dim3A = vector.shape_cast %reduce_sum3A_31 : vector<2000xf32> to vector<2000x1xf32>
    %div3A = arith.constant 1.280000e+02 : f32
    %div3A_32 = vector.broadcast %div3A : f32 to vector<2000x1xf32>
    %div3A_33 = arith.divf %broadcast_in_dim3A, %div3A_32 : vector<2000x1xf32>
    %sub3A = vector.broadcast %div3A_33 : vector<2000x1xf32> to vector<2000x128xf32>
    %sub3A_34 = arith.subf %max3A_24, %sub3A : vector<2000x128xf32>
    %sub3A_35 = vector.broadcast %div3A_33 : vector<2000x1xf32> to vector<2000x128xf32>
    %sub3A_36 = arith.subf %max3A_24, %sub3A_35 : vector<2000x128xf32>
    %mul3A_37 = arith.mulf %sub3A_34, %sub3A_36 : vector<2000x128xf32>
    %reduce_sum3A_38 = arith.constant dense<0.000000e+00> : vector<2000xf32>
    %reduce_sum3A_39 = vector.multi_reduction <add>, %mul3A_37, %reduce_sum3A_38 [1] : vector<2000x128xf32> to vector<2000xf32>
    %broadcast_in_dim3A_40 = vector.shape_cast %reduce_sum3A_39 : vector<2000xf32> to vector<2000x1xf32>
    %div3A_41 = arith.constant 1.280000e+02 : f32
    %div3A_42 = vector.broadcast %div3A_41 : f32 to vector<2000x1xf32>
    %div3A_43 = arith.divf %broadcast_in_dim3A_40, %div3A_42 : vector<2000x1xf32>
    %sub3A_44 = vector.broadcast %div3A_33 : vector<2000x1xf32> to vector<2000x128xf32>
    %sub3A_45 = arith.subf %max3A_24, %sub3A_44 : vector<2000x128xf32>
    %add3A_46 = arith.constant 9.99999974E-6 : f32
    %add3A_47 = vector.broadcast %add3A_46 : f32 to vector<2000x1xf32>
    %add3A_48 = arith.addf %div3A_43, %add3A_47 : vector<2000x1xf32>
    %rsqrt3A = math.rsqrt %add3A_48 : vector<2000x1xf32>
    %mul3A_49 = vector.broadcast %rsqrt3A : vector<2000x1xf32> to vector<2000x128xf32>
    %mul3A_50 = arith.mulf %sub3A_45, %mul3A_49 : vector<2000x128xf32>
    %mul3A_51 = vector.broadcast %get3A_27 : vector<1x128xf32> to vector<2000x128xf32>
    %mul3A_52 = arith.mulf %mul3A_50, %mul3A_51 : vector<2000x128xf32>
    %add3A_53 = vector.broadcast %get3A_30 : vector<1x128xf32> to vector<2000x128xf32>
    %add3A_54 = arith.addf %mul3A_52, %add3A_53 : vector<2000x128xf32>
    %swap3A = arith.constant 0 : index
    %swap3A_55 = arith.constant 0 : index
    %swap3A_56 = vector.load %arg8[%swap3A, %swap3A_55] : memref<2000x128xf32, #tpu.memory_space<vmem>>, vector<2000x128xf32>
    tpu.vector_store %arg8[%swap3A, %swap3A_55], %add3A_54 {strides = array<i32>} : memref<2000x128xf32, #tpu.memory_space<vmem>>, vector<2000x128xf32>,
    return
  }
  func.func @transform_0(%arg0: i32) -> (i32, i32) {
    %c0_i32 = arith.constant 0 : i32
    %c0_i32_0 = arith.constant 0 : i32
    return %arg0, %c0_i32 : i32, i32
  }
  func.func @transform_1(%arg0: i32) -> (i32, i32) {
    %c0_i32 = arith.constant 0 : i32
    %c0_i32_0 = arith.constant 0 : i32
    %c0_i32_1 = arith.constant 0 : i32
    return %c0_i32, %c0_i32_0 : i32, i32
  }
  func.func @transform_2(%arg0: i32) -> (i32, i32) {
    %c0_i32 = arith.constant 0 : i32
    %c0_i32_0 = arith.constant 0 : i32
    %c0_i32_1 = arith.constant 0 : i32
    return %c0_i32, %c0_i32_0 : i32, i32
  }
  func.func @transform_3(%arg0: i32) -> (i32, i32) {
    %c0_i32 = arith.constant 0 : i32
    %c0_i32_0 = arith.constant 0 : i32
    %c0_i32_1 = arith.constant 0 : i32
    return %c0_i32, %c0_i32_0 : i32, i32
  }
  func.func @transform_4(%arg0: i32) -> (i32, i32) {
    %c0_i32 = arith.constant 0 : i32
    %c0_i32_0 = arith.constant 0 : i32
    %c0_i32_1 = arith.constant 0 : i32
    return %c0_i32, %c0_i32_0 : i32, i32
  }
  func.func @transform_5(%arg0: i32) -> (i32, i32) {
    %c0_i32 = arith.constant 0 : i32
    %c0_i32_0 = arith.constant 0 : i32
    %c0_i32_1 = arith.constant 0 : i32
    return %c0_i32, %c0_i32_0 : i32, i32
  }
  func.func @transform_6(%arg0: i32) -> (i32, i32) {
    %c0_i32 = arith.constant 0 : i32
    %c0_i32_0 = arith.constant 0 : i32
    %c0_i32_1 = arith.constant 0 : i32
    return %c0_i32, %c0_i32_0 : i32, i32
  }
  func.func @transform_7(%arg0: i32) -> (i32, i32) {
    %c0_i32 = arith.constant 0 : i32
    %c0_i32_0 = arith.constant 0 : i32
    return %arg0, %c0_i32 : i32, i32
  }
}

module attributes {stable_mosaic.version = 14 : i64} {
  func.func @_edge_step_body(%arg0: i32, %arg1: memref<2000x128xf32, #tpu.memory_space<vmem>>, %arg2: memref<2000x128xf32, #tpu.memory_space<vmem>>, %arg3: memref<2000x128xf32, #tpu.memory_space<vmem>>, %arg4: memref<128x128xf32, #tpu.memory_space<vmem>>, %arg5: memref<128x128xf32, #tpu.memory_space<vmem>>, %arg6: memref<128x128xf32, #tpu.memory_space<vmem>>, %arg7: memref<1x128xf32, #tpu.memory_space<vmem>>, %arg8: memref<128x128xf32, #tpu.memory_space<vmem>>, %arg9: memref<1x128xf32, #tpu.memory_space<vmem>>, %arg10: memref<1x128xf32, #tpu.memory_space<vmem>>, %arg11: memref<1x128xf32, #tpu.memory_space<vmem>>, %arg12: memref<2000x128xf32, #tpu.memory_space<vmem>>, %arg13: memref<2000x128xf32, #tpu.memory_space<vmem>>) attributes {dimension_semantics = [#tpu.dimension_semantics<arbitrary>], iteration_bounds = array<i64: 80>, scalar_prefetch = 0 : i64, scratch_operands = 0 : i64, tpu.core_type = #tpu.core_type<tc>, window_params = [{transform_indices = @transform_0, window_bounds = array<i64: 2000, 128>}, {transform_indices = @transform_1, window_bounds = array<i64: 2000, 128>}, {transform_indices = @transform_2, window_bounds = array<i64: 2000, 128>}, {pipeline_mode = #tpu.pipeline_mode<synchronous>, transform_indices = @transform_3, window_bounds = array<i64: 128, 128>}, {pipeline_mode = #tpu.pipeline_mode<synchronous>, transform_indices = @transform_4, window_bounds = array<i64: 128, 128>}, {pipeline_mode = #tpu.pipeline_mode<synchronous>, transform_indices = @transform_5, window_bounds = array<i64: 128, 128>}, {pipeline_mode = #tpu.pipeline_mode<synchronous>, transform_indices = @transform_6, window_bounds = array<i64: 1, 128>}, {pipeline_mode = #tpu.pipeline_mode<synchronous>, transform_indices = @transform_7, window_bounds = array<i64: 128, 128>}, {pipeline_mode = #tpu.pipeline_mode<synchronous>, transform_indices = @transform_8, window_bounds = array<i64: 1, 128>}, {pipeline_mode = #tpu.pipeline_mode<synchronous>, transform_indices = @transform_9, window_bounds = array<i64: 1, 128>}, {pipeline_mode = #tpu.pipeline_mode<synchronous>, transform_indices = @transform_10, window_bounds = array<i64: 1, 128>}, {transform_indices = @transform_11, window_bounds = array<i64: 2000, 128>}, {transform_indices = @transform_12, window_bounds = array<i64: 2000, 128>}]} {
    %get3A = arith.constant 0 : index
    %get3A_0 = arith.constant 0 : index
    %get3A_1 = vector.load %arg1[%get3A, %get3A_0] : memref<2000x128xf32, #tpu.memory_space<vmem>>, vector<2000x128xf32>
    %get3A_2 = arith.constant 0 : index
    %get3A_3 = arith.constant 0 : index
    %get3A_4 = vector.load %arg2[%get3A_2, %get3A_3] : memref<2000x128xf32, #tpu.memory_space<vmem>>, vector<2000x128xf32>
    %get3A_5 = arith.constant 0 : index
    %get3A_6 = arith.constant 0 : index
    %get3A_7 = vector.load %arg3[%get3A_5, %get3A_6] : memref<2000x128xf32, #tpu.memory_space<vmem>>, vector<2000x128xf32>
    %get3A_8 = arith.constant 0 : index
    %get3A_9 = arith.constant 0 : index
    %get3A_10 = vector.load %arg6[%get3A_8, %get3A_9] : memref<128x128xf32, #tpu.memory_space<vmem>>, vector<128x128xf32>
    %dot_general3A = arith.constant dense<0.000000e+00> : vector<2000x128xf32>
    %dot_general3A_11 = tpu.matmul %get3A_7, %get3A_10, %dot_general3A {dimension_numbers = #tpu.dot_dimension_numbers<[1], [0], [0], [1], [0, 0, 1, 1], [], []>, transpose_lhs_hint = false} : vector<2000x128xf32>, vector<128x128xf32>, vector<2000x128xf32> -> vector<2000x128xf32>
    %get3A_12 = arith.constant 0 : index
    %get3A_13 = arith.constant 0 : index
    %get3A_14 = vector.load %arg7[%get3A_12, %get3A_13] : memref<1x128xf32, #tpu.memory_space<vmem>>, vector<1x128xf32>
    %add3A = vector.broadcast %get3A_14 : vector<1x128xf32> to vector<2000x128xf32>
    %add3A_15 = arith.addf %dot_general3A_11, %add3A : vector<2000x128xf32>
    %get3A_16 = arith.constant 0 : index
    %get3A_17 = arith.constant 0 : index
    %get3A_18 = vector.load %arg4[%get3A_16, %get3A_17] : memref<128x128xf32, #tpu.memory_space<vmem>>, vector<128x128xf32>
    %dot_general3A_19 = arith.constant dense<0.000000e+00> : vector<2000x128xf32>
    %dot_general3A_20 = tpu.matmul %get3A_1, %get3A_18, %dot_general3A_19 {dimension_numbers = #tpu.dot_dimension_numbers<[1], [0], [0], [1], [0, 0, 1, 1], [], []>, transpose_lhs_hint = false} : vector<2000x128xf32>, vector<128x128xf32>, vector<2000x128xf32> -> vector<2000x128xf32>
    %get3A_21 = arith.constant 0 : index
    %get3A_22 = arith.constant 0 : index
    %get3A_23 = vector.load %arg5[%get3A_21, %get3A_22] : memref<128x128xf32, #tpu.memory_space<vmem>>, vector<128x128xf32>
    %dot_general3A_24 = arith.constant dense<0.000000e+00> : vector<2000x128xf32>
    %dot_general3A_25 = tpu.matmul %get3A_4, %get3A_23, %dot_general3A_24 {dimension_numbers = #tpu.dot_dimension_numbers<[1], [0], [0], [1], [0, 0, 1, 1], [], []>, transpose_lhs_hint = false} : vector<2000x128xf32>, vector<128x128xf32>, vector<2000x128xf32> -> vector<2000x128xf32>
    %get3A_26 = arith.constant 0 : index
    %get3A_27 = arith.constant 0 : index
    %get3A_28 = vector.load %arg4[%get3A_26, %get3A_27] : memref<128x128xf32, #tpu.memory_space<vmem>>, vector<128x128xf32>
    %dot_general3A_29 = arith.constant dense<0.000000e+00> : vector<2000x128xf32>
    %dot_general3A_30 = tpu.matmul %get3A_4, %get3A_28, %dot_general3A_29 {dimension_numbers = #tpu.dot_dimension_numbers<[1], [0], [0], [1], [0, 0, 1, 1], [], []>, transpose_lhs_hint = false} : vector<2000x128xf32>, vector<128x128xf32>, vector<2000x128xf32> -> vector<2000x128xf32>
    %get3A_31 = arith.constant 0 : index
    %get3A_32 = arith.constant 0 : index
    %get3A_33 = vector.load %arg5[%get3A_31, %get3A_32] : memref<128x128xf32, #tpu.memory_space<vmem>>, vector<128x128xf32>
    %dot_general3A_34 = arith.constant dense<0.000000e+00> : vector<2000x128xf32>
    %dot_general3A_35 = tpu.matmul %get3A_1, %get3A_33, %dot_general3A_34 {dimension_numbers = #tpu.dot_dimension_numbers<[1], [0], [0], [1], [0, 0, 1, 1], [], []>, transpose_lhs_hint = false} : vector<2000x128xf32>, vector<128x128xf32>, vector<2000x128xf32> -> vector<2000x128xf32>
    %add3A_36 = arith.addf %dot_general3A_20, %dot_general3A_25 : vector<2000x128xf32>
    %add3A_37 = arith.addf %add3A_36, %add3A_15 : vector<2000x128xf32>
    %max3A = arith.constant 0.000000e+00 : f32
    %max3A_38 = vector.broadcast %max3A : f32 to vector<2000x128xf32>
    %max3A_39 = arith.maximumf %add3A_37, %max3A_38 : vector<2000x128xf32>
    %get3A_40 = arith.constant 0 : index
    %get3A_41 = arith.constant 0 : index
    %get3A_42 = vector.load %arg8[%get3A_40, %get3A_41] : memref<128x128xf32, #tpu.memory_space<vmem>>, vector<128x128xf32>
    %dot_general3A_43 = arith.constant dense<0.000000e+00> : vector<2000x128xf32>
    %dot_general3A_44 = tpu.matmul %max3A_39, %get3A_42, %dot_general3A_43 {dimension_numbers = #tpu.dot_dimension_numbers<[1], [0], [0], [1], [0, 0, 1, 1], [], []>, transpose_lhs_hint = false} : vector<2000x128xf32>, vector<128x128xf32>, vector<2000x128xf32> -> vector<2000x128xf32>
    %get3A_45 = arith.constant 0 : index
    %get3A_46 = arith.constant 0 : index
    %get3A_47 = vector.load %arg9[%get3A_45, %get3A_46] : memref<1x128xf32, #tpu.memory_space<vmem>>, vector<1x128xf32>
    %add3A_48 = vector.broadcast %get3A_47 : vector<1x128xf32> to vector<2000x128xf32>
    %add3A_49 = arith.addf %dot_general3A_44, %add3A_48 : vector<2000x128xf32>
    %max3A_50 = arith.constant 0.000000e+00 : f32
    %max3A_51 = vector.broadcast %max3A_50 : f32 to vector<2000x128xf32>
    %max3A_52 = arith.maximumf %add3A_49, %max3A_51 : vector<2000x128xf32>
    %get3A_53 = arith.constant 0 : index
    %get3A_54 = arith.constant 0 : index
    %get3A_55 = vector.load %arg10[%get3A_53, %get3A_54] : memref<1x128xf32, #tpu.memory_space<vmem>>, vector<1x128xf32>
    %get3A_56 = arith.constant 0 : index
    %get3A_57 = arith.constant 0 : index
    %get3A_58 = vector.load %arg11[%get3A_56, %get3A_57] : memref<1x128xf32, #tpu.memory_space<vmem>>, vector<1x128xf32>
    %reduce_sum3A = arith.constant dense<0.000000e+00> : vector<2000xf32>
    %reduce_sum3A_59 = vector.multi_reduction <add>, %max3A_52, %reduce_sum3A [1] : vector<2000x128xf32> to vector<2000xf32>
    %broadcast_in_dim3A = vector.shape_cast %reduce_sum3A_59 : vector<2000xf32> to vector<2000x1xf32>
    %div3A = arith.constant 1.280000e+02 : f32
    %div3A_60 = vector.broadcast %div3A : f32 to vector<2000x1xf32>
    %div3A_61 = arith.divf %broadcast_in_dim3A, %div3A_60 : vector<2000x1xf32>
    %sub3A = vector.broadcast %div3A_61 : vector<2000x1xf32> to vector<2000x128xf32>
    %sub3A_62 = arith.subf %max3A_52, %sub3A : vector<2000x128xf32>
    %sub3A_63 = vector.broadcast %div3A_61 : vector<2000x1xf32> to vector<2000x128xf32>
    %sub3A_64 = arith.subf %max3A_52, %sub3A_63 : vector<2000x128xf32>
    %mul3A = arith.mulf %sub3A_62, %sub3A_64 : vector<2000x128xf32>
    %reduce_sum3A_65 = arith.constant dense<0.000000e+00> : vector<2000xf32>
    %reduce_sum3A_66 = vector.multi_reduction <add>, %mul3A, %reduce_sum3A_65 [1] : vector<2000x128xf32> to vector<2000xf32>
    %broadcast_in_dim3A_67 = vector.shape_cast %reduce_sum3A_66 : vector<2000xf32> to vector<2000x1xf32>
    %div3A_68 = arith.constant 1.280000e+02 : f32
    %div3A_69 = vector.broadcast %div3A_68 : f32 to vector<2000x1xf32>
    %div3A_70 = arith.divf %broadcast_in_dim3A_67, %div3A_69 : vector<2000x1xf32>
    %sub3A_71 = vector.broadcast %div3A_61 : vector<2000x1xf32> to vector<2000x128xf32>
    %sub3A_72 = arith.subf %max3A_52, %sub3A_71 : vector<2000x128xf32>
    %add3A_73 = arith.constant 9.99999974E-6 : f32
    %add3A_74 = vector.broadcast %add3A_73 : f32 to vector<2000x1xf32>
    %add3A_75 = arith.addf %div3A_70, %add3A_74 : vector<2000x1xf32>
    %rsqrt3A = math.rsqrt %add3A_75 : vector<2000x1xf32>
    %mul3A_76 = vector.broadcast %rsqrt3A : vector<2000x1xf32> to vector<2000x128xf32>
    %mul3A_77 = arith.mulf %sub3A_72, %mul3A_76 : vector<2000x128xf32>
    %mul3A_78 = vector.broadcast %get3A_55 : vector<1x128xf32> to vector<2000x128xf32>
    %mul3A_79 = arith.mulf %mul3A_77, %mul3A_78 : vector<2000x128xf32>
    %add3A_80 = vector.broadcast %get3A_58 : vector<1x128xf32> to vector<2000x128xf32>
    %add3A_81 = arith.addf %mul3A_79, %add3A_80 : vector<2000x128xf32>
    %swap3A = arith.constant 0 : index
    %swap3A_82 = arith.constant 0 : index
    %swap3A_83 = vector.load %arg12[%swap3A, %swap3A_82] : memref<2000x128xf32, #tpu.memory_space<vmem>>, vector<2000x128xf32>
    tpu.vector_store %arg12[%swap3A, %swap3A_82], %add3A_81 {strides = array<i32>} : memref<2000x128xf32, #tpu.memory_space<vmem>>, vector<2000x128xf32>,
    %add3A_84 = arith.addf %dot_general3A_30, %dot_general3A_35 : vector<2000x128xf32>
    %add3A_85 = arith.addf %add3A_84, %add3A_15 : vector<2000x128xf32>
    %max3A_86 = arith.constant 0.000000e+00 : f32
    %max3A_87 = vector.broadcast %max3A_86 : f32 to vector<2000x128xf32>
    %max3A_88 = arith.maximumf %add3A_85, %max3A_87 : vector<2000x128xf32>
    %get3A_89 = arith.constant 0 : index
    %get3A_90 = arith.constant 0 : index
    %get3A_91 = vector.load %arg8[%get3A_89, %get3A_90] : memref<128x128xf32, #tpu.memory_space<vmem>>, vector<128x128xf32>
    %dot_general3A_92 = arith.constant dense<0.000000e+00> : vector<2000x128xf32>
    %dot_general3A_93 = tpu.matmul %max3A_88, %get3A_91, %dot_general3A_92 {dimension_numbers = #tpu.dot_dimension_numbers<[1], [0], [0], [1], [0, 0, 1, 1], [], []>, transpose_lhs_hint = false} : vector<2000x128xf32>, vector<128x128xf32>, vector<2000x128xf32> -> vector<2000x128xf32>
    %get3A_94 = arith.constant 0 : index
    %get3A_95 = arith.constant 0 : index
    %get3A_96 = vector.load %arg9[%get3A_94, %get3A_95] : memref<1x128xf32, #tpu.memory_space<vmem>>, vector<1x128xf32>
    %add3A_97 = vector.broadcast %get3A_96 : vector<1x128xf32> to vector<2000x128xf32>
    %add3A_98 = arith.addf %dot_general3A_93, %add3A_97 : vector<2000x128xf32>
    %max3A_99 = arith.constant 0.000000e+00 : f32
    %max3A_100 = vector.broadcast %max3A_99 : f32 to vector<2000x128xf32>
    %max3A_101 = arith.maximumf %add3A_98, %max3A_100 : vector<2000x128xf32>
    %get3A_102 = arith.constant 0 : index
    %get3A_103 = arith.constant 0 : index
    %get3A_104 = vector.load %arg10[%get3A_102, %get3A_103] : memref<1x128xf32, #tpu.memory_space<vmem>>, vector<1x128xf32>
    %get3A_105 = arith.constant 0 : index
    %get3A_106 = arith.constant 0 : index
    %get3A_107 = vector.load %arg11[%get3A_105, %get3A_106] : memref<1x128xf32, #tpu.memory_space<vmem>>, vector<1x128xf32>
    %reduce_sum3A_108 = arith.constant dense<0.000000e+00> : vector<2000xf32>
    %reduce_sum3A_109 = vector.multi_reduction <add>, %max3A_101, %reduce_sum3A_108 [1] : vector<2000x128xf32> to vector<2000xf32>
    %broadcast_in_dim3A_110 = vector.shape_cast %reduce_sum3A_109 : vector<2000xf32> to vector<2000x1xf32>
    %div3A_111 = arith.constant 1.280000e+02 : f32
    %div3A_112 = vector.broadcast %div3A_111 : f32 to vector<2000x1xf32>
    %div3A_113 = arith.divf %broadcast_in_dim3A_110, %div3A_112 : vector<2000x1xf32>
    %sub3A_114 = vector.broadcast %div3A_113 : vector<2000x1xf32> to vector<2000x128xf32>
    %sub3A_115 = arith.subf %max3A_101, %sub3A_114 : vector<2000x128xf32>
    %sub3A_116 = vector.broadcast %div3A_113 : vector<2000x1xf32> to vector<2000x128xf32>
    %sub3A_117 = arith.subf %max3A_101, %sub3A_116 : vector<2000x128xf32>
    %mul3A_118 = arith.mulf %sub3A_115, %sub3A_117 : vector<2000x128xf32>
    %reduce_sum3A_119 = arith.constant dense<0.000000e+00> : vector<2000xf32>
    %reduce_sum3A_120 = vector.multi_reduction <add>, %mul3A_118, %reduce_sum3A_119 [1] : vector<2000x128xf32> to vector<2000xf32>
    %broadcast_in_dim3A_121 = vector.shape_cast %reduce_sum3A_120 : vector<2000xf32> to vector<2000x1xf32>
    %div3A_122 = arith.constant 1.280000e+02 : f32
    %div3A_123 = vector.broadcast %div3A_122 : f32 to vector<2000x1xf32>
    %div3A_124 = arith.divf %broadcast_in_dim3A_121, %div3A_123 : vector<2000x1xf32>
    %sub3A_125 = vector.broadcast %div3A_113 : vector<2000x1xf32> to vector<2000x128xf32>
    %sub3A_126 = arith.subf %max3A_101, %sub3A_125 : vector<2000x128xf32>
    %add3A_127 = arith.constant 9.99999974E-6 : f32
    %add3A_128 = vector.broadcast %add3A_127 : f32 to vector<2000x1xf32>
    %add3A_129 = arith.addf %div3A_124, %add3A_128 : vector<2000x1xf32>
    %rsqrt3A_130 = math.rsqrt %add3A_129 : vector<2000x1xf32>
    %mul3A_131 = vector.broadcast %rsqrt3A_130 : vector<2000x1xf32> to vector<2000x128xf32>
    %mul3A_132 = arith.mulf %sub3A_126, %mul3A_131 : vector<2000x128xf32>
    %mul3A_133 = vector.broadcast %get3A_104 : vector<1x128xf32> to vector<2000x128xf32>
    %mul3A_134 = arith.mulf %mul3A_132, %mul3A_133 : vector<2000x128xf32>
    %add3A_135 = vector.broadcast %get3A_107 : vector<1x128xf32> to vector<2000x128xf32>
    %add3A_136 = arith.addf %mul3A_134, %add3A_135 : vector<2000x128xf32>
    %add3A_137 = arith.addf %add3A_136, %get3A_7 : vector<2000x128xf32>
    %swap3A_138 = arith.constant 0 : index
    %swap3A_139 = arith.constant 0 : index
    %swap3A_140 = vector.load %arg13[%swap3A_138, %swap3A_139] : memref<2000x128xf32, #tpu.memory_space<vmem>>, vector<2000x128xf32>
    tpu.vector_store %arg13[%swap3A_138, %swap3A_139], %add3A_137 {strides = array<i32>} : memref<2000x128xf32, #tpu.memory_space<vmem>>, vector<2000x128xf32>,
    return
  }
  func.func @transform_0(%arg0: i32) -> (i32, i32) {
    %c0_i32 = arith.constant 0 : i32
    %c0_i32_0 = arith.constant 0 : i32
    return %arg0, %c0_i32 : i32, i32
  }
  func.func @transform_1(%arg0: i32) -> (i32, i32) {
    %c0_i32 = arith.constant 0 : i32
    %c0_i32_0 = arith.constant 0 : i32
    return %arg0, %c0_i32 : i32, i32
  }
  func.func @transform_2(%arg0: i32) -> (i32, i32) {
    %c0_i32 = arith.constant 0 : i32
    %c0_i32_0 = arith.constant 0 : i32
    return %arg0, %c0_i32 : i32, i32
  }
  func.func @transform_3(%arg0: i32) -> (i32, i32) {
    %c0_i32 = arith.constant 0 : i32
    %c0_i32_0 = arith.constant 0 : i32
    %c0_i32_1 = arith.constant 0 : i32
    return %c0_i32, %c0_i32_0 : i32, i32
  }
  func.func @transform_4(%arg0: i32) -> (i32, i32) {
    %c0_i32 = arith.constant 0 : i32
    %c0_i32_0 = arith.constant 0 : i32
    %c0_i32_1 = arith.constant 0 : i32
    return %c0_i32, %c0_i32_0 : i32, i32
  }
  func.func @transform_5(%arg0: i32) -> (i32, i32) {
    %c0_i32 = arith.constant 0 : i32
    %c0_i32_0 = arith.constant 0 : i32
    %c0_i32_1 = arith.constant 0 : i32
    return %c0_i32, %c0_i32_0 : i32, i32
  }
  func.func @transform_6(%arg0: i32) -> (i32, i32) {
    %c0_i32 = arith.constant 0 : i32
    %c0_i32_0 = arith.constant 0 : i32
    %c0_i32_1 = arith.constant 0 : i32
    return %c0_i32, %c0_i32_0 : i32, i32
  }
  func.func @transform_7(%arg0: i32) -> (i32, i32) {
    %c0_i32 = arith.constant 0 : i32
    %c0_i32_0 = arith.constant 0 : i32
    %c0_i32_1 = arith.constant 0 : i32
    return %c0_i32, %c0_i32_0 : i32, i32
  }
  func.func @transform_8(%arg0: i32) -> (i32, i32) {
    %c0_i32 = arith.constant 0 : i32
    %c0_i32_0 = arith.constant 0 : i32
    %c0_i32_1 = arith.constant 0 : i32
    return %c0_i32, %c0_i32_0 : i32, i32
  }
  func.func @transform_9(%arg0: i32) -> (i32, i32) {
    %c0_i32 = arith.constant 0 : i32
    %c0_i32_0 = arith.constant 0 : i32
    %c0_i32_1 = arith.constant 0 : i32
    return %c0_i32, %c0_i32_0 : i32, i32
  }
  func.func @transform_10(%arg0: i32) -> (i32, i32) {
    %c0_i32 = arith.constant 0 : i32
    %c0_i32_0 = arith.constant 0 : i32
    %c0_i32_1 = arith.constant 0 : i32
    return %c0_i32, %c0_i32_0 : i32, i32
  }
  func.func @transform_11(%arg0: i32) -> (i32, i32) {
    %c0_i32 = arith.constant 0 : i32
    %c0_i32_0 = arith.constant 0 : i32
    return %arg0, %c0_i32 : i32, i32
  }
  func.func @transform_12(%arg0: i32) -> (i32, i32) {
    %c0_i32 = arith.constant 0 : i32
    %c0_i32_0 = arith.constant 0 : i32
    return %arg0, %c0_i32 : i32, i32
  }
}

module attributes {stable_mosaic.version = 14 : i64} {
  func.func @_node_step_body(%arg0: i32, %arg1: memref<2x2000x128xf32, #tpu.memory_space<vmem>>, %arg2: memref<2000x128xf32, #tpu.memory_space<vmem>>, %arg3: memref<128x128xf32, #tpu.memory_space<vmem>>, %arg4: memref<128x128xf32, #tpu.memory_space<vmem>>, %arg5: memref<1x128xf32, #tpu.memory_space<vmem>>, %arg6: memref<128x128xf32, #tpu.memory_space<vmem>>, %arg7: memref<1x128xf32, #tpu.memory_space<vmem>>, %arg8: memref<1x128xf32, #tpu.memory_space<vmem>>, %arg9: memref<1x128xf32, #tpu.memory_space<vmem>>, %arg10: memref<2000x128xf32, #tpu.memory_space<vmem>>) attributes {dimension_semantics = [#tpu.dimension_semantics<arbitrary>], iteration_bounds = array<i64: 5>, scalar_prefetch = 0 : i64, scratch_operands = 0 : i64, tpu.core_type = #tpu.core_type<tc>, window_params = [{transform_indices = @transform_0, window_bounds = array<i64: 2, 2000, 128>}, {transform_indices = @transform_1, window_bounds = array<i64: 2000, 128>}, {pipeline_mode = #tpu.pipeline_mode<synchronous>, transform_indices = @transform_2, window_bounds = array<i64: 128, 128>}, {pipeline_mode = #tpu.pipeline_mode<synchronous>, transform_indices = @transform_3, window_bounds = array<i64: 128, 128>}, {pipeline_mode = #tpu.pipeline_mode<synchronous>, transform_indices = @transform_4, window_bounds = array<i64: 1, 128>}, {pipeline_mode = #tpu.pipeline_mode<synchronous>, transform_indices = @transform_5, window_bounds = array<i64: 128, 128>}, {pipeline_mode = #tpu.pipeline_mode<synchronous>, transform_indices = @transform_6, window_bounds = array<i64: 1, 128>}, {pipeline_mode = #tpu.pipeline_mode<synchronous>, transform_indices = @transform_7, window_bounds = array<i64: 1, 128>}, {pipeline_mode = #tpu.pipeline_mode<synchronous>, transform_indices = @transform_8, window_bounds = array<i64: 1, 128>}, {transform_indices = @transform_9, window_bounds = array<i64: 2000, 128>}]} {
    %get3A = arith.constant 0 : index
    %get3A_0 = arith.constant 0 : index
    %get3A_1 = vector.load %arg2[%get3A, %get3A_0] : memref<2000x128xf32, #tpu.memory_space<vmem>>, vector<2000x128xf32>
    %get3A_2 = arith.constant 0 : index
    %get3A_3 = arith.constant 0 : index
    %get3A_4 = arith.constant 0 : index
    %get3A_5 = vector.load %arg1[%get3A_2, %get3A_3, %get3A_4] : memref<2x2000x128xf32, #tpu.memory_space<vmem>>, vector<1x2000x128xf32>
    %get3A_6 = vector.shape_cast %get3A_5 : vector<1x2000x128xf32> to vector<2000x128xf32>
    %get3A_7 = arith.constant 1 : index
    %get3A_8 = arith.constant 0 : index
    %get3A_9 = arith.constant 0 : index
    %get3A_10 = vector.load %arg1[%get3A_7, %get3A_8, %get3A_9] : memref<2x2000x128xf32, #tpu.memory_space<vmem>>, vector<1x2000x128xf32>
    %get3A_11 = vector.shape_cast %get3A_10 : vector<1x2000x128xf32> to vector<2000x128xf32>
    %add3A = arith.addf %get3A_6, %get3A_11 : vector<2000x128xf32>
    %get3A_12 = arith.constant 0 : index
    %get3A_13 = arith.constant 0 : index
    %get3A_14 = vector.load %arg3[%get3A_12, %get3A_13] : memref<128x128xf32, #tpu.memory_space<vmem>>, vector<128x128xf32>
    %dot_general3A = arith.constant dense<0.000000e+00> : vector<2000x128xf32>
    %dot_general3A_15 = tpu.matmul %add3A, %get3A_14, %dot_general3A {dimension_numbers = #tpu.dot_dimension_numbers<[1], [0], [0], [1], [0, 0, 1, 1], [], []>, transpose_lhs_hint = false} : vector<2000x128xf32>, vector<128x128xf32>, vector<2000x128xf32> -> vector<2000x128xf32>
    %get3A_16 = arith.constant 0 : index
    %get3A_17 = arith.constant 0 : index
    %get3A_18 = vector.load %arg4[%get3A_16, %get3A_17] : memref<128x128xf32, #tpu.memory_space<vmem>>, vector<128x128xf32>
    %dot_general3A_19 = arith.constant dense<0.000000e+00> : vector<2000x128xf32>
    %dot_general3A_20 = tpu.matmul %get3A_1, %get3A_18, %dot_general3A_19 {dimension_numbers = #tpu.dot_dimension_numbers<[1], [0], [0], [1], [0, 0, 1, 1], [], []>, transpose_lhs_hint = false} : vector<2000x128xf32>, vector<128x128xf32>, vector<2000x128xf32> -> vector<2000x128xf32>
    %add3A_21 = arith.addf %dot_general3A_15, %dot_general3A_20 : vector<2000x128xf32>
    %get3A_22 = arith.constant 0 : index
    %get3A_23 = arith.constant 0 : index
    %get3A_24 = vector.load %arg5[%get3A_22, %get3A_23] : memref<1x128xf32, #tpu.memory_space<vmem>>, vector<1x128xf32>
    %add3A_25 = vector.broadcast %get3A_24 : vector<1x128xf32> to vector<2000x128xf32>
    %add3A_26 = arith.addf %add3A_21, %add3A_25 : vector<2000x128xf32>
    %max3A = arith.constant 0.000000e+00 : f32
    %max3A_27 = vector.broadcast %max3A : f32 to vector<2000x128xf32>
    %max3A_28 = arith.maximumf %add3A_26, %max3A_27 : vector<2000x128xf32>
    %get3A_29 = arith.constant 0 : index
    %get3A_30 = arith.constant 0 : index
    %get3A_31 = vector.load %arg6[%get3A_29, %get3A_30] : memref<128x128xf32, #tpu.memory_space<vmem>>, vector<128x128xf32>
    %dot_general3A_32 = arith.constant dense<0.000000e+00> : vector<2000x128xf32>
    %dot_general3A_33 = tpu.matmul %max3A_28, %get3A_31, %dot_general3A_32 {dimension_numbers = #tpu.dot_dimension_numbers<[1], [0], [0], [1], [0, 0, 1, 1], [], []>, transpose_lhs_hint = false} : vector<2000x128xf32>, vector<128x128xf32>, vector<2000x128xf32> -> vector<2000x128xf32>
    %get3A_34 = arith.constant 0 : index
    %get3A_35 = arith.constant 0 : index
    %get3A_36 = vector.load %arg7[%get3A_34, %get3A_35] : memref<1x128xf32, #tpu.memory_space<vmem>>, vector<1x128xf32>
    %add3A_37 = vector.broadcast %get3A_36 : vector<1x128xf32> to vector<2000x128xf32>
    %add3A_38 = arith.addf %dot_general3A_33, %add3A_37 : vector<2000x128xf32>
    %max3A_39 = arith.constant 0.000000e+00 : f32
    %max3A_40 = vector.broadcast %max3A_39 : f32 to vector<2000x128xf32>
    %max3A_41 = arith.maximumf %add3A_38, %max3A_40 : vector<2000x128xf32>
    %get3A_42 = arith.constant 0 : index
    %get3A_43 = arith.constant 0 : index
    %get3A_44 = vector.load %arg8[%get3A_42, %get3A_43] : memref<1x128xf32, #tpu.memory_space<vmem>>, vector<1x128xf32>
    %get3A_45 = arith.constant 0 : index
    %get3A_46 = arith.constant 0 : index
    %get3A_47 = vector.load %arg9[%get3A_45, %get3A_46] : memref<1x128xf32, #tpu.memory_space<vmem>>, vector<1x128xf32>
    %reduce_sum3A = arith.constant dense<0.000000e+00> : vector<2000xf32>
    %reduce_sum3A_48 = vector.multi_reduction <add>, %max3A_41, %reduce_sum3A [1] : vector<2000x128xf32> to vector<2000xf32>
    %broadcast_in_dim3A = vector.shape_cast %reduce_sum3A_48 : vector<2000xf32> to vector<2000x1xf32>
    %div3A = arith.constant 1.280000e+02 : f32
    %div3A_49 = vector.broadcast %div3A : f32 to vector<2000x1xf32>
    %div3A_50 = arith.divf %broadcast_in_dim3A, %div3A_49 : vector<2000x1xf32>
    %sub3A = vector.broadcast %div3A_50 : vector<2000x1xf32> to vector<2000x128xf32>
    %sub3A_51 = arith.subf %max3A_41, %sub3A : vector<2000x128xf32>
    %sub3A_52 = vector.broadcast %div3A_50 : vector<2000x1xf32> to vector<2000x128xf32>
    %sub3A_53 = arith.subf %max3A_41, %sub3A_52 : vector<2000x128xf32>
    %mul3A = arith.mulf %sub3A_51, %sub3A_53 : vector<2000x128xf32>
    %reduce_sum3A_54 = arith.constant dense<0.000000e+00> : vector<2000xf32>
    %reduce_sum3A_55 = vector.multi_reduction <add>, %mul3A, %reduce_sum3A_54 [1] : vector<2000x128xf32> to vector<2000xf32>
    %broadcast_in_dim3A_56 = vector.shape_cast %reduce_sum3A_55 : vector<2000xf32> to vector<2000x1xf32>
    %div3A_57 = arith.constant 1.280000e+02 : f32
    %div3A_58 = vector.broadcast %div3A_57 : f32 to vector<2000x1xf32>
    %div3A_59 = arith.divf %broadcast_in_dim3A_56, %div3A_58 : vector<2000x1xf32>
    %sub3A_60 = vector.broadcast %div3A_50 : vector<2000x1xf32> to vector<2000x128xf32>
    %sub3A_61 = arith.subf %max3A_41, %sub3A_60 : vector<2000x128xf32>
    %add3A_62 = arith.constant 9.99999974E-6 : f32
    %add3A_63 = vector.broadcast %add3A_62 : f32 to vector<2000x1xf32>
    %add3A_64 = arith.addf %div3A_59, %add3A_63 : vector<2000x1xf32>
    %rsqrt3A = math.rsqrt %add3A_64 : vector<2000x1xf32>
    %mul3A_65 = vector.broadcast %rsqrt3A : vector<2000x1xf32> to vector<2000x128xf32>
    %mul3A_66 = arith.mulf %sub3A_61, %mul3A_65 : vector<2000x128xf32>
    %mul3A_67 = vector.broadcast %get3A_44 : vector<1x128xf32> to vector<2000x128xf32>
    %mul3A_68 = arith.mulf %mul3A_66, %mul3A_67 : vector<2000x128xf32>
    %add3A_69 = vector.broadcast %get3A_47 : vector<1x128xf32> to vector<2000x128xf32>
    %add3A_70 = arith.addf %mul3A_68, %add3A_69 : vector<2000x128xf32>
    %add3A_71 = arith.addf %add3A_70, %get3A_1 : vector<2000x128xf32>
    %swap3A = arith.constant 0 : index
    %swap3A_72 = arith.constant 0 : index
    %swap3A_73 = vector.load %arg10[%swap3A, %swap3A_72] : memref<2000x128xf32, #tpu.memory_space<vmem>>, vector<2000x128xf32>
    tpu.vector_store %arg10[%swap3A, %swap3A_72], %add3A_71 {strides = array<i32>} : memref<2000x128xf32, #tpu.memory_space<vmem>>, vector<2000x128xf32>,
    return
  }
  func.func @transform_0(%arg0: i32) -> (i32, i32, i32) {
    %c0_i32 = arith.constant 0 : i32
    %c0_i32_0 = arith.constant 0 : i32
    %c0_i32_1 = arith.constant 0 : i32
    return %c0_i32, %arg0, %c0_i32_0 : i32, i32, i32
  }
  func.func @transform_1(%arg0: i32) -> (i32, i32) {
    %c0_i32 = arith.constant 0 : i32
    %c0_i32_0 = arith.constant 0 : i32
    return %arg0, %c0_i32 : i32, i32
  }
  func.func @transform_2(%arg0: i32) -> (i32, i32) {
    %c0_i32 = arith.constant 0 : i32
    %c0_i32_0 = arith.constant 0 : i32
    %c0_i32_1 = arith.constant 0 : i32
    return %c0_i32, %c0_i32_0 : i32, i32
  }
  func.func @transform_3(%arg0: i32) -> (i32, i32) {
    %c0_i32 = arith.constant 0 : i32
    %c0_i32_0 = arith.constant 0 : i32
    %c0_i32_1 = arith.constant 0 : i32
    return %c0_i32, %c0_i32_0 : i32, i32
  }
  func.func @transform_4(%arg0: i32) -> (i32, i32) {
    %c0_i32 = arith.constant 0 : i32
    %c0_i32_0 = arith.constant 0 : i32
    %c0_i32_1 = arith.constant 0 : i32
    return %c0_i32, %c0_i32_0 : i32, i32
  }
  func.func @transform_5(%arg0: i32) -> (i32, i32) {
    %c0_i32 = arith.constant 0 : i32
    %c0_i32_0 = arith.constant 0 : i32
    %c0_i32_1 = arith.constant 0 : i32
    return %c0_i32, %c0_i32_0 : i32, i32
  }
  func.func @transform_6(%arg0: i32) -> (i32, i32) {
    %c0_i32 = arith.constant 0 : i32
    %c0_i32_0 = arith.constant 0 : i32
    %c0_i32_1 = arith.constant 0 : i32
    return %c0_i32, %c0_i32_0 : i32, i32
  }
  func.func @transform_7(%arg0: i32) -> (i32, i32) {
    %c0_i32 = arith.constant 0 : i32
    %c0_i32_0 = arith.constant 0 : i32
    %c0_i32_1 = arith.constant 0 : i32
    return %c0_i32, %c0_i32_0 : i32, i32
  }
  func.func @transform_8(%arg0: i32) -> (i32, i32) {
    %c0_i32 = arith.constant 0 : i32
    %c0_i32_0 = arith.constant 0 : i32
    %c0_i32_1 = arith.constant 0 : i32
    return %c0_i32, %c0_i32_0 : i32, i32
  }
  func.func @transform_9(%arg0: i32) -> (i32, i32) {
    %c0_i32 = arith.constant 0 : i32
    %c0_i32_0 = arith.constant 0 : i32
    return %arg0, %c0_i32 : i32, i32
  }
}

module attributes {stable_mosaic.version = 14 : i64} {
  func.func @_decoder_body(%arg0: i32, %arg1: memref<10000x128xf32, #tpu.memory_space<vmem>>, %arg2: memref<128x128xf32, #tpu.memory_space<vmem>>, %arg3: memref<1x128xf32, #tpu.memory_space<vmem>>, %arg4: memref<128x8xf32, #tpu.memory_space<vmem>>, %arg5: memref<1x8xf32, #tpu.memory_space<vmem>>, %arg6: memref<10000x8xf32, #tpu.memory_space<vmem>>) attributes {dimension_semantics = [#tpu.dimension_semantics<arbitrary>], iteration_bounds = array<i64: 1>, scalar_prefetch = 0 : i64, scratch_operands = 0 : i64, tpu.core_type = #tpu.core_type<tc>, window_params = [{pipeline_mode = #tpu.pipeline_mode<synchronous>, transform_indices = @transform_0, window_bounds = array<i64: 10000, 128>}, {pipeline_mode = #tpu.pipeline_mode<synchronous>, transform_indices = @transform_1, window_bounds = array<i64: 128, 128>}, {pipeline_mode = #tpu.pipeline_mode<synchronous>, transform_indices = @transform_2, window_bounds = array<i64: 1, 128>}, {pipeline_mode = #tpu.pipeline_mode<synchronous>, transform_indices = @transform_3, window_bounds = array<i64: 128, 8>}, {pipeline_mode = #tpu.pipeline_mode<synchronous>, transform_indices = @transform_4, window_bounds = array<i64: 1, 8>}, {pipeline_mode = #tpu.pipeline_mode<synchronous>, transform_indices = @transform_5, window_bounds = array<i64: 10000, 8>}]} {
    %get3A = arith.constant 0 : index
    %get3A_0 = arith.constant 0 : index
    %get3A_1 = vector.load %arg1[%get3A, %get3A_0] : memref<10000x128xf32, #tpu.memory_space<vmem>>, vector<10000x128xf32>
    %get3A_2 = arith.constant 0 : index
    %get3A_3 = arith.constant 0 : index
    %get3A_4 = vector.load %arg2[%get3A_2, %get3A_3] : memref<128x128xf32, #tpu.memory_space<vmem>>, vector<128x128xf32>
    %dot_general3A = arith.constant dense<0.000000e+00> : vector<10000x128xf32>
    %dot_general3A_5 = tpu.matmul %get3A_1, %get3A_4, %dot_general3A {dimension_numbers = #tpu.dot_dimension_numbers<[1], [0], [0], [1], [0, 0, 1, 1], [], []>, transpose_lhs_hint = false} : vector<10000x128xf32>, vector<128x128xf32>, vector<10000x128xf32> -> vector<10000x128xf32>
    %get3A_6 = arith.constant 0 : index
    %get3A_7 = arith.constant 0 : index
    %get3A_8 = vector.load %arg3[%get3A_6, %get3A_7] : memref<1x128xf32, #tpu.memory_space<vmem>>, vector<1x128xf32>
    %add3A = vector.broadcast %get3A_8 : vector<1x128xf32> to vector<10000x128xf32>
    %add3A_9 = arith.addf %dot_general3A_5, %add3A : vector<10000x128xf32>
    %max3A = arith.constant 0.000000e+00 : f32
    %max3A_10 = vector.broadcast %max3A : f32 to vector<10000x128xf32>
    %max3A_11 = arith.maximumf %add3A_9, %max3A_10 : vector<10000x128xf32>
    %get3A_12 = arith.constant 0 : index
    %get3A_13 = arith.constant 0 : index
    %get3A_14 = vector.load %arg4[%get3A_12, %get3A_13] : memref<128x8xf32, #tpu.memory_space<vmem>>, vector<128x8xf32>
    %dot_general3A_15 = arith.constant dense<0.000000e+00> : vector<10000x8xf32>
    %dot_general3A_16 = tpu.matmul %max3A_11, %get3A_14, %dot_general3A_15 {dimension_numbers = #tpu.dot_dimension_numbers<[1], [0], [0], [1], [0, 0, 1, 1], [], []>, transpose_lhs_hint = false} : vector<10000x128xf32>, vector<128x8xf32>, vector<10000x8xf32> -> vector<10000x8xf32>
    %get3A_17 = arith.constant 0 : index
    %get3A_18 = arith.constant 0 : index
    %get3A_19 = vector.load %arg5[%get3A_17, %get3A_18] : memref<1x8xf32, #tpu.memory_space<vmem>>, vector<1x8xf32>
    %add3A_20 = vector.broadcast %get3A_19 : vector<1x8xf32> to vector<10000x8xf32>
    %add3A_21 = arith.addf %dot_general3A_16, %add3A_20 : vector<10000x8xf32>
    %swap3A = arith.constant 0 : index
    %swap3A_22 = arith.constant 0 : index
    %swap3A_23 = vector.load %arg6[%swap3A, %swap3A_22] : memref<10000x8xf32, #tpu.memory_space<vmem>>, vector<10000x8xf32>
    tpu.vector_store %arg6[%swap3A, %swap3A_22], %add3A_21 {strides = array<i32>} : memref<10000x8xf32, #tpu.memory_space<vmem>>, vector<10000x8xf32>,
    return
  }
  func.func @transform_0(%arg0: i32) -> (i32, i32) {
    %c0_i32 = arith.constant 0 : i32
    %c0_i32_0 = arith.constant 0 : i32
    %c0_i32_1 = arith.constant 0 : i32
    return %c0_i32, %c0_i32_0 : i32, i32
  }
  func.func @transform_1(%arg0: i32) -> (i32, i32) {
    %c0_i32 = arith.constant 0 : i32
    %c0_i32_0 = arith.constant 0 : i32
    %c0_i32_1 = arith.constant 0 : i32
    return %c0_i32, %c0_i32_0 : i32, i32
  }
  func.func @transform_2(%arg0: i32) -> (i32, i32) {
    %c0_i32 = arith.constant 0 : i32
    %c0_i32_0 = arith.constant 0 : i32
    %c0_i32_1 = arith.constant 0 : i32
    return %c0_i32, %c0_i32_0 : i32, i32
  }
  func.func @transform_3(%arg0: i32) -> (i32, i32) {
    %c0_i32 = arith.constant 0 : i32
    %c0_i32_0 = arith.constant 0 : i32
    %c0_i32_1 = arith.constant 0 : i32
    return %c0_i32, %c0_i32_0 : i32, i32
  }
  func.func @transform_4(%arg0: i32) -> (i32, i32) {
    %c0_i32 = arith.constant 0 : i32
    %c0_i32_0 = arith.constant 0 : i32
    %c0_i32_1 = arith.constant 0 : i32
    return %c0_i32, %c0_i32_0 : i32, i32
  }
  func.func @transform_5(%arg0: i32) -> (i32, i32) {
    %c0_i32 = arith.constant 0 : i32
    %c0_i32_0 = arith.constant 0 : i32
    %c0_i32_1 = arith.constant 0 : i32
    return %c0_i32, %c0_i32_0 : i32, i32
  }
}

</mosaic_0001>

<sc_bundles>
// kernel: kernel.21.cloned.1.call-start
scs
__scs_entry_jumppad:
0x0: {  	(pc) =	sbr.rel $0x88, $3  }
0x1: {  	(tag) =	ssettag $0x0;
	lr =	simm.s32 $0x1  }
0x2: {  	[smem:$0x3F80] =	sst lr;
	_ =	strace $0xD0000000  }
0x3: {  	_ = 	snop  }
0x4: {  	_ = 	snop  }
0x5: {  	_ = 	snop  }
0x6: {  	_ = 	snop  }
0x7: {  	_ = 	snop  }
__scs_overlays_trampoline_lowered:
0x8: {  	[smem:$0x3F8F] =	sst s0  }
0x9: {  	[smem:$0x3F90] =	sst s1  }
0xa: {  	[smem:$0x3F91] =	sst s2  }
0xb: {  	[smem:$0x3F92] =	sst s3  }
0xc: {  	[smem:$0x3F93] =	sst s4  }
0xd: {  	[smem:$0x3F94] =	sst s5  }
0xe: {  	[smem:$0x3F95] =	sst s6  }
0xf: {  	[smem:$0x3F96] =	sst s7  }
0x10: {  	[smem:$0x3F97] =	sst s8  }
0x11: {  	[smem:$0x3F98] =	sst s9;
	s0 =	simm.s32 @!p0 $0x0  }
0x12: {  	s1 =	sld [smem:$0x3F7E];
	s0 =	simm.s32 @p0 $0x1  }
0x13: {  	[smem:$0x3F99] =	sst s0;
	s0 =	simm.s32 @!p1 $0x0  }
0x14: {  	s2 =	sld [smem:$0x3F7D];
	s0 =	simm.s32 @p1 $0x1  }
0x15: {  	[smem:$0x3F9A] =	sst s0;
	s0 =	simm.s32 @!p2 $0x0  }
0x16: {  	s3 =	sld [smem:$0x3FDB];
	s0 =	simm.s32 @p2 $0x1  }
0x17: {  	s4 =	simm.s32 $0x1BF5;
	[smem:$0x3F9C] =	sst s0  }
0x18: {  	s0 =	sld [smem:$0x3F7F];
	_ =	swait.ge [sflag:s4], $0x0  }
0x19: {  	s7 =	sld [smem:$0x3F80]  }
0x1a: {  	s8 =	sadd.s32 $0xFFFFE003, lr  }
0x1b: {  	s9 =	sadd.s32 $0xFFFFFEF7, lr;
	s5 =	simm.s32 $0xFFFFFFFF;
	p2 =	slt.u32 s8, $0xFFFFF086  }
0x1c: {  	p1 =	slt.u32 s9, $0xF7A;
	s5 =	simm.s32 @!p2 $0x0  }
0x1d: {  	s5 =	simm.s32 @p1 $0x1;
	p0 =	seq.s32 s7, s2  }
0x1e: {  	s7 =	smul.u32 @!p0 $0xF7A, s2;
	p2 =	seq.s32 @!p0 s5, $0x0  }
0x1f: {  	s9 =	smul.u32 $0xF7A, s1;
	s8 =	simm.s32 @!p0 $0x1BF5;
	p2 =	por !p2, p0  }
0x20: {  	[sflag:s8] =	ssyncset.s32 @!p0 $0xFFFFF086;
	s6 =	sadd.s32 @!p0 s3, s7;
	s7 =	simm.s32 @!p0 $0x108  }
0x21: {  	s3 =	sadd.s32 s3, s9;
	s6 =	sadd.s32 @!p0 $0x88, s6;
	s7 =	simm.s32 @p2 $0x1082  }
0x22: {  	[simem:s7], [sflag:s8] =	dma.local @!p0 [hbm:s6], $0xF7A  }
0x23: {  	s9 =	sor.u32 $0xD0000000, s2;
	s6 =	simm.s32 $0x108;
	_ =	swait.ge @!p0 [sflag:s8], $0x0  }
0x24: {  	s3 =	sadd.s32 $0x88, s3;
	s6 =	simm.s32 @!p1 $0x1082;
	[sflag:s4] =	ssyncset.s32 $0xFFFFF086  }
0x25: {  	[simem:s6], [sflag:s4] =	dma.local [hbm:s3], $0xF7A  }
0x26: {  	[smem:$0x3F80] =	sst s1;
	(tag) =	ssettag s2;
	_ =	strace s9  }
0x27: {  	s1 =	sld [smem:$0x3F90]  }
0x28: {  	s2 =	sld [smem:$0x3F91]  }
0x29: {  	s4 =	sld [smem:$0x3F93]  }
0x2a: {  	p0 =	seq.s32 s5, $0x0;
	s5 =	sld [smem:$0x3F94]  }
0x2b: {  	s6 =	sld [smem:$0x3F95]  }
0x2c: {  	s7 =	sld [smem:$0x3F96]  }
0x2d: {  	s3 =	simm.s32 $0x108;
	s8 =	sld [smem:$0x3F97]  }
0x2e: {  	s3 =	simm.s32 @!p0 $0x1082;
	s9 =	sld [smem:$0x3F98]  }
0x2f: {  	lr =	sadd.s32 s0, s3;
	s0 =	sld [smem:$0x3F8F]  }
0x30: {  	s3 =	sld [smem:$0x3F92]  }
0x31: {  	[smem:$0x3F9B] =	sst s10  }
0x32: {  	s10 =	sld [smem:$0x3F99];
	_ =	sdelay $0x3  }
0x33: {  	p0 =	seq.s32 s10, $0x1;
	s10 =	sld [smem:$0x3F9B];
	_ =	sdelay $0x3  }
0x34: {  	[smem:$0x3F9B] =	sst s10  }
0x35: {  	s10 =	sld [smem:$0x3F9A];
	_ =	sdelay $0x3  }
0x36: {  	p1 =	seq.s32 s10, $0x1;
	s10 =	sld [smem:$0x3F9B];
	_ =	sdelay $0x3  }
0x37: {  	[smem:$0x3F9B] =	sst s10  }
0x38: {  	s10 =	sld [smem:$0x3F9C]  }
0x39: {  	_ = 	snop;
	(pc) =	sbr.ind lr, $3  }
0x3a: {  	_ = 	snop  }
0x3b: {  	_ = 	snop  }
0x3c: {  	p2 =	seq.s32 s10, $0x1;
	s10 =	sld [smem:$0x3F9B]  }
0x3d: {  	_ =	shalt  }
0x3e: {  	_ =	shalt  }
0x3f: {  	_ =	shalt  }
0x40: {  	_ =	shalt  }
0x41: {  	_ =	shalt  }
0x42: {  	_ =	shalt  }
0x43: {  	_ =	shalt  }
0x44: {  	_ =	shalt  }
0x45: {  	_ =	shalt  }
0x46: {  	_ =	shalt  }
0x47: {  	_ =	shalt  }
0x48: {  	_ =	shalt  }
0x49: {  	_ =	shalt  }
0x4a: {  	_ =	shalt  }
0x4b: {  	_ =	shalt  }
0x4c: {  	_ =	shalt  }
0x4d: {  	_ =	shalt  }
0x4e: {  	_ =	shalt  }
0x4f: {  	_ =	shalt  }
0x50: {  	_ =	shalt  }
0x51: {  	_ =	shalt  }
0x52: {  	_ =	shalt  }
0x53: {  	_ =	shalt  }
0x54: {  	_ =	shalt  }
0x55: {  	_ =	shalt  }
0x56: {  	_ =	shalt  }
0x57: {  	_ =	shalt  }
0x58: {  	_ =	shalt  }
0x59: {  	_ =	shalt  }
0x5a: {  	_ =	shalt  }
0x5b: {  	_ =	shalt  }
0x5c: {  	_ =	shalt  }
0x5d: {  	_ =	shalt  }
0x5e: {  	_ =	shalt  }
0x5f: {  	_ =	shalt  }
0x60: {  	_ =	shalt  }
0x61: {  	_ =	shalt  }
0x62: {  	_ =	shalt  }
0x63: {  	_ =	shalt  }
0x64: {  	_ =	shalt  }
0x65: {  	_ =	shalt  }
0x66: {  	_ =	shalt  }
0x67: {  	_ =	shalt  }
0x68: {  	_ =	shalt  }
0x69: {  	_ =	shalt  }
0x6a: {  	_ =	shalt  }
0x6b: {  	_ =	shalt  }
0x6c: {  	_ =	shalt  }
0x6d: {  	_ =	shalt  }
0x6e: {  	_ =	shalt  }
0x6f: {  	_ =	shalt  }
0x70: {  	_ =	shalt  }
0x71: {  	_ =	shalt  }
0x72: {  	_ =	shalt  }
0x73: {  	_ =	shalt  }
0x74: {  	_ =	shalt  }
0x75: {  	_ =	shalt  }
0x76: {  	_ =	shalt  }
0x77: {  	_ =	shalt  }
0x78: {  	_ =	shalt  }
0x79: {  	_ =	shalt  }
0x7a: {  	_ =	shalt  }
0x7b: {  	_ =	shalt  }
0x7c: {  	_ =	shalt  }
0x7d: {  	_ =	shalt  }
0x7e: {  	_ =	shalt  }
0x7f: {  	_ =	shalt  }
0x80: {  	_ =	shalt  }
0x81: {  	_ =	shalt  }
0x82: {  	_ =	shalt  }
0x83: {  	_ =	shalt  }
0x84: {  	_ =	shalt  }
0x85: {  	_ =	shalt  }
0x86: {  	_ =	shalt  }
0x87: {  	_ =	shalt  }
.Lfunc_end0:
.L_simem_size_0:
called_computation_lowered:
.L_overlay_start_0:
0x88: {  	s2 =	sld [smem:$0x3FD9]  }
0x89: {  	s3 =	sld [smem:$0x3FFE];
	_ =	sdelay $0x1  }
0x8a: {  	s1 =	srdreg.scid  }
0x8b: {  	s0 =	sand.u32 $0x1, s1  }
0x8c: {  	s16 =	sshll.u32 s0, $0xA;
	s2 =	sadd.s32 s3, s2  }
0x8d: {  	s2 =	sadd.s32 s2, s16  }
0x8e: {  	[smem:$0x3FA7] =	sst s2  }
0x8f: {  	_ = 	snop  }
0x90: {  	(tm) =	ssettm $0x1  }
0x91: {  	s17 =	sld [smem:$0x3FFB];
	_ =	sdelay $0x3  }
0x92: {  	_ =	strace s17  }
0x93: {  	s2 =	sld [smem:$0x3FFC];
	_ =	sdelay $0x3  }
0x94: {  	_ =	strace s2  }
0x95: {  	s2 =	sld [smem:$0x3FFD];
	_ =	sdelay $0x3  }
0x96: {  	_ =	strace s2  }
0x97: {  	_ =	strace $0x8FFFFFFF  }
0x98: {  	s18 =	sld [smem:$0x3FDB];
	_ =	sdelay $0x1  }
0x99: {  	s19 =	simm.s32 $_scs_section_size  }
0x9a: {  	s4 =	simm.s32 $_size__tile_overlayer_lowered;
	s5 =	simm.s32 $_tile_overlayer_lowered  }
0x9b: {  	s22 =	simm.s32 $0x1BFF;
	s21 =	sshll.u32 s5, $0x1;
	s2 =	sadd.s32 s19, s18  }
0x9c: {  	s6 =	simm.s32 $0x0;
	s20 =	sshll.u32 s4, $0x1;
	s4 =	sadd.s32 s21, s2  }
0x9d: {  	[timem:s6], [sflag:s22] =	dma.local [hbm:s4], s20  }
0x9e: {  	_ =	swait.ge [sflag:s22], s20  }
0x9f: {  	s3 =	ssub.s32 $0x0, s20;
	[sflag:s22] =	ssyncset.done $0x0  }
0xa0: {  	[sflag:s22] =	ssyncadd.s32 s3;
	_ =	sdelay $0x1  }
0xa1: {  	s23 =	simm.s32 $0x1B8B  }
0xa2: {  	_ =	swait.ge [sflag:s23], $0x1  }
0xa3: {  	[sflag:s23] =	ssyncset.done $0x0  }
0xa4: {  	s25 =	simm.s32 $0x1B8E;
	s24 =	sld [smem:$0x3FFE];
	[sflag:s23] =	ssyncadd.s32 $0xFFFFFFFF  }
0xa5: {  	s26 =	simm.s32 $execute0_lowered;
	[smem:$0x3FD2] =	sst s25  }
0xa6: {  	s4 =	sshll.u32 s26, $0x1;
	_ =	strace $0x80000046;
	[dreg:$0x1] =	wrdreg $0xFFFFFFFF  }
0xa7: {  	s28 =	simm.s32 $_size_execute0_lowered;
	s2 =	sadd.s32 s2, s4;
	[dreg:$0x0] =	wrdreg $0x0  }
0xa8: {  	s4 =	sshll.u32 s28, $0x1;
	[dreg:$0x2] =	wrdreg s2  }
0xa9: {  	[dreg:$0x3] =	wrdreg s4  }
0xaa: {  	[dreg:$0x4] =	wrdreg $0xC0  }
0xab: {  	_ =	task [dreg:s6], $0x5FFFF  }
0xac: {  	[dreg:$0x1] =	wrdreg $0xFFFFFFFF  }
0xad: {  	[dreg:$0x0] =	wrdreg $0x60  }
0xae: {  	[dreg:$0x2] =	wrdreg s24  }
0xaf: {  	[dreg:$0x3] =	wrdreg $0x9  }
0xb0: {  	_ =	task.clear_ibuf [dreg:s6], $0x4FFFF;
	_ =	strace $0x90000046  }
0xb1: {  	s29 =	simm.s32 $0x9;
	_ =	strace $0x80000048  }
0xb2: {  	_ =	swait.ge [sflag:s29], $0x1  }
0xb3: {  	[sflag:s29] =	ssyncadd.s32 $0xFFFFFFFF  }
0xb4: {  	_ =	strace $0x90000048  }
0xb5: {  	_ =	sfence  }
0xb6: {  	s30 =	sld [smem:$0x0];
	_ =	sdelay $0x2  }
0xb7: {  	s31 =	sshll.u32 s1, $0xD;
	s1 =	sshrl.u32 s1, $0x2  }
0xb8: {  	s3 =	sand.u32 $0x4000, s31;
	s1 =	sadd.s32 s1, s30  }
0xb9: {  	s0 =	sor.u32 s3, s0;
	s1 =	sshll.u32 s1, $0x11  }
0xba: {  	s0 =	sor.u32 s1, s0  }
0xbb: {  	s0 =	sadd.s32 $0x8F2B, s0  }
0xbc: {  	[sflag:s0] =	ssyncadd.remote.s32 $0x1  }
0xbd: {  	_ =	sfence.sel $0xFFFF  }
0xbe: {  	[dreg:$0x0] =	wrdreg $0xFFFFFFFF;
	(pc) =	sbr.abs _section_cstart, $3  }
0xbf: {  	[dreg:$0x1] =	wrdreg $0xFFFFFFFF  }
0xc0: {  	_ =	task.clear_ibuf [dreg:s6], $0x2FFFF;
	_ =	strace $0x9FFFFFFF  }
0xc1: {  	(tm) =	ssettm $0x7FFFFFFF  }
tec
execute0_lowered:
.L_overlay_start_1:
0x0: {  	(tag) =	ssettag $0x1  }
0x1: {  	s4 =	rddreg [dreg:$0x0]  }
0x2: {  	s0 =	rddreg [dreg:$0x1]  }
0x3: {  	s2 =	simm.s32 $0x0;
	s3 =	srdreg.scid;
	s1 =	stileid.u32  }
0x4: {  	[smem:$0x7FF] =	sst s2;
	s5 =	sand.u32 $0x1, s3;
	s3 =	sadd.s32 $0x15600, s4  }
0x5: {  	s6 =	sshll.u32 s1, $0x5;
	s8 =	sshll.u32 s1, $0xC;
	_ =	strace $0x80000047  }
0x6: {  	s7 =	ssub.s32 $0x2, s5;
	s6 =	sadd.s32 s6, s4;
	s8 =	sadd.s32 s8, s4  }
0x7: {  	s31 =	sshll.u32 s5, $0x4;
	s10 =	sshll.u32 s5, $0xB;
	s9 =	sshrl.u32 s7, $0x1  }
0x8: {  	s4 =	sshll.u32 s1, $0x1;
	s10 =	sadd.s32 s10, s8;
	s7 =	ssub.s32 s7, s9  }
0x9: {  	s9 =	sadd.s32 s31, s6;
	s8 =	sadd.s32 $0x2AD800, s10;
	s5 =	smax.u32 s7, $0x1  }
0xa: {  	s6 =	sadd.s32 $0x10600, s9;
	s7 =	sadd.s32 $0xB600, s9;
	s9 =	sadd.s32 $0x3C800, s10  }
.LBB2_1:
0xb: {  	p0 =	sgt.u32 s4, $0x4E1  }
0xc: {  	s10 =	sadd.s32 @!p0 $0x0, s7;
	s11 =	simm.s32 @!p0 $0x0;
	s14 =	simm.s32 @!p0 $0x4  }
0xd: {  	[tilespmem:s11], [sflag:$0x4] =	stream.linear.gather @!p0 [hbm4b:s10+s11], $0x80, $0x38;
	[tilespmem:$0x8100] =	vst v63  }
0xe: {  	_ =	swait.ge @!p0 [sflag:s14], $0x80;
	p0 =	por p0, p0  }
0xf: {  	[sflag:s14] =	ssyncset.done @!p0 $0x0  }
0x10: {  	s10 =	sadd.s32 @!p0 $0x0, s6;
	s12 =	simm.s32 @!p0 $0x80;
	[sflag:s14] =	ssyncadd.s32 @!p0 $0xFFFFFF80  }
0x11: {  	[tilespmem:s12], [sflag:$0x4] =	stream.linear.gather @!p0 [hbm4b:s10+s11], $0x80, $0x38;
	[tilespmem:$0x8100] =	vst v63  }
0x12: {  	_ =	swait.ge @!p0 [sflag:s14], $0x80  }
0x13: {  	[sflag:s14] =	ssyncset.done @!p0 $0x0  }
0x14: {  	s10 =	simm.s32 @!p0 $0x100;
	[sflag:s14] =	ssyncadd.s32 @!p0 $0xFFFFFF80  }
0x15: {  	[tilespmem:s10], [sflag:$0x1] =	stream.indirect.gather @!p0 [hbm4b:s3+s12], $0x80, s11, s12, $0xb8;
	[tilespmem:$0x8100] =	vst v63  }
0x16: {  	s15 =	simm.s32 @!p0 $0x4100;
	s13 =	simm.s32 @!p0 $0x1  }
0x17: {  	[tilespmem:s15], [sflag:$0x2] =	stream.indirect.gather @!p0 [hbm4b:s3+s12], $0x80, s12, s12, $0xb8;
	[tilespmem:$0x8100] =	vst v63  }
0x18: {  	_ =	swait.ge @!p0 [sflag:s13], $0x4000  }
0x19: {  	[sflag:s13] =	ssyncset.done @!p0 $0x0  }
0x1a: {  	s12 =	simm.s32 @!p0 $0x2;
	[sflag:s13] =	ssyncadd.s32 @!p0 $0xFFFFC000  }
0x1b: {  	_ =	swait.ge @!p0 [sflag:s12], $0x4000  }
0x1c: {  	[sflag:s12] =	ssyncset.done @!p0 $0x0  }
0x1d: {  	[sflag:s12] =	ssyncadd.s32 @!p0 $0xFFFFC000  }
0x1e: {  	[hbm4b:s9+s11] =	stream.linear.scatter @!p0 [tilespmem:s10], [sflag:$0x4], $0x4000, $0x38;
	[tilespmem:$0x8100] =	vst v63  }
0x1f: {  	_ =	swait.ge @!p0 [sflag:s14], $0x4000  }
0x20: {  	[sflag:s14] =	ssyncset.done @!p0 $0x0  }
0x21: {  	s13 =	simm.s32 $0x400;
	s12 =	simm.s32 $0x200;
	[sflag:s14] =	ssyncadd.s32 @!p0 $0xFFFFC000  }
0x22: {  	[hbm4b:s8+s11] =	stream.linear.scatter @!p0 [tilespmem:s15], [sflag:$0x3], $0x4000, $0x38;
	[tilespmem:$0x8100] =	vst v63  }
0x23: {  	s10 =	sadd.s32 $0x10000, s9;
	s14 =	sadd.s32 $0x20, s4;
	s15 =	simm.s32 @!p0 $0x3  }
0x24: {  	p2 =	sgt.u32 s14, $0x4E1;
	s11 =	sadd.s32 $0x10000, s8;
	_ =	swait.ge @!p0 [sflag:s15], $0x4000  }
.LBB2_2:
0x25: {  	s16 =	sadd.s32 @!p2 s12, s7  }
0x26: {  	s17 =	simm.s32 @!p2 $0x0;
	[sflag:s15] =	ssyncset.done @!p0 $0x0;
	s18 =	smov.u32 s13  }
0x27: {  	s13 =	sadd.s32 $0x200, s13;
	s19 =	simm.s32 @!p2 $0x4;
	[sflag:s15] =	ssyncadd.s32 @!p0 $0xFFFFC000  }
0x28: {  	[tilespmem:s17], [sflag:$0x4] =	stream.linear.gather @!p2 [hbm4b:s16+s17], $0x80, $0x38;
	[tilespmem:$0x8100] =	vst v63  }
0x29: {  	p1 =	sne.s32 s13, $0x5000;
	p0 =	por p2, p2;
	_ =	swait.ge @!p2 [sflag:s19], $0x80  }
0x2a: {  	[sflag:s19] =	ssyncset.done @!p0 $0x0  }
0x2b: {  	s12 =	sadd.s32 @!p0 s12, s6;
	s15 =	simm.s32 @!p0 $0x80;
	[sflag:s19] =	ssyncadd.s32 @!p0 $0xFFFFFF80  }
0x2c: {  	[tilespmem:s15], [sflag:$0x4] =	stream.linear.gather @!p0 [hbm4b:s12+s17], $0x80, $0x38;
	[tilespmem:$0x8100] =	vst v63  }
0x2d: {  	s12 =	smov.u32 s18;
	_ =	swait.ge @!p0 [sflag:s19], $0x80  }
0x2e: {  	[sflag:s19] =	ssyncset.done @!p0 $0x0  }
0x2f: {  	s16 =	simm.s32 @!p0 $0x100;
	[sflag:s19] =	ssyncadd.s32 @!p0 $0xFFFFFF80  }
0x30: {  	[tilespmem:s16], [sflag:$0x1] =	stream.indirect.gather @!p0 [hbm4b:s3+s15], $0x80, s17, s15, $0xb8;
	[tilespmem:$0x8100] =	vst v63  }
0x31: {  	s20 =	simm.s32 @!p0 $0x1;
	s18 =	simm.s32 @!p0 $0x4100  }
0x32: {  	[tilespmem:s18], [sflag:$0x2] =	stream.indirect.gather @!p0 [hbm4b:s3+s15], $0x80, s15, s15, $0xb8;
	[tilespmem:$0x8100] =	vst v63  }
0x33: {  	_ =	swait.ge @!p0 [sflag:s20], $0x4000  }
0x34: {  	[sflag:s20] =	ssyncset.done @!p0 $0x0  }
0x35: {  	s15 =	simm.s32 @!p0 $0x2;
	[sflag:s20] =	ssyncadd.s32 @!p0 $0xFFFFC000  }
0x36: {  	_ =	swait.ge @!p0 [sflag:s15], $0x4000  }
0x37: {  	[sflag:s15] =	ssyncset.done @!p0 $0x0  }
0x38: {  	[sflag:s15] =	ssyncadd.s32 @!p0 $0xFFFFC000  }
0x39: {  	[hbm4b:s10+s17] =	stream.linear.scatter @!p0 [tilespmem:s16], [sflag:$0x4], $0x4000, $0x38;
	[tilespmem:$0x8100] =	vst v63  }
.Ltmp0:
0x3a: {  	_ =	swait.ge @!p0 [sflag:s19], $0x4000;
	(pc) =	sbr.rel @p1 .LBB2_2-.Ltmp0, $4  }
0x3b: {  	s10 =	sadd.s32 $0x10000, s10;
	[sflag:s19] =	ssyncset.done @!p0 $0x0  }
0x3c: {  	s14 =	sadd.s32 $0x20, s14;
	s15 =	simm.s32 @!p0 $0x3;
	[sflag:s19] =	ssyncadd.s32 @!p0 $0xFFFFC000  }
0x3d: {  	[hbm4b:s11+s17] =	stream.linear.scatter @!p0 [tilespmem:s18], [sflag:$0x3], $0x4000, $0x38;
	[tilespmem:$0x8100] =	vst v63  }
0x3e: {  	p2 =	sgt.u32 s14, $0x4E1;
	s11 =	sadd.s32 $0x10000, s11;
	_ =	swait.ge @!p0 [sflag:s15], $0x4000  }
0x3f: {  	s13 =	sadd.s32 @!p2 s12, s7;
	[sflag:s15] =	ssyncset.done @!p0 $0x0  }
0x40: {  	s14 =	simm.s32 @!p2 $0x0;
	s16 =	simm.s32 @!p2 $0x4;
	[sflag:s15] =	ssyncadd.s32 @!p0 $0xFFFFC000  }
0x41: {  	[tilespmem:s14], [sflag:$0x4] =	stream.linear.gather @!p2 [hbm4b:s13+s14], $0x80, $0x38;
	[tilespmem:$0x8100] =	vst v63  }
0x42: {  	p0 =	por p2, p2;
	_ =	swait.ge @!p2 [sflag:s16], $0x80  }
0x43: {  	[sflag:s16] =	ssyncset.done @!p0 $0x0  }
0x44: {  	s12 =	sadd.s32 @!p0 s12, s6;
	s13 =	simm.s32 @!p0 $0x80;
	[sflag:s16] =	ssyncadd.s32 @!p0 $0xFFFFFF80  }
0x45: {  	[tilespmem:s13], [sflag:$0x4] =	stream.linear.gather @!p0 [hbm4b:s12+s14], $0x80, $0x38;
	[tilespmem:$0x8100] =	vst v63  }
0x46: {  	_ =	swait.ge @!p0 [sflag:s16], $0x80  }
0x47: {  	[sflag:s16] =	ssyncset.done @!p0 $0x0  }
0x48: {  	s12 =	simm.s32 @!p0 $0x100;
	[sflag:s16] =	ssyncadd.s32 @!p0 $0xFFFFFF80  }
0x49: {  	[tilespmem:s12], [sflag:$0x1] =	stream.indirect.gather @!p0 [hbm4b:s3+s13], $0x80, s14, s13, $0xb8;
	[tilespmem:$0x8100] =	vst v63  }
0x4a: {  	s15 =	simm.s32 @!p0 $0x4100;
	s17 =	simm.s32 @!p0 $0x1  }
0x4b: {  	[tilespmem:s15], [sflag:$0x2] =	stream.indirect.gather @!p0 [hbm4b:s3+s13], $0x80, s13, s13, $0xb8;
	[tilespmem:$0x8100] =	vst v63  }
0x4c: {  	_ =	swait.ge @!p0 [sflag:s17], $0x4000  }
0x4d: {  	[sflag:s17] =	ssyncset.done @!p0 $0x0  }
0x4e: {  	s13 =	simm.s32 @!p0 $0x2;
	[sflag:s17] =	ssyncadd.s32 @!p0 $0xFFFFC000  }
0x4f: {  	_ =	swait.ge @!p0 [sflag:s13], $0x4000  }
0x50: {  	[sflag:s13] =	ssyncset.done @!p0 $0x0  }
0x51: {  	[sflag:s13] =	ssyncadd.s32 @!p0 $0xFFFFC000  }
0x52: {  	[hbm4b:s10+s14] =	stream.linear.scatter @!p0 [tilespmem:s12], [sflag:$0x4], $0x4000, $0x38;
	[tilespmem:$0x8100] =	vst v63  }
0x53: {  	s2 =	sadd.s32 $0x1, s2;
	_ =	swait.ge @!p0 [sflag:s16], $0x4000  }
0x54: {  	p1 =	sne.s32 s2, s5;
	[sflag:s16] =	ssyncset.done @!p0 $0x0  }
.Ltmp1:
0x55: {  	s10 =	simm.s32 @!p0 $0x3;
	[sflag:s16] =	ssyncadd.s32 @!p0 $0xFFFFC000;
	(pc) =	sbr.rel @p1 .LBB2_1-.Ltmp1, $4  }
0x56: {  	[hbm4b:s11+s14] =	stream.linear.scatter @!p0 [tilespmem:s15], [sflag:$0x3], $0x4000, $0x38;
	[tilespmem:$0x8100] =	vst v63  }
0x57: {  	_ =	swait.ge @!p0 [sflag:s10], $0x4000  }
0x58: {  	[sflag:s10] =	ssyncset.done @!p0 $0x0  }
0x59: {  	[sflag:s10] =	ssyncadd.s32 @!p0 $0xFFFFC000  }
0x5a: {  	_ =	sfence.sel $0x180000  }
0x5b: {  	[bflag:$0x0] =	sbarrier.arrive $0xFFFF  }
0x5c: {  	p0 =	sne.s32 s1, $0x0;
	_ =	strace $0x90000047  }
0x5d: {  	s0 =	sadd.s32 @!p0 $0x100000, s0;
	[bflag:$0x2] =	sbarrier.arrive $0xFFFF  }
0x5e: {  	[sflag:s0] =	ssyncadd.tile.s32 @!p0 $0x1;
	_ =	shalt  }
.Lfunc_end2:
_tile_overlayer_lowered:
.L_overlay_start_2:
0x5f: {  	(tag) =	ssettag $0x2  }
0x60: {  	s0 =	rddreg [dreg:$0x0];
	s2 =	stileid.u32  }
0x61: {  	s1 =	rddreg [dreg:$0x1];
	p0 =	sne.s32 s2, $0x0  }
0x62: {  	s3 =	rddreg [dreg:$0x2];
	[bflag:$0x3] =	sbarrier.arrive $0xFFFF;
	s2 =	simm.s32 @!p0 $0x1C03  }
0x63: {  	[timem:s3], [sflag:s2] =	dma.local @!p0 [hbm:s0], s1  }
0x64: {  	s0 =	simm.s32 @!p0 $0x3  }
0x65: {  	_ =	swait.ge @!p0 [sflag:s0], s1  }
0x66: {  	s1 =	ssub.s32 @!p0 $0x0, s1;
	[sflag:s0] =	ssyncset.done @!p0 $0x0  }
0x67: {  	[sflag:s0] =	ssyncadd.s32 @!p0 s1  }
0x68: {  	[bflag:$0x3] =	sbarrier.arrive $0xFFFF  }
0x69: {  	_ =	shalt  }

// kernel: kernel.24.cloned.1.call-start
scs
__scs_entry_jumppad:
0x0: {  	(pc) =	sbr.rel $0x88, $3  }
0x1: {  	(tag) =	ssettag $0x0;
	lr =	simm.s32 $0x1  }
0x2: {  	[smem:$0x3F80] =	sst lr;
	_ =	strace $0xD0000000  }
0x3: {  	_ = 	snop  }
0x4: {  	_ = 	snop  }
0x5: {  	_ = 	snop  }
0x6: {  	_ = 	snop  }
0x7: {  	_ = 	snop  }
__scs_overlays_trampoline_lowered:
0x8: {  	[smem:$0x3F8F] =	sst s0  }
0x9: {  	[smem:$0x3F90] =	sst s1  }
0xa: {  	[smem:$0x3F91] =	sst s2  }
0xb: {  	[smem:$0x3F92] =	sst s3  }
0xc: {  	[smem:$0x3F93] =	sst s4  }
0xd: {  	[smem:$0x3F94] =	sst s5  }
0xe: {  	[smem:$0x3F95] =	sst s6  }
0xf: {  	[smem:$0x3F96] =	sst s7  }
0x10: {  	[smem:$0x3F97] =	sst s8  }
0x11: {  	[smem:$0x3F98] =	sst s9;
	s0 =	simm.s32 @!p0 $0x0  }
0x12: {  	s1 =	sld [smem:$0x3F7E];
	s0 =	simm.s32 @p0 $0x1  }
0x13: {  	[smem:$0x3F99] =	sst s0;
	s0 =	simm.s32 @!p1 $0x0  }
0x14: {  	s2 =	sld [smem:$0x3F7D];
	s0 =	simm.s32 @p1 $0x1  }
0x15: {  	[smem:$0x3F9A] =	sst s0;
	s0 =	simm.s32 @!p2 $0x0  }
0x16: {  	s3 =	sld [smem:$0x3FDB];
	s0 =	simm.s32 @p2 $0x1  }
0x17: {  	s4 =	simm.s32 $0x1BF5;
	[smem:$0x3F9C] =	sst s0  }
0x18: {  	s0 =	sld [smem:$0x3F7F];
	_ =	swait.ge [sflag:s4], $0x0  }
0x19: {  	s7 =	sld [smem:$0x3F80]  }
0x1a: {  	s8 =	sadd.s32 $0xFFFFE003, lr  }
0x1b: {  	s9 =	sadd.s32 $0xFFFFFEF7, lr;
	s5 =	simm.s32 $0xFFFFFFFF;
	p2 =	slt.u32 s8, $0xFFFFF086  }
0x1c: {  	p1 =	slt.u32 s9, $0xF7A;
	s5 =	simm.s32 @!p2 $0x0  }
0x1d: {  	s5 =	simm.s32 @p1 $0x1;
	p0 =	seq.s32 s7, s2  }
0x1e: {  	s7 =	smul.u32 @!p0 $0xF7A, s2;
	p2 =	seq.s32 @!p0 s5, $0x0  }
0x1f: {  	s9 =	smul.u32 $0xF7A, s1;
	s8 =	simm.s32 @!p0 $0x1BF5;
	p2 =	por !p2, p0  }
0x20: {  	[sflag:s8] =	ssyncset.s32 @!p0 $0xFFFFF086;
	s6 =	sadd.s32 @!p0 s3, s7;
	s7 =	simm.s32 @!p0 $0x108  }
0x21: {  	s3 =	sadd.s32 s3, s9;
	s6 =	sadd.s32 @!p0 $0x88, s6;
	s7 =	simm.s32 @p2 $0x1082  }
0x22: {  	[simem:s7], [sflag:s8] =	dma.local @!p0 [hbm:s6], $0xF7A  }
0x23: {  	s9 =	sor.u32 $0xD0000000, s2;
	s6 =	simm.s32 $0x108;
	_ =	swait.ge @!p0 [sflag:s8], $0x0  }
0x24: {  	s3 =	sadd.s32 $0x88, s3;
	s6 =	simm.s32 @!p1 $0x1082;
	[sflag:s4] =	ssyncset.s32 $0xFFFFF086  }
0x25: {  	[simem:s6], [sflag:s4] =	dma.local [hbm:s3], $0xF7A  }
0x26: {  	[smem:$0x3F80] =	sst s1;
	(tag) =	ssettag s2;
	_ =	strace s9  }
0x27: {  	s1 =	sld [smem:$0x3F90]  }
0x28: {  	s2 =	sld [smem:$0x3F91]  }
0x29: {  	s4 =	sld [smem:$0x3F93]  }
0x2a: {  	p0 =	seq.s32 s5, $0x0;
	s5 =	sld [smem:$0x3F94]  }
0x2b: {  	s6 =	sld [smem:$0x3F95]  }
0x2c: {  	s7 =	sld [smem:$0x3F96]  }
0x2d: {  	s3 =	simm.s32 $0x108;
	s8 =	sld [smem:$0x3F97]  }
0x2e: {  	s3 =	simm.s32 @!p0 $0x1082;
	s9 =	sld [smem:$0x3F98]  }
0x2f: {  	lr =	sadd.s32 s0, s3;
	s0 =	sld [smem:$0x3F8F]  }
0x30: {  	s3 =	sld [smem:$0x3F92]  }
0x31: {  	[smem:$0x3F9B] =	sst s10  }
0x32: {  	s10 =	sld [smem:$0x3F99];
	_ =	sdelay $0x3  }
0x33: {  	p0 =	seq.s32 s10, $0x1;
	s10 =	sld [smem:$0x3F9B];
	_ =	sdelay $0x3  }
0x34: {  	[smem:$0x3F9B] =	sst s10  }
0x35: {  	s10 =	sld [smem:$0x3F9A];
	_ =	sdelay $0x3  }
0x36: {  	p1 =	seq.s32 s10, $0x1;
	s10 =	sld [smem:$0x3F9B];
	_ =	sdelay $0x3  }
0x37: {  	[smem:$0x3F9B] =	sst s10  }
0x38: {  	s10 =	sld [smem:$0x3F9C]  }
0x39: {  	_ = 	snop;
	(pc) =	sbr.ind lr, $3  }
0x3a: {  	_ = 	snop  }
0x3b: {  	_ = 	snop  }
0x3c: {  	p2 =	seq.s32 s10, $0x1;
	s10 =	sld [smem:$0x3F9B]  }
0x3d: {  	_ =	shalt  }
0x3e: {  	_ =	shalt  }
0x3f: {  	_ =	shalt  }
0x40: {  	_ =	shalt  }
0x41: {  	_ =	shalt  }
0x42: {  	_ =	shalt  }
0x43: {  	_ =	shalt  }
0x44: {  	_ =	shalt  }
0x45: {  	_ =	shalt  }
0x46: {  	_ =	shalt  }
0x47: {  	_ =	shalt  }
0x48: {  	_ =	shalt  }
0x49: {  	_ =	shalt  }
0x4a: {  	_ =	shalt  }
0x4b: {  	_ =	shalt  }
0x4c: {  	_ =	shalt  }
0x4d: {  	_ =	shalt  }
0x4e: {  	_ =	shalt  }
0x4f: {  	_ =	shalt  }
0x50: {  	_ =	shalt  }
0x51: {  	_ =	shalt  }
0x52: {  	_ =	shalt  }
0x53: {  	_ =	shalt  }
0x54: {  	_ =	shalt  }
0x55: {  	_ =	shalt  }
0x56: {  	_ =	shalt  }
0x57: {  	_ =	shalt  }
0x58: {  	_ =	shalt  }
0x59: {  	_ =	shalt  }
0x5a: {  	_ =	shalt  }
0x5b: {  	_ =	shalt  }
0x5c: {  	_ =	shalt  }
0x5d: {  	_ =	shalt  }
0x5e: {  	_ =	shalt  }
0x5f: {  	_ =	shalt  }
0x60: {  	_ =	shalt  }
0x61: {  	_ =	shalt  }
0x62: {  	_ =	shalt  }
0x63: {  	_ =	shalt  }
0x64: {  	_ =	shalt  }
0x65: {  	_ =	shalt  }
0x66: {  	_ =	shalt  }
0x67: {  	_ =	shalt  }
0x68: {  	_ =	shalt  }
0x69: {  	_ =	shalt  }
0x6a: {  	_ =	shalt  }
0x6b: {  	_ =	shalt  }
0x6c: {  	_ =	shalt  }
0x6d: {  	_ =	shalt  }
0x6e: {  	_ =	shalt  }
0x6f: {  	_ =	shalt  }
0x70: {  	_ =	shalt  }
0x71: {  	_ =	shalt  }
0x72: {  	_ =	shalt  }
0x73: {  	_ =	shalt  }
0x74: {  	_ =	shalt  }
0x75: {  	_ =	shalt  }
0x76: {  	_ =	shalt  }
0x77: {  	_ =	shalt  }
0x78: {  	_ =	shalt  }
0x79: {  	_ =	shalt  }
0x7a: {  	_ =	shalt  }
0x7b: {  	_ =	shalt  }
0x7c: {  	_ =	shalt  }
0x7d: {  	_ =	shalt  }
0x7e: {  	_ =	shalt  }
0x7f: {  	_ =	shalt  }
0x80: {  	_ =	shalt  }
0x81: {  	_ =	shalt  }
0x82: {  	_ =	shalt  }
0x83: {  	_ =	shalt  }
0x84: {  	_ =	shalt  }
0x85: {  	_ =	shalt  }
0x86: {  	_ =	shalt  }
0x87: {  	_ =	shalt  }
.Lfunc_end0:
.L_simem_size_0:
called_computation.1_lowered:
.L_overlay_start_0:
0x88: {  	s2 =	sld [smem:$0x3FD9]  }
0x89: {  	s3 =	sld [smem:$0x3FFE];
	_ =	sdelay $0x1  }
0x8a: {  	s1 =	srdreg.scid  }
0x8b: {  	s0 =	sand.u32 $0x1, s1  }
0x8c: {  	s16 =	sshll.u32 s0, $0xA;
	s2 =	sadd.s32 s3, s2  }
0x8d: {  	s2 =	sadd.s32 s2, s16  }
0x8e: {  	[smem:$0x3FA7] =	sst s2  }
0x8f: {  	_ = 	snop  }
0x90: {  	(tm) =	ssettm $0x1  }
0x91: {  	s17 =	sld [smem:$0x3FFB];
	_ =	sdelay $0x3  }
0x92: {  	_ =	strace s17  }
0x93: {  	s2 =	sld [smem:$0x3FFC];
	_ =	sdelay $0x3  }
0x94: {  	_ =	strace s2  }
0x95: {  	s2 =	sld [smem:$0x3FFD];
	_ =	sdelay $0x3  }
0x96: {  	_ =	strace s2  }
0x97: {  	_ =	strace $0x8FFFFFFF  }
0x98: {  	s18 =	sld [smem:$0x3FDB];
	_ =	sdelay $0x1  }
0x99: {  	s19 =	simm.s32 $_scs_section_size  }
0x9a: {  	s4 =	simm.s32 $_size__tile_overlayer_lowered;
	s5 =	simm.s32 $_tile_overlayer_lowered  }
0x9b: {  	s22 =	simm.s32 $0x1BFF;
	s21 =	sshll.u32 s5, $0x1;
	s2 =	sadd.s32 s19, s18  }
0x9c: {  	s6 =	simm.s32 $0x0;
	s20 =	sshll.u32 s4, $0x1;
	s4 =	sadd.s32 s21, s2  }
0x9d: {  	[timem:s6], [sflag:s22] =	dma.local [hbm:s4], s20  }
0x9e: {  	_ =	swait.ge [sflag:s22], s20  }
0x9f: {  	s3 =	ssub.s32 $0x0, s20;
	[sflag:s22] =	ssyncset.done $0x0  }
0xa0: {  	[sflag:s22] =	ssyncadd.s32 s3;
	_ =	sdelay $0x1  }
0xa1: {  	s23 =	simm.s32 $0x1B8B  }
0xa2: {  	_ =	swait.ge [sflag:s23], $0x1  }
0xa3: {  	[sflag:s23] =	ssyncset.done $0x0  }
0xa4: {  	s25 =	simm.s32 $0x1B8E;
	s24 =	sld [smem:$0x3FFE];
	[sflag:s23] =	ssyncadd.s32 $0xFFFFFFFF  }
0xa5: {  	s26 =	simm.s32 $execute0_lowered;
	[smem:$0x3FD2] =	sst s25  }
0xa6: {  	s4 =	sshll.u32 s26, $0x1;
	_ =	strace $0x80000049;
	[dreg:$0x1] =	wrdreg $0xFFFFFFFF  }
0xa7: {  	s28 =	simm.s32 $_size_execute0_lowered;
	s2 =	sadd.s32 s2, s4;
	[dreg:$0x0] =	wrdreg $0x0  }
0xa8: {  	s4 =	sshll.u32 s28, $0x1;
	[dreg:$0x2] =	wrdreg s2  }
0xa9: {  	[dreg:$0x3] =	wrdreg s4  }
0xaa: {  	[dreg:$0x4] =	wrdreg $0xC0  }
0xab: {  	_ =	task [dreg:s6], $0x5FFFF  }
0xac: {  	[dreg:$0x1] =	wrdreg $0xFFFFFFFF  }
0xad: {  	[dreg:$0x0] =	wrdreg $0x60  }
0xae: {  	[dreg:$0x2] =	wrdreg s24  }
0xaf: {  	[dreg:$0x3] =	wrdreg $0x0  }
0xb0: {  	[dreg:$0x4] =	wrdreg $0x9  }
0xb1: {  	_ =	task.clear_ibuf [dreg:s6], $0x5FFFF;
	_ =	strace $0x90000049  }
0xb2: {  	s29 =	simm.s32 $0x9;
	_ =	strace $0x8000004B  }
0xb3: {  	_ =	swait.ge [sflag:s29], $0x1  }
0xb4: {  	[sflag:s29] =	ssyncadd.s32 $0xFFFFFFFF  }
0xb5: {  	_ =	strace $0x9000004B  }
0xb6: {  	_ =	sfence  }
0xb7: {  	s30 =	sld [smem:$0x0];
	_ =	sdelay $0x2  }
0xb8: {  	s31 =	sshll.u32 s1, $0xD;
	s1 =	sshrl.u32 s1, $0x2  }
0xb9: {  	s3 =	sand.u32 $0x4000, s31;
	s1 =	sadd.s32 s1, s30  }
0xba: {  	s0 =	sor.u32 s3, s0;
	s1 =	sshll.u32 s1, $0x11  }
0xbb: {  	s0 =	sor.u32 s1, s0  }
0xbc: {  	s0 =	sadd.s32 $0x8F2B, s0  }
0xbd: {  	[sflag:s0] =	ssyncadd.remote.s32 $0x1  }
0xbe: {  	_ =	sfence.sel $0xFFFF  }
0xbf: {  	[dreg:$0x0] =	wrdreg $0xFFFFFFFF;
	(pc) =	sbr.abs _section_cstart, $3  }
0xc0: {  	[dreg:$0x1] =	wrdreg $0xFFFFFFFF  }
0xc1: {  	_ =	task.clear_ibuf [dreg:s6], $0x2FFFF;
	_ =	strace $0x9FFFFFFF  }
0xc2: {  	(tm) =	ssettm $0x7FFFFFFF  }
0xc3: {  	_ =	shalt  }
tec
execute0_lowered:
.L_overlay_start_1:
0x0: {  	(tag) =	ssettag $0x1  }
0x1: {  	s6 =	rddreg [dreg:$0x0]  }
0x2: {  	s1 =	rddreg [dreg:$0x1]  }
0x3: {  	s0 =	rddreg [dreg:$0x2];
	s2 =	simm.s32 $0x0;
	s12 =	stileid.u32  }
0x4: {  	s5 =	srdreg.scid;
	[smem:$0x7FF] =	sst s2;
	s3 =	sshll.u32 s12, $0xC  }
0x5: {  	s4 =	sshll.u32 s12, $0x5;
	s7 =	smul.u32 $0x13800, s12;
	s9 =	sand.u32 $0x1, s5  }
0x6: {  	s24 =	smul.u32 $0x4E000, s12;
	s13 =	sadd.s32 $0x7B6A00, s6;
	s28 =	sshll.u32 s12, $0x6  }
0x7: {  	s17 =	sadd.s32 $0x138000, s1;
	p0 =	sne.s32 s12, $0x0;
	_ =	strace $0x8000004A  }
0x8: {  	s10 =	sadd.s32 s3, s6;
	s11 =	sadd.s32 s4, s6;
	s23 =	ssub.s32 $0x2, s9  }
0x9: {  	s15 =	smul.u32 $0x138800, s9;
	s3 =	sshll.u32 s12, $0x1;
	s5 =	sor.u32 $0x1C01, s28  }
0xa: {  	s30 =	sshll.u32 s9, $0xB;
	s31 =	sshll.u32 s9, $0x4;
	s22 =	sshrl.u32 s7, $0x3  }
0xb: {  	s25 =	sshrl.u32 s23, $0x1;
	s26 =	sshrl.u32 s24, $0x2;
	s10 =	sadd.s32 s30, s10  }
0xc: {  	s11 =	sadd.s32 s31, s11;
	s8 =	sadd.s32 s22, s6;
	s14 =	ssub.s32 s23, s25  }
0xd: {  	s16 =	sadd.s32 s26, s1;
	s7 =	sadd.s32 s7, s15;
	s6 =	sadd.s32 $0x7B6800, s6  }
0xe: {  	s29 =	sshrl.u32 s15, $0x3;
	s10 =	sadd.s32 $0x51E800, s10;
	s11 =	sadd.s32 $0x10600, s11  }
0xf: {  	s4 =	sadd.s32 $0x78F800, s8;
	s7 =	sshrl.u32 s7, $0x3;
	s8 =	sadd.s32 s13, s29  }
0x10: {  	s9 =	smax.u32 s14, $0x1;
	s12 =	sshrl.u32 s16, $0x3;
	s14 =	sshrl.u32 @!p0 s17, $0x3  }
0x11: {  	s7 =	sadd.s32 s13, s7;
	s8 =	sadd.s32 $0x27000, s8;
	s13 =	simm.s32 $0x1  }
.LBB2_1:
0x12: {  	[spmem:s12], [sflag:s5] =	dma.local [hbm:s4], $0x2700  }
0x13: {  	_ =	swait.ge [sflag:s13], $0x2700  }
0x14: {  	[sflag:s13] =	ssyncset.done $0x0  }
0x15: {  	s15 =	simm.s32 @!p0 $0x1;
	[sflag:s13] =	ssyncadd.s32 $0xFFFFD900  }
0x16: {  	[spmem:s14], [sflag:s5] =	dma.local @!p0 [hbm:s6], $0x100  }
0x17: {  	s30 =	sadd.s32 $0x0, s3;
	_ =	swait.ge @!p0 [sflag:s15], $0x100  }
0x18: {  	p1 =	sgt.u32 s30, $0x4E1;
	[sflag:s15] =	ssyncset.done @!p0 $0x0  }
0x19: {  	s16 =	simm.s32 @!p1 $0x13880;
	[sflag:s15] =	ssyncadd.s32 @!p0 $0xFFFFFF00  }
0x1a: {  	s18 =	simm.s32 @!p1 $0x2;
	s15 =	simm.s32 @!p1 $0x0;
	[bflag:$0x0] =	sbarrier.arrive $0xFFFF  }
0x1b: {  	[tilespmem:s16], [sflag:$0x2] =	stream.linear.gather @!p1 [hbm4b:s11+s15], $0x80, $0x38;
	[tilespmem:$0x17900] =	vst v63  }
0x1c: {  	_ =	swait.ge @!p1 [sflag:s18], $0x80;
	p1 =	por p1, p1  }
0x1d: {  	[sflag:s18] =	ssyncset.done @!p1 $0x0  }
0x1e: {  	s19 =	simm.s32 @!p1 $0x13900;
	[sflag:s18] =	ssyncadd.s32 @!p1 $0xFFFFFF80  }
0x1f: {  	[tilespmem:s19], [sflag:$0x2] =	stream.linear.gather @!p1 [hbm4b:s10+s15], $0x4000, $0x38;
	[tilespmem:$0x17900] =	vst v63  }
0x20: {  	s31 =	sadd.s32 $0x20, s3;
	_ =	swait.ge @!p1 [sflag:s18], $0x4000  }
0x21: {  	s17 =	simm.s32 $0x40;
	p2 =	sgt.u32 s31, $0x4E1;
	[sflag:s18] =	ssyncset.done @!p1 $0x0  }
0x22: {  	s15 =	simm.s32 @!p1 $0x80;
	[sflag:s18] =	ssyncadd.s32 @!p1 $0xFFFFC000;
	s18 =	simm.s32 @!p1 $0x1  }
0x23: {  	[spmem:s1] =	stream.indirect.scatter.add.f32 @!p1 [tilespmem:s19], [sflag:$0x1], $0x80, s16, s15, $0xb8;
	[tilespmem:$0x17900] =	vst v63  }
0x24: {  	s16 =	sadd.s32 $0x200, s11;
	s15 =	sadd.s32 $0x10000, s10;
	_ =	swait.ge @!p1 [sflag:s18], $0x4000  }
.LBB2_2:
0x25: {  	s19 =	simm.s32 @!p2 $0x0  }
0x26: {  	s20 =	simm.s32 @!p2 $0x13880;
	[sflag:s18] =	ssyncset.done @!p1 $0x0;
	s21 =	smov.u32 s17  }
0x27: {  	s17 =	sadd.s32 $0x20, s17;
	s22 =	simm.s32 @!p2 $0x2;
	[sflag:s18] =	ssyncadd.s32 @!p1 $0xFFFFC000  }
0x28: {  	[tilespmem:s20], [sflag:$0x2] =	stream.linear.gather @!p2 [hbm4b:s16+s19], $0x80, $0x38;
	[tilespmem:$0x17900] =	vst v63  }
0x29: {  	p3 =	sne.s32 s17, $0x500;
	p1 =	por p2, p2;
	_ =	swait.ge @!p2 [sflag:s22], $0x80  }
0x2a: {  	[sflag:s22] =	ssyncset.done @!p1 $0x0  }
0x2b: {  	s23 =	simm.s32 @!p1 $0x13900;
	[sflag:s22] =	ssyncadd.s32 @!p1 $0xFFFFFF80  }
0x2c: {  	[tilespmem:s23], [sflag:$0x2] =	stream.linear.gather @!p1 [hbm4b:s15+s19], $0x4000, $0x38;
	[tilespmem:$0x17900] =	vst v63  }
.Ltmp0:
0x2d: {  	_ =	swait.ge @!p1 [sflag:s22], $0x4000;
	(pc) =	sbr.rel @p3 .LBB2_2-.Ltmp0, $4  }
0x2e: {  	s18 =	simm.s32 @!p1 $0x1;
	s16 =	sadd.s32 $0x200, s16;
	[sflag:s22] =	ssyncset.done @!p1 $0x0  }
0x2f: {  	s19 =	sadd.s32 s21, s3;
	s21 =	simm.s32 @!p1 $0x80;
	[sflag:s22] =	ssyncadd.s32 @!p1 $0xFFFFC000  }
0x30: {  	[spmem:s1] =	stream.indirect.scatter.add.f32 @!p1 [tilespmem:s23], [sflag:$0x1], $0x80, s20, s21, $0xb8;
	[tilespmem:$0x17900] =	vst v63  }
0x31: {  	s15 =	sadd.s32 $0x10000, s15;
	p2 =	sgt.u32 s19, $0x4E1;
	_ =	swait.ge @!p1 [sflag:s18], $0x4000  }
0x32: {  	s17 =	simm.s32 @!p2 $0x0;
	[sflag:s18] =	ssyncset.done @!p1 $0x0  }
0x33: {  	s19 =	simm.s32 @!p2 $0x13880;
	s20 =	simm.s32 @!p2 $0x2;
	[sflag:s18] =	ssyncadd.s32 @!p1 $0xFFFFC000  }
0x34: {  	[tilespmem:s19], [sflag:$0x2] =	stream.linear.gather @!p2 [hbm4b:s16+s17], $0x80, $0x38;
	[tilespmem:$0x17900] =	vst v63  }
0x35: {  	p1 =	por p2, p2;
	_ =	swait.ge @!p2 [sflag:s20], $0x80  }
0x36: {  	[sflag:s20] =	ssyncset.done @!p1 $0x0  }
0x37: {  	s16 =	simm.s32 @!p1 $0x13900;
	[sflag:s20] =	ssyncadd.s32 @!p1 $0xFFFFFF80  }
0x38: {  	[tilespmem:s16], [sflag:$0x2] =	stream.linear.gather @!p1 [hbm4b:s15+s17], $0x4000, $0x38;
	[tilespmem:$0x17900] =	vst v63  }
0x39: {  	_ =	swait.ge @!p1 [sflag:s20], $0x4000  }
0x3a: {  	[sflag:s20] =	ssyncset.done @!p1 $0x0  }
0x3b: {  	s15 =	simm.s32 @!p1 $0x1;
	s17 =	simm.s32 @!p1 $0x80;
	[sflag:s20] =	ssyncadd.s32 @!p1 $0xFFFFC000  }
0x3c: {  	[spmem:s1] =	stream.indirect.scatter.add.f32 @!p1 [tilespmem:s16], [sflag:$0x1], $0x80, s19, s17, $0xb8;
	[tilespmem:$0x17900] =	vst v63  }
0x3d: {  	_ =	swait.ge @!p1 [sflag:s15], $0x4000  }
0x3e: {  	[sflag:s15] =	ssyncset.done @!p1 $0x0  }
0x3f: {  	[sflag:s15] =	ssyncadd.s32 @!p1 $0xFFFFC000  }
0x40: {  	[bflag:$0x0] =	sbarrier.arrive $0xFFFF  }
0x41: {  	[hbm:s7], [sflag:s5] =	dma.local [spmem:s12], $0x2700  }
0x42: {  	s2 =	sadd.s32 $0x1, s2;
	_ =	swait.ge [sflag:s13], $0x2700  }
0x43: {  	p1 =	sne.s32 s2, s9;
	[sflag:s13] =	ssyncset.done $0x0  }
.Ltmp1:
0x44: {  	s15 =	simm.s32 @!p0 $0x1;
	[sflag:s13] =	ssyncadd.s32 $0xFFFFD900;
	(pc) =	sbr.rel @p1 .LBB2_1-.Ltmp1, $4  }
0x45: {  	[hbm:s8], [sflag:s5] =	dma.local @!p0 [spmem:s14], $0x100  }
0x46: {  	_ =	swait.ge @!p0 [sflag:s15], $0x100  }
0x47: {  	[sflag:s15] =	ssyncset.done @!p0 $0x0  }
0x48: {  	[sflag:s15] =	ssyncadd.s32 @!p0 $0xFFFFFF00  }
0x49: {  	_ =	sfence.sel $0x180000  }
0x4a: {  	[bflag:$0x0] =	sbarrier.arrive $0xFFFF  }
0x4b: {  	_ =	strace $0x9000004A  }
0x4c: {  	s0 =	sadd.s32 @!p0 $0x100000, s0;
	[bflag:$0x2] =	sbarrier.arrive $0xFFFF  }
0x4d: {  	[sflag:s0] =	ssyncadd.tile.s32 @!p0 $0x1;
	_ =	shalt  }
.Lfunc_end2:
_tile_overlayer_lowered:
.L_overlay_start_2:
0x4e: {  	(tag) =	ssettag $0x2  }
0x4f: {  	s0 =	rddreg [dreg:$0x0];
	s2 =	stileid.u32  }
0x50: {  	s1 =	rddreg [dreg:$0x1];
	p0 =	sne.s32 s2, $0x0  }
0x51: {  	s3 =	rddreg [dreg:$0x2];
	[bflag:$0x3] =	sbarrier.arrive $0xFFFF;
	s2 =	simm.s32 @!p0 $0x1C01  }
0x52: {  	[timem:s3], [sflag:s2] =	dma.local @!p0 [hbm:s0], s1  }
0x53: {  	s0 =	simm.s32 @!p0 $0x1  }
0x54: {  	_ =	swait.ge @!p0 [sflag:s0], s1  }
0x55: {  	s1 =	ssub.s32 @!p0 $0x0, s1;
	[sflag:s0] =	ssyncset.done @!p0 $0x0  }
0x56: {  	[sflag:s0] =	ssyncadd.s32 @!p0 s1  }
0x57: {  	[bflag:$0x3] =	sbarrier.arrive $0xFFFF  }
0x58: {  	_ =	shalt  }

// kernel: kernel.27.cloned.1.call-start
scs
__scs_entry_jumppad:
0x0: {  	(pc) =	sbr.rel $0x88, $3  }
0x1: {  	(tag) =	ssettag $0x0;
	lr =	simm.s32 $0x1  }
0x2: {  	[smem:$0x3F80] =	sst lr;
	_ =	strace $0xD0000000  }
0x3: {  	_ = 	snop  }
0x4: {  	_ = 	snop  }
0x5: {  	_ = 	snop  }
0x6: {  	_ = 	snop  }
0x7: {  	_ = 	snop  }
__scs_overlays_trampoline_lowered:
0x8: {  	[smem:$0x3F8F] =	sst s0  }
0x9: {  	[smem:$0x3F90] =	sst s1  }
0xa: {  	[smem:$0x3F91] =	sst s2  }
0xb: {  	[smem:$0x3F92] =	sst s3  }
0xc: {  	[smem:$0x3F93] =	sst s4  }
0xd: {  	[smem:$0x3F94] =	sst s5  }
0xe: {  	[smem:$0x3F95] =	sst s6  }
0xf: {  	[smem:$0x3F96] =	sst s7  }
0x10: {  	[smem:$0x3F97] =	sst s8  }
0x11: {  	[smem:$0x3F98] =	sst s9;
	s0 =	simm.s32 @!p0 $0x0  }
0x12: {  	s1 =	sld [smem:$0x3F7E];
	s0 =	simm.s32 @p0 $0x1  }
0x13: {  	[smem:$0x3F99] =	sst s0;
	s0 =	simm.s32 @!p1 $0x0  }
0x14: {  	s2 =	sld [smem:$0x3F7D];
	s0 =	simm.s32 @p1 $0x1  }
0x15: {  	[smem:$0x3F9A] =	sst s0;
	s0 =	simm.s32 @!p2 $0x0  }
0x16: {  	s3 =	sld [smem:$0x3FDB];
	s0 =	simm.s32 @p2 $0x1  }
0x17: {  	s4 =	simm.s32 $0x1BF5;
	[smem:$0x3F9C] =	sst s0  }
0x18: {  	s0 =	sld [smem:$0x3F7F];
	_ =	swait.ge [sflag:s4], $0x0  }
0x19: {  	s7 =	sld [smem:$0x3F80]  }
0x1a: {  	s8 =	sadd.s32 $0xFFFFE003, lr  }
0x1b: {  	s9 =	sadd.s32 $0xFFFFFEF7, lr;
	s5 =	simm.s32 $0xFFFFFFFF;
	p2 =	slt.u32 s8, $0xFFFFF086  }
0x1c: {  	p1 =	slt.u32 s9, $0xF7A;
	s5 =	simm.s32 @!p2 $0x0  }
0x1d: {  	s5 =	simm.s32 @p1 $0x1;
	p0 =	seq.s32 s7, s2  }
0x1e: {  	s7 =	smul.u32 @!p0 $0xF7A, s2;
	p2 =	seq.s32 @!p0 s5, $0x0  }
0x1f: {  	s9 =	smul.u32 $0xF7A, s1;
	s8 =	simm.s32 @!p0 $0x1BF5;
	p2 =	por !p2, p0  }
0x20: {  	[sflag:s8] =	ssyncset.s32 @!p0 $0xFFFFF086;
	s6 =	sadd.s32 @!p0 s3, s7;
	s7 =	simm.s32 @!p0 $0x108  }
0x21: {  	s3 =	sadd.s32 s3, s9;
	s6 =	sadd.s32 @!p0 $0x88, s6;
	s7 =	simm.s32 @p2 $0x1082  }
0x22: {  	[simem:s7], [sflag:s8] =	dma.local @!p0 [hbm:s6], $0xF7A  }
0x23: {  	s9 =	sor.u32 $0xD0000000, s2;
	s6 =	simm.s32 $0x108;
	_ =	swait.ge @!p0 [sflag:s8], $0x0  }
0x24: {  	s3 =	sadd.s32 $0x88, s3;
	s6 =	simm.s32 @!p1 $0x1082;
	[sflag:s4] =	ssyncset.s32 $0xFFFFF086  }
0x25: {  	[simem:s6], [sflag:s4] =	dma.local [hbm:s3], $0xF7A  }
0x26: {  	[smem:$0x3F80] =	sst s1;
	(tag) =	ssettag s2;
	_ =	strace s9  }
0x27: {  	s1 =	sld [smem:$0x3F90]  }
0x28: {  	s2 =	sld [smem:$0x3F91]  }
0x29: {  	s4 =	sld [smem:$0x3F93]  }
0x2a: {  	p0 =	seq.s32 s5, $0x0;
	s5 =	sld [smem:$0x3F94]  }
0x2b: {  	s6 =	sld [smem:$0x3F95]  }
0x2c: {  	s7 =	sld [smem:$0x3F96]  }
0x2d: {  	s3 =	simm.s32 $0x108;
	s8 =	sld [smem:$0x3F97]  }
0x2e: {  	s3 =	simm.s32 @!p0 $0x1082;
	s9 =	sld [smem:$0x3F98]  }
0x2f: {  	lr =	sadd.s32 s0, s3;
	s0 =	sld [smem:$0x3F8F]  }
0x30: {  	s3 =	sld [smem:$0x3F92]  }
0x31: {  	[smem:$0x3F9B] =	sst s10  }
0x32: {  	s10 =	sld [smem:$0x3F99];
	_ =	sdelay $0x3  }
0x33: {  	p0 =	seq.s32 s10, $0x1;
	s10 =	sld [smem:$0x3F9B];
	_ =	sdelay $0x3  }
0x34: {  	[smem:$0x3F9B] =	sst s10  }
0x35: {  	s10 =	sld [smem:$0x3F9A];
	_ =	sdelay $0x3  }
0x36: {  	p1 =	seq.s32 s10, $0x1;
	s10 =	sld [smem:$0x3F9B];
	_ =	sdelay $0x3  }
0x37: {  	[smem:$0x3F9B] =	sst s10  }
0x38: {  	s10 =	sld [smem:$0x3F9C]  }
0x39: {  	_ = 	snop;
	(pc) =	sbr.ind lr, $3  }
0x3a: {  	_ = 	snop  }
0x3b: {  	_ = 	snop  }
0x3c: {  	p2 =	seq.s32 s10, $0x1;
	s10 =	sld [smem:$0x3F9B]  }
0x3d: {  	_ =	shalt  }
0x3e: {  	_ =	shalt  }
0x3f: {  	_ =	shalt  }
0x40: {  	_ =	shalt  }
0x41: {  	_ =	shalt  }
0x42: {  	_ =	shalt  }
0x43: {  	_ =	shalt  }
0x44: {  	_ =	shalt  }
0x45: {  	_ =	shalt  }
0x46: {  	_ =	shalt  }
0x47: {  	_ =	shalt  }
0x48: {  	_ =	shalt  }
0x49: {  	_ =	shalt  }
0x4a: {  	_ =	shalt  }
0x4b: {  	_ =	shalt  }
0x4c: {  	_ =	shalt  }
0x4d: {  	_ =	shalt  }
0x4e: {  	_ =	shalt  }
0x4f: {  	_ =	shalt  }
0x50: {  	_ =	shalt  }
0x51: {  	_ =	shalt  }
0x52: {  	_ =	shalt  }
0x53: {  	_ =	shalt  }
0x54: {  	_ =	shalt  }
0x55: {  	_ =	shalt  }
0x56: {  	_ =	shalt  }
0x57: {  	_ =	shalt  }
0x58: {  	_ =	shalt  }
0x59: {  	_ =	shalt  }
0x5a: {  	_ =	shalt  }
0x5b: {  	_ =	shalt  }
0x5c: {  	_ =	shalt  }
0x5d: {  	_ =	shalt  }
0x5e: {  	_ =	shalt  }
0x5f: {  	_ =	shalt  }
0x60: {  	_ =	shalt  }
0x61: {  	_ =	shalt  }
0x62: {  	_ =	shalt  }
0x63: {  	_ =	shalt  }
0x64: {  	_ =	shalt  }
0x65: {  	_ =	shalt  }
0x66: {  	_ =	shalt  }
0x67: {  	_ =	shalt  }
0x68: {  	_ =	shalt  }
0x69: {  	_ =	shalt  }
0x6a: {  	_ =	shalt  }
0x6b: {  	_ =	shalt  }
0x6c: {  	_ =	shalt  }
0x6d: {  	_ =	shalt  }
0x6e: {  	_ =	shalt  }
0x6f: {  	_ =	shalt  }
0x70: {  	_ =	shalt  }
0x71: {  	_ =	shalt  }
0x72: {  	_ =	shalt  }
0x73: {  	_ =	shalt  }
0x74: {  	_ =	shalt  }
0x75: {  	_ =	shalt  }
0x76: {  	_ =	shalt  }
0x77: {  	_ =	shalt  }
0x78: {  	_ =	shalt  }
0x79: {  	_ =	shalt  }
0x7a: {  	_ =	shalt  }
0x7b: {  	_ =	shalt  }
0x7c: {  	_ =	shalt  }
0x7d: {  	_ =	shalt  }
0x7e: {  	_ =	shalt  }
0x7f: {  	_ =	shalt  }
0x80: {  	_ =	shalt  }
0x81: {  	_ =	shalt  }
0x82: {  	_ =	shalt  }
0x83: {  	_ =	shalt  }
0x84: {  	_ =	shalt  }
0x85: {  	_ =	shalt  }
0x86: {  	_ =	shalt  }
0x87: {  	_ =	shalt  }
.Lfunc_end0:
.L_simem_size_0:
called_computation.2_lowered:
.L_overlay_start_0:
0x88: {  	s2 =	sld [smem:$0x3FD9]  }
0x89: {  	s3 =	sld [smem:$0x3FFE];
	_ =	sdelay $0x1  }
0x8a: {  	s1 =	srdreg.scid  }
0x8b: {  	s0 =	sand.u32 $0x1, s1  }
0x8c: {  	s16 =	sshll.u32 s0, $0xA;
	s2 =	sadd.s32 s3, s2  }
0x8d: {  	s2 =	sadd.s32 s2, s16  }
0x8e: {  	[smem:$0x3FA7] =	sst s2  }
0x8f: {  	_ = 	snop  }
0x90: {  	(tm) =	ssettm $0x1  }
0x91: {  	s17 =	sld [smem:$0x3FFB];
	_ =	sdelay $0x3  }
0x92: {  	_ =	strace s17  }
0x93: {  	s2 =	sld [smem:$0x3FFC];
	_ =	sdelay $0x3  }
0x94: {  	_ =	strace s2  }
0x95: {  	s2 =	sld [smem:$0x3FFD];
	_ =	sdelay $0x3  }
0x96: {  	_ =	strace s2  }
0x97: {  	_ =	strace $0x8FFFFFFF  }
0x98: {  	s18 =	sld [smem:$0x3FDB];
	_ =	sdelay $0x1  }
0x99: {  	s19 =	simm.s32 $_scs_section_size  }
0x9a: {  	s4 =	simm.s32 $_size__tile_overlayer_lowered;
	s5 =	simm.s32 $_tile_overlayer_lowered  }
0x9b: {  	s22 =	simm.s32 $0x1BFF;
	s21 =	sshll.u32 s5, $0x1;
	s2 =	sadd.s32 s19, s18  }
0x9c: {  	s6 =	simm.s32 $0x0;
	s20 =	sshll.u32 s4, $0x1;
	s4 =	sadd.s32 s21, s2  }
0x9d: {  	[timem:s6], [sflag:s22] =	dma.local [hbm:s4], s20  }
0x9e: {  	_ =	swait.ge [sflag:s22], s20  }
0x9f: {  	s3 =	ssub.s32 $0x0, s20;
	[sflag:s22] =	ssyncset.done $0x0  }
0xa0: {  	[sflag:s22] =	ssyncadd.s32 s3;
	_ =	sdelay $0x1  }
0xa1: {  	s23 =	simm.s32 $0x1B8B  }
0xa2: {  	_ =	swait.ge [sflag:s23], $0x1  }
0xa3: {  	[sflag:s23] =	ssyncset.done $0x0  }
0xa4: {  	s25 =	simm.s32 $0x1B8E;
	s24 =	sld [smem:$0x3FFE];
	[sflag:s23] =	ssyncadd.s32 $0xFFFFFFFF  }
0xa5: {  	s26 =	simm.s32 $execute0_lowered;
	[smem:$0x3FD2] =	sst s25  }
0xa6: {  	s4 =	sshll.u32 s26, $0x1;
	_ =	strace $0x8000004C;
	[dreg:$0x1] =	wrdreg $0xFFFFFFFF  }
0xa7: {  	s28 =	simm.s32 $_size_execute0_lowered;
	s2 =	sadd.s32 s2, s4;
	[dreg:$0x0] =	wrdreg $0x0  }
0xa8: {  	s4 =	sshll.u32 s28, $0x1;
	[dreg:$0x2] =	wrdreg s2  }
0xa9: {  	[dreg:$0x3] =	wrdreg s4  }
0xaa: {  	[dreg:$0x4] =	wrdreg $0xC0  }
0xab: {  	_ =	task [dreg:s6], $0x5FFFF  }
0xac: {  	[dreg:$0x1] =	wrdreg $0xFFFFFFFF  }
0xad: {  	[dreg:$0x0] =	wrdreg $0x60  }
0xae: {  	[dreg:$0x2] =	wrdreg s24  }
0xaf: {  	[dreg:$0x3] =	wrdreg $0x9  }
0xb0: {  	_ =	task.clear_ibuf [dreg:s6], $0x4FFFF;
	_ =	strace $0x9000004C  }
0xb1: {  	s29 =	simm.s32 $0x9;
	_ =	strace $0x8000004E  }
0xb2: {  	_ =	swait.ge [sflag:s29], $0x1  }
0xb3: {  	[sflag:s29] =	ssyncadd.s32 $0xFFFFFFFF  }
0xb4: {  	_ =	strace $0x9000004E  }
0xb5: {  	_ =	sfence  }
0xb6: {  	s30 =	sld [smem:$0x0];
	_ =	sdelay $0x2  }
0xb7: {  	s31 =	sshll.u32 s1, $0xD;
	s1 =	sshrl.u32 s1, $0x2  }
0xb8: {  	s3 =	sand.u32 $0x4000, s31;
	s1 =	sadd.s32 s1, s30  }
0xb9: {  	s0 =	sor.u32 s3, s0;
	s1 =	sshll.u32 s1, $0x11  }
0xba: {  	s0 =	sor.u32 s1, s0  }
0xbb: {  	s0 =	sadd.s32 $0x8F2B, s0  }
0xbc: {  	[sflag:s0] =	ssyncadd.remote.s32 $0x1  }
0xbd: {  	_ =	sfence.sel $0xFFFF  }
0xbe: {  	[dreg:$0x0] =	wrdreg $0xFFFFFFFF;
	(pc) =	sbr.abs _section_cstart, $3  }
0xbf: {  	[dreg:$0x1] =	wrdreg $0xFFFFFFFF  }
0xc0: {  	_ =	task.clear_ibuf [dreg:s6], $0x2FFFF;
	_ =	strace $0x9FFFFFFF  }
0xc1: {  	(tm) =	ssettm $0x7FFFFFFF  }
tec
execute0_lowered:
.L_overlay_start_1:
0x0: {  	(tag) =	ssettag $0x1  }
0x1: {  	s4 =	rddreg [dreg:$0x0]  }
0x2: {  	s0 =	rddreg [dreg:$0x1]  }
0x3: {  	s2 =	simm.s32 $0x0;
	s3 =	srdreg.scid;
	s1 =	stileid.u32  }
0x4: {  	[smem:$0x7FF] =	sst s2;
	s5 =	sand.u32 $0x1, s3;
	s3 =	sadd.s32 $0x7B6A00, s4  }
0x5: {  	s6 =	sshll.u32 s1, $0x5;
	s8 =	sshll.u32 s1, $0xC;
	_ =	strace $0x8000004D  }
0x6: {  	s7 =	ssub.s32 $0x2, s5;
	s6 =	sadd.s32 s6, s4;
	s8 =	sadd.s32 s8, s4  }
0x7: {  	s31 =	sshll.u32 s5, $0x4;
	s10 =	sshll.u32 s5, $0xB;
	s9 =	sshrl.u32 s7, $0x1  }
0x8: {  	s4 =	sshll.u32 s1, $0x1;
	s10 =	sadd.s32 s10, s8;
	s7 =	ssub.s32 s7, s9  }
0x9: {  	s9 =	sadd.s32 s31, s6;
	s8 =	sadd.s32 $0x286600, s10;
	s5 =	smax.u32 s7, $0x1  }
0xa: {  	s6 =	sadd.s32 $0x10600, s9;
	s7 =	sadd.s32 $0xB600, s9;
	s9 =	sadd.s32 $0x15600, s10  }
.LBB2_1:
0xb: {  	p0 =	sgt.u32 s4, $0x4E1  }
0xc: {  	s10 =	sadd.s32 @!p0 $0x0, s7;
	s11 =	simm.s32 @!p0 $0x0;
	s14 =	simm.s32 @!p0 $0x4  }
0xd: {  	[tilespmem:s11], [sflag:$0x4] =	stream.linear.gather @!p0 [hbm4b:s10+s11], $0x80, $0x38;
	[tilespmem:$0x8100] =	vst v63  }
0xe: {  	_ =	swait.ge @!p0 [sflag:s14], $0x80;
	p0 =	por p0, p0  }
0xf: {  	[sflag:s14] =	ssyncset.done @!p0 $0x0  }
0x10: {  	s10 =	sadd.s32 @!p0 $0x0, s6;
	s12 =	simm.s32 @!p0 $0x80;
	[sflag:s14] =	ssyncadd.s32 @!p0 $0xFFFFFF80  }
0x11: {  	[tilespmem:s12], [sflag:$0x4] =	stream.linear.gather @!p0 [hbm4b:s10+s11], $0x80, $0x38;
	[tilespmem:$0x8100] =	vst v63  }
0x12: {  	_ =	swait.ge @!p0 [sflag:s14], $0x80  }
0x13: {  	[sflag:s14] =	ssyncset.done @!p0 $0x0  }
0x14: {  	s10 =	simm.s32 @!p0 $0x100;
	[sflag:s14] =	ssyncadd.s32 @!p0 $0xFFFFFF80  }
0x15: {  	[tilespmem:s10], [sflag:$0x1] =	stream.indirect.gather @!p0 [hbm4b:s3+s12], $0x80, s11, s12, $0xb8;
	[tilespmem:$0x8100] =	vst v63  }
0x16: {  	s15 =	simm.s32 @!p0 $0x4100;
	s13 =	simm.s32 @!p0 $0x1  }
0x17: {  	[tilespmem:s15], [sflag:$0x2] =	stream.indirect.gather @!p0 [hbm4b:s3+s12], $0x80, s12, s12, $0xb8;
	[tilespmem:$0x8100] =	vst v63  }
0x18: {  	_ =	swait.ge @!p0 [sflag:s13], $0x4000  }
0x19: {  	[sflag:s13] =	ssyncset.done @!p0 $0x0  }
0x1a: {  	s12 =	simm.s32 @!p0 $0x2;
	[sflag:s13] =	ssyncadd.s32 @!p0 $0xFFFFC000  }
0x1b: {  	_ =	swait.ge @!p0 [sflag:s12], $0x4000  }
0x1c: {  	[sflag:s12] =	ssyncset.done @!p0 $0x0  }
0x1d: {  	[sflag:s12] =	ssyncadd.s32 @!p0 $0xFFFFC000  }
0x1e: {  	[hbm4b:s9+s11] =	stream.linear.scatter @!p0 [tilespmem:s10], [sflag:$0x4], $0x4000, $0x38;
	[tilespmem:$0x8100] =	vst v63  }
0x1f: {  	_ =	swait.ge @!p0 [sflag:s14], $0x4000  }
0x20: {  	[sflag:s14] =	ssyncset.done @!p0 $0x0  }
0x21: {  	s13 =	simm.s32 $0x400;
	s12 =	simm.s32 $0x200;
	[sflag:s14] =	ssyncadd.s32 @!p0 $0xFFFFC000  }
0x22: {  	[hbm4b:s8+s11] =	stream.linear.scatter @!p0 [tilespmem:s15], [sflag:$0x3], $0x4000, $0x38;
	[tilespmem:$0x8100] =	vst v63  }
0x23: {  	s10 =	sadd.s32 $0x10000, s9;
	s14 =	sadd.s32 $0x20, s4;
	s15 =	simm.s32 @!p0 $0x3  }
0x24: {  	p2 =	sgt.u32 s14, $0x4E1;
	s11 =	sadd.s32 $0x10000, s8;
	_ =	swait.ge @!p0 [sflag:s15], $0x4000  }
.LBB2_2:
0x25: {  	s16 =	sadd.s32 @!p2 s12, s7  }
0x26: {  	s17 =	simm.s32 @!p2 $0x0;
	[sflag:s15] =	ssyncset.done @!p0 $0x0;
	s18 =	smov.u32 s13  }
0x27: {  	s13 =	sadd.s32 $0x200, s13;
	s19 =	simm.s32 @!p2 $0x4;
	[sflag:s15] =	ssyncadd.s32 @!p0 $0xFFFFC000  }
0x28: {  	[tilespmem:s17], [sflag:$0x4] =	stream.linear.gather @!p2 [hbm4b:s16+s17], $0x80, $0x38;
	[tilespmem:$0x8100] =	vst v63  }
0x29: {  	p1 =	sne.s32 s13, $0x5000;
	p0 =	por p2, p2;
	_ =	swait.ge @!p2 [sflag:s19], $0x80  }
0x2a: {  	[sflag:s19] =	ssyncset.done @!p0 $0x0  }
0x2b: {  	s12 =	sadd.s32 @!p0 s12, s6;
	s15 =	simm.s32 @!p0 $0x80;
	[sflag:s19] =	ssyncadd.s32 @!p0 $0xFFFFFF80  }
0x2c: {  	[tilespmem:s15], [sflag:$0x4] =	stream.linear.gather @!p0 [hbm4b:s12+s17], $0x80, $0x38;
	[tilespmem:$0x8100] =	vst v63  }
0x2d: {  	s12 =	smov.u32 s18;
	_ =	swait.ge @!p0 [sflag:s19], $0x80  }
0x2e: {  	[sflag:s19] =	ssyncset.done @!p0 $0x0  }
0x2f: {  	s16 =	simm.s32 @!p0 $0x100;
	[sflag:s19] =	ssyncadd.s32 @!p0 $0xFFFFFF80  }
0x30: {  	[tilespmem:s16], [sflag:$0x1] =	stream.indirect.gather @!p0 [hbm4b:s3+s15], $0x80, s17, s15, $0xb8;
	[tilespmem:$0x8100] =	vst v63  }
0x31: {  	s20 =	simm.s32 @!p0 $0x1;
	s18 =	simm.s32 @!p0 $0x4100  }
0x32: {  	[tilespmem:s18], [sflag:$0x2] =	stream.indirect.gather @!p0 [hbm4b:s3+s15], $0x80, s15, s15, $0xb8;
	[tilespmem:$0x8100] =	vst v63  }
0x33: {  	_ =	swait.ge @!p0 [sflag:s20], $0x4000  }
0x34: {  	[sflag:s20] =	ssyncset.done @!p0 $0x0  }
0x35: {  	s15 =	simm.s32 @!p0 $0x2;
	[sflag:s20] =	ssyncadd.s32 @!p0 $0xFFFFC000  }
0x36: {  	_ =	swait.ge @!p0 [sflag:s15], $0x4000  }
0x37: {  	[sflag:s15] =	ssyncset.done @!p0 $0x0  }
0x38: {  	[sflag:s15] =	ssyncadd.s32 @!p0 $0xFFFFC000  }
0x39: {  	[hbm4b:s10+s17] =	stream.linear.scatter @!p0 [tilespmem:s16], [sflag:$0x4], $0x4000, $0x38;
	[tilespmem:$0x8100] =	vst v63  }
.Ltmp0:
0x3a: {  	_ =	swait.ge @!p0 [sflag:s19], $0x4000;
	(pc) =	sbr.rel @p1 .LBB2_2-.Ltmp0, $4  }
0x3b: {  	s10 =	sadd.s32 $0x10000, s10;
	[sflag:s19] =	ssyncset.done @!p0 $0x0  }
0x3c: {  	s14 =	sadd.s32 $0x20, s14;
	s15 =	simm.s32 @!p0 $0x3;
	[sflag:s19] =	ssyncadd.s32 @!p0 $0xFFFFC000  }
0x3d: {  	[hbm4b:s11+s17] =	stream.linear.scatter @!p0 [tilespmem:s18], [sflag:$0x3], $0x4000, $0x38;
	[tilespmem:$0x8100] =	vst v63  }
0x3e: {  	p2 =	sgt.u32 s14, $0x4E1;
	s11 =	sadd.s32 $0x10000, s11;
	_ =	swait.ge @!p0 [sflag:s15], $0x4000  }
0x3f: {  	s13 =	sadd.s32 @!p2 s12, s7;
	[sflag:s15] =	ssyncset.done @!p0 $0x0  }
0x40: {  	s14 =	simm.s32 @!p2 $0x0;
	s16 =	simm.s32 @!p2 $0x4;
	[sflag:s15] =	ssyncadd.s32 @!p0 $0xFFFFC000  }
0x41: {  	[tilespmem:s14], [sflag:$0x4] =	stream.linear.gather @!p2 [hbm4b:s13+s14], $0x80, $0x38;
	[tilespmem:$0x8100] =	vst v63  }
0x42: {  	p0 =	por p2, p2;
	_ =	swait.ge @!p2 [sflag:s16], $0x80  }
0x43: {  	[sflag:s16] =	ssyncset.done @!p0 $0x0  }
0x44: {  	s12 =	sadd.s32 @!p0 s12, s6;
	s13 =	simm.s32 @!p0 $0x80;
	[sflag:s16] =	ssyncadd.s32 @!p0 $0xFFFFFF80  }
0x45: {  	[tilespmem:s13], [sflag:$0x4] =	stream.linear.gather @!p0 [hbm4b:s12+s14], $0x80, $0x38;
	[tilespmem:$0x8100] =	vst v63  }
0x46: {  	_ =	swait.ge @!p0 [sflag:s16], $0x80  }
0x47: {  	[sflag:s16] =	ssyncset.done @!p0 $0x0  }
0x48: {  	s12 =	simm.s32 @!p0 $0x100;
	[sflag:s16] =	ssyncadd.s32 @!p0 $0xFFFFFF80  }
0x49: {  	[tilespmem:s12], [sflag:$0x1] =	stream.indirect.gather @!p0 [hbm4b:s3+s13], $0x80, s14, s13, $0xb8;
	[tilespmem:$0x8100] =	vst v63  }
0x4a: {  	s15 =	simm.s32 @!p0 $0x4100;
	s17 =	simm.s32 @!p0 $0x1  }
0x4b: {  	[tilespmem:s15], [sflag:$0x2] =	stream.indirect.gather @!p0 [hbm4b:s3+s13], $0x80, s13, s13, $0xb8;
	[tilespmem:$0x8100] =	vst v63  }
0x4c: {  	_ =	swait.ge @!p0 [sflag:s17], $0x4000  }
0x4d: {  	[sflag:s17] =	ssyncset.done @!p0 $0x0  }
0x4e: {  	s13 =	simm.s32 @!p0 $0x2;
	[sflag:s17] =	ssyncadd.s32 @!p0 $0xFFFFC000  }
0x4f: {  	_ =	swait.ge @!p0 [sflag:s13], $0x4000  }
0x50: {  	[sflag:s13] =	ssyncset.done @!p0 $0x0  }
0x51: {  	[sflag:s13] =	ssyncadd.s32 @!p0 $0xFFFFC000  }
0x52: {  	[hbm4b:s10+s14] =	stream.linear.scatter @!p0 [tilespmem:s12], [sflag:$0x4], $0x4000, $0x38;
	[tilespmem:$0x8100] =	vst v63  }
0x53: {  	s2 =	sadd.s32 $0x1, s2;
	_ =	swait.ge @!p0 [sflag:s16], $0x4000  }
0x54: {  	p1 =	sne.s32 s2, s5;
	[sflag:s16] =	ssyncset.done @!p0 $0x0  }
.Ltmp1:
0x55: {  	s10 =	simm.s32 @!p0 $0x3;
	[sflag:s16] =	ssyncadd.s32 @!p0 $0xFFFFC000;
	(pc) =	sbr.rel @p1 .LBB2_1-.Ltmp1, $4  }
0x56: {  	[hbm4b:s11+s14] =	stream.linear.scatter @!p0 [tilespmem:s15], [sflag:$0x3], $0x4000, $0x38;
	[tilespmem:$0x8100] =	vst v63  }
0x57: {  	_ =	swait.ge @!p0 [sflag:s10], $0x4000  }
0x58: {  	[sflag:s10] =	ssyncset.done @!p0 $0x0  }
0x59: {  	[sflag:s10] =	ssyncadd.s32 @!p0 $0xFFFFC000  }
0x5a: {  	_ =	sfence.sel $0x180000  }
0x5b: {  	[bflag:$0x0] =	sbarrier.arrive $0xFFFF  }
0x5c: {  	p0 =	sne.s32 s1, $0x0;
	_ =	strace $0x9000004D  }
0x5d: {  	s0 =	sadd.s32 @!p0 $0x100000, s0;
	[bflag:$0x2] =	sbarrier.arrive $0xFFFF  }
0x5e: {  	[sflag:s0] =	ssyncadd.tile.s32 @!p0 $0x1;
	_ =	shalt  }
.Lfunc_end2:
_tile_overlayer_lowered:
.L_overlay_start_2:
0x5f: {  	(tag) =	ssettag $0x2  }
0x60: {  	s0 =	rddreg [dreg:$0x0];
	s2 =	stileid.u32  }
0x61: {  	s1 =	rddreg [dreg:$0x1];
	p0 =	sne.s32 s2, $0x0  }
0x62: {  	s3 =	rddreg [dreg:$0x2];
	[bflag:$0x3] =	sbarrier.arrive $0xFFFF;
	s2 =	simm.s32 @!p0 $0x1C03  }
0x63: {  	[timem:s3], [sflag:s2] =	dma.local @!p0 [hbm:s0], s1  }
0x64: {  	s0 =	simm.s32 @!p0 $0x3  }
0x65: {  	_ =	swait.ge @!p0 [sflag:s0], s1  }
0x66: {  	s1 =	ssub.s32 @!p0 $0x0, s1;
	[sflag:s0] =	ssyncset.done @!p0 $0x0  }
0x67: {  	[sflag:s0] =	ssyncadd.s32 @!p0 s1  }
0x68: {  	[bflag:$0x3] =	sbarrier.arrive $0xFFFF  }
0x69: {  	_ =	shalt  }

// kernel: kernel.30.cloned.1.call-start
scs
__scs_entry_jumppad:
0x0: {  	(pc) =	sbr.rel $0x88, $3  }
0x1: {  	(tag) =	ssettag $0x0;
	lr =	simm.s32 $0x1  }
0x2: {  	[smem:$0x3F80] =	sst lr;
	_ =	strace $0xD0000000  }
0x3: {  	_ = 	snop  }
0x4: {  	_ = 	snop  }
0x5: {  	_ = 	snop  }
0x6: {  	_ = 	snop  }
0x7: {  	_ = 	snop  }
__scs_overlays_trampoline_lowered:
0x8: {  	[smem:$0x3F8F] =	sst s0  }
0x9: {  	[smem:$0x3F90] =	sst s1  }
0xa: {  	[smem:$0x3F91] =	sst s2  }
0xb: {  	[smem:$0x3F92] =	sst s3  }
0xc: {  	[smem:$0x3F93] =	sst s4  }
0xd: {  	[smem:$0x3F94] =	sst s5  }
0xe: {  	[smem:$0x3F95] =	sst s6  }
0xf: {  	[smem:$0x3F96] =	sst s7  }
0x10: {  	[smem:$0x3F97] =	sst s8  }
0x11: {  	[smem:$0x3F98] =	sst s9;
	s0 =	simm.s32 @!p0 $0x0  }
0x12: {  	s1 =	sld [smem:$0x3F7E];
	s0 =	simm.s32 @p0 $0x1  }
0x13: {  	[smem:$0x3F99] =	sst s0;
	s0 =	simm.s32 @!p1 $0x0  }
0x14: {  	s2 =	sld [smem:$0x3F7D];
	s0 =	simm.s32 @p1 $0x1  }
0x15: {  	[smem:$0x3F9A] =	sst s0;
	s0 =	simm.s32 @!p2 $0x0  }
0x16: {  	s3 =	sld [smem:$0x3FDB];
	s0 =	simm.s32 @p2 $0x1  }
0x17: {  	s4 =	simm.s32 $0x1BF5;
	[smem:$0x3F9C] =	sst s0  }
0x18: {  	s0 =	sld [smem:$0x3F7F];
	_ =	swait.ge [sflag:s4], $0x0  }
0x19: {  	s7 =	sld [smem:$0x3F80]  }
0x1a: {  	s8 =	sadd.s32 $0xFFFFE003, lr  }
0x1b: {  	s9 =	sadd.s32 $0xFFFFFEF7, lr;
	s5 =	simm.s32 $0xFFFFFFFF;
	p2 =	slt.u32 s8, $0xFFFFF086  }
0x1c: {  	p1 =	slt.u32 s9, $0xF7A;
	s5 =	simm.s32 @!p2 $0x0  }
0x1d: {  	s5 =	simm.s32 @p1 $0x1;
	p0 =	seq.s32 s7, s2  }
0x1e: {  	s7 =	smul.u32 @!p0 $0xF7A, s2;
	p2 =	seq.s32 @!p0 s5, $0x0  }
0x1f: {  	s9 =	smul.u32 $0xF7A, s1;
	s8 =	simm.s32 @!p0 $0x1BF5;
	p2 =	por !p2, p0  }
0x20: {  	[sflag:s8] =	ssyncset.s32 @!p0 $0xFFFFF086;
	s6 =	sadd.s32 @!p0 s3, s7;
	s7 =	simm.s32 @!p0 $0x108  }
0x21: {  	s3 =	sadd.s32 s3, s9;
	s6 =	sadd.s32 @!p0 $0x88, s6;
	s7 =	simm.s32 @p2 $0x1082  }
0x22: {  	[simem:s7], [sflag:s8] =	dma.local @!p0 [hbm:s6], $0xF7A  }
0x23: {  	s9 =	sor.u32 $0xD0000000, s2;
	s6 =	simm.s32 $0x108;
	_ =	swait.ge @!p0 [sflag:s8], $0x0  }
0x24: {  	s3 =	sadd.s32 $0x88, s3;
	s6 =	simm.s32 @!p1 $0x1082;
	[sflag:s4] =	ssyncset.s32 $0xFFFFF086  }
0x25: {  	[simem:s6], [sflag:s4] =	dma.local [hbm:s3], $0xF7A  }
0x26: {  	[smem:$0x3F80] =	sst s1;
	(tag) =	ssettag s2;
	_ =	strace s9  }
0x27: {  	s1 =	sld [smem:$0x3F90]  }
0x28: {  	s2 =	sld [smem:$0x3F91]  }
0x29: {  	s4 =	sld [smem:$0x3F93]  }
0x2a: {  	p0 =	seq.s32 s5, $0x0;
	s5 =	sld [smem:$0x3F94]  }
0x2b: {  	s6 =	sld [smem:$0x3F95]  }
0x2c: {  	s7 =	sld [smem:$0x3F96]  }
0x2d: {  	s3 =	simm.s32 $0x108;
	s8 =	sld [smem:$0x3F97]  }
0x2e: {  	s3 =	simm.s32 @!p0 $0x1082;
	s9 =	sld [smem:$0x3F98]  }
0x2f: {  	lr =	sadd.s32 s0, s3;
	s0 =	sld [smem:$0x3F8F]  }
0x30: {  	s3 =	sld [smem:$0x3F92]  }
0x31: {  	[smem:$0x3F9B] =	sst s10  }
0x32: {  	s10 =	sld [smem:$0x3F99];
	_ =	sdelay $0x3  }
0x33: {  	p0 =	seq.s32 s10, $0x1;
	s10 =	sld [smem:$0x3F9B];
	_ =	sdelay $0x3  }
0x34: {  	[smem:$0x3F9B] =	sst s10  }
0x35: {  	s10 =	sld [smem:$0x3F9A];
	_ =	sdelay $0x3  }
0x36: {  	p1 =	seq.s32 s10, $0x1;
	s10 =	sld [smem:$0x3F9B];
	_ =	sdelay $0x3  }
0x37: {  	[smem:$0x3F9B] =	sst s10  }
0x38: {  	s10 =	sld [smem:$0x3F9C]  }
0x39: {  	_ = 	snop;
	(pc) =	sbr.ind lr, $3  }
0x3a: {  	_ = 	snop  }
0x3b: {  	_ = 	snop  }
0x3c: {  	p2 =	seq.s32 s10, $0x1;
	s10 =	sld [smem:$0x3F9B]  }
0x3d: {  	_ =	shalt  }
0x3e: {  	_ =	shalt  }
0x3f: {  	_ =	shalt  }
0x40: {  	_ =	shalt  }
0x41: {  	_ =	shalt  }
0x42: {  	_ =	shalt  }
0x43: {  	_ =	shalt  }
0x44: {  	_ =	shalt  }
0x45: {  	_ =	shalt  }
0x46: {  	_ =	shalt  }
0x47: {  	_ =	shalt  }
0x48: {  	_ =	shalt  }
0x49: {  	_ =	shalt  }
0x4a: {  	_ =	shalt  }
0x4b: {  	_ =	shalt  }
0x4c: {  	_ =	shalt  }
0x4d: {  	_ =	shalt  }
0x4e: {  	_ =	shalt  }
0x4f: {  	_ =	shalt  }
0x50: {  	_ =	shalt  }
0x51: {  	_ =	shalt  }
0x52: {  	_ =	shalt  }
0x53: {  	_ =	shalt  }
0x54: {  	_ =	shalt  }
0x55: {  	_ =	shalt  }
0x56: {  	_ =	shalt  }
0x57: {  	_ =	shalt  }
0x58: {  	_ =	shalt  }
0x59: {  	_ =	shalt  }
0x5a: {  	_ =	shalt  }
0x5b: {  	_ =	shalt  }
0x5c: {  	_ =	shalt  }
0x5d: {  	_ =	shalt  }
0x5e: {  	_ =	shalt  }
0x5f: {  	_ =	shalt  }
0x60: {  	_ =	shalt  }
0x61: {  	_ =	shalt  }
0x62: {  	_ =	shalt  }
0x63: {  	_ =	shalt  }
0x64: {  	_ =	shalt  }
0x65: {  	_ =	shalt  }
0x66: {  	_ =	shalt  }
0x67: {  	_ =	shalt  }
0x68: {  	_ =	shalt  }
0x69: {  	_ =	shalt  }
0x6a: {  	_ =	shalt  }
0x6b: {  	_ =	shalt  }
0x6c: {  	_ =	shalt  }
0x6d: {  	_ =	shalt  }
0x6e: {  	_ =	shalt  }
0x6f: {  	_ =	shalt  }
0x70: {  	_ =	shalt  }
0x71: {  	_ =	shalt  }
0x72: {  	_ =	shalt  }
0x73: {  	_ =	shalt  }
0x74: {  	_ =	shalt  }
0x75: {  	_ =	shalt  }
0x76: {  	_ =	shalt  }
0x77: {  	_ =	shalt  }
0x78: {  	_ =	shalt  }
0x79: {  	_ =	shalt  }
0x7a: {  	_ =	shalt  }
0x7b: {  	_ =	shalt  }
0x7c: {  	_ =	shalt  }
0x7d: {  	_ =	shalt  }
0x7e: {  	_ =	shalt  }
0x7f: {  	_ =	shalt  }
0x80: {  	_ =	shalt  }
0x81: {  	_ =	shalt  }
0x82: {  	_ =	shalt  }
0x83: {  	_ =	shalt  }
0x84: {  	_ =	shalt  }
0x85: {  	_ =	shalt  }
0x86: {  	_ =	shalt  }
0x87: {  	_ =	shalt  }
.Lfunc_end0:
.L_simem_size_0:
called_computation.3_lowered:
.L_overlay_start_0:
0x88: {  	s2 =	sld [smem:$0x3FD9]  }
0x89: {  	s3 =	sld [smem:$0x3FFE];
	_ =	sdelay $0x1  }
0x8a: {  	s1 =	srdreg.scid  }
0x8b: {  	s0 =	sand.u32 $0x1, s1  }
0x8c: {  	s16 =	sshll.u32 s0, $0xA;
	s2 =	sadd.s32 s3, s2  }
0x8d: {  	s2 =	sadd.s32 s2, s16  }
0x8e: {  	[smem:$0x3FA7] =	sst s2  }
0x8f: {  	_ = 	snop  }
0x90: {  	(tm) =	ssettm $0x1  }
0x91: {  	s17 =	sld [smem:$0x3FFB];
	_ =	sdelay $0x3  }
0x92: {  	_ =	strace s17  }
0x93: {  	s2 =	sld [smem:$0x3FFC];
	_ =	sdelay $0x3  }
0x94: {  	_ =	strace s2  }
0x95: {  	s2 =	sld [smem:$0x3FFD];
	_ =	sdelay $0x3  }
0x96: {  	_ =	strace s2  }
0x97: {  	_ =	strace $0x8FFFFFFF  }
0x98: {  	s18 =	sld [smem:$0x3FDB];
	_ =	sdelay $0x1  }
0x99: {  	s19 =	simm.s32 $_scs_section_size  }
0x9a: {  	s4 =	simm.s32 $_size__tile_overlayer_lowered;
	s5 =	simm.s32 $_tile_overlayer_lowered  }
0x9b: {  	s22 =	simm.s32 $0x1BFF;
	s21 =	sshll.u32 s5, $0x1;
	s2 =	sadd.s32 s19, s18  }
0x9c: {  	s6 =	simm.s32 $0x0;
	s20 =	sshll.u32 s4, $0x1;
	s4 =	sadd.s32 s21, s2  }
0x9d: {  	[timem:s6], [sflag:s22] =	dma.local [hbm:s4], s20  }
0x9e: {  	_ =	swait.ge [sflag:s22], s20  }
0x9f: {  	s3 =	ssub.s32 $0x0, s20;
	[sflag:s22] =	ssyncset.done $0x0  }
0xa0: {  	[sflag:s22] =	ssyncadd.s32 s3;
	_ =	sdelay $0x1  }
0xa1: {  	s23 =	simm.s32 $0x1B8B  }
0xa2: {  	_ =	swait.ge [sflag:s23], $0x1  }
0xa3: {  	[sflag:s23] =	ssyncset.done $0x0  }
0xa4: {  	s25 =	simm.s32 $0x1B8E;
	s24 =	sld [smem:$0x3FFE];
	[sflag:s23] =	ssyncadd.s32 $0xFFFFFFFF  }
0xa5: {  	s26 =	simm.s32 $execute0_lowered;
	[smem:$0x3FD2] =	sst s25  }
0xa6: {  	s4 =	sshll.u32 s26, $0x1;
	_ =	strace $0x8000004F;
	[dreg:$0x1] =	wrdreg $0xFFFFFFFF  }
0xa7: {  	s28 =	simm.s32 $_size_execute0_lowered;
	s2 =	sadd.s32 s2, s4;
	[dreg:$0x0] =	wrdreg $0x0  }
0xa8: {  	s4 =	sshll.u32 s28, $0x1;
	[dreg:$0x2] =	wrdreg s2  }
0xa9: {  	[dreg:$0x3] =	wrdreg s4  }
0xaa: {  	[dreg:$0x4] =	wrdreg $0xC0  }
0xab: {  	_ =	task [dreg:s6], $0x5FFFF  }
0xac: {  	[dreg:$0x1] =	wrdreg $0xFFFFFFFF  }
0xad: {  	[dreg:$0x0] =	wrdreg $0x60  }
0xae: {  	[dreg:$0x2] =	wrdreg s24  }
0xaf: {  	[dreg:$0x3] =	wrdreg $0x0  }
0xb0: {  	[dreg:$0x4] =	wrdreg $0x9  }
0xb1: {  	_ =	task.clear_ibuf [dreg:s6], $0x5FFFF;
	_ =	strace $0x9000004F  }
0xb2: {  	s29 =	simm.s32 $0x9;
	_ =	strace $0x80000051  }
0xb3: {  	_ =	swait.ge [sflag:s29], $0x1  }
0xb4: {  	[sflag:s29] =	ssyncadd.s32 $0xFFFFFFFF  }
0xb5: {  	_ =	strace $0x90000051  }
0xb6: {  	_ =	sfence  }
0xb7: {  	s30 =	sld [smem:$0x0];
	_ =	sdelay $0x2  }
0xb8: {  	s31 =	sshll.u32 s1, $0xD;
	s1 =	sshrl.u32 s1, $0x2  }
0xb9: {  	s3 =	sand.u32 $0x4000, s31;
	s1 =	sadd.s32 s1, s30  }
0xba: {  	s0 =	sor.u32 s3, s0;
	s1 =	sshll.u32 s1, $0x11  }
0xbb: {  	s0 =	sor.u32 s1, s0  }
0xbc: {  	s0 =	sadd.s32 $0x8F2B, s0  }
0xbd: {  	[sflag:s0] =	ssyncadd.remote.s32 $0x1  }
0xbe: {  	_ =	sfence.sel $0xFFFF  }
0xbf: {  	[dreg:$0x0] =	wrdreg $0xFFFFFFFF;
	(pc) =	sbr.abs _section_cstart, $3  }
0xc0: {  	[dreg:$0x1] =	wrdreg $0xFFFFFFFF  }
0xc1: {  	_ =	task.clear_ibuf [dreg:s6], $0x2FFFF;
	_ =	strace $0x9FFFFFFF  }
0xc2: {  	(tm) =	ssettm $0x7FFFFFFF  }
0xc3: {  	_ =	shalt  }
tec
execute0_lowered:
.L_overlay_start_1:
0x0: {  	(tag) =	ssettag $0x1  }
0x1: {  	s6 =	rddreg [dreg:$0x0]  }
0x2: {  	s1 =	rddreg [dreg:$0x1]  }
0x3: {  	s0 =	rddreg [dreg:$0x2];
	s2 =	simm.s32 $0x0;
	s12 =	stileid.u32  }
0x4: {  	s5 =	srdreg.scid;
	[smem:$0x7FF] =	sst s2;
	s3 =	sshll.u32 s12, $0xC  }
0x5: {  	s4 =	sshll.u32 s12, $0x5;
	s7 =	smul.u32 $0x13800, s12;
	s9 =	sand.u32 $0x1, s5  }
0x6: {  	s24 =	smul.u32 $0x4E000, s12;
	s13 =	sadd.s32 $0x805400, s6;
	s28 =	sshll.u32 s12, $0x6  }
0x7: {  	s17 =	sadd.s32 $0x138000, s1;
	p0 =	sne.s32 s12, $0x0;
	_ =	strace $0x80000050  }
0x8: {  	s10 =	sadd.s32 s3, s6;
	s11 =	sadd.s32 s4, s6;
	s23 =	ssub.s32 $0x2, s9  }
0x9: {  	s15 =	smul.u32 $0x138800, s9;
	s3 =	sshll.u32 s12, $0x1;
	s5 =	sor.u32 $0x1C01, s28  }
0xa: {  	s30 =	sshll.u32 s9, $0xB;
	s31 =	sshll.u32 s9, $0x4;
	s22 =	sshrl.u32 s7, $0x3  }
0xb: {  	s25 =	sshrl.u32 s23, $0x1;
	s26 =	sshrl.u32 s24, $0x2;
	s10 =	sadd.s32 s30, s10  }
0xc: {  	s11 =	sadd.s32 s31, s11;
	s8 =	sadd.s32 s22, s6;
	s14 =	ssub.s32 s23, s25  }
0xd: {  	s16 =	sadd.s32 s26, s1;
	s7 =	sadd.s32 s7, s15;
	s6 =	sadd.s32 $0x7B6800, s6  }
0xe: {  	s29 =	sshrl.u32 s15, $0x3;
	s10 =	sadd.s32 $0x4F7600, s10;
	s11 =	sadd.s32 $0x10600, s11  }
0xf: {  	s4 =	sadd.s32 $0x78F800, s8;
	s7 =	sshrl.u32 s7, $0x3;
	s8 =	sadd.s32 s13, s29  }
0x10: {  	s9 =	smax.u32 s14, $0x1;
	s12 =	sshrl.u32 s16, $0x3;
	s14 =	sshrl.u32 @!p0 s17, $0x3  }
0x11: {  	s7 =	sadd.s32 s13, s7;
	s8 =	sadd.s32 $0x27000, s8;
	s13 =	simm.s32 $0x1  }
.LBB2_1:
0x12: {  	[spmem:s12], [sflag:s5] =	dma.local [hbm:s4], $0x2700  }
0x13: {  	_ =	swait.ge [sflag:s13], $0x2700  }
0x14: {  	[sflag:s13] =	ssyncset.done $0x0  }
0x15: {  	s15 =	simm.s32 @!p0 $0x1;
	[sflag:s13] =	ssyncadd.s32 $0xFFFFD900  }
0x16: {  	[spmem:s14], [sflag:s5] =	dma.local @!p0 [hbm:s6], $0x100  }
0x17: {  	s30 =	sadd.s32 $0x0, s3;
	_ =	swait.ge @!p0 [sflag:s15], $0x100  }
0x18: {  	p1 =	sgt.u32 s30, $0x4E1;
	[sflag:s15] =	ssyncset.done @!p0 $0x0  }
0x19: {  	s16 =	simm.s32 @!p1 $0x13880;
	[sflag:s15] =	ssyncadd.s32 @!p0 $0xFFFFFF00  }
0x1a: {  	s18 =	simm.s32 @!p1 $0x2;
	s15 =	simm.s32 @!p1 $0x0;
	[bflag:$0x0] =	sbarrier.arrive $0xFFFF  }
0x1b: {  	[tilespmem:s16], [sflag:$0x2] =	stream.linear.gather @!p1 [hbm4b:s11+s15], $0x80, $0x38;
	[tilespmem:$0x17900] =	vst v63  }
0x1c: {  	_ =	swait.ge @!p1 [sflag:s18], $0x80;
	p1 =	por p1, p1  }
0x1d: {  	[sflag:s18] =	ssyncset.done @!p1 $0x0  }
0x1e: {  	s19 =	simm.s32 @!p1 $0x13900;
	[sflag:s18] =	ssyncadd.s32 @!p1 $0xFFFFFF80  }
0x1f: {  	[tilespmem:s19], [sflag:$0x2] =	stream.linear.gather @!p1 [hbm4b:s10+s15], $0x4000, $0x38;
	[tilespmem:$0x17900] =	vst v63  }
0x20: {  	s31 =	sadd.s32 $0x20, s3;
	_ =	swait.ge @!p1 [sflag:s18], $0x4000  }
0x21: {  	s17 =	simm.s32 $0x40;
	p2 =	sgt.u32 s31, $0x4E1;
	[sflag:s18] =	ssyncset.done @!p1 $0x0  }
0x22: {  	s15 =	simm.s32 @!p1 $0x80;
	[sflag:s18] =	ssyncadd.s32 @!p1 $0xFFFFC000;
	s18 =	simm.s32 @!p1 $0x1  }
0x23: {  	[spmem:s1] =	stream.indirect.scatter.add.f32 @!p1 [tilespmem:s19], [sflag:$0x1], $0x80, s16, s15, $0xb8;
	[tilespmem:$0x17900] =	vst v63  }
0x24: {  	s16 =	sadd.s32 $0x200, s11;
	s15 =	sadd.s32 $0x10000, s10;
	_ =	swait.ge @!p1 [sflag:s18], $0x4000  }
.LBB2_2:
0x25: {  	s19 =	simm.s32 @!p2 $0x0  }
0x26: {  	s20 =	simm.s32 @!p2 $0x13880;
	[sflag:s18] =	ssyncset.done @!p1 $0x0;
	s21 =	smov.u32 s17  }
0x27: {  	s17 =	sadd.s32 $0x20, s17;
	s22 =	simm.s32 @!p2 $0x2;
	[sflag:s18] =	ssyncadd.s32 @!p1 $0xFFFFC000  }
0x28: {  	[tilespmem:s20], [sflag:$0x2] =	stream.linear.gather @!p2 [hbm4b:s16+s19], $0x80, $0x38;
	[tilespmem:$0x17900] =	vst v63  }
0x29: {  	p3 =	sne.s32 s17, $0x500;
	p1 =	por p2, p2;
	_ =	swait.ge @!p2 [sflag:s22], $0x80  }
0x2a: {  	[sflag:s22] =	ssyncset.done @!p1 $0x0  }
0x2b: {  	s23 =	simm.s32 @!p1 $0x13900;
	[sflag:s22] =	ssyncadd.s32 @!p1 $0xFFFFFF80  }
0x2c: {  	[tilespmem:s23], [sflag:$0x2] =	stream.linear.gather @!p1 [hbm4b:s15+s19], $0x4000, $0x38;
	[tilespmem:$0x17900] =	vst v63  }
.Ltmp0:
0x2d: {  	_ =	swait.ge @!p1 [sflag:s22], $0x4000;
	(pc) =	sbr.rel @p3 .LBB2_2-.Ltmp0, $4  }
0x2e: {  	s18 =	simm.s32 @!p1 $0x1;
	s16 =	sadd.s32 $0x200, s16;
	[sflag:s22] =	ssyncset.done @!p1 $0x0  }
0x2f: {  	s19 =	sadd.s32 s21, s3;
	s21 =	simm.s32 @!p1 $0x80;
	[sflag:s22] =	ssyncadd.s32 @!p1 $0xFFFFC000  }
0x30: {  	[spmem:s1] =	stream.indirect.scatter.add.f32 @!p1 [tilespmem:s23], [sflag:$0x1], $0x80, s20, s21, $0xb8;
	[tilespmem:$0x17900] =	vst v63  }
0x31: {  	s15 =	sadd.s32 $0x10000, s15;
	p2 =	sgt.u32 s19, $0x4E1;
	_ =	swait.ge @!p1 [sflag:s18], $0x4000  }
0x32: {  	s17 =	simm.s32 @!p2 $0x0;
	[sflag:s18] =	ssyncset.done @!p1 $0x0  }
0x33: {  	s19 =	simm.s32 @!p2 $0x13880;
	s20 =	simm.s32 @!p2 $0x2;
	[sflag:s18] =	ssyncadd.s32 @!p1 $0xFFFFC000  }
0x34: {  	[tilespmem:s19], [sflag:$0x2] =	stream.linear.gather @!p2 [hbm4b:s16+s17], $0x80, $0x38;
	[tilespmem:$0x17900] =	vst v63  }
0x35: {  	p1 =	por p2, p2;
	_ =	swait.ge @!p2 [sflag:s20], $0x80  }
0x36: {  	[sflag:s20] =	ssyncset.done @!p1 $0x0  }
0x37: {  	s16 =	simm.s32 @!p1 $0x13900;
	[sflag:s20] =	ssyncadd.s32 @!p1 $0xFFFFFF80  }
0x38: {  	[tilespmem:s16], [sflag:$0x2] =	stream.linear.gather @!p1 [hbm4b:s15+s17], $0x4000, $0x38;
	[tilespmem:$0x17900] =	vst v63  }
0x39: {  	_ =	swait.ge @!p1 [sflag:s20], $0x4000  }
0x3a: {  	[sflag:s20] =	ssyncset.done @!p1 $0x0  }
0x3b: {  	s15 =	simm.s32 @!p1 $0x1;
	s17 =	simm.s32 @!p1 $0x80;
	[sflag:s20] =	ssyncadd.s32 @!p1 $0xFFFFC000  }
0x3c: {  	[spmem:s1] =	stream.indirect.scatter.add.f32 @!p1 [tilespmem:s16], [sflag:$0x1], $0x80, s19, s17, $0xb8;
	[tilespmem:$0x17900] =	vst v63  }
0x3d: {  	_ =	swait.ge @!p1 [sflag:s15], $0x4000  }
0x3e: {  	[sflag:s15] =	ssyncset.done @!p1 $0x0  }
0x3f: {  	[sflag:s15] =	ssyncadd.s32 @!p1 $0xFFFFC000  }
0x40: {  	[bflag:$0x0] =	sbarrier.arrive $0xFFFF  }
0x41: {  	[hbm:s7], [sflag:s5] =	dma.local [spmem:s12], $0x2700  }
0x42: {  	s2 =	sadd.s32 $0x1, s2;
	_ =	swait.ge [sflag:s13], $0x2700  }
0x43: {  	p1 =	sne.s32 s2, s9;
	[sflag:s13] =	ssyncset.done $0x0  }
.Ltmp1:
0x44: {  	s15 =	simm.s32 @!p0 $0x1;
	[sflag:s13] =	ssyncadd.s32 $0xFFFFD900;
	(pc) =	sbr.rel @p1 .LBB2_1-.Ltmp1, $4  }
0x45: {  	[hbm:s8], [sflag:s5] =	dma.local @!p0 [spmem:s14], $0x100  }
0x46: {  	_ =	swait.ge @!p0 [sflag:s15], $0x100  }
0x47: {  	[sflag:s15] =	ssyncset.done @!p0 $0x0  }
0x48: {  	[sflag:s15] =	ssyncadd.s32 @!p0 $0xFFFFFF00  }
0x49: {  	_ =	sfence.sel $0x180000  }
0x4a: {  	[bflag:$0x0] =	sbarrier.arrive $0xFFFF  }
0x4b: {  	_ =	strace $0x90000050  }
0x4c: {  	s0 =	sadd.s32 @!p0 $0x100000, s0;
	[bflag:$0x2] =	sbarrier.arrive $0xFFFF  }
0x4d: {  	[sflag:s0] =	ssyncadd.tile.s32 @!p0 $0x1;
	_ =	shalt  }
.Lfunc_end2:
_tile_overlayer_lowered:
.L_overlay_start_2:
0x4e: {  	(tag) =	ssettag $0x2  }
0x4f: {  	s0 =	rddreg [dreg:$0x0];
	s2 =	stileid.u32  }
0x50: {  	s1 =	rddreg [dreg:$0x1];
	p0 =	sne.s32 s2, $0x0  }
0x51: {  	s3 =	rddreg [dreg:$0x2];
	[bflag:$0x3] =	sbarrier.arrive $0xFFFF;
	s2 =	simm.s32 @!p0 $0x1C01  }
0x52: {  	[timem:s3], [sflag:s2] =	dma.local @!p0 [hbm:s0], s1  }
0x53: {  	s0 =	simm.s32 @!p0 $0x1  }
0x54: {  	_ =	swait.ge @!p0 [sflag:s0], s1  }
0x55: {  	s1 =	ssub.s32 @!p0 $0x0, s1;
	[sflag:s0] =	ssyncset.done @!p0 $0x0  }
0x56: {  	[sflag:s0] =	ssyncadd.s32 @!p0 s1  }
0x57: {  	[bflag:$0x3] =	sbarrier.arrive $0xFFFF  }
0x58: {  	_ =	shalt  }

// kernel: kernel.33.cloned.1.call-start
scs
__scs_entry_jumppad:
0x0: {  	(pc) =	sbr.rel $0x88, $3  }
0x1: {  	(tag) =	ssettag $0x0;
	lr =	simm.s32 $0x1  }
0x2: {  	[smem:$0x3F80] =	sst lr;
	_ =	strace $0xD0000000  }
0x3: {  	_ = 	snop  }
0x4: {  	_ = 	snop  }
0x5: {  	_ = 	snop  }
0x6: {  	_ = 	snop  }
0x7: {  	_ = 	snop  }
__scs_overlays_trampoline_lowered:
0x8: {  	[smem:$0x3F8F] =	sst s0  }
0x9: {  	[smem:$0x3F90] =	sst s1  }
0xa: {  	[smem:$0x3F91] =	sst s2  }
0xb: {  	[smem:$0x3F92] =	sst s3  }
0xc: {  	[smem:$0x3F93] =	sst s4  }
0xd: {  	[smem:$0x3F94] =	sst s5  }
0xe: {  	[smem:$0x3F95] =	sst s6  }
0xf: {  	[smem:$0x3F96] =	sst s7  }
0x10: {  	[smem:$0x3F97] =	sst s8  }
0x11: {  	[smem:$0x3F98] =	sst s9;
	s0 =	simm.s32 @!p0 $0x0  }
0x12: {  	s1 =	sld [smem:$0x3F7E];
	s0 =	simm.s32 @p0 $0x1  }
0x13: {  	[smem:$0x3F99] =	sst s0;
	s0 =	simm.s32 @!p1 $0x0  }
0x14: {  	s2 =	sld [smem:$0x3F7D];
	s0 =	simm.s32 @p1 $0x1  }
0x15: {  	[smem:$0x3F9A] =	sst s0;
	s0 =	simm.s32 @!p2 $0x0  }
0x16: {  	s3 =	sld [smem:$0x3FDB];
	s0 =	simm.s32 @p2 $0x1  }
0x17: {  	s4 =	simm.s32 $0x1BF5;
	[smem:$0x3F9C] =	sst s0  }
0x18: {  	s0 =	sld [smem:$0x3F7F];
	_ =	swait.ge [sflag:s4], $0x0  }
0x19: {  	s7 =	sld [smem:$0x3F80]  }
0x1a: {  	s8 =	sadd.s32 $0xFFFFE003, lr  }
0x1b: {  	s9 =	sadd.s32 $0xFFFFFEF7, lr;
	s5 =	simm.s32 $0xFFFFFFFF;
	p2 =	slt.u32 s8, $0xFFFFF086  }
0x1c: {  	p1 =	slt.u32 s9, $0xF7A;
	s5 =	simm.s32 @!p2 $0x0  }
0x1d: {  	s5 =	simm.s32 @p1 $0x1;
	p0 =	seq.s32 s7, s2  }
0x1e: {  	s7 =	smul.u32 @!p0 $0xF7A, s2;
	p2 =	seq.s32 @!p0 s5, $0x0  }
0x1f: {  	s9 =	smul.u32 $0xF7A, s1;
	s8 =	simm.s32 @!p0 $0x1BF5;
	p2 =	por !p2, p0  }
0x20: {  	[sflag:s8] =	ssyncset.s32 @!p0 $0xFFFFF086;
	s6 =	sadd.s32 @!p0 s3, s7;
	s7 =	simm.s32 @!p0 $0x108  }
0x21: {  	s3 =	sadd.s32 s3, s9;
	s6 =	sadd.s32 @!p0 $0x88, s6;
	s7 =	simm.s32 @p2 $0x1082  }
0x22: {  	[simem:s7], [sflag:s8] =	dma.local @!p0 [hbm:s6], $0xF7A  }
0x23: {  	s9 =	sor.u32 $0xD0000000, s2;
	s6 =	simm.s32 $0x108;
	_ =	swait.ge @!p0 [sflag:s8], $0x0  }
0x24: {  	s3 =	sadd.s32 $0x88, s3;
	s6 =	simm.s32 @!p1 $0x1082;
	[sflag:s4] =	ssyncset.s32 $0xFFFFF086  }
0x25: {  	[simem:s6], [sflag:s4] =	dma.local [hbm:s3], $0xF7A  }
0x26: {  	[smem:$0x3F80] =	sst s1;
	(tag) =	ssettag s2;
	_ =	strace s9  }
0x27: {  	s1 =	sld [smem:$0x3F90]  }
0x28: {  	s2 =	sld [smem:$0x3F91]  }
0x29: {  	s4 =	sld [smem:$0x3F93]  }
0x2a: {  	p0 =	seq.s32 s5, $0x0;
	s5 =	sld [smem:$0x3F94]  }
0x2b: {  	s6 =	sld [smem:$0x3F95]  }
0x2c: {  	s7 =	sld [smem:$0x3F96]  }
0x2d: {  	s3 =	simm.s32 $0x108;
	s8 =	sld [smem:$0x3F97]  }
0x2e: {  	s3 =	simm.s32 @!p0 $0x1082;
	s9 =	sld [smem:$0x3F98]  }
0x2f: {  	lr =	sadd.s32 s0, s3;
	s0 =	sld [smem:$0x3F8F]  }
0x30: {  	s3 =	sld [smem:$0x3F92]  }
0x31: {  	[smem:$0x3F9B] =	sst s10  }
0x32: {  	s10 =	sld [smem:$0x3F99];
	_ =	sdelay $0x3  }
0x33: {  	p0 =	seq.s32 s10, $0x1;
	s10 =	sld [smem:$0x3F9B];
	_ =	sdelay $0x3  }
0x34: {  	[smem:$0x3F9B] =	sst s10  }
0x35: {  	s10 =	sld [smem:$0x3F9A];
	_ =	sdelay $0x3  }
0x36: {  	p1 =	seq.s32 s10, $0x1;
	s10 =	sld [smem:$0x3F9B];
	_ =	sdelay $0x3  }
0x37: {  	[smem:$0x3F9B] =	sst s10  }
0x38: {  	s10 =	sld [smem:$0x3F9C]  }
0x39: {  	_ = 	snop;
	(pc) =	sbr.ind lr, $3  }
0x3a: {  	_ = 	snop  }
0x3b: {  	_ = 	snop  }
0x3c: {  	p2 =	seq.s32 s10, $0x1;
	s10 =	sld [smem:$0x3F9B]  }
0x3d: {  	_ =	shalt  }
0x3e: {  	_ =	shalt  }
0x3f: {  	_ =	shalt  }
0x40: {  	_ =	shalt  }
0x41: {  	_ =	shalt  }
0x42: {  	_ =	shalt  }
0x43: {  	_ =	shalt  }
0x44: {  	_ =	shalt  }
0x45: {  	_ =	shalt  }
0x46: {  	_ =	shalt  }
0x47: {  	_ =	shalt  }
0x48: {  	_ =	shalt  }
0x49: {  	_ =	shalt  }
0x4a: {  	_ =	shalt  }
0x4b: {  	_ =	shalt  }
0x4c: {  	_ =	shalt  }
0x4d: {  	_ =	shalt  }
0x4e: {  	_ =	shalt  }
0x4f: {  	_ =	shalt  }
0x50: {  	_ =	shalt  }
0x51: {  	_ =	shalt  }
0x52: {  	_ =	shalt  }
0x53: {  	_ =	shalt  }
0x54: {  	_ =	shalt  }
0x55: {  	_ =	shalt  }
0x56: {  	_ =	shalt  }
0x57: {  	_ =	shalt  }
0x58: {  	_ =	shalt  }
0x59: {  	_ =	shalt  }
0x5a: {  	_ =	shalt  }
0x5b: {  	_ =	shalt  }
0x5c: {  	_ =	shalt  }
0x5d: {  	_ =	shalt  }
0x5e: {  	_ =	shalt  }
0x5f: {  	_ =	shalt  }
0x60: {  	_ =	shalt  }
0x61: {  	_ =	shalt  }
0x62: {  	_ =	shalt  }
0x63: {  	_ =	shalt  }
0x64: {  	_ =	shalt  }
0x65: {  	_ =	shalt  }
0x66: {  	_ =	shalt  }
0x67: {  	_ =	shalt  }
0x68: {  	_ =	shalt  }
0x69: {  	_ =	shalt  }
0x6a: {  	_ =	shalt  }
0x6b: {  	_ =	shalt  }
0x6c: {  	_ =	shalt  }
0x6d: {  	_ =	shalt  }
0x6e: {  	_ =	shalt  }
0x6f: {  	_ =	shalt  }
0x70: {  	_ =	shalt  }
0x71: {  	_ =	shalt  }
0x72: {  	_ =	shalt  }
0x73: {  	_ =	shalt  }
0x74: {  	_ =	shalt  }
0x75: {  	_ =	shalt  }
0x76: {  	_ =	shalt  }
0x77: {  	_ =	shalt  }
0x78: {  	_ =	shalt  }
0x79: {  	_ =	shalt  }
0x7a: {  	_ =	shalt  }
0x7b: {  	_ =	shalt  }
0x7c: {  	_ =	shalt  }
0x7d: {  	_ =	shalt  }
0x7e: {  	_ =	shalt  }
0x7f: {  	_ =	shalt  }
0x80: {  	_ =	shalt  }
0x81: {  	_ =	shalt  }
0x82: {  	_ =	shalt  }
0x83: {  	_ =	shalt  }
0x84: {  	_ =	shalt  }
0x85: {  	_ =	shalt  }
0x86: {  	_ =	shalt  }
0x87: {  	_ =	shalt  }
.Lfunc_end0:
.L_simem_size_0:
called_computation.4_lowered:
.L_overlay_start_0:
0x88: {  	s2 =	sld [smem:$0x3FD9]  }
0x89: {  	s3 =	sld [smem:$0x3FFE];
	_ =	sdelay $0x1  }
0x8a: {  	s1 =	srdreg.scid  }
0x8b: {  	s0 =	sand.u32 $0x1, s1  }
0x8c: {  	s16 =	sshll.u32 s0, $0xA;
	s2 =	sadd.s32 s3, s2  }
0x8d: {  	s2 =	sadd.s32 s2, s16  }
0x8e: {  	[smem:$0x3FA7] =	sst s2  }
0x8f: {  	_ = 	snop  }
0x90: {  	(tm) =	ssettm $0x1  }
0x91: {  	s17 =	sld [smem:$0x3FFB];
	_ =	sdelay $0x3  }
0x92: {  	_ =	strace s17  }
0x93: {  	s2 =	sld [smem:$0x3FFC];
	_ =	sdelay $0x3  }
0x94: {  	_ =	strace s2  }
0x95: {  	s2 =	sld [smem:$0x3FFD];
	_ =	sdelay $0x3  }
0x96: {  	_ =	strace s2  }
0x97: {  	_ =	strace $0x8FFFFFFF  }
0x98: {  	s18 =	sld [smem:$0x3FDB];
	_ =	sdelay $0x1  }
0x99: {  	s19 =	simm.s32 $_scs_section_size  }
0x9a: {  	s4 =	simm.s32 $_size__tile_overlayer_lowered;
	s5 =	simm.s32 $_tile_overlayer_lowered  }
0x9b: {  	s22 =	simm.s32 $0x1BFF;
	s21 =	sshll.u32 s5, $0x1;
	s2 =	sadd.s32 s19, s18  }
0x9c: {  	s6 =	simm.s32 $0x0;
	s20 =	sshll.u32 s4, $0x1;
	s4 =	sadd.s32 s21, s2  }
0x9d: {  	[timem:s6], [sflag:s22] =	dma.local [hbm:s4], s20  }
0x9e: {  	_ =	swait.ge [sflag:s22], s20  }
0x9f: {  	s3 =	ssub.s32 $0x0, s20;
	[sflag:s22] =	ssyncset.done $0x0  }
0xa0: {  	[sflag:s22] =	ssyncadd.s32 s3;
	_ =	sdelay $0x1  }
0xa1: {  	s23 =	simm.s32 $0x1B8B  }
0xa2: {  	_ =	swait.ge [sflag:s23], $0x1  }
0xa3: {  	[sflag:s23] =	ssyncset.done $0x0  }
0xa4: {  	s25 =	simm.s32 $0x1B8E;
	s24 =	sld [smem:$0x3FFE];
	[sflag:s23] =	ssyncadd.s32 $0xFFFFFFFF  }
0xa5: {  	s26 =	simm.s32 $execute0_lowered;
	[smem:$0x3FD2] =	sst s25  }
0xa6: {  	s4 =	sshll.u32 s26, $0x1;
	_ =	strace $0x80000052;
	[dreg:$0x1] =	wrdreg $0xFFFFFFFF  }
0xa7: {  	s28 =	simm.s32 $_size_execute0_lowered;
	s2 =	sadd.s32 s2, s4;
	[dreg:$0x0] =	wrdreg $0x0  }
0xa8: {  	s4 =	sshll.u32 s28, $0x1;
	[dreg:$0x2] =	wrdreg s2  }
0xa9: {  	[dreg:$0x3] =	wrdreg s4  }
0xaa: {  	[dreg:$0x4] =	wrdreg $0xC0  }
0xab: {  	_ =	task [dreg:s6], $0x5FFFF  }
0xac: {  	[dreg:$0x1] =	wrdreg $0xFFFFFFFF  }
0xad: {  	[dreg:$0x0] =	wrdreg $0x60  }
0xae: {  	[dreg:$0x2] =	wrdreg s24  }
0xaf: {  	[dreg:$0x3] =	wrdreg $0x9  }
0xb0: {  	_ =	task.clear_ibuf [dreg:s6], $0x4FFFF;
	_ =	strace $0x90000052  }
0xb1: {  	s29 =	simm.s32 $0x9;
	_ =	strace $0x80000054  }
0xb2: {  	_ =	swait.ge [sflag:s29], $0x1  }
0xb3: {  	[sflag:s29] =	ssyncadd.s32 $0xFFFFFFFF  }
0xb4: {  	_ =	strace $0x90000054  }
0xb5: {  	_ =	sfence  }
0xb6: {  	s30 =	sld [smem:$0x0];
	_ =	sdelay $0x2  }
0xb7: {  	s31 =	sshll.u32 s1, $0xD;
	s1 =	sshrl.u32 s1, $0x2  }
0xb8: {  	s3 =	sand.u32 $0x4000, s31;
	s1 =	sadd.s32 s1, s30  }
0xb9: {  	s0 =	sor.u32 s3, s0;
	s1 =	sshll.u32 s1, $0x11  }
0xba: {  	s0 =	sor.u32 s1, s0  }
0xbb: {  	s0 =	sadd.s32 $0x8F2B, s0  }
0xbc: {  	[sflag:s0] =	ssyncadd.remote.s32 $0x1  }
0xbd: {  	_ =	sfence.sel $0xFFFF  }
0xbe: {  	[dreg:$0x0] =	wrdreg $0xFFFFFFFF;
	(pc) =	sbr.abs _section_cstart, $3  }
0xbf: {  	[dreg:$0x1] =	wrdreg $0xFFFFFFFF  }
0xc0: {  	_ =	task.clear_ibuf [dreg:s6], $0x2FFFF;
	_ =	strace $0x9FFFFFFF  }
0xc1: {  	(tm) =	ssettm $0x7FFFFFFF  }
tec
execute0_lowered:
.L_overlay_start_1:
0x0: {  	(tag) =	ssettag $0x1  }
0x1: {  	s4 =	rddreg [dreg:$0x0]  }
0x2: {  	s0 =	rddreg [dreg:$0x1]  }
0x3: {  	s2 =	simm.s32 $0x0;
	s3 =	srdreg.scid;
	s1 =	stileid.u32  }
0x4: {  	[smem:$0x7FF] =	sst s2;
	s5 =	sand.u32 $0x1, s3;
	s3 =	sadd.s32 $0x7B6A00, s4  }
0x5: {  	s6 =	sshll.u32 s1, $0x5;
	s8 =	sshll.u32 s1, $0xC;
	_ =	strace $0x80000053  }
0x6: {  	s7 =	ssub.s32 $0x2, s5;
	s6 =	sadd.s32 s6, s4;
	s8 =	sadd.s32 s8, s4  }
0x7: {  	s31 =	sshll.u32 s5, $0x4;
	s10 =	sshll.u32 s5, $0xB;
	s9 =	sshrl.u32 s7, $0x1  }
0x8: {  	s4 =	sshll.u32 s1, $0x1;
	s10 =	sadd.s32 s10, s8;
	s7 =	ssub.s32 s7, s9  }
0x9: {  	s9 =	sadd.s32 s31, s6;
	s8 =	sadd.s32 $0x15600, s10;
	s5 =	smax.u32 s7, $0x1  }
0xa: {  	s6 =	sadd.s32 $0x10600, s9;
	s7 =	sadd.s32 $0xB600, s9;
	s9 =	sadd.s32 $0x805400, s10  }
.LBB2_1:
0xb: {  	p0 =	sgt.u32 s4, $0x4E1  }
0xc: {  	s10 =	sadd.s32 @!p0 $0x0, s7;
	s11 =	simm.s32 @!p0 $0x0;
	s14 =	simm.s32 @!p0 $0x4  }
0xd: {  	[tilespmem:s11], [sflag:$0x4] =	stream.linear.gather @!p0 [hbm4b:s10+s11], $0x80, $0x38;
	[tilespmem:$0x8100] =	vst v63  }
0xe: {  	_ =	swait.ge @!p0 [sflag:s14], $0x80;
	p0 =	por p0, p0  }
0xf: {  	[sflag:s14] =	ssyncset.done @!p0 $0x0  }
0x10: {  	s10 =	sadd.s32 @!p0 $0x0, s6;
	s12 =	simm.s32 @!p0 $0x80;
	[sflag:s14] =	ssyncadd.s32 @!p0 $0xFFFFFF80  }
0x11: {  	[tilespmem:s12], [sflag:$0x4] =	stream.linear.gather @!p0 [hbm4b:s10+s11], $0x80, $0x38;
	[tilespmem:$0x8100] =	vst v63  }
0x12: {  	_ =	swait.ge @!p0 [sflag:s14], $0x80  }
0x13: {  	[sflag:s14] =	ssyncset.done @!p0 $0x0  }
0x14: {  	s10 =	simm.s32 @!p0 $0x100;
	[sflag:s14] =	ssyncadd.s32 @!p0 $0xFFFFFF80  }
0x15: {  	[tilespmem:s10], [sflag:$0x1] =	stream.indirect.gather @!p0 [hbm4b:s3+s12], $0x80, s11, s12, $0xb8;
	[tilespmem:$0x8100] =	vst v63  }
0x16: {  	s15 =	simm.s32 @!p0 $0x4100;
	s13 =	simm.s32 @!p0 $0x1  }
0x17: {  	[tilespmem:s15], [sflag:$0x2] =	stream.indirect.gather @!p0 [hbm4b:s3+s12], $0x80, s12, s12, $0xb8;
	[tilespmem:$0x8100] =	vst v63  }
0x18: {  	_ =	swait.ge @!p0 [sflag:s13], $0x4000  }
0x19: {  	[sflag:s13] =	ssyncset.done @!p0 $0x0  }
0x1a: {  	s12 =	simm.s32 @!p0 $0x2;
	[sflag:s13] =	ssyncadd.s32 @!p0 $0xFFFFC000  }
0x1b: {  	_ =	swait.ge @!p0 [sflag:s12], $0x4000  }
0x1c: {  	[sflag:s12] =	ssyncset.done @!p0 $0x0  }
0x1d: {  	[sflag:s12] =	ssyncadd.s32 @!p0 $0xFFFFC000  }
0x1e: {  	[hbm4b:s9+s11] =	stream.linear.scatter @!p0 [tilespmem:s10], [sflag:$0x4], $0x4000, $0x38;
	[tilespmem:$0x8100] =	vst v63  }
0x1f: {  	_ =	swait.ge @!p0 [sflag:s14], $0x4000  }
0x20: {  	[sflag:s14] =	ssyncset.done @!p0 $0x0  }
0x21: {  	s13 =	simm.s32 $0x400;
	s12 =	simm.s32 $0x200;
	[sflag:s14] =	ssyncadd.s32 @!p0 $0xFFFFC000  }
0x22: {  	[hbm4b:s8+s11] =	stream.linear.scatter @!p0 [tilespmem:s15], [sflag:$0x3], $0x4000, $0x38;
	[tilespmem:$0x8100] =	vst v63  }
0x23: {  	s10 =	sadd.s32 $0x10000, s9;
	s14 =	sadd.s32 $0x20, s4;
	s15 =	simm.s32 @!p0 $0x3  }
0x24: {  	p2 =	sgt.u32 s14, $0x4E1;
	s11 =	sadd.s32 $0x10000, s8;
	_ =	swait.ge @!p0 [sflag:s15], $0x4000  }
.LBB2_2:
0x25: {  	s16 =	sadd.s32 @!p2 s12, s7  }
0x26: {  	s17 =	simm.s32 @!p2 $0x0;
	[sflag:s15] =	ssyncset.done @!p0 $0x0;
	s18 =	smov.u32 s13  }
0x27: {  	s13 =	sadd.s32 $0x200, s13;
	s19 =	simm.s32 @!p2 $0x4;
	[sflag:s15] =	ssyncadd.s32 @!p0 $0xFFFFC000  }
0x28: {  	[tilespmem:s17], [sflag:$0x4] =	stream.linear.gather @!p2 [hbm4b:s16+s17], $0x80, $0x38;
	[tilespmem:$0x8100] =	vst v63  }
0x29: {  	p1 =	sne.s32 s13, $0x5000;
	p0 =	por p2, p2;
	_ =	swait.ge @!p2 [sflag:s19], $0x80  }
0x2a: {  	[sflag:s19] =	ssyncset.done @!p0 $0x0  }
0x2b: {  	s12 =	sadd.s32 @!p0 s12, s6;
	s15 =	simm.s32 @!p0 $0x80;
	[sflag:s19] =	ssyncadd.s32 @!p0 $0xFFFFFF80  }
0x2c: {  	[tilespmem:s15], [sflag:$0x4] =	stream.linear.gather @!p0 [hbm4b:s12+s17], $0x80, $0x38;
	[tilespmem:$0x8100] =	vst v63  }
0x2d: {  	s12 =	smov.u32 s18;
	_ =	swait.ge @!p0 [sflag:s19], $0x80  }
0x2e: {  	[sflag:s19] =	ssyncset.done @!p0 $0x0  }
0x2f: {  	s16 =	simm.s32 @!p0 $0x100;
	[sflag:s19] =	ssyncadd.s32 @!p0 $0xFFFFFF80  }
0x30: {  	[tilespmem:s16], [sflag:$0x1] =	stream.indirect.gather @!p0 [hbm4b:s3+s15], $0x80, s17, s15, $0xb8;
	[tilespmem:$0x8100] =	vst v63  }
0x31: {  	s20 =	simm.s32 @!p0 $0x1;
	s18 =	simm.s32 @!p0 $0x4100  }
0x32: {  	[tilespmem:s18], [sflag:$0x2] =	stream.indirect.gather @!p0 [hbm4b:s3+s15], $0x80, s15, s15, $0xb8;
	[tilespmem:$0x8100] =	vst v63  }
0x33: {  	_ =	swait.ge @!p0 [sflag:s20], $0x4000  }
0x34: {  	[sflag:s20] =	ssyncset.done @!p0 $0x0  }
0x35: {  	s15 =	simm.s32 @!p0 $0x2;
	[sflag:s20] =	ssyncadd.s32 @!p0 $0xFFFFC000  }
0x36: {  	_ =	swait.ge @!p0 [sflag:s15], $0x4000  }
0x37: {  	[sflag:s15] =	ssyncset.done @!p0 $0x0  }
0x38: {  	[sflag:s15] =	ssyncadd.s32 @!p0 $0xFFFFC000  }
0x39: {  	[hbm4b:s10+s17] =	stream.linear.scatter @!p0 [tilespmem:s16], [sflag:$0x4], $0x4000, $0x38;
	[tilespmem:$0x8100] =	vst v63  }
.Ltmp0:
0x3a: {  	_ =	swait.ge @!p0 [sflag:s19], $0x4000;
	(pc) =	sbr.rel @p1 .LBB2_2-.Ltmp0, $4  }
0x3b: {  	s10 =	sadd.s32 $0x10000, s10;
	[sflag:s19] =	ssyncset.done @!p0 $0x0  }
0x3c: {  	s14 =	sadd.s32 $0x20, s14;
	s15 =	simm.s32 @!p0 $0x3;
	[sflag:s19] =	ssyncadd.s32 @!p0 $0xFFFFC000  }
0x3d: {  	[hbm4b:s11+s17] =	stream.linear.scatter @!p0 [tilespmem:s18], [sflag:$0x3], $0x4000, $0x38;
	[tilespmem:$0x8100] =	vst v63  }
0x3e: {  	p2 =	sgt.u32 s14, $0x4E1;
	s11 =	sadd.s32 $0x10000, s11;
	_ =	swait.ge @!p0 [sflag:s15], $0x4000  }
0x3f: {  	s13 =	sadd.s32 @!p2 s12, s7;
	[sflag:s15] =	ssyncset.done @!p0 $0x0  }
0x40: {  	s14 =	simm.s32 @!p2 $0x0;
	s16 =	simm.s32 @!p2 $0x4;
	[sflag:s15] =	ssyncadd.s32 @!p0 $0xFFFFC000  }
0x41: {  	[tilespmem:s14], [sflag:$0x4] =	stream.linear.gather @!p2 [hbm4b:s13+s14], $0x80, $0x38;
	[tilespmem:$0x8100] =	vst v63  }
0x42: {  	p0 =	por p2, p2;
	_ =	swait.ge @!p2 [sflag:s16], $0x80  }
0x43: {  	[sflag:s16] =	ssyncset.done @!p0 $0x0  }
0x44: {  	s12 =	sadd.s32 @!p0 s12, s6;
	s13 =	simm.s32 @!p0 $0x80;
	[sflag:s16] =	ssyncadd.s32 @!p0 $0xFFFFFF80  }
0x45: {  	[tilespmem:s13], [sflag:$0x4] =	stream.linear.gather @!p0 [hbm4b:s12+s14], $0x80, $0x38;
	[tilespmem:$0x8100] =	vst v63  }
0x46: {  	_ =	swait.ge @!p0 [sflag:s16], $0x80  }
0x47: {  	[sflag:s16] =	ssyncset.done @!p0 $0x0  }
0x48: {  	s12 =	simm.s32 @!p0 $0x100;
	[sflag:s16] =	ssyncadd.s32 @!p0 $0xFFFFFF80  }
0x49: {  	[tilespmem:s12], [sflag:$0x1] =	stream.indirect.gather @!p0 [hbm4b:s3+s13], $0x80, s14, s13, $0xb8;
	[tilespmem:$0x8100] =	vst v63  }
0x4a: {  	s15 =	simm.s32 @!p0 $0x4100;
	s17 =	simm.s32 @!p0 $0x1  }
0x4b: {  	[tilespmem:s15], [sflag:$0x2] =	stream.indirect.gather @!p0 [hbm4b:s3+s13], $0x80, s13, s13, $0xb8;
	[tilespmem:$0x8100] =	vst v63  }
0x4c: {  	_ =	swait.ge @!p0 [sflag:s17], $0x4000  }
0x4d: {  	[sflag:s17] =	ssyncset.done @!p0 $0x0  }
0x4e: {  	s13 =	simm.s32 @!p0 $0x2;
	[sflag:s17] =	ssyncadd.s32 @!p0 $0xFFFFC000  }
0x4f: {  	_ =	swait.ge @!p0 [sflag:s13], $0x4000  }
0x50: {  	[sflag:s13] =	ssyncset.done @!p0 $0x0  }
0x51: {  	[sflag:s13] =	ssyncadd.s32 @!p0 $0xFFFFC000  }
0x52: {  	[hbm4b:s10+s14] =	stream.linear.scatter @!p0 [tilespmem:s12], [sflag:$0x4], $0x4000, $0x38;
	[tilespmem:$0x8100] =	vst v63  }
0x53: {  	s2 =	sadd.s32 $0x1, s2;
	_ =	swait.ge @!p0 [sflag:s16], $0x4000  }
0x54: {  	p1 =	sne.s32 s2, s5;
	[sflag:s16] =	ssyncset.done @!p0 $0x0  }
.Ltmp1:
0x55: {  	s10 =	simm.s32 @!p0 $0x3;
	[sflag:s16] =	ssyncadd.s32 @!p0 $0xFFFFC000;
	(pc) =	sbr.rel @p1 .LBB2_1-.Ltmp1, $4  }
0x56: {  	[hbm4b:s11+s14] =	stream.linear.scatter @!p0 [tilespmem:s15], [sflag:$0x3], $0x4000, $0x38;
	[tilespmem:$0x8100] =	vst v63  }
0x57: {  	_ =	swait.ge @!p0 [sflag:s10], $0x4000  }
0x58: {  	[sflag:s10] =	ssyncset.done @!p0 $0x0  }
0x59: {  	[sflag:s10] =	ssyncadd.s32 @!p0 $0xFFFFC000  }
0x5a: {  	_ =	sfence.sel $0x180000  }
0x5b: {  	[bflag:$0x0] =	sbarrier.arrive $0xFFFF  }
0x5c: {  	p0 =	sne.s32 s1, $0x0;
	_ =	strace $0x90000053  }
0x5d: {  	s0 =	sadd.s32 @!p0 $0x100000, s0;
	[bflag:$0x2] =	sbarrier.arrive $0xFFFF  }
0x5e: {  	[sflag:s0] =	ssyncadd.tile.s32 @!p0 $0x1;
	_ =	shalt  }
.Lfunc_end2:
_tile_overlayer_lowered:
.L_overlay_start_2:
0x5f: {  	(tag) =	ssettag $0x2  }
0x60: {  	s0 =	rddreg [dreg:$0x0];
	s2 =	stileid.u32  }
0x61: {  	s1 =	rddreg [dreg:$0x1];
	p0 =	sne.s32 s2, $0x0  }
0x62: {  	s3 =	rddreg [dreg:$0x2];
	[bflag:$0x3] =	sbarrier.arrive $0xFFFF;
	s2 =	simm.s32 @!p0 $0x1C03  }
0x63: {  	[timem:s3], [sflag:s2] =	dma.local @!p0 [hbm:s0], s1  }
0x64: {  	s0 =	simm.s32 @!p0 $0x3  }
0x65: {  	_ =	swait.ge @!p0 [sflag:s0], s1  }
0x66: {  	s1 =	ssub.s32 @!p0 $0x0, s1;
	[sflag:s0] =	ssyncset.done @!p0 $0x0  }
0x67: {  	[sflag:s0] =	ssyncadd.s32 @!p0 s1  }
0x68: {  	[bflag:$0x3] =	sbarrier.arrive $0xFFFF  }
0x69: {  	_ =	shalt  }

// kernel: kernel.36.cloned.1.call-start
scs
__scs_entry_jumppad:
0x0: {  	(pc) =	sbr.rel $0x88, $3  }
0x1: {  	(tag) =	ssettag $0x0;
	lr =	simm.s32 $0x1  }
0x2: {  	[smem:$0x3F80] =	sst lr;
	_ =	strace $0xD0000000  }
0x3: {  	_ = 	snop  }
0x4: {  	_ = 	snop  }
0x5: {  	_ = 	snop  }
0x6: {  	_ = 	snop  }
0x7: {  	_ = 	snop  }
__scs_overlays_trampoline_lowered:
0x8: {  	[smem:$0x3F8F] =	sst s0  }
0x9: {  	[smem:$0x3F90] =	sst s1  }
0xa: {  	[smem:$0x3F91] =	sst s2  }
0xb: {  	[smem:$0x3F92] =	sst s3  }
0xc: {  	[smem:$0x3F93] =	sst s4  }
0xd: {  	[smem:$0x3F94] =	sst s5  }
0xe: {  	[smem:$0x3F95] =	sst s6  }
0xf: {  	[smem:$0x3F96] =	sst s7  }
0x10: {  	[smem:$0x3F97] =	sst s8  }
0x11: {  	[smem:$0x3F98] =	sst s9;
	s0 =	simm.s32 @!p0 $0x0  }
0x12: {  	s1 =	sld [smem:$0x3F7E];
	s0 =	simm.s32 @p0 $0x1  }
0x13: {  	[smem:$0x3F99] =	sst s0;
	s0 =	simm.s32 @!p1 $0x0  }
0x14: {  	s2 =	sld [smem:$0x3F7D];
	s0 =	simm.s32 @p1 $0x1  }
0x15: {  	[smem:$0x3F9A] =	sst s0;
	s0 =	simm.s32 @!p2 $0x0  }
0x16: {  	s3 =	sld [smem:$0x3FDB];
	s0 =	simm.s32 @p2 $0x1  }
0x17: {  	s4 =	simm.s32 $0x1BF5;
	[smem:$0x3F9C] =	sst s0  }
0x18: {  	s0 =	sld [smem:$0x3F7F];
	_ =	swait.ge [sflag:s4], $0x0  }
0x19: {  	s7 =	sld [smem:$0x3F80]  }
0x1a: {  	s8 =	sadd.s32 $0xFFFFE003, lr  }
0x1b: {  	s9 =	sadd.s32 $0xFFFFFEF7, lr;
	s5 =	simm.s32 $0xFFFFFFFF;
	p2 =	slt.u32 s8, $0xFFFFF086  }
0x1c: {  	p1 =	slt.u32 s9, $0xF7A;
	s5 =	simm.s32 @!p2 $0x0  }
0x1d: {  	s5 =	simm.s32 @p1 $0x1;
	p0 =	seq.s32 s7, s2  }
0x1e: {  	s7 =	smul.u32 @!p0 $0xF7A, s2;
	p2 =	seq.s32 @!p0 s5, $0x0  }
0x1f: {  	s9 =	smul.u32 $0xF7A, s1;
	s8 =	simm.s32 @!p0 $0x1BF5;
	p2 =	por !p2, p0  }
0x20: {  	[sflag:s8] =	ssyncset.s32 @!p0 $0xFFFFF086;
	s6 =	sadd.s32 @!p0 s3, s7;
	s7 =	simm.s32 @!p0 $0x108  }
0x21: {  	s3 =	sadd.s32 s3, s9;
	s6 =	sadd.s32 @!p0 $0x88, s6;
	s7 =	simm.s32 @p2 $0x1082  }
0x22: {  	[simem:s7], [sflag:s8] =	dma.local @!p0 [hbm:s6], $0xF7A  }
0x23: {  	s9 =	sor.u32 $0xD0000000, s2;
	s6 =	simm.s32 $0x108;
	_ =	swait.ge @!p0 [sflag:s8], $0x0  }
0x24: {  	s3 =	sadd.s32 $0x88, s3;
	s6 =	simm.s32 @!p1 $0x1082;
	[sflag:s4] =	ssyncset.s32 $0xFFFFF086  }
0x25: {  	[simem:s6], [sflag:s4] =	dma.local [hbm:s3], $0xF7A  }
0x26: {  	[smem:$0x3F80] =	sst s1;
	(tag) =	ssettag s2;
	_ =	strace s9  }
0x27: {  	s1 =	sld [smem:$0x3F90]  }
0x28: {  	s2 =	sld [smem:$0x3F91]  }
0x29: {  	s4 =	sld [smem:$0x3F93]  }
0x2a: {  	p0 =	seq.s32 s5, $0x0;
	s5 =	sld [smem:$0x3F94]  }
0x2b: {  	s6 =	sld [smem:$0x3F95]  }
0x2c: {  	s7 =	sld [smem:$0x3F96]  }
0x2d: {  	s3 =	simm.s32 $0x108;
	s8 =	sld [smem:$0x3F97]  }
0x2e: {  	s3 =	simm.s32 @!p0 $0x1082;
	s9 =	sld [smem:$0x3F98]  }
0x2f: {  	lr =	sadd.s32 s0, s3;
	s0 =	sld [smem:$0x3F8F]  }
0x30: {  	s3 =	sld [smem:$0x3F92]  }
0x31: {  	[smem:$0x3F9B] =	sst s10  }
0x32: {  	s10 =	sld [smem:$0x3F99];
	_ =	sdelay $0x3  }
0x33: {  	p0 =	seq.s32 s10, $0x1;
	s10 =	sld [smem:$0x3F9B];
	_ =	sdelay $0x3  }
0x34: {  	[smem:$0x3F9B] =	sst s10  }
0x35: {  	s10 =	sld [smem:$0x3F9A];
	_ =	sdelay $0x3  }
0x36: {  	p1 =	seq.s32 s10, $0x1;
	s10 =	sld [smem:$0x3F9B];
	_ =	sdelay $0x3  }
0x37: {  	[smem:$0x3F9B] =	sst s10  }
0x38: {  	s10 =	sld [smem:$0x3F9C]  }
0x39: {  	_ = 	snop;
	(pc) =	sbr.ind lr, $3  }
0x3a: {  	_ = 	snop  }
0x3b: {  	_ = 	snop  }
0x3c: {  	p2 =	seq.s32 s10, $0x1;
	s10 =	sld [smem:$0x3F9B]  }
0x3d: {  	_ =	shalt  }
0x3e: {  	_ =	shalt  }
0x3f: {  	_ =	shalt  }
0x40: {  	_ =	shalt  }
0x41: {  	_ =	shalt  }
0x42: {  	_ =	shalt  }
0x43: {  	_ =	shalt  }
0x44: {  	_ =	shalt  }
0x45: {  	_ =	shalt  }
0x46: {  	_ =	shalt  }
0x47: {  	_ =	shalt  }
0x48: {  	_ =	shalt  }
0x49: {  	_ =	shalt  }
0x4a: {  	_ =	shalt  }
0x4b: {  	_ =	shalt  }
0x4c: {  	_ =	shalt  }
0x4d: {  	_ =	shalt  }
0x4e: {  	_ =	shalt  }
0x4f: {  	_ =	shalt  }
0x50: {  	_ =	shalt  }
0x51: {  	_ =	shalt  }
0x52: {  	_ =	shalt  }
0x53: {  	_ =	shalt  }
0x54: {  	_ =	shalt  }
0x55: {  	_ =	shalt  }
0x56: {  	_ =	shalt  }
0x57: {  	_ =	shalt  }
0x58: {  	_ =	shalt  }
0x59: {  	_ =	shalt  }
0x5a: {  	_ =	shalt  }
0x5b: {  	_ =	shalt  }
0x5c: {  	_ =	shalt  }
0x5d: {  	_ =	shalt  }
0x5e: {  	_ =	shalt  }
0x5f: {  	_ =	shalt  }
0x60: {  	_ =	shalt  }
0x61: {  	_ =	shalt  }
0x62: {  	_ =	shalt  }
0x63: {  	_ =	shalt  }
0x64: {  	_ =	shalt  }
0x65: {  	_ =	shalt  }
0x66: {  	_ =	shalt  }
0x67: {  	_ =	shalt  }
0x68: {  	_ =	shalt  }
0x69: {  	_ =	shalt  }
0x6a: {  	_ =	shalt  }
0x6b: {  	_ =	shalt  }
0x6c: {  	_ =	shalt  }
0x6d: {  	_ =	shalt  }
0x6e: {  	_ =	shalt  }
0x6f: {  	_ =	shalt  }
0x70: {  	_ =	shalt  }
0x71: {  	_ =	shalt  }
0x72: {  	_ =	shalt  }
0x73: {  	_ =	shalt  }
0x74: {  	_ =	shalt  }
0x75: {  	_ =	shalt  }
0x76: {  	_ =	shalt  }
0x77: {  	_ =	shalt  }
0x78: {  	_ =	shalt  }
0x79: {  	_ =	shalt  }
0x7a: {  	_ =	shalt  }
0x7b: {  	_ =	shalt  }
0x7c: {  	_ =	shalt  }
0x7d: {  	_ =	shalt  }
0x7e: {  	_ =	shalt  }
0x7f: {  	_ =	shalt  }
0x80: {  	_ =	shalt  }
0x81: {  	_ =	shalt  }
0x82: {  	_ =	shalt  }
0x83: {  	_ =	shalt  }
0x84: {  	_ =	shalt  }
0x85: {  	_ =	shalt  }
0x86: {  	_ =	shalt  }
0x87: {  	_ =	shalt  }
.Lfunc_end0:
.L_simem_size_0:
called_computation.5_lowered:
.L_overlay_start_0:
0x88: {  	s2 =	sld [smem:$0x3FD9]  }
0x89: {  	s3 =	sld [smem:$0x3FFE];
	_ =	sdelay $0x1  }
0x8a: {  	s1 =	srdreg.scid  }
0x8b: {  	s0 =	sand.u32 $0x1, s1  }
0x8c: {  	s16 =	sshll.u32 s0, $0xA;
	s2 =	sadd.s32 s3, s2  }
0x8d: {  	s2 =	sadd.s32 s2, s16  }
0x8e: {  	[smem:$0x3FA7] =	sst s2  }
0x8f: {  	_ = 	snop  }
0x90: {  	(tm) =	ssettm $0x1  }
0x91: {  	s17 =	sld [smem:$0x3FFB];
	_ =	sdelay $0x3  }
0x92: {  	_ =	strace s17  }
0x93: {  	s2 =	sld [smem:$0x3FFC];
	_ =	sdelay $0x3  }
0x94: {  	_ =	strace s2  }
0x95: {  	s2 =	sld [smem:$0x3FFD];
	_ =	sdelay $0x3  }
0x96: {  	_ =	strace s2  }
0x97: {  	_ =	strace $0x8FFFFFFF  }
0x98: {  	s18 =	sld [smem:$0x3FDB];
	_ =	sdelay $0x1  }
0x99: {  	s19 =	simm.s32 $_scs_section_size  }
0x9a: {  	s4 =	simm.s32 $_size__tile_overlayer_lowered;
	s5 =	simm.s32 $_tile_overlayer_lowered  }
0x9b: {  	s22 =	simm.s32 $0x1BFF;
	s21 =	sshll.u32 s5, $0x1;
	s2 =	sadd.s32 s19, s18  }
0x9c: {  	s6 =	simm.s32 $0x0;
	s20 =	sshll.u32 s4, $0x1;
	s4 =	sadd.s32 s21, s2  }
0x9d: {  	[timem:s6], [sflag:s22] =	dma.local [hbm:s4], s20  }
0x9e: {  	_ =	swait.ge [sflag:s22], s20  }
0x9f: {  	s3 =	ssub.s32 $0x0, s20;
	[sflag:s22] =	ssyncset.done $0x0  }
0xa0: {  	[sflag:s22] =	ssyncadd.s32 s3;
	_ =	sdelay $0x1  }
0xa1: {  	s23 =	simm.s32 $0x1B8B  }
0xa2: {  	_ =	swait.ge [sflag:s23], $0x1  }
0xa3: {  	[sflag:s23] =	ssyncset.done $0x0  }
0xa4: {  	s25 =	simm.s32 $0x1B8E;
	s24 =	sld [smem:$0x3FFE];
	[sflag:s23] =	ssyncadd.s32 $0xFFFFFFFF  }
0xa5: {  	s26 =	simm.s32 $execute0_lowered;
	[smem:$0x3FD2] =	sst s25  }
0xa6: {  	s4 =	sshll.u32 s26, $0x1;
	_ =	strace $0x80000055;
	[dreg:$0x1] =	wrdreg $0xFFFFFFFF  }
0xa7: {  	s28 =	simm.s32 $_size_execute0_lowered;
	s2 =	sadd.s32 s2, s4;
	[dreg:$0x0] =	wrdreg $0x0  }
0xa8: {  	s4 =	sshll.u32 s28, $0x1;
	[dreg:$0x2] =	wrdreg s2  }
0xa9: {  	[dreg:$0x3] =	wrdreg s4  }
0xaa: {  	[dreg:$0x4] =	wrdreg $0xC0  }
0xab: {  	_ =	task [dreg:s6], $0x5FFFF  }
0xac: {  	[dreg:$0x1] =	wrdreg $0xFFFFFFFF  }
0xad: {  	[dreg:$0x0] =	wrdreg $0x60  }
0xae: {  	[dreg:$0x2] =	wrdreg s24  }
0xaf: {  	[dreg:$0x3] =	wrdreg $0x0  }
0xb0: {  	[dreg:$0x4] =	wrdreg $0x9  }
0xb1: {  	_ =	task.clear_ibuf [dreg:s6], $0x5FFFF;
	_ =	strace $0x90000055  }
0xb2: {  	s29 =	simm.s32 $0x9;
	_ =	strace $0x80000057  }
0xb3: {  	_ =	swait.ge [sflag:s29], $0x1  }
0xb4: {  	[sflag:s29] =	ssyncadd.s32 $0xFFFFFFFF  }
0xb5: {  	_ =	strace $0x90000057  }
0xb6: {  	_ =	sfence  }
0xb7: {  	s30 =	sld [smem:$0x0];
	_ =	sdelay $0x2  }
0xb8: {  	s31 =	sshll.u32 s1, $0xD;
	s1 =	sshrl.u32 s1, $0x2  }
0xb9: {  	s3 =	sand.u32 $0x4000, s31;
	s1 =	sadd.s32 s1, s30  }
0xba: {  	s0 =	sor.u32 s3, s0;
	s1 =	sshll.u32 s1, $0x11  }
0xbb: {  	s0 =	sor.u32 s1, s0  }
0xbc: {  	s0 =	sadd.s32 $0x8F2B, s0  }
0xbd: {  	[sflag:s0] =	ssyncadd.remote.s32 $0x1  }
0xbe: {  	_ =	sfence.sel $0xFFFF  }
0xbf: {  	[dreg:$0x0] =	wrdreg $0xFFFFFFFF;
	(pc) =	sbr.abs _section_cstart, $3  }
0xc0: {  	[dreg:$0x1] =	wrdreg $0xFFFFFFFF  }
0xc1: {  	_ =	task.clear_ibuf [dreg:s6], $0x2FFFF;
	_ =	strace $0x9FFFFFFF  }
0xc2: {  	(tm) =	ssettm $0x7FFFFFFF  }
0xc3: {  	_ =	shalt  }
tec
execute0_lowered:
.L_overlay_start_1:
0x0: {  	(tag) =	ssettag $0x1  }
0x1: {  	s6 =	rddreg [dreg:$0x0]  }
0x2: {  	s1 =	rddreg [dreg:$0x1]  }
0x3: {  	s0 =	rddreg [dreg:$0x2];
	s2 =	simm.s32 $0x0;
	s12 =	stileid.u32  }
0x4: {  	s5 =	srdreg.scid;
	[smem:$0x7FF] =	sst s2;
	s3 =	sshll.u32 s12, $0xC  }
0x5: {  	s4 =	sshll.u32 s12, $0x5;
	s7 =	smul.u32 $0x13800, s12;
	s9 =	sand.u32 $0x1, s5  }
0x6: {  	s24 =	smul.u32 $0x4E000, s12;
	s13 =	sadd.s32 $0x15600, s6;
	s28 =	sshll.u32 s12, $0x6  }
0x7: {  	s17 =	sadd.s32 $0x138000, s1;
	p0 =	sne.s32 s12, $0x0;
	_ =	strace $0x80000056  }
0x8: {  	s10 =	sadd.s32 s3, s6;
	s11 =	sadd.s32 s4, s6;
	s23 =	ssub.s32 $0x2, s9  }
0x9: {  	s15 =	smul.u32 $0x138800, s9;
	s3 =	sshll.u32 s12, $0x1;
	s5 =	sor.u32 $0x1C01, s28  }
0xa: {  	s30 =	sshll.u32 s9, $0xB;
	s31 =	sshll.u32 s9, $0x4;
	s22 =	sshrl.u32 s7, $0x3  }
0xb: {  	s25 =	sshrl.u32 s23, $0x1;
	s26 =	sshrl.u32 s24, $0x2;
	s10 =	sadd.s32 s30, s10  }
0xc: {  	s11 =	sadd.s32 s31, s11;
	s8 =	sadd.s32 s22, s6;
	s14 =	ssub.s32 s23, s25  }
0xd: {  	s16 =	sadd.s32 s26, s1;
	s7 =	sadd.s32 s7, s15;
	s6 =	sadd.s32 $0x7B6800, s6  }
0xe: {  	s29 =	sshrl.u32 s15, $0x3;
	s10 =	sadd.s32 $0x286600, s10;
	s11 =	sadd.s32 $0x10600, s11  }
0xf: {  	s4 =	sadd.s32 $0x78F800, s8;
	s7 =	sshrl.u32 s7, $0x3;
	s8 =	sadd.s32 s13, s29  }
0x10: {  	s9 =	smax.u32 s14, $0x1;
	s12 =	sshrl.u32 s16, $0x3;
	s14 =	sshrl.u32 @!p0 s17, $0x3  }
0x11: {  	s7 =	sadd.s32 s13, s7;
	s8 =	sadd.s32 $0x27000, s8;
	s13 =	simm.s32 $0x1  }
.LBB2_1:
0x12: {  	[spmem:s12], [sflag:s5] =	dma.local [hbm:s4], $0x2700  }
0x13: {  	_ =	swait.ge [sflag:s13], $0x2700  }
0x14: {  	[sflag:s13] =	ssyncset.done $0x0  }
0x15: {  	s15 =	simm.s32 @!p0 $0x1;
	[sflag:s13] =	ssyncadd.s32 $0xFFFFD900  }
0x16: {  	[spmem:s14], [sflag:s5] =	dma.local @!p0 [hbm:s6], $0x100  }
0x17: {  	s30 =	sadd.s32 $0x0, s3;
	_ =	swait.ge @!p0 [sflag:s15], $0x100  }
0x18: {  	p1 =	sgt.u32 s30, $0x4E1;
	[sflag:s15] =	ssyncset.done @!p0 $0x0  }
0x19: {  	s16 =	simm.s32 @!p1 $0x13880;
	[sflag:s15] =	ssyncadd.s32 @!p0 $0xFFFFFF00  }
0x1a: {  	s18 =	simm.s32 @!p1 $0x2;
	s15 =	simm.s32 @!p1 $0x0;
	[bflag:$0x0] =	sbarrier.arrive $0xFFFF  }
0x1b: {  	[tilespmem:s16], [sflag:$0x2] =	stream.linear.gather @!p1 [hbm4b:s11+s15], $0x80, $0x38;
	[tilespmem:$0x17900] =	vst v63  }
0x1c: {  	_ =	swait.ge @!p1 [sflag:s18], $0x80;
	p1 =	por p1, p1  }
0x1d: {  	[sflag:s18] =	ssyncset.done @!p1 $0x0  }
0x1e: {  	s19 =	simm.s32 @!p1 $0x13900;
	[sflag:s18] =	ssyncadd.s32 @!p1 $0xFFFFFF80  }
0x1f: {  	[tilespmem:s19], [sflag:$0x2] =	stream.linear.gather @!p1 [hbm4b:s10+s15], $0x4000, $0x38;
	[tilespmem:$0x17900] =	vst v63  }
0x20: {  	s31 =	sadd.s32 $0x20, s3;
	_ =	swait.ge @!p1 [sflag:s18], $0x4000  }
0x21: {  	s17 =	simm.s32 $0x40;
	p2 =	sgt.u32 s31, $0x4E1;
	[sflag:s18] =	ssyncset.done @!p1 $0x0  }
0x22: {  	s15 =	simm.s32 @!p1 $0x80;
	[sflag:s18] =	ssyncadd.s32 @!p1 $0xFFFFC000;
	s18 =	simm.s32 @!p1 $0x1  }
0x23: {  	[spmem:s1] =	stream.indirect.scatter.add.f32 @!p1 [tilespmem:s19], [sflag:$0x1], $0x80, s16, s15, $0xb8;
	[tilespmem:$0x17900] =	vst v63  }
0x24: {  	s16 =	sadd.s32 $0x200, s11;
	s15 =	sadd.s32 $0x10000, s10;
	_ =	swait.ge @!p1 [sflag:s18], $0x4000  }
.LBB2_2:
0x25: {  	s19 =	simm.s32 @!p2 $0x0  }
0x26: {  	s20 =	simm.s32 @!p2 $0x13880;
	[sflag:s18] =	ssyncset.done @!p1 $0x0;
	s21 =	smov.u32 s17  }
0x27: {  	s17 =	sadd.s32 $0x20, s17;
	s22 =	simm.s32 @!p2 $0x2;
	[sflag:s18] =	ssyncadd.s32 @!p1 $0xFFFFC000  }
0x28: {  	[tilespmem:s20], [sflag:$0x2] =	stream.linear.gather @!p2 [hbm4b:s16+s19], $0x80, $0x38;
	[tilespmem:$0x17900] =	vst v63  }
0x29: {  	p3 =	sne.s32 s17, $0x500;
	p1 =	por p2, p2;
	_ =	swait.ge @!p2 [sflag:s22], $0x80  }
0x2a: {  	[sflag:s22] =	ssyncset.done @!p1 $0x0  }
0x2b: {  	s23 =	simm.s32 @!p1 $0x13900;
	[sflag:s22] =	ssyncadd.s32 @!p1 $0xFFFFFF80  }
0x2c: {  	[tilespmem:s23], [sflag:$0x2] =	stream.linear.gather @!p1 [hbm4b:s15+s19], $0x4000, $0x38;
	[tilespmem:$0x17900] =	vst v63  }
.Ltmp0:
0x2d: {  	_ =	swait.ge @!p1 [sflag:s22], $0x4000;
	(pc) =	sbr.rel @p3 .LBB2_2-.Ltmp0, $4  }
0x2e: {  	s18 =	simm.s32 @!p1 $0x1;
	s16 =	sadd.s32 $0x200, s16;
	[sflag:s22] =	ssyncset.done @!p1 $0x0  }
0x2f: {  	s19 =	sadd.s32 s21, s3;
	s21 =	simm.s32 @!p1 $0x80;
	[sflag:s22] =	ssyncadd.s32 @!p1 $0xFFFFC000  }
0x30: {  	[spmem:s1] =	stream.indirect.scatter.add.f32 @!p1 [tilespmem:s23], [sflag:$0x1], $0x80, s20, s21, $0xb8;
	[tilespmem:$0x17900] =	vst v63  }
0x31: {  	s15 =	sadd.s32 $0x10000, s15;
	p2 =	sgt.u32 s19, $0x4E1;
	_ =	swait.ge @!p1 [sflag:s18], $0x4000  }
0x32: {  	s17 =	simm.s32 @!p2 $0x0;
	[sflag:s18] =	ssyncset.done @!p1 $0x0  }
0x33: {  	s19 =	simm.s32 @!p2 $0x13880;
	s20 =	simm.s32 @!p2 $0x2;
	[sflag:s18] =	ssyncadd.s32 @!p1 $0xFFFFC000  }
0x34: {  	[tilespmem:s19], [sflag:$0x2] =	stream.linear.gather @!p2 [hbm4b:s16+s17], $0x80, $0x38;
	[tilespmem:$0x17900] =	vst v63  }
0x35: {  	p1 =	por p2, p2;
	_ =	swait.ge @!p2 [sflag:s20], $0x80  }
0x36: {  	[sflag:s20] =	ssyncset.done @!p1 $0x0  }
0x37: {  	s16 =	simm.s32 @!p1 $0x13900;
	[sflag:s20] =	ssyncadd.s32 @!p1 $0xFFFFFF80  }
0x38: {  	[tilespmem:s16], [sflag:$0x2] =	stream.linear.gather @!p1 [hbm4b:s15+s17], $0x4000, $0x38;
	[tilespmem:$0x17900] =	vst v63  }
0x39: {  	_ =	swait.ge @!p1 [sflag:s20], $0x4000  }
0x3a: {  	[sflag:s20] =	ssyncset.done @!p1 $0x0  }
0x3b: {  	s15 =	simm.s32 @!p1 $0x1;
	s17 =	simm.s32 @!p1 $0x80;
	[sflag:s20] =	ssyncadd.s32 @!p1 $0xFFFFC000  }
0x3c: {  	[spmem:s1] =	stream.indirect.scatter.add.f32 @!p1 [tilespmem:s16], [sflag:$0x1], $0x80, s19, s17, $0xb8;
	[tilespmem:$0x17900] =	vst v63  }
0x3d: {  	_ =	swait.ge @!p1 [sflag:s15], $0x4000  }
0x3e: {  	[sflag:s15] =	ssyncset.done @!p1 $0x0  }
0x3f: {  	[sflag:s15] =	ssyncadd.s32 @!p1 $0xFFFFC000  }
0x40: {  	[bflag:$0x0] =	sbarrier.arrive $0xFFFF  }
0x41: {  	[hbm:s7], [sflag:s5] =	dma.local [spmem:s12], $0x2700  }
0x42: {  	s2 =	sadd.s32 $0x1, s2;
	_ =	swait.ge [sflag:s13], $0x2700  }
0x43: {  	p1 =	sne.s32 s2, s9;
	[sflag:s13] =	ssyncset.done $0x0  }
.Ltmp1:
0x44: {  	s15 =	simm.s32 @!p0 $0x1;
	[sflag:s13] =	ssyncadd.s32 $0xFFFFD900;
	(pc) =	sbr.rel @p1 .LBB2_1-.Ltmp1, $4  }
0x45: {  	[hbm:s8], [sflag:s5] =	dma.local @!p0 [spmem:s14], $0x100  }
0x46: {  	_ =	swait.ge @!p0 [sflag:s15], $0x100  }
0x47: {  	[sflag:s15] =	ssyncset.done @!p0 $0x0  }
0x48: {  	[sflag:s15] =	ssyncadd.s32 @!p0 $0xFFFFFF00  }
0x49: {  	_ =	sfence.sel $0x180000  }
0x4a: {  	[bflag:$0x0] =	sbarrier.arrive $0xFFFF  }
0x4b: {  	_ =	strace $0x90000056  }
0x4c: {  	s0 =	sadd.s32 @!p0 $0x100000, s0;
	[bflag:$0x2] =	sbarrier.arrive $0xFFFF  }
0x4d: {  	[sflag:s0] =	ssyncadd.tile.s32 @!p0 $0x1;
	_ =	shalt  }
.Lfunc_end2:
_tile_overlayer_lowered:
.L_overlay_start_2:
0x4e: {  	(tag) =	ssettag $0x2  }
0x4f: {  	s0 =	rddreg [dreg:$0x0];
	s2 =	stileid.u32  }
0x50: {  	s1 =	rddreg [dreg:$0x1];
	p0 =	sne.s32 s2, $0x0  }
0x51: {  	s3 =	rddreg [dreg:$0x2];
	[bflag:$0x3] =	sbarrier.arrive $0xFFFF;
	s2 =	simm.s32 @!p0 $0x1C01  }
0x52: {  	[timem:s3], [sflag:s2] =	dma.local @!p0 [hbm:s0], s1  }
0x53: {  	s0 =	simm.s32 @!p0 $0x1  }
0x54: {  	_ =	swait.ge @!p0 [sflag:s0], s1  }
0x55: {  	s1 =	ssub.s32 @!p0 $0x0, s1;
	[sflag:s0] =	ssyncset.done @!p0 $0x0  }
0x56: {  	[sflag:s0] =	ssyncadd.s32 @!p0 s1  }
0x57: {  	[bflag:$0x3] =	sbarrier.arrive $0xFFFF  }
0x58: {  	_ =	shalt  }

// kernel: kernel.39.cloned.1.call-start
scs
__scs_entry_jumppad:
0x0: {  	(pc) =	sbr.rel $0x88, $3  }
0x1: {  	(tag) =	ssettag $0x0;
	lr =	simm.s32 $0x1  }
0x2: {  	[smem:$0x3F80] =	sst lr;
	_ =	strace $0xD0000000  }
0x3: {  	_ = 	snop  }
0x4: {  	_ = 	snop  }
0x5: {  	_ = 	snop  }
0x6: {  	_ = 	snop  }
0x7: {  	_ = 	snop  }
__scs_overlays_trampoline_lowered:
0x8: {  	[smem:$0x3F8F] =	sst s0  }
0x9: {  	[smem:$0x3F90] =	sst s1  }
0xa: {  	[smem:$0x3F91] =	sst s2  }
0xb: {  	[smem:$0x3F92] =	sst s3  }
0xc: {  	[smem:$0x3F93] =	sst s4  }
0xd: {  	[smem:$0x3F94] =	sst s5  }
0xe: {  	[smem:$0x3F95] =	sst s6  }
0xf: {  	[smem:$0x3F96] =	sst s7  }
0x10: {  	[smem:$0x3F97] =	sst s8  }
0x11: {  	[smem:$0x3F98] =	sst s9;
	s0 =	simm.s32 @!p0 $0x0  }
0x12: {  	s1 =	sld [smem:$0x3F7E];
	s0 =	simm.s32 @p0 $0x1  }
0x13: {  	[smem:$0x3F99] =	sst s0;
	s0 =	simm.s32 @!p1 $0x0  }
0x14: {  	s2 =	sld [smem:$0x3F7D];
	s0 =	simm.s32 @p1 $0x1  }
0x15: {  	[smem:$0x3F9A] =	sst s0;
	s0 =	simm.s32 @!p2 $0x0  }
0x16: {  	s3 =	sld [smem:$0x3FDB];
	s0 =	simm.s32 @p2 $0x1  }
0x17: {  	s4 =	simm.s32 $0x1BF5;
	[smem:$0x3F9C] =	sst s0  }
0x18: {  	s0 =	sld [smem:$0x3F7F];
	_ =	swait.ge [sflag:s4], $0x0  }
0x19: {  	s7 =	sld [smem:$0x3F80]  }
0x1a: {  	s8 =	sadd.s32 $0xFFFFE003, lr  }
0x1b: {  	s9 =	sadd.s32 $0xFFFFFEF7, lr;
	s5 =	simm.s32 $0xFFFFFFFF;
	p2 =	slt.u32 s8, $0xFFFFF086  }
0x1c: {  	p1 =	slt.u32 s9, $0xF7A;
	s5 =	simm.s32 @!p2 $0x0  }
0x1d: {  	s5 =	simm.s32 @p1 $0x1;
	p0 =	seq.s32 s7, s2  }
0x1e: {  	s7 =	smul.u32 @!p0 $0xF7A, s2;
	p2 =	seq.s32 @!p0 s5, $0x0  }
0x1f: {  	s9 =	smul.u32 $0xF7A, s1;
	s8 =	simm.s32 @!p0 $0x1BF5;
	p2 =	por !p2, p0  }
0x20: {  	[sflag:s8] =	ssyncset.s32 @!p0 $0xFFFFF086;
	s6 =	sadd.s32 @!p0 s3, s7;
	s7 =	simm.s32 @!p0 $0x108  }
0x21: {  	s3 =	sadd.s32 s3, s9;
	s6 =	sadd.s32 @!p0 $0x88, s6;
	s7 =	simm.s32 @p2 $0x1082  }
0x22: {  	[simem:s7], [sflag:s8] =	dma.local @!p0 [hbm:s6], $0xF7A  }
0x23: {  	s9 =	sor.u32 $0xD0000000, s2;
	s6 =	simm.s32 $0x108;
	_ =	swait.ge @!p0 [sflag:s8], $0x0  }
0x24: {  	s3 =	sadd.s32 $0x88, s3;
	s6 =	simm.s32 @!p1 $0x1082;
	[sflag:s4] =	ssyncset.s32 $0xFFFFF086  }
0x25: {  	[simem:s6], [sflag:s4] =	dma.local [hbm:s3], $0xF7A  }
0x26: {  	[smem:$0x3F80] =	sst s1;
	(tag) =	ssettag s2;
	_ =	strace s9  }
0x27: {  	s1 =	sld [smem:$0x3F90]  }
0x28: {  	s2 =	sld [smem:$0x3F91]  }
0x29: {  	s4 =	sld [smem:$0x3F93]  }
0x2a: {  	p0 =	seq.s32 s5, $0x0;
	s5 =	sld [smem:$0x3F94]  }
0x2b: {  	s6 =	sld [smem:$0x3F95]  }
0x2c: {  	s7 =	sld [smem:$0x3F96]  }
0x2d: {  	s3 =	simm.s32 $0x108;
	s8 =	sld [smem:$0x3F97]  }
0x2e: {  	s3 =	simm.s32 @!p0 $0x1082;
	s9 =	sld [smem:$0x3F98]  }
0x2f: {  	lr =	sadd.s32 s0, s3;
	s0 =	sld [smem:$0x3F8F]  }
0x30: {  	s3 =	sld [smem:$0x3F92]  }
0x31: {  	[smem:$0x3F9B] =	sst s10  }
0x32: {  	s10 =	sld [smem:$0x3F99];
	_ =	sdelay $0x3  }
0x33: {  	p0 =	seq.s32 s10, $0x1;
	s10 =	sld [smem:$0x3F9B];
	_ =	sdelay $0x3  }
0x34: {  	[smem:$0x3F9B] =	sst s10  }
0x35: {  	s10 =	sld [smem:$0x3F9A];
	_ =	sdelay $0x3  }
0x36: {  	p1 =	seq.s32 s10, $0x1;
	s10 =	sld [smem:$0x3F9B];
	_ =	sdelay $0x3  }
0x37: {  	[smem:$0x3F9B] =	sst s10  }
0x38: {  	s10 =	sld [smem:$0x3F9C]  }
0x39: {  	_ = 	snop;
	(pc) =	sbr.ind lr, $3  }
0x3a: {  	_ = 	snop  }
0x3b: {  	_ = 	snop  }
0x3c: {  	p2 =	seq.s32 s10, $0x1;
	s10 =	sld [smem:$0x3F9B]  }
0x3d: {  	_ =	shalt  }
0x3e: {  	_ =	shalt  }
0x3f: {  	_ =	shalt  }
0x40: {  	_ =	shalt  }
0x41: {  	_ =	shalt  }
0x42: {  	_ =	shalt  }
0x43: {  	_ =	shalt  }
0x44: {  	_ =	shalt  }
0x45: {  	_ =	shalt  }
0x46: {  	_ =	shalt  }
0x47: {  	_ =	shalt  }
0x48: {  	_ =	shalt  }
0x49: {  	_ =	shalt  }
0x4a: {  	_ =	shalt  }
0x4b: {  	_ =	shalt  }
0x4c: {  	_ =	shalt  }
0x4d: {  	_ =	shalt  }
0x4e: {  	_ =	shalt  }
0x4f: {  	_ =	shalt  }
0x50: {  	_ =	shalt  }
0x51: {  	_ =	shalt  }
0x52: {  	_ =	shalt  }
0x53: {  	_ =	shalt  }
0x54: {  	_ =	shalt  }
0x55: {  	_ =	shalt  }
0x56: {  	_ =	shalt  }
0x57: {  	_ =	shalt  }
0x58: {  	_ =	shalt  }
0x59: {  	_ =	shalt  }
0x5a: {  	_ =	shalt  }
0x5b: {  	_ =	shalt  }
0x5c: {  	_ =	shalt  }
0x5d: {  	_ =	shalt  }
0x5e: {  	_ =	shalt  }
0x5f: {  	_ =	shalt  }
0x60: {  	_ =	shalt  }
0x61: {  	_ =	shalt  }
0x62: {  	_ =	shalt  }
0x63: {  	_ =	shalt  }
0x64: {  	_ =	shalt  }
0x65: {  	_ =	shalt  }
0x66: {  	_ =	shalt  }
0x67: {  	_ =	shalt  }
0x68: {  	_ =	shalt  }
0x69: {  	_ =	shalt  }
0x6a: {  	_ =	shalt  }
0x6b: {  	_ =	shalt  }
0x6c: {  	_ =	shalt  }
0x6d: {  	_ =	shalt  }
0x6e: {  	_ =	shalt  }
0x6f: {  	_ =	shalt  }
0x70: {  	_ =	shalt  }
0x71: {  	_ =	shalt  }
0x72: {  	_ =	shalt  }
0x73: {  	_ =	shalt  }
0x74: {  	_ =	shalt  }
0x75: {  	_ =	shalt  }
0x76: {  	_ =	shalt  }
0x77: {  	_ =	shalt  }
0x78: {  	_ =	shalt  }
0x79: {  	_ =	shalt  }
0x7a: {  	_ =	shalt  }
0x7b: {  	_ =	shalt  }
0x7c: {  	_ =	shalt  }
0x7d: {  	_ =	shalt  }
0x7e: {  	_ =	shalt  }
0x7f: {  	_ =	shalt  }
0x80: {  	_ =	shalt  }
0x81: {  	_ =	shalt  }
0x82: {  	_ =	shalt  }
0x83: {  	_ =	shalt  }
0x84: {  	_ =	shalt  }
0x85: {  	_ =	shalt  }
0x86: {  	_ =	shalt  }
0x87: {  	_ =	shalt  }
.Lfunc_end0:
.L_simem_size_0:
called_computation.6_lowered:
.L_overlay_start_0:
0x88: {  	s2 =	sld [smem:$0x3FD9]  }
0x89: {  	s3 =	sld [smem:$0x3FFE];
	_ =	sdelay $0x1  }
0x8a: {  	s1 =	srdreg.scid  }
0x8b: {  	s0 =	sand.u32 $0x1, s1  }
0x8c: {  	s16 =	sshll.u32 s0, $0xA;
	s2 =	sadd.s32 s3, s2  }
0x8d: {  	s2 =	sadd.s32 s2, s16  }
0x8e: {  	[smem:$0x3FA7] =	sst s2  }
0x8f: {  	_ = 	snop  }
0x90: {  	(tm) =	ssettm $0x1  }
0x91: {  	s17 =	sld [smem:$0x3FFB];
	_ =	sdelay $0x3  }
0x92: {  	_ =	strace s17  }
0x93: {  	s2 =	sld [smem:$0x3FFC];
	_ =	sdelay $0x3  }
0x94: {  	_ =	strace s2  }
0x95: {  	s2 =	sld [smem:$0x3FFD];
	_ =	sdelay $0x3  }
0x96: {  	_ =	strace s2  }
0x97: {  	_ =	strace $0x8FFFFFFF  }
0x98: {  	s18 =	sld [smem:$0x3FDB];
	_ =	sdelay $0x1  }
0x99: {  	s19 =	simm.s32 $_scs_section_size  }
0x9a: {  	s4 =	simm.s32 $_size__tile_overlayer_lowered;
	s5 =	simm.s32 $_tile_overlayer_lowered  }
0x9b: {  	s22 =	simm.s32 $0x1BFF;
	s21 =	sshll.u32 s5, $0x1;
	s2 =	sadd.s32 s19, s18  }
0x9c: {  	s6 =	simm.s32 $0x0;
	s20 =	sshll.u32 s4, $0x1;
	s4 =	sadd.s32 s21, s2  }
0x9d: {  	[timem:s6], [sflag:s22] =	dma.local [hbm:s4], s20  }
0x9e: {  	_ =	swait.ge [sflag:s22], s20  }
0x9f: {  	s3 =	ssub.s32 $0x0, s20;
	[sflag:s22] =	ssyncset.done $0x0  }
0xa0: {  	[sflag:s22] =	ssyncadd.s32 s3;
	_ =	sdelay $0x1  }
0xa1: {  	s23 =	simm.s32 $0x1B8B  }
0xa2: {  	_ =	swait.ge [sflag:s23], $0x1  }
0xa3: {  	[sflag:s23] =	ssyncset.done $0x0  }
0xa4: {  	s25 =	simm.s32 $0x1B8E;
	s24 =	sld [smem:$0x3FFE];
	[sflag:s23] =	ssyncadd.s32 $0xFFFFFFFF  }
0xa5: {  	s26 =	simm.s32 $execute0_lowered;
	[smem:$0x3FD2] =	sst s25  }
0xa6: {  	s4 =	sshll.u32 s26, $0x1;
	_ =	strace $0x80000058;
	[dreg:$0x1] =	wrdreg $0xFFFFFFFF  }
0xa7: {  	s28 =	simm.s32 $_size_execute0_lowered;
	s2 =	sadd.s32 s2, s4;
	[dreg:$0x0] =	wrdreg $0x0  }
0xa8: {  	s4 =	sshll.u32 s28, $0x1;
	[dreg:$0x2] =	wrdreg s2  }
0xa9: {  	[dreg:$0x3] =	wrdreg s4  }
0xaa: {  	[dreg:$0x4] =	wrdreg $0xC0  }
0xab: {  	_ =	task [dreg:s6], $0x5FFFF  }
0xac: {  	[dreg:$0x1] =	wrdreg $0xFFFFFFFF  }
0xad: {  	[dreg:$0x0] =	wrdreg $0x60  }
0xae: {  	[dreg:$0x2] =	wrdreg s24  }
0xaf: {  	[dreg:$0x3] =	wrdreg $0x9  }
0xb0: {  	_ =	task.clear_ibuf [dreg:s6], $0x4FFFF;
	_ =	strace $0x90000058  }
0xb1: {  	s29 =	simm.s32 $0x9;
	_ =	strace $0x8000005A  }
0xb2: {  	_ =	swait.ge [sflag:s29], $0x1  }
0xb3: {  	[sflag:s29] =	ssyncadd.s32 $0xFFFFFFFF  }
0xb4: {  	_ =	strace $0x9000005A  }
0xb5: {  	_ =	sfence  }
0xb6: {  	s30 =	sld [smem:$0x0];
	_ =	sdelay $0x2  }
0xb7: {  	s31 =	sshll.u32 s1, $0xD;
	s1 =	sshrl.u32 s1, $0x2  }
0xb8: {  	s3 =	sand.u32 $0x4000, s31;
	s1 =	sadd.s32 s1, s30  }
0xb9: {  	s0 =	sor.u32 s3, s0;
	s1 =	sshll.u32 s1, $0x11  }
0xba: {  	s0 =	sor.u32 s1, s0  }
0xbb: {  	s0 =	sadd.s32 $0x8F2B, s0  }
0xbc: {  	[sflag:s0] =	ssyncadd.remote.s32 $0x1  }
0xbd: {  	_ =	sfence.sel $0xFFFF  }
0xbe: {  	[dreg:$0x0] =	wrdreg $0xFFFFFFFF;
	(pc) =	sbr.abs _section_cstart, $3  }
0xbf: {  	[dreg:$0x1] =	wrdreg $0xFFFFFFFF  }
0xc0: {  	_ =	task.clear_ibuf [dreg:s6], $0x2FFFF;
	_ =	strace $0x9FFFFFFF  }
0xc1: {  	(tm) =	ssettm $0x7FFFFFFF  }
tec
execute0_lowered:
.L_overlay_start_1:
0x0: {  	(tag) =	ssettag $0x1  }
0x1: {  	s4 =	rddreg [dreg:$0x0]  }
0x2: {  	s0 =	rddreg [dreg:$0x1]  }
0x3: {  	s2 =	simm.s32 $0x0;
	s3 =	srdreg.scid;
	s1 =	stileid.u32  }
0x4: {  	[smem:$0x7FF] =	sst s2;
	s5 =	sand.u32 $0x1, s3;
	s3 =	sadd.s32 $0x768600, s4  }
0x5: {  	s6 =	sshll.u32 s1, $0x5;
	s8 =	sshll.u32 s1, $0xC;
	_ =	strace $0x80000059  }
0x6: {  	s7 =	ssub.s32 $0x2, s5;
	s6 =	sadd.s32 s6, s4;
	s8 =	sadd.s32 s8, s4  }
0x7: {  	s31 =	sshll.u32 s5, $0x4;
	s10 =	sshll.u32 s5, $0xB;
	s9 =	sshrl.u32 s7, $0x1  }
0x8: {  	s4 =	sshll.u32 s1, $0x1;
	s10 =	sadd.s32 s10, s8;
	s7 =	ssub.s32 s7, s9  }
0x9: {  	s9 =	sadd.s32 s31, s6;
	s8 =	sadd.s32 $0x286600, s10;
	s5 =	smax.u32 s7, $0x1  }
0xa: {  	s6 =	sadd.s32 $0x10600, s9;
	s7 =	sadd.s32 $0xB600, s9;
	s9 =	sadd.s32 $0x15600, s10  }
.LBB2_1:
0xb: {  	p0 =	sgt.u32 s4, $0x4E1  }
0xc: {  	s10 =	sadd.s32 @!p0 $0x0, s7;
	s11 =	simm.s32 @!p0 $0x0;
	s14 =	simm.s32 @!p0 $0x4  }
0xd: {  	[tilespmem:s11], [sflag:$0x4] =	stream.linear.gather @!p0 [hbm4b:s10+s11], $0x80, $0x38;
	[tilespmem:$0x8100] =	vst v63  }
0xe: {  	_ =	swait.ge @!p0 [sflag:s14], $0x80;
	p0 =	por p0, p0  }
0xf: {  	[sflag:s14] =	ssyncset.done @!p0 $0x0  }
0x10: {  	s10 =	sadd.s32 @!p0 $0x0, s6;
	s12 =	simm.s32 @!p0 $0x80;
	[sflag:s14] =	ssyncadd.s32 @!p0 $0xFFFFFF80  }
0x11: {  	[tilespmem:s12], [sflag:$0x4] =	stream.linear.gather @!p0 [hbm4b:s10+s11], $0x80, $0x38;
	[tilespmem:$0x8100] =	vst v63  }
0x12: {  	_ =	swait.ge @!p0 [sflag:s14], $0x80  }
0x13: {  	[sflag:s14] =	ssyncset.done @!p0 $0x0  }
0x14: {  	s10 =	simm.s32 @!p0 $0x100;
	[sflag:s14] =	ssyncadd.s32 @!p0 $0xFFFFFF80  }
0x15: {  	[tilespmem:s10], [sflag:$0x1] =	stream.indirect.gather @!p0 [hbm4b:s3+s12], $0x80, s11, s12, $0xb8;
	[tilespmem:$0x8100] =	vst v63  }
0x16: {  	s15 =	simm.s32 @!p0 $0x4100;
	s13 =	simm.s32 @!p0 $0x1  }
0x17: {  	[tilespmem:s15], [sflag:$0x2] =	stream.indirect.gather @!p0 [hbm4b:s3+s12], $0x80, s12, s12, $0xb8;
	[tilespmem:$0x8100] =	vst v63  }
0x18: {  	_ =	swait.ge @!p0 [sflag:s13], $0x4000  }
0x19: {  	[sflag:s13] =	ssyncset.done @!p0 $0x0  }
0x1a: {  	s12 =	simm.s32 @!p0 $0x2;
	[sflag:s13] =	ssyncadd.s32 @!p0 $0xFFFFC000  }
0x1b: {  	_ =	swait.ge @!p0 [sflag:s12], $0x4000  }
0x1c: {  	[sflag:s12] =	ssyncset.done @!p0 $0x0  }
0x1d: {  	[sflag:s12] =	ssyncadd.s32 @!p0 $0xFFFFC000  }
0x1e: {  	[hbm4b:s9+s11] =	stream.linear.scatter @!p0 [tilespmem:s10], [sflag:$0x4], $0x4000, $0x38;
	[tilespmem:$0x8100] =	vst v63  }
0x1f: {  	_ =	swait.ge @!p0 [sflag:s14], $0x4000  }
0x20: {  	[sflag:s14] =	ssyncset.done @!p0 $0x0  }
0x21: {  	s13 =	simm.s32 $0x400;
	s12 =	simm.s32 $0x200;
	[sflag:s14] =	ssyncadd.s32 @!p0 $0xFFFFC000  }
0x22: {  	[hbm4b:s8+s11] =	stream.linear.scatter @!p0 [tilespmem:s15], [sflag:$0x3], $0x4000, $0x38;
	[tilespmem:$0x8100] =	vst v63  }
0x23: {  	s10 =	sadd.s32 $0x10000, s9;
	s14 =	sadd.s32 $0x20, s4;
	s15 =	simm.s32 @!p0 $0x3  }
0x24: {  	p2 =	sgt.u32 s14, $0x4E1;
	s11 =	sadd.s32 $0x10000, s8;
	_ =	swait.ge @!p0 [sflag:s15], $0x4000  }
.LBB2_2:
0x25: {  	s16 =	sadd.s32 @!p2 s12, s7  }
0x26: {  	s17 =	simm.s32 @!p2 $0x0;
	[sflag:s15] =	ssyncset.done @!p0 $0x0;
	s18 =	smov.u32 s13  }
0x27: {  	s13 =	sadd.s32 $0x200, s13;
	s19 =	simm.s32 @!p2 $0x4;
	[sflag:s15] =	ssyncadd.s32 @!p0 $0xFFFFC000  }
0x28: {  	[tilespmem:s17], [sflag:$0x4] =	stream.linear.gather @!p2 [hbm4b:s16+s17], $0x80, $0x38;
	[tilespmem:$0x8100] =	vst v63  }
0x29: {  	p1 =	sne.s32 s13, $0x5000;
	p0 =	por p2, p2;
	_ =	swait.ge @!p2 [sflag:s19], $0x80  }
0x2a: {  	[sflag:s19] =	ssyncset.done @!p0 $0x0  }
0x2b: {  	s12 =	sadd.s32 @!p0 s12, s6;
	s15 =	simm.s32 @!p0 $0x80;
	[sflag:s19] =	ssyncadd.s32 @!p0 $0xFFFFFF80  }
0x2c: {  	[tilespmem:s15], [sflag:$0x4] =	stream.linear.gather @!p0 [hbm4b:s12+s17], $0x80, $0x38;
	[tilespmem:$0x8100] =	vst v63  }
0x2d: {  	s12 =	smov.u32 s18;
	_ =	swait.ge @!p0 [sflag:s19], $0x80  }
0x2e: {  	[sflag:s19] =	ssyncset.done @!p0 $0x0  }
0x2f: {  	s16 =	simm.s32 @!p0 $0x100;
	[sflag:s19] =	ssyncadd.s32 @!p0 $0xFFFFFF80  }
0x30: {  	[tilespmem:s16], [sflag:$0x1] =	stream.indirect.gather @!p0 [hbm4b:s3+s15], $0x80, s17, s15, $0xb8;
	[tilespmem:$0x8100] =	vst v63  }
0x31: {  	s20 =	simm.s32 @!p0 $0x1;
	s18 =	simm.s32 @!p0 $0x4100  }
0x32: {  	[tilespmem:s18], [sflag:$0x2] =	stream.indirect.gather @!p0 [hbm4b:s3+s15], $0x80, s15, s15, $0xb8;
	[tilespmem:$0x8100] =	vst v63  }
0x33: {  	_ =	swait.ge @!p0 [sflag:s20], $0x4000  }
0x34: {  	[sflag:s20] =	ssyncset.done @!p0 $0x0  }
0x35: {  	s15 =	simm.s32 @!p0 $0x2;
	[sflag:s20] =	ssyncadd.s32 @!p0 $0xFFFFC000  }
0x36: {  	_ =	swait.ge @!p0 [sflag:s15], $0x4000  }
0x37: {  	[sflag:s15] =	ssyncset.done @!p0 $0x0  }
0x38: {  	[sflag:s15] =	ssyncadd.s32 @!p0 $0xFFFFC000  }
0x39: {  	[hbm4b:s10+s17] =	stream.linear.scatter @!p0 [tilespmem:s16], [sflag:$0x4], $0x4000, $0x38;
	[tilespmem:$0x8100] =	vst v63  }
.Ltmp0:
0x3a: {  	_ =	swait.ge @!p0 [sflag:s19], $0x4000;
	(pc) =	sbr.rel @p1 .LBB2_2-.Ltmp0, $4  }
0x3b: {  	s10 =	sadd.s32 $0x10000, s10;
	[sflag:s19] =	ssyncset.done @!p0 $0x0  }
0x3c: {  	s14 =	sadd.s32 $0x20, s14;
	s15 =	simm.s32 @!p0 $0x3;
	[sflag:s19] =	ssyncadd.s32 @!p0 $0xFFFFC000  }
0x3d: {  	[hbm4b:s11+s17] =	stream.linear.scatter @!p0 [tilespmem:s18], [sflag:$0x3], $0x4000, $0x38;
	[tilespmem:$0x8100] =	vst v63  }
0x3e: {  	p2 =	sgt.u32 s14, $0x4E1;
	s11 =	sadd.s32 $0x10000, s11;
	_ =	swait.ge @!p0 [sflag:s15], $0x4000  }
0x3f: {  	s13 =	sadd.s32 @!p2 s12, s7;
	[sflag:s15] =	ssyncset.done @!p0 $0x0  }
0x40: {  	s14 =	simm.s32 @!p2 $0x0;
	s16 =	simm.s32 @!p2 $0x4;
	[sflag:s15] =	ssyncadd.s32 @!p0 $0xFFFFC000  }
0x41: {  	[tilespmem:s14], [sflag:$0x4] =	stream.linear.gather @!p2 [hbm4b:s13+s14], $0x80, $0x38;
	[tilespmem:$0x8100] =	vst v63  }
0x42: {  	p0 =	por p2, p2;
	_ =	swait.ge @!p2 [sflag:s16], $0x80  }
0x43: {  	[sflag:s16] =	ssyncset.done @!p0 $0x0  }
0x44: {  	s12 =	sadd.s32 @!p0 s12, s6;
	s13 =	simm.s32 @!p0 $0x80;
	[sflag:s16] =	ssyncadd.s32 @!p0 $0xFFFFFF80  }
0x45: {  	[tilespmem:s13], [sflag:$0x4] =	stream.linear.gather @!p0 [hbm4b:s12+s14], $0x80, $0x38;
	[tilespmem:$0x8100] =	vst v63  }
0x46: {  	_ =	swait.ge @!p0 [sflag:s16], $0x80  }
0x47: {  	[sflag:s16] =	ssyncset.done @!p0 $0x0  }
0x48: {  	s12 =	simm.s32 @!p0 $0x100;
	[sflag:s16] =	ssyncadd.s32 @!p0 $0xFFFFFF80  }
0x49: {  	[tilespmem:s12], [sflag:$0x1] =	stream.indirect.gather @!p0 [hbm4b:s3+s13], $0x80, s14, s13, $0xb8;
	[tilespmem:$0x8100] =	vst v63  }
0x4a: {  	s15 =	simm.s32 @!p0 $0x4100;
	s17 =	simm.s32 @!p0 $0x1  }
0x4b: {  	[tilespmem:s15], [sflag:$0x2] =	stream.indirect.gather @!p0 [hbm4b:s3+s13], $0x80, s13, s13, $0xb8;
	[tilespmem:$0x8100] =	vst v63  }
0x4c: {  	_ =	swait.ge @!p0 [sflag:s17], $0x4000  }
0x4d: {  	[sflag:s17] =	ssyncset.done @!p0 $0x0  }
0x4e: {  	s13 =	simm.s32 @!p0 $0x2;
	[sflag:s17] =	ssyncadd.s32 @!p0 $0xFFFFC000  }
0x4f: {  	_ =	swait.ge @!p0 [sflag:s13], $0x4000  }
0x50: {  	[sflag:s13] =	ssyncset.done @!p0 $0x0  }
0x51: {  	[sflag:s13] =	ssyncadd.s32 @!p0 $0xFFFFC000  }
0x52: {  	[hbm4b:s10+s14] =	stream.linear.scatter @!p0 [tilespmem:s12], [sflag:$0x4], $0x4000, $0x38;
	[tilespmem:$0x8100] =	vst v63  }
0x53: {  	s2 =	sadd.s32 $0x1, s2;
	_ =	swait.ge @!p0 [sflag:s16], $0x4000  }
0x54: {  	p1 =	sne.s32 s2, s5;
	[sflag:s16] =	ssyncset.done @!p0 $0x0  }
.Ltmp1:
0x55: {  	s10 =	simm.s32 @!p0 $0x3;
	[sflag:s16] =	ssyncadd.s32 @!p0 $0xFFFFC000;
	(pc) =	sbr.rel @p1 .LBB2_1-.Ltmp1, $4  }
0x56: {  	[hbm4b:s11+s14] =	stream.linear.scatter @!p0 [tilespmem:s15], [sflag:$0x3], $0x4000, $0x38;
	[tilespmem:$0x8100] =	vst v63  }
0x57: {  	_ =	swait.ge @!p0 [sflag:s10], $0x4000  }
0x58: {  	[sflag:s10] =	ssyncset.done @!p0 $0x0  }
0x59: {  	[sflag:s10] =	ssyncadd.s32 @!p0 $0xFFFFC000  }
0x5a: {  	_ =	sfence.sel $0x180000  }
0x5b: {  	[bflag:$0x0] =	sbarrier.arrive $0xFFFF  }
0x5c: {  	p0 =	sne.s32 s1, $0x0;
	_ =	strace $0x90000059  }
0x5d: {  	s0 =	sadd.s32 @!p0 $0x100000, s0;
	[bflag:$0x2] =	sbarrier.arrive $0xFFFF  }
0x5e: {  	[sflag:s0] =	ssyncadd.tile.s32 @!p0 $0x1;
	_ =	shalt  }
.Lfunc_end2:
_tile_overlayer_lowered:
.L_overlay_start_2:
0x5f: {  	(tag) =	ssettag $0x2  }
0x60: {  	s0 =	rddreg [dreg:$0x0];
	s2 =	stileid.u32  }
0x61: {  	s1 =	rddreg [dreg:$0x1];
	p0 =	sne.s32 s2, $0x0  }
0x62: {  	s3 =	rddreg [dreg:$0x2];
	[bflag:$0x3] =	sbarrier.arrive $0xFFFF;
	s2 =	simm.s32 @!p0 $0x1C03  }
0x63: {  	[timem:s3], [sflag:s2] =	dma.local @!p0 [hbm:s0], s1  }
0x64: {  	s0 =	simm.s32 @!p0 $0x3  }
0x65: {  	_ =	swait.ge @!p0 [sflag:s0], s1  }
0x66: {  	s1 =	ssub.s32 @!p0 $0x0, s1;
	[sflag:s0] =	ssyncset.done @!p0 $0x0  }
0x67: {  	[sflag:s0] =	ssyncadd.s32 @!p0 s1  }
0x68: {  	[bflag:$0x3] =	sbarrier.arrive $0xFFFF  }
0x69: {  	_ =	shalt  }

// kernel: kernel.42.cloned.1.call-start
scs
__scs_entry_jumppad:
0x0: {  	(pc) =	sbr.rel $0x88, $3  }
0x1: {  	(tag) =	ssettag $0x0;
	lr =	simm.s32 $0x1  }
0x2: {  	[smem:$0x3F80] =	sst lr;
	_ =	strace $0xD0000000  }
0x3: {  	_ = 	snop  }
0x4: {  	_ = 	snop  }
0x5: {  	_ = 	snop  }
0x6: {  	_ = 	snop  }
0x7: {  	_ = 	snop  }
__scs_overlays_trampoline_lowered:
0x8: {  	[smem:$0x3F8F] =	sst s0  }
0x9: {  	[smem:$0x3F90] =	sst s1  }
0xa: {  	[smem:$0x3F91] =	sst s2  }
0xb: {  	[smem:$0x3F92] =	sst s3  }
0xc: {  	[smem:$0x3F93] =	sst s4  }
0xd: {  	[smem:$0x3F94] =	sst s5  }
0xe: {  	[smem:$0x3F95] =	sst s6  }
0xf: {  	[smem:$0x3F96] =	sst s7  }
0x10: {  	[smem:$0x3F97] =	sst s8  }
0x11: {  	[smem:$0x3F98] =	sst s9;
	s0 =	simm.s32 @!p0 $0x0  }
0x12: {  	s1 =	sld [smem:$0x3F7E];
	s0 =	simm.s32 @p0 $0x1  }
0x13: {  	[smem:$0x3F99] =	sst s0;
	s0 =	simm.s32 @!p1 $0x0  }
0x14: {  	s2 =	sld [smem:$0x3F7D];
	s0 =	simm.s32 @p1 $0x1  }
0x15: {  	[smem:$0x3F9A] =	sst s0;
	s0 =	simm.s32 @!p2 $0x0  }
0x16: {  	s3 =	sld [smem:$0x3FDB];
	s0 =	simm.s32 @p2 $0x1  }
0x17: {  	s4 =	simm.s32 $0x1BF5;
	[smem:$0x3F9C] =	sst s0  }
0x18: {  	s0 =	sld [smem:$0x3F7F];
	_ =	swait.ge [sflag:s4], $0x0  }
0x19: {  	s7 =	sld [smem:$0x3F80]  }
0x1a: {  	s8 =	sadd.s32 $0xFFFFE003, lr  }
0x1b: {  	s9 =	sadd.s32 $0xFFFFFEF7, lr;
	s5 =	simm.s32 $0xFFFFFFFF;
	p2 =	slt.u32 s8, $0xFFFFF086  }
0x1c: {  	p1 =	slt.u32 s9, $0xF7A;
	s5 =	simm.s32 @!p2 $0x0  }
0x1d: {  	s5 =	simm.s32 @p1 $0x1;
	p0 =	seq.s32 s7, s2  }
0x1e: {  	s7 =	smul.u32 @!p0 $0xF7A, s2;
	p2 =	seq.s32 @!p0 s5, $0x0  }
0x1f: {  	s9 =	smul.u32 $0xF7A, s1;
	s8 =	simm.s32 @!p0 $0x1BF5;
	p2 =	por !p2, p0  }
0x20: {  	[sflag:s8] =	ssyncset.s32 @!p0 $0xFFFFF086;
	s6 =	sadd.s32 @!p0 s3, s7;
	s7 =	simm.s32 @!p0 $0x108  }
0x21: {  	s3 =	sadd.s32 s3, s9;
	s6 =	sadd.s32 @!p0 $0x88, s6;
	s7 =	simm.s32 @p2 $0x1082  }
0x22: {  	[simem:s7], [sflag:s8] =	dma.local @!p0 [hbm:s6], $0xF7A  }
0x23: {  	s9 =	sor.u32 $0xD0000000, s2;
	s6 =	simm.s32 $0x108;
	_ =	swait.ge @!p0 [sflag:s8], $0x0  }
0x24: {  	s3 =	sadd.s32 $0x88, s3;
	s6 =	simm.s32 @!p1 $0x1082;
	[sflag:s4] =	ssyncset.s32 $0xFFFFF086  }
0x25: {  	[simem:s6], [sflag:s4] =	dma.local [hbm:s3], $0xF7A  }
0x26: {  	[smem:$0x3F80] =	sst s1;
	(tag) =	ssettag s2;
	_ =	strace s9  }
0x27: {  	s1 =	sld [smem:$0x3F90]  }
0x28: {  	s2 =	sld [smem:$0x3F91]  }
0x29: {  	s4 =	sld [smem:$0x3F93]  }
0x2a: {  	p0 =	seq.s32 s5, $0x0;
	s5 =	sld [smem:$0x3F94]  }
0x2b: {  	s6 =	sld [smem:$0x3F95]  }
0x2c: {  	s7 =	sld [smem:$0x3F96]  }
0x2d: {  	s3 =	simm.s32 $0x108;
	s8 =	sld [smem:$0x3F97]  }
0x2e: {  	s3 =	simm.s32 @!p0 $0x1082;
	s9 =	sld [smem:$0x3F98]  }
0x2f: {  	lr =	sadd.s32 s0, s3;
	s0 =	sld [smem:$0x3F8F]  }
0x30: {  	s3 =	sld [smem:$0x3F92]  }
0x31: {  	[smem:$0x3F9B] =	sst s10  }
0x32: {  	s10 =	sld [smem:$0x3F99];
	_ =	sdelay $0x3  }
0x33: {  	p0 =	seq.s32 s10, $0x1;
	s10 =	sld [smem:$0x3F9B];
	_ =	sdelay $0x3  }
0x34: {  	[smem:$0x3F9B] =	sst s10  }
0x35: {  	s10 =	sld [smem:$0x3F9A];
	_ =	sdelay $0x3  }
0x36: {  	p1 =	seq.s32 s10, $0x1;
	s10 =	sld [smem:$0x3F9B];
	_ =	sdelay $0x3  }
0x37: {  	[smem:$0x3F9B] =	sst s10  }
0x38: {  	s10 =	sld [smem:$0x3F9C]  }
0x39: {  	_ = 	snop;
	(pc) =	sbr.ind lr, $3  }
0x3a: {  	_ = 	snop  }
0x3b: {  	_ = 	snop  }
0x3c: {  	p2 =	seq.s32 s10, $0x1;
	s10 =	sld [smem:$0x3F9B]  }
0x3d: {  	_ =	shalt  }
0x3e: {  	_ =	shalt  }
0x3f: {  	_ =	shalt  }
0x40: {  	_ =	shalt  }
0x41: {  	_ =	shalt  }
0x42: {  	_ =	shalt  }
0x43: {  	_ =	shalt  }
0x44: {  	_ =	shalt  }
0x45: {  	_ =	shalt  }
0x46: {  	_ =	shalt  }
0x47: {  	_ =	shalt  }
0x48: {  	_ =	shalt  }
0x49: {  	_ =	shalt  }
0x4a: {  	_ =	shalt  }
0x4b: {  	_ =	shalt  }
0x4c: {  	_ =	shalt  }
0x4d: {  	_ =	shalt  }
0x4e: {  	_ =	shalt  }
0x4f: {  	_ =	shalt  }
0x50: {  	_ =	shalt  }
0x51: {  	_ =	shalt  }
0x52: {  	_ =	shalt  }
0x53: {  	_ =	shalt  }
0x54: {  	_ =	shalt  }
0x55: {  	_ =	shalt  }
0x56: {  	_ =	shalt  }
0x57: {  	_ =	shalt  }
0x58: {  	_ =	shalt  }
0x59: {  	_ =	shalt  }
0x5a: {  	_ =	shalt  }
0x5b: {  	_ =	shalt  }
0x5c: {  	_ =	shalt  }
0x5d: {  	_ =	shalt  }
0x5e: {  	_ =	shalt  }
0x5f: {  	_ =	shalt  }
0x60: {  	_ =	shalt  }
0x61: {  	_ =	shalt  }
0x62: {  	_ =	shalt  }
0x63: {  	_ =	shalt  }
0x64: {  	_ =	shalt  }
0x65: {  	_ =	shalt  }
0x66: {  	_ =	shalt  }
0x67: {  	_ =	shalt  }
0x68: {  	_ =	shalt  }
0x69: {  	_ =	shalt  }
0x6a: {  	_ =	shalt  }
0x6b: {  	_ =	shalt  }
0x6c: {  	_ =	shalt  }
0x6d: {  	_ =	shalt  }
0x6e: {  	_ =	shalt  }
0x6f: {  	_ =	shalt  }
0x70: {  	_ =	shalt  }
0x71: {  	_ =	shalt  }
0x72: {  	_ =	shalt  }
0x73: {  	_ =	shalt  }
0x74: {  	_ =	shalt  }
0x75: {  	_ =	shalt  }
0x76: {  	_ =	shalt  }
0x77: {  	_ =	shalt  }
0x78: {  	_ =	shalt  }
0x79: {  	_ =	shalt  }
0x7a: {  	_ =	shalt  }
0x7b: {  	_ =	shalt  }
0x7c: {  	_ =	shalt  }
0x7d: {  	_ =	shalt  }
0x7e: {  	_ =	shalt  }
0x7f: {  	_ =	shalt  }
0x80: {  	_ =	shalt  }
0x81: {  	_ =	shalt  }
0x82: {  	_ =	shalt  }
0x83: {  	_ =	shalt  }
0x84: {  	_ =	shalt  }
0x85: {  	_ =	shalt  }
0x86: {  	_ =	shalt  }
0x87: {  	_ =	shalt  }
.Lfunc_end0:
.L_simem_size_0:
called_computation.7_lowered:
.L_overlay_start_0:
0x88: {  	s2 =	sld [smem:$0x3FD9]  }
0x89: {  	s3 =	sld [smem:$0x3FFE];
	_ =	sdelay $0x1  }
0x8a: {  	s1 =	srdreg.scid  }
0x8b: {  	s0 =	sand.u32 $0x1, s1  }
0x8c: {  	s16 =	sshll.u32 s0, $0xA;
	s2 =	sadd.s32 s3, s2  }
0x8d: {  	s2 =	sadd.s32 s2, s16  }
0x8e: {  	[smem:$0x3FA7] =	sst s2  }
0x8f: {  	_ = 	snop  }
0x90: {  	(tm) =	ssettm $0x1  }
0x91: {  	s17 =	sld [smem:$0x3FFB];
	_ =	sdelay $0x3  }
0x92: {  	_ =	strace s17  }
0x93: {  	s2 =	sld [smem:$0x3FFC];
	_ =	sdelay $0x3  }
0x94: {  	_ =	strace s2  }
0x95: {  	s2 =	sld [smem:$0x3FFD];
	_ =	sdelay $0x3  }
0x96: {  	_ =	strace s2  }
0x97: {  	_ =	strace $0x8FFFFFFF  }
0x98: {  	s18 =	sld [smem:$0x3FDB];
	_ =	sdelay $0x1  }
0x99: {  	s19 =	simm.s32 $_scs_section_size  }
0x9a: {  	s4 =	simm.s32 $_size__tile_overlayer_lowered;
	s5 =	simm.s32 $_tile_overlayer_lowered  }
0x9b: {  	s22 =	simm.s32 $0x1BFF;
	s21 =	sshll.u32 s5, $0x1;
	s2 =	sadd.s32 s19, s18  }
0x9c: {  	s6 =	simm.s32 $0x0;
	s20 =	sshll.u32 s4, $0x1;
	s4 =	sadd.s32 s21, s2  }
0x9d: {  	[timem:s6], [sflag:s22] =	dma.local [hbm:s4], s20  }
0x9e: {  	_ =	swait.ge [sflag:s22], s20  }
0x9f: {  	s3 =	ssub.s32 $0x0, s20;
	[sflag:s22] =	ssyncset.done $0x0  }
0xa0: {  	[sflag:s22] =	ssyncadd.s32 s3;
	_ =	sdelay $0x1  }
0xa1: {  	s23 =	simm.s32 $0x1B8B  }
0xa2: {  	_ =	swait.ge [sflag:s23], $0x1  }
0xa3: {  	[sflag:s23] =	ssyncset.done $0x0  }
0xa4: {  	s25 =	simm.s32 $0x1B8E;
	s24 =	sld [smem:$0x3FFE];
	[sflag:s23] =	ssyncadd.s32 $0xFFFFFFFF  }
0xa5: {  	s26 =	simm.s32 $execute0_lowered;
	[smem:$0x3FD2] =	sst s25  }
0xa6: {  	s4 =	sshll.u32 s26, $0x1;
	_ =	strace $0x8000005B;
	[dreg:$0x1] =	wrdreg $0xFFFFFFFF  }
0xa7: {  	s28 =	simm.s32 $_size_execute0_lowered;
	s2 =	sadd.s32 s2, s4;
	[dreg:$0x0] =	wrdreg $0x0  }
0xa8: {  	s4 =	sshll.u32 s28, $0x1;
	[dreg:$0x2] =	wrdreg s2  }
0xa9: {  	[dreg:$0x3] =	wrdreg s4  }
0xaa: {  	[dreg:$0x4] =	wrdreg $0xC0  }
0xab: {  	_ =	task [dreg:s6], $0x5FFFF  }
0xac: {  	[dreg:$0x1] =	wrdreg $0xFFFFFFFF  }
0xad: {  	[dreg:$0x0] =	wrdreg $0x60  }
0xae: {  	[dreg:$0x2] =	wrdreg s24  }
0xaf: {  	[dreg:$0x3] =	wrdreg $0x0  }
0xb0: {  	[dreg:$0x4] =	wrdreg $0x9  }
0xb1: {  	_ =	task.clear_ibuf [dreg:s6], $0x5FFFF;
	_ =	strace $0x9000005B  }
0xb2: {  	s29 =	simm.s32 $0x9;
	_ =	strace $0x8000005D  }
0xb3: {  	_ =	swait.ge [sflag:s29], $0x1  }
0xb4: {  	[sflag:s29] =	ssyncadd.s32 $0xFFFFFFFF  }
0xb5: {  	_ =	strace $0x9000005D  }
0xb6: {  	_ =	sfence  }
0xb7: {  	s30 =	sld [smem:$0x0];
	_ =	sdelay $0x2  }
0xb8: {  	s31 =	sshll.u32 s1, $0xD;
	s1 =	sshrl.u32 s1, $0x2  }
0xb9: {  	s3 =	sand.u32 $0x4000, s31;
	s1 =	sadd.s32 s1, s30  }
0xba: {  	s0 =	sor.u32 s3, s0;
	s1 =	sshll.u32 s1, $0x11  }
0xbb: {  	s0 =	sor.u32 s1, s0  }
0xbc: {  	s0 =	sadd.s32 $0x8F2B, s0  }
0xbd: {  	[sflag:s0] =	ssyncadd.remote.s32 $0x1  }
0xbe: {  	_ =	sfence.sel $0xFFFF  }
0xbf: {  	[dreg:$0x0] =	wrdreg $0xFFFFFFFF;
	(pc) =	sbr.abs _section_cstart, $3  }
0xc0: {  	[dreg:$0x1] =	wrdreg $0xFFFFFFFF  }
0xc1: {  	_ =	task.clear_ibuf [dreg:s6], $0x2FFFF;
	_ =	strace $0x9FFFFFFF  }
0xc2: {  	(tm) =	ssettm $0x7FFFFFFF  }
0xc3: {  	_ =	shalt  }
tec
execute0_lowered:
.L_overlay_start_1:
0x0: {  	(tag) =	ssettag $0x1  }
0x1: {  	s6 =	rddreg [dreg:$0x0]  }
0x2: {  	s1 =	rddreg [dreg:$0x1]  }
0x3: {  	s0 =	rddreg [dreg:$0x2];
	s2 =	simm.s32 $0x0;
	s12 =	stileid.u32  }
0x4: {  	s5 =	srdreg.scid;
	[smem:$0x7FF] =	sst s2;
	s3 =	sshll.u32 s12, $0xC  }
0x5: {  	s4 =	sshll.u32 s12, $0x5;
	s7 =	smul.u32 $0x13800, s12;
	s9 =	sand.u32 $0x1, s5  }
0x6: {  	s24 =	smul.u32 $0x4E000, s12;
	s13 =	sadd.s32 $0x7B6A00, s6;
	s28 =	sshll.u32 s12, $0x6  }
0x7: {  	s17 =	sadd.s32 $0x138000, s1;
	p0 =	sne.s32 s12, $0x0;
	_ =	strace $0x8000005C  }
0x8: {  	s10 =	sadd.s32 s3, s6;
	s11 =	sadd.s32 s4, s6;
	s23 =	ssub.s32 $0x2, s9  }
0x9: {  	s15 =	smul.u32 $0x138800, s9;
	s3 =	sshll.u32 s12, $0x1;
	s5 =	sor.u32 $0x1C01, s28  }
0xa: {  	s30 =	sshll.u32 s9, $0xB;
	s31 =	sshll.u32 s9, $0x4;
	s22 =	sshrl.u32 s7, $0x3  }
0xb: {  	s25 =	sshrl.u32 s23, $0x1;
	s26 =	sshrl.u32 s24, $0x2;
	s10 =	sadd.s32 s30, s10  }
0xc: {  	s11 =	sadd.s32 s31, s11;
	s8 =	sadd.s32 s22, s6;
	s14 =	ssub.s32 s23, s25  }
0xd: {  	s16 =	sadd.s32 s26, s1;
	s7 =	sadd.s32 s7, s15;
	s6 =	sadd.s32 $0x7B6800, s6  }
0xe: {  	s29 =	sshrl.u32 s15, $0x3;
	s10 =	sadd.s32 $0xA76400, s10;
	s11 =	sadd.s32 $0x10600, s11  }
0xf: {  	s4 =	sadd.s32 $0x78F800, s8;
	s7 =	sshrl.u32 s7, $0x3;
	s8 =	sadd.s32 s13, s29  }
0x10: {  	s9 =	smax.u32 s14, $0x1;
	s12 =	sshrl.u32 s16, $0x3;
	s14 =	sshrl.u32 @!p0 s17, $0x3  }
0x11: {  	s7 =	sadd.s32 s13, s7;
	s8 =	sadd.s32 $0x27000, s8;
	s13 =	simm.s32 $0x1  }
.LBB2_1:
0x12: {  	[spmem:s12], [sflag:s5] =	dma.local [hbm:s4], $0x2700  }
0x13: {  	_ =	swait.ge [sflag:s13], $0x2700  }
0x14: {  	[sflag:s13] =	ssyncset.done $0x0  }
0x15: {  	s15 =	simm.s32 @!p0 $0x1;
	[sflag:s13] =	ssyncadd.s32 $0xFFFFD900  }
0x16: {  	[spmem:s14], [sflag:s5] =	dma.local @!p0 [hbm:s6], $0x100  }
0x17: {  	s30 =	sadd.s32 $0x0, s3;
	_ =	swait.ge @!p0 [sflag:s15], $0x100  }
0x18: {  	p1 =	sgt.u32 s30, $0x4E1;
	[sflag:s15] =	ssyncset.done @!p0 $0x0  }
0x19: {  	s16 =	simm.s32 @!p1 $0x13880;
	[sflag:s15] =	ssyncadd.s32 @!p0 $0xFFFFFF00  }
0x1a: {  	s18 =	simm.s32 @!p1 $0x2;
	s15 =	simm.s32 @!p1 $0x0;
	[bflag:$0x0] =	sbarrier.arrive $0xFFFF  }
0x1b: {  	[tilespmem:s16], [sflag:$0x2] =	stream.linear.gather @!p1 [hbm4b:s11+s15], $0x80, $0x38;
	[tilespmem:$0x17900] =	vst v63  }
0x1c: {  	_ =	swait.ge @!p1 [sflag:s18], $0x80;
	p1 =	por p1, p1  }
0x1d: {  	[sflag:s18] =	ssyncset.done @!p1 $0x0  }
0x1e: {  	s19 =	simm.s32 @!p1 $0x13900;
	[sflag:s18] =	ssyncadd.s32 @!p1 $0xFFFFFF80  }
0x1f: {  	[tilespmem:s19], [sflag:$0x2] =	stream.linear.gather @!p1 [hbm4b:s10+s15], $0x4000, $0x38;
	[tilespmem:$0x17900] =	vst v63  }
0x20: {  	s31 =	sadd.s32 $0x20, s3;
	_ =	swait.ge @!p1 [sflag:s18], $0x4000  }
0x21: {  	s17 =	simm.s32 $0x40;
	p2 =	sgt.u32 s31, $0x4E1;
	[sflag:s18] =	ssyncset.done @!p1 $0x0  }
0x22: {  	s15 =	simm.s32 @!p1 $0x80;
	[sflag:s18] =	ssyncadd.s32 @!p1 $0xFFFFC000;
	s18 =	simm.s32 @!p1 $0x1  }
0x23: {  	[spmem:s1] =	stream.indirect.scatter.add.f32 @!p1 [tilespmem:s19], [sflag:$0x1], $0x80, s16, s15, $0xb8;
	[tilespmem:$0x17900] =	vst v63  }
0x24: {  	s16 =	sadd.s32 $0x200, s11;
	s15 =	sadd.s32 $0x10000, s10;
	_ =	swait.ge @!p1 [sflag:s18], $0x4000  }
.LBB2_2:
0x25: {  	s19 =	simm.s32 @!p2 $0x0  }
0x26: {  	s20 =	simm.s32 @!p2 $0x13880;
	[sflag:s18] =	ssyncset.done @!p1 $0x0;
	s21 =	smov.u32 s17  }
0x27: {  	s17 =	sadd.s32 $0x20, s17;
	s22 =	simm.s32 @!p2 $0x2;
	[sflag:s18] =	ssyncadd.s32 @!p1 $0xFFFFC000  }
0x28: {  	[tilespmem:s20], [sflag:$0x2] =	stream.linear.gather @!p2 [hbm4b:s16+s19], $0x80, $0x38;
	[tilespmem:$0x17900] =	vst v63  }
0x29: {  	p3 =	sne.s32 s17, $0x500;
	p1 =	por p2, p2;
	_ =	swait.ge @!p2 [sflag:s22], $0x80  }
0x2a: {  	[sflag:s22] =	ssyncset.done @!p1 $0x0  }
0x2b: {  	s23 =	simm.s32 @!p1 $0x13900;
	[sflag:s22] =	ssyncadd.s32 @!p1 $0xFFFFFF80  }
0x2c: {  	[tilespmem:s23], [sflag:$0x2] =	stream.linear.gather @!p1 [hbm4b:s15+s19], $0x4000, $0x38;
	[tilespmem:$0x17900] =	vst v63  }
.Ltmp0:
0x2d: {  	_ =	swait.ge @!p1 [sflag:s22], $0x4000;
	(pc) =	sbr.rel @p3 .LBB2_2-.Ltmp0, $4  }
0x2e: {  	s18 =	simm.s32 @!p1 $0x1;
	s16 =	sadd.s32 $0x200, s16;
	[sflag:s22] =	ssyncset.done @!p1 $0x0  }
0x2f: {  	s19 =	sadd.s32 s21, s3;
	s21 =	simm.s32 @!p1 $0x80;
	[sflag:s22] =	ssyncadd.s32 @!p1 $0xFFFFC000  }
0x30: {  	[spmem:s1] =	stream.indirect.scatter.add.f32 @!p1 [tilespmem:s23], [sflag:$0x1], $0x80, s20, s21, $0xb8;
	[tilespmem:$0x17900] =	vst v63  }
0x31: {  	s15 =	sadd.s32 $0x10000, s15;
	p2 =	sgt.u32 s19, $0x4E1;
	_ =	swait.ge @!p1 [sflag:s18], $0x4000  }
0x32: {  	s17 =	simm.s32 @!p2 $0x0;
	[sflag:s18] =	ssyncset.done @!p1 $0x0  }
0x33: {  	s19 =	simm.s32 @!p2 $0x13880;
	s20 =	simm.s32 @!p2 $0x2;
	[sflag:s18] =	ssyncadd.s32 @!p1 $0xFFFFC000  }
0x34: {  	[tilespmem:s19], [sflag:$0x2] =	stream.linear.gather @!p2 [hbm4b:s16+s17], $0x80, $0x38;
	[tilespmem:$0x17900] =	vst v63  }
0x35: {  	p1 =	por p2, p2;
	_ =	swait.ge @!p2 [sflag:s20], $0x80  }
0x36: {  	[sflag:s20] =	ssyncset.done @!p1 $0x0  }
0x37: {  	s16 =	simm.s32 @!p1 $0x13900;
	[sflag:s20] =	ssyncadd.s32 @!p1 $0xFFFFFF80  }
0x38: {  	[tilespmem:s16], [sflag:$0x2] =	stream.linear.gather @!p1 [hbm4b:s15+s17], $0x4000, $0x38;
	[tilespmem:$0x17900] =	vst v63  }
0x39: {  	_ =	swait.ge @!p1 [sflag:s20], $0x4000  }
0x3a: {  	[sflag:s20] =	ssyncset.done @!p1 $0x0  }
0x3b: {  	s15 =	simm.s32 @!p1 $0x1;
	s17 =	simm.s32 @!p1 $0x80;
	[sflag:s20] =	ssyncadd.s32 @!p1 $0xFFFFC000  }
0x3c: {  	[spmem:s1] =	stream.indirect.scatter.add.f32 @!p1 [tilespmem:s16], [sflag:$0x1], $0x80, s19, s17, $0xb8;
	[tilespmem:$0x17900] =	vst v63  }
0x3d: {  	_ =	swait.ge @!p1 [sflag:s15], $0x4000  }
0x3e: {  	[sflag:s15] =	ssyncset.done @!p1 $0x0  }
0x3f: {  	[sflag:s15] =	ssyncadd.s32 @!p1 $0xFFFFC000  }
0x40: {  	[bflag:$0x0] =	sbarrier.arrive $0xFFFF  }
0x41: {  	[hbm:s7], [sflag:s5] =	dma.local [spmem:s12], $0x2700  }
0x42: {  	s2 =	sadd.s32 $0x1, s2;
	_ =	swait.ge [sflag:s13], $0x2700  }
0x43: {  	p1 =	sne.s32 s2, s9;
	[sflag:s13] =	ssyncset.done $0x0  }
.Ltmp1:
0x44: {  	s15 =	simm.s32 @!p0 $0x1;
	[sflag:s13] =	ssyncadd.s32 $0xFFFFD900;
	(pc) =	sbr.rel @p1 .LBB2_1-.Ltmp1, $4  }
0x45: {  	[hbm:s8], [sflag:s5] =	dma.local @!p0 [spmem:s14], $0x100  }
0x46: {  	_ =	swait.ge @!p0 [sflag:s15], $0x100  }
0x47: {  	[sflag:s15] =	ssyncset.done @!p0 $0x0  }
0x48: {  	[sflag:s15] =	ssyncadd.s32 @!p0 $0xFFFFFF00  }
0x49: {  	_ =	sfence.sel $0x180000  }
0x4a: {  	[bflag:$0x0] =	sbarrier.arrive $0xFFFF  }
0x4b: {  	_ =	strace $0x9000005C  }
0x4c: {  	s0 =	sadd.s32 @!p0 $0x100000, s0;
	[bflag:$0x2] =	sbarrier.arrive $0xFFFF  }
0x4d: {  	[sflag:s0] =	ssyncadd.tile.s32 @!p0 $0x1;
	_ =	shalt  }
.Lfunc_end2:
_tile_overlayer_lowered:
.L_overlay_start_2:
0x4e: {  	(tag) =	ssettag $0x2  }
0x4f: {  	s0 =	rddreg [dreg:$0x0];
	s2 =	stileid.u32  }
0x50: {  	s1 =	rddreg [dreg:$0x1];
	p0 =	sne.s32 s2, $0x0  }
0x51: {  	s3 =	rddreg [dreg:$0x2];
	[bflag:$0x3] =	sbarrier.arrive $0xFFFF;
	s2 =	simm.s32 @!p0 $0x1C01  }
0x52: {  	[timem:s3], [sflag:s2] =	dma.local @!p0 [hbm:s0], s1  }
0x53: {  	s0 =	simm.s32 @!p0 $0x1  }
0x54: {  	_ =	swait.ge @!p0 [sflag:s0], s1  }
0x55: {  	s1 =	ssub.s32 @!p0 $0x0, s1;
	[sflag:s0] =	ssyncset.done @!p0 $0x0  }
0x56: {  	[sflag:s0] =	ssyncadd.s32 @!p0 s1  }
0x57: {  	[bflag:$0x3] =	sbarrier.arrive $0xFFFF  }
0x58: {  	_ =	shalt  }

</sc_bundles>
